<compile_context>
chip_gen: v7x
topology: tpu7x:2x2x1
jax: 0.10.2.dev20260603
libtpu: 0.0.44.dev20260713+nightly
codegen_flags: <defaults>
</compile_context>

<pallas_src>
import functools

import jax
import jax.numpy as jnp
from jax import lax
from jax.experimental import pallas as pl
from jax.experimental.pallas import tpu as pltpu
from jax.experimental.pallas import tpu_sc as plsc

NC = 2
NS = 16
NW = NC * NS
LANES = 16
CHUNK = 128
DEG_W = 16


@functools.lru_cache(maxsize=None)
def _sc_degree(acc_rows, epw, n_chunks):
  mesh = plsc.VectorSubcoreMesh(core_axis_name="c", subcore_axis_name="s")
  stripe = acc_rows // NS

  def body(dst_hbm, out_hbm, deg_sh, ones_v, buf_v, dst_v):
    cid = lax.axis_index("c")
    sid = lax.axis_index("s")
    wid = sid * NC + cid
    ones16 = jnp.ones((LANES,), jnp.float32)
    zeros16 = jnp.zeros((LANES,), jnp.float32)
    for r in range(CHUNK):
      ones_v[r, :] = ones16
      buf_v[r, :] = zeros16

    def zero_blk(j, carry):
      pltpu.sync_copy(buf_v, deg_sh.at[pl.ds(sid * stripe + j * CHUNK, CHUNK)])
      return carry

    lax.fori_loop(0, stripe // CHUNK, zero_blk, 0)
    plsc.subcore_barrier()

    def edge_blk(i, carry):
      base = wid * epw + i * CHUNK
      pltpu.sync_copy(dst_hbm.at[pl.ds(base, CHUNK)], dst_v)
      pltpu.sync_copy(ones_v, deg_sh.at[dst_v], add=True)
      return carry

    lax.fori_loop(0, n_chunks, edge_blk, 0)
    plsc.subcore_barrier()

    def out_blk(j, carry):
      row = sid * stripe + j * CHUNK
      pltpu.sync_copy(deg_sh.at[pl.ds(row, CHUNK)], buf_v)
      pltpu.sync_copy(buf_v, out_hbm.at[cid, pl.ds(row, CHUNK)])
      return carry

    lax.fori_loop(0, stripe // CHUNK, out_blk, 0)

  return pl.kernel(
      body,
      out_type=jax.ShapeDtypeStruct((NC, acc_rows, DEG_W), jnp.float32),
      mesh=mesh,
      scratch_types=[
          pltpu.VMEM_SHARED((acc_rows, DEG_W), jnp.float32),
          pltpu.VMEM((CHUNK, DEG_W), jnp.float32),
          pltpu.VMEM((CHUNK, DEG_W), jnp.float32),
          pltpu.VMEM((CHUNK,), jnp.int32),
      ],
  )


@functools.lru_cache(maxsize=None)
def _sc_edge_agg(acc_rows, hdim, epw, n_chunks):
  mesh = plsc.VectorSubcoreMesh(core_axis_name="c", subcore_axis_name="s")
  stripe = acc_rows // NS

  def body(src_hbm, dst_hbm, hs_hbm, out_hbm,
           acc_sh, zbuf, src_v, dst_v, rows_v, sem):
    cid = lax.axis_index("c")
    sid = lax.axis_index("s")
    wid = sid * NC + cid
    zeros16 = jnp.zeros((LANES,), jnp.float32)
    for r in range(16):
      for k in range(hdim // LANES):
        zbuf[r, pl.ds(k * LANES, LANES)] = zeros16

    def zero_blk(j, carry):
      pltpu.sync_copy(zbuf, acc_sh.at[pl.ds(sid * stripe + j * 16, 16)])
      return carry

    lax.fori_loop(0, stripe // 16, zero_blk, 0)
    plsc.subcore_barrier()

    def edge_blk(i, carry):
      base = wid * epw + i * CHUNK
      pltpu.sync_copy(src_hbm.at[pl.ds(base, CHUNK)], src_v)
      pltpu.sync_copy(dst_hbm.at[pl.ds(base, CHUNK)], dst_v)
      pltpu.async_copy(hs_hbm.at[src_v], rows_v, sem).wait()
      pltpu.sync_copy(rows_v, acc_sh.at[dst_v], add=True)
      return carry

    lax.fori_loop(0, n_chunks, edge_blk, 0)
    plsc.subcore_barrier()

    def out_blk(j, carry):
      row = sid * stripe + j * CHUNK
      pltpu.sync_copy(acc_sh.at[pl.ds(row, CHUNK)], rows_v)
      pltpu.sync_copy(rows_v, out_hbm.at[cid, pl.ds(row, CHUNK)])
      return carry

    lax.fori_loop(0, stripe // CHUNK, out_blk, 0)

  return pl.kernel(
      body,
      out_type=jax.ShapeDtypeStruct((NC, acc_rows, hdim), jnp.float32),
      mesh=mesh,
      scratch_types=[
          pltpu.VMEM_SHARED((acc_rows, hdim), jnp.float32),
          pltpu.VMEM((16, hdim), jnp.float32),
          pltpu.VMEM((CHUNK,), jnp.int32),
          pltpu.VMEM((CHUNK,), jnp.int32),
          pltpu.VMEM((CHUNK, hdim), jnp.float32),
          pltpu.SemaphoreType.DMA,
      ],
  )


def _tc_linear(x, W, degp, blk):
  n, d = x.shape
  hdim = W.shape[1]

  def body(x_ref, w_ref, degp_ref, hs_ref):
    d2 = degp_ref[0] + degp_ref[1]
    dinv = lax.rsqrt(d2[:, :1] + 1.0)
    h = jnp.dot(x_ref[...], w_ref[...], preferred_element_type=jnp.float32)
    hs_ref[...] = h * dinv

  return pl.pallas_call(
      body,
      grid=(n // blk,),
      in_specs=[
          pl.BlockSpec((blk, d), lambda i: (i, 0)),
          pl.BlockSpec((d, hdim), lambda i: (0, 0)),
          pl.BlockSpec((NC, blk, DEG_W), lambda i: (0, i, 0)),
      ],
      out_specs=pl.BlockSpec((blk, hdim), lambda i: (i, 0)),
      out_shape=jax.ShapeDtypeStruct((n, hdim), jnp.float32),
  )(x, W, degp)


def _tc_finish(accp, hs, degp, b2, blk):
  n, hdim = hs.shape

  def body(accp_ref, hs_ref, degp_ref, b_ref, out_ref):
    acc = accp_ref[0] + accp_ref[1] + hs_ref[...]
    d2 = degp_ref[0] + degp_ref[1]
    dinv = lax.rsqrt(d2[:, :1] + 1.0)
    out_ref[...] = jnp.maximum(acc * dinv + b_ref[...], 0.0)

  return pl.pallas_call(
      body,
      grid=(n // blk,),
      in_specs=[
          pl.BlockSpec((NC, blk, hdim), lambda i: (0, i, 0)),
          pl.BlockSpec((blk, hdim), lambda i: (i, 0)),
          pl.BlockSpec((NC, blk, DEG_W), lambda i: (0, i, 0)),
          pl.BlockSpec((1, hdim), lambda i: (0, 0)),
      ],
      out_specs=pl.BlockSpec((blk, hdim), lambda i: (i, 0)),
      out_shape=jax.ShapeDtypeStruct((n, hdim), jnp.float32),
  )(accp, hs, degp, b2)


def kernel(x, edge_idx, W, b):
  n, _ = x.shape
  hdim = W.shape[1]
  e = edge_idx.shape[1]
  src = edge_idx[0].astype(jnp.int32)
  dst = edge_idx[1].astype(jnp.int32)

  n_chunks = -(-e // (NW * CHUNK))
  epw = n_chunks * CHUNK
  pad = epw * NW - e
  if pad:
    src = jnp.concatenate([src, jnp.zeros((pad,), jnp.int32)])
    dst = jnp.concatenate([dst, jnp.full((pad,), n, jnp.int32)])
  acc_rows = -(-(n + 1) // (NS * CHUNK)) * (NS * CHUNK)

  blk = 1000 if n % 1000 == 0 else n
  degp = _sc_degree(acc_rows, epw, n_chunks)(dst)
  hs = _tc_linear(x, W, degp, blk)
  accp = _sc_edge_agg(acc_rows, hdim, epw, n_chunks)(src, dst, hs)
  return _tc_finish(accp, hs, degp, b.reshape(1, hdim), blk)

# --- scband reference (transcript-rebuilt; emitter-appended) ---
"""Pipeline reference for scband-gcnconv-block-11450382811707 (READ-ONLY COPY).

The authoritative reference and input builder live on the scoring server;
editing this copy changes nothing except your own understanding.
"""

import jax, jax.numpy as jnp
import numpy as np

N_NODES = 10000
N_EDGES = 320000
D_FEAT = 128
HIDDEN = 128


def setup_inputs(seed: int = 0) -> dict:
    key = jax.random.key(seed)
    k1, k2, k3 = jax.random.split(key, 3)
    x = jax.random.normal(k1, (N_NODES, D_FEAT), dtype=jnp.float32)
    edge_idx = jax.random.randint(k2, (2, N_EDGES), 0, N_NODES, dtype=jnp.int32).astype(jnp.int64)
    # GCNConv lazy linear: weight [in_channels, hidden_channels], bias [hidden_channels]
    W = jax.random.normal(k3, (D_FEAT, HIDDEN), dtype=jnp.float32) * (1.0 / np.sqrt(D_FEAT))
    b = jnp.zeros((HIDDEN,), dtype=jnp.float32)
    return {"x": x, "edge_idx": edge_idx, "W": W, "b": b}


def reference(x, edge_idx, W, b):
    # Faithful GCNConv (add_self_loops=True, normalize=True) + ReLU; Dropout is identity in eval.
    N = x.shape[0]
    src = edge_idx[0]
    dst = edge_idx[1]
    loop = jnp.arange(N, dtype=src.dtype)
    src = jnp.concatenate([src, loop])
    dst = jnp.concatenate([dst, loop])
    # symmetric normalization: deg computed on destination nodes (incl. self loops)
    deg = jnp.zeros((N,), dtype=x.dtype).at[dst].add(1.0)
    dinv = jnp.where(deg > 0, 1.0 / jnp.sqrt(deg), 0.0)
    norm = dinv[src] * dinv[dst]
    # GCNConv applies the linear transform first, then propagates
    h = x @ W
    msg = h[src] * norm[:, None]
    agg = jnp.zeros((N, W.shape[1]), dtype=x.dtype).at[dst].add(msg)
    out = agg + b
    return jax.nn.relu(out)

if __name__ == "__main__":
    import jax
    _d = setup_inputs()
    print(jax.jit(kernel)(*tuple(_d.values())))

</pallas_src>

<mosaic_0001>
#map = affine_map<(d0, d1) -> (0)>
#map1 = affine_map<(d0, d1) -> (0, 0)>
#map2 = affine_map<(d0, d1) -> (0, 0, 0)>
module attributes {stable_mosaic.version = 14 : i64} {
  func.func @body(%arg0: i32, %arg1: i32, %arg2: memref<323584xi32, #tpu.memory_space<hbm>>, %arg3: memref<323584xi32, #tpu.memory_space<hbm>>, %arg4: memref<10000x128xf32, #tpu.memory_space<hbm>>, %arg5: memref<2x10240x128xf32, #tpu.memory_space<hbm>>, %arg6: memref<10240x128xf32, #tpu.memory_space<vmem_shared>>, %arg7: memref<16x128xf32, #tpu.memory_space<vmem>>, %arg8: memref<128xi32, #tpu.memory_space<vmem>>, %arg9: memref<128xi32, #tpu.memory_space<vmem>>, %arg10: memref<128x128xf32, #tpu.memory_space<vmem>>, %arg11: memref<!tpu.dma_semaphore, #tpu.memory_space<semaphore_mem>>) attributes {dimension_semantics = [#tpu.dimension_semantics<core_parallel>, #tpu.dimension_semantics<subcore_parallel>], iteration_bounds = array<i64: 2, 16>, scalar_prefetch = 0 : i64, scratch_operands = 6 : i64, tpu.core_type = #tpu.core_type<sc_vector_subcore>, window_params = [{transform_indices = #map}, {transform_indices = #map}, {transform_indices = #map1}, {transform_indices = #map2}]} {
    %mul3A = arith.constant 2 : i32
    %mul3A_0 = arith.muli %arg1, %mul3A : i32
    %add3A = arith.addi %mul3A_0, %arg0 : i32
    %broadcast_in_dim3A = arith.constant 0.000000e+00 : f32
    %broadcast_in_dim3A_1 = vector.broadcast %broadcast_in_dim3A : f32 to vector<16xf32>
    %swap3A = arith.constant 0 : i32
    %swap3A_2 = arith.index_cast %swap3A : i32 to index
    %swap3A_3 = arith.constant 0 : index
    %swap3A_4 = tpu.vector_load %arg7[%swap3A_2, %swap3A_3] {strides = array<i32>} : memref<16x128xf32, #tpu.memory_space<vmem>>, vector<1x16xf32>,
    %swap3A_5 = vector.shape_cast %swap3A_4 : vector<1x16xf32> to vector<16xf32>
    %swap3A_6 = vector.shape_cast %broadcast_in_dim3A_1 : vector<16xf32> to vector<1x16xf32>
    tpu.vector_store %arg7[%swap3A_2, %swap3A_3], %swap3A_6 {strides = array<i32>} : memref<16x128xf32, #tpu.memory_space<vmem>>, vector<1x16xf32>,
    %swap3A_7 = arith.constant 0 : i32
    %swap3A_8 = arith.index_cast %swap3A_7 : i32 to index
    %swap3A_9 = arith.constant 16 : index
    %swap3A_10 = tpu.vector_load %arg7[%swap3A_8, %swap3A_9] {strides = array<i32>} : memref<16x128xf32, #tpu.memory_space<vmem>>, vector<1x16xf32>,
    %swap3A_11 = vector.shape_cast %swap3A_10 : vector<1x16xf32> to vector<16xf32>
    %swap3A_12 = vector.shape_cast %broadcast_in_dim3A_1 : vector<16xf32> to vector<1x16xf32>
    tpu.vector_store %arg7[%swap3A_8, %swap3A_9], %swap3A_12 {strides = array<i32>} : memref<16x128xf32, #tpu.memory_space<vmem>>, vector<1x16xf32>,
    %swap3A_13 = arith.constant 0 : i32
    %swap3A_14 = arith.index_cast %swap3A_13 : i32 to index
    %swap3A_15 = arith.constant 32 : index
    %swap3A_16 = tpu.vector_load %arg7[%swap3A_14, %swap3A_15] {strides = array<i32>} : memref<16x128xf32, #tpu.memory_space<vmem>>, vector<1x16xf32>,
    %swap3A_17 = vector.shape_cast %swap3A_16 : vector<1x16xf32> to vector<16xf32>
    %swap3A_18 = vector.shape_cast %broadcast_in_dim3A_1 : vector<16xf32> to vector<1x16xf32>
    tpu.vector_store %arg7[%swap3A_14, %swap3A_15], %swap3A_18 {strides = array<i32>} : memref<16x128xf32, #tpu.memory_space<vmem>>, vector<1x16xf32>,
    %swap3A_19 = arith.constant 0 : i32
    %swap3A_20 = arith.index_cast %swap3A_19 : i32 to index
    %swap3A_21 = arith.constant 48 : index
    %swap3A_22 = tpu.vector_load %arg7[%swap3A_20, %swap3A_21] {strides = array<i32>} : memref<16x128xf32, #tpu.memory_space<vmem>>, vector<1x16xf32>,
    %swap3A_23 = vector.shape_cast %swap3A_22 : vector<1x16xf32> to vector<16xf32>
    %swap3A_24 = vector.shape_cast %broadcast_in_dim3A_1 : vector<16xf32> to vector<1x16xf32>
    tpu.vector_store %arg7[%swap3A_20, %swap3A_21], %swap3A_24 {strides = array<i32>} : memref<16x128xf32, #tpu.memory_space<vmem>>, vector<1x16xf32>,
    %swap3A_25 = arith.constant 0 : i32
    %swap3A_26 = arith.index_cast %swap3A_25 : i32 to index
    %swap3A_27 = arith.constant 64 : index
    %swap3A_28 = tpu.vector_load %arg7[%swap3A_26, %swap3A_27] {strides = array<i32>} : memref<16x128xf32, #tpu.memory_space<vmem>>, vector<1x16xf32>,
    %swap3A_29 = vector.shape_cast %swap3A_28 : vector<1x16xf32> to vector<16xf32>
    %swap3A_30 = vector.shape_cast %broadcast_in_dim3A_1 : vector<16xf32> to vector<1x16xf32>
    tpu.vector_store %arg7[%swap3A_26, %swap3A_27], %swap3A_30 {strides = array<i32>} : memref<16x128xf32, #tpu.memory_space<vmem>>, vector<1x16xf32>,
    %swap3A_31 = arith.constant 0 : i32
    %swap3A_32 = arith.index_cast %swap3A_31 : i32 to index
    %swap3A_33 = arith.constant 80 : index
    %swap3A_34 = tpu.vector_load %arg7[%swap3A_32, %swap3A_33] {strides = array<i32>} : memref<16x128xf32, #tpu.memory_space<vmem>>, vector<1x16xf32>,
    %swap3A_35 = vector.shape_cast %swap3A_34 : vector<1x16xf32> to vector<16xf32>
    %swap3A_36 = vector.shape_cast %broadcast_in_dim3A_1 : vector<16xf32> to vector<1x16xf32>
    tpu.vector_store %arg7[%swap3A_32, %swap3A_33], %swap3A_36 {strides = array<i32>} : memref<16x128xf32, #tpu.memory_space<vmem>>, vector<1x16xf32>,
    %swap3A_37 = arith.constant 0 : i32
    %swap3A_38 = arith.index_cast %swap3A_37 : i32 to index
    %swap3A_39 = arith.constant 96 : index
    %swap3A_40 = tpu.vector_load %arg7[%swap3A_38, %swap3A_39] {strides = array<i32>} : memref<16x128xf32, #tpu.memory_space<vmem>>, vector<1x16xf32>,
    %swap3A_41 = vector.shape_cast %swap3A_40 : vector<1x16xf32> to vector<16xf32>
    %swap3A_42 = vector.shape_cast %broadcast_in_dim3A_1 : vector<16xf32> to vector<1x16xf32>
    tpu.vector_store %arg7[%swap3A_38, %swap3A_39], %swap3A_42 {strides = array<i32>} : memref<16x128xf32, #tpu.memory_space<vmem>>, vector<1x16xf32>,
    %swap3A_43 = arith.constant 0 : i32
    %swap3A_44 = arith.index_cast %swap3A_43 : i32 to index
    %swap3A_45 = arith.constant 112 : index
    %swap3A_46 = tpu.vector_load %arg7[%swap3A_44, %swap3A_45] {strides = array<i32>} : memref<16x128xf32, #tpu.memory_space<vmem>>, vector<1x16xf32>,
    %swap3A_47 = vector.shape_cast %swap3A_46 : vector<1x16xf32> to vector<16xf32>
    %swap3A_48 = vector.shape_cast %broadcast_in_dim3A_1 : vector<16xf32> to vector<1x16xf32>
    tpu.vector_store %arg7[%swap3A_44, %swap3A_45], %swap3A_48 {strides = array<i32>} : memref<16x128xf32, #tpu.memory_space<vmem>>, vector<1x16xf32>,
    %swap3A_49 = arith.constant 1 : i32
    %swap3A_50 = arith.index_cast %swap3A_49 : i32 to index
    %swap3A_51 = arith.constant 0 : index
    %swap3A_52 = tpu.vector_load %arg7[%swap3A_50, %swap3A_51] {strides = array<i32>} : memref<16x128xf32, #tpu.memory_space<vmem>>, vector<1x16xf32>,
    %swap3A_53 = vector.shape_cast %swap3A_52 : vector<1x16xf32> to vector<16xf32>
    %swap3A_54 = vector.shape_cast %broadcast_in_dim3A_1 : vector<16xf32> to vector<1x16xf32>
    tpu.vector_store %arg7[%swap3A_50, %swap3A_51], %swap3A_54 {strides = array<i32>} : memref<16x128xf32, #tpu.memory_space<vmem>>, vector<1x16xf32>,
    %swap3A_55 = arith.constant 1 : i32
    %swap3A_56 = arith.index_cast %swap3A_55 : i32 to index
    %swap3A_57 = arith.constant 16 : index
    %swap3A_58 = tpu.vector_load %arg7[%swap3A_56, %swap3A_57] {strides = array<i32>} : memref<16x128xf32, #tpu.memory_space<vmem>>, vector<1x16xf32>,
    %swap3A_59 = vector.shape_cast %swap3A_58 : vector<1x16xf32> to vector<16xf32>
    %swap3A_60 = vector.shape_cast %broadcast_in_dim3A_1 : vector<16xf32> to vector<1x16xf32>
    tpu.vector_store %arg7[%swap3A_56, %swap3A_57], %swap3A_60 {strides = array<i32>} : memref<16x128xf32, #tpu.memory_space<vmem>>, vector<1x16xf32>,
    %swap3A_61 = arith.constant 1 : i32
    %swap3A_62 = arith.index_cast %swap3A_61 : i32 to index
    %swap3A_63 = arith.constant 32 : index
    %swap3A_64 = tpu.vector_load %arg7[%swap3A_62, %swap3A_63] {strides = array<i32>} : memref<16x128xf32, #tpu.memory_space<vmem>>, vector<1x16xf32>,
    %swap3A_65 = vector.shape_cast %swap3A_64 : vector<1x16xf32> to vector<16xf32>
    %swap3A_66 = vector.shape_cast %broadcast_in_dim3A_1 : vector<16xf32> to vector<1x16xf32>
    tpu.vector_store %arg7[%swap3A_62, %swap3A_63], %swap3A_66 {strides = array<i32>} : memref<16x128xf32, #tpu.memory_space<vmem>>, vector<1x16xf32>,
    %swap3A_67 = arith.constant 1 : i32
    %swap3A_68 = arith.index_cast %swap3A_67 : i32 to index
    %swap3A_69 = arith.constant 48 : index
    %swap3A_70 = tpu.vector_load %arg7[%swap3A_68, %swap3A_69] {strides = array<i32>} : memref<16x128xf32, #tpu.memory_space<vmem>>, vector<1x16xf32>,
    %swap3A_71 = vector.shape_cast %swap3A_70 : vector<1x16xf32> to vector<16xf32>
    %swap3A_72 = vector.shape_cast %broadcast_in_dim3A_1 : vector<16xf32> to vector<1x16xf32>
    tpu.vector_store %arg7[%swap3A_68, %swap3A_69], %swap3A_72 {strides = array<i32>} : memref<16x128xf32, #tpu.memory_space<vmem>>, vector<1x16xf32>,
    %swap3A_73 = arith.constant 1 : i32
    %swap3A_74 = arith.index_cast %swap3A_73 : i32 to index
    %swap3A_75 = arith.constant 64 : index
    %swap3A_76 = tpu.vector_load %arg7[%swap3A_74, %swap3A_75] {strides = array<i32>} : memref<16x128xf32, #tpu.memory_space<vmem>>, vector<1x16xf32>,
    %swap3A_77 = vector.shape_cast %swap3A_76 : vector<1x16xf32> to vector<16xf32>
    %swap3A_78 = vector.shape_cast %broadcast_in_dim3A_1 : vector<16xf32> to vector<1x16xf32>
    tpu.vector_store %arg7[%swap3A_74, %swap3A_75], %swap3A_78 {strides = array<i32>} : memref<16x128xf32, #tpu.memory_space<vmem>>, vector<1x16xf32>,
    %swap3A_79 = arith.constant 1 : i32
    %swap3A_80 = arith.index_cast %swap3A_79 : i32 to index
    %swap3A_81 = arith.constant 80 : index
    %swap3A_82 = tpu.vector_load %arg7[%swap3A_80, %swap3A_81] {strides = array<i32>} : memref<16x128xf32, #tpu.memory_space<vmem>>, vector<1x16xf32>,
    %swap3A_83 = vector.shape_cast %swap3A_82 : vector<1x16xf32> to vector<16xf32>
    %swap3A_84 = vector.shape_cast %broadcast_in_dim3A_1 : vector<16xf32> to vector<1x16xf32>
    tpu.vector_store %arg7[%swap3A_80, %swap3A_81], %swap3A_84 {strides = array<i32>} : memref<16x128xf32, #tpu.memory_space<vmem>>, vector<1x16xf32>,
    %swap3A_85 = arith.constant 1 : i32
    %swap3A_86 = arith.index_cast %swap3A_85 : i32 to index
    %swap3A_87 = arith.constant 96 : index
    %swap3A_88 = tpu.vector_load %arg7[%swap3A_86, %swap3A_87] {strides = array<i32>} : memref<16x128xf32, #tpu.memory_space<vmem>>, vector<1x16xf32>,
    %swap3A_89 = vector.shape_cast %swap3A_88 : vector<1x16xf32> to vector<16xf32>
    %swap3A_90 = vector.shape_cast %broadcast_in_dim3A_1 : vector<16xf32> to vector<1x16xf32>
    tpu.vector_store %arg7[%swap3A_86, %swap3A_87], %swap3A_90 {strides = array<i32>} : memref<16x128xf32, #tpu.memory_space<vmem>>, vector<1x16xf32>,
    %swap3A_91 = arith.constant 1 : i32
    %swap3A_92 = arith.index_cast %swap3A_91 : i32 to index
    %swap3A_93 = arith.constant 112 : index
    %swap3A_94 = tpu.vector_load %arg7[%swap3A_92, %swap3A_93] {strides = array<i32>} : memref<16x128xf32, #tpu.memory_space<vmem>>, vector<1x16xf32>,
    %swap3A_95 = vector.shape_cast %swap3A_94 : vector<1x16xf32> to vector<16xf32>
    %swap3A_96 = vector.shape_cast %broadcast_in_dim3A_1 : vector<16xf32> to vector<1x16xf32>
    tpu.vector_store %arg7[%swap3A_92, %swap3A_93], %swap3A_96 {strides = array<i32>} : memref<16x128xf32, #tpu.memory_space<vmem>>, vector<1x16xf32>,
    %swap3A_97 = arith.constant 2 : i32
    %swap3A_98 = arith.index_cast %swap3A_97 : i32 to index
    %swap3A_99 = arith.constant 0 : index
    %swap3A_100 = tpu.vector_load %arg7[%swap3A_98, %swap3A_99] {strides = array<i32>} : memref<16x128xf32, #tpu.memory_space<vmem>>, vector<1x16xf32>,
    %swap3A_101 = vector.shape_cast %swap3A_100 : vector<1x16xf32> to vector<16xf32>
    %swap3A_102 = vector.shape_cast %broadcast_in_dim3A_1 : vector<16xf32> to vector<1x16xf32>
    tpu.vector_store %arg7[%swap3A_98, %swap3A_99], %swap3A_102 {strides = array<i32>} : memref<16x128xf32, #tpu.memory_space<vmem>>, vector<1x16xf32>,
    %swap3A_103 = arith.constant 2 : i32
    %swap3A_104 = arith.index_cast %swap3A_103 : i32 to index
    %swap3A_105 = arith.constant 16 : index
    %swap3A_106 = tpu.vector_load %arg7[%swap3A_104, %swap3A_105] {strides = array<i32>} : memref<16x128xf32, #tpu.memory_space<vmem>>, vector<1x16xf32>,
    %swap3A_107 = vector.shape_cast %swap3A_106 : vector<1x16xf32> to vector<16xf32>
    %swap3A_108 = vector.shape_cast %broadcast_in_dim3A_1 : vector<16xf32> to vector<1x16xf32>
    tpu.vector_store %arg7[%swap3A_104, %swap3A_105], %swap3A_108 {strides = array<i32>} : memref<16x128xf32, #tpu.memory_space<vmem>>, vector<1x16xf32>,
    %swap3A_109 = arith.constant 2 : i32
    %swap3A_110 = arith.index_cast %swap3A_109 : i32 to index
    %swap3A_111 = arith.constant 32 : index
    %swap3A_112 = tpu.vector_load %arg7[%swap3A_110, %swap3A_111] {strides = array<i32>} : memref<16x128xf32, #tpu.memory_space<vmem>>, vector<1x16xf32>,
    %swap3A_113 = vector.shape_cast %swap3A_112 : vector<1x16xf32> to vector<16xf32>
    %swap3A_114 = vector.shape_cast %broadcast_in_dim3A_1 : vector<16xf32> to vector<1x16xf32>
    tpu.vector_store %arg7[%swap3A_110, %swap3A_111], %swap3A_114 {strides = array<i32>} : memref<16x128xf32, #tpu.memory_space<vmem>>, vector<1x16xf32>,
    %swap3A_115 = arith.constant 2 : i32
    %swap3A_116 = arith.index_cast %swap3A_115 : i32 to index
    %swap3A_117 = arith.constant 48 : index
    %swap3A_118 = tpu.vector_load %arg7[%swap3A_116, %swap3A_117] {strides = array<i32>} : memref<16x128xf32, #tpu.memory_space<vmem>>, vector<1x16xf32>,
    %swap3A_119 = vector.shape_cast %swap3A_118 : vector<1x16xf32> to vector<16xf32>
    %swap3A_120 = vector.shape_cast %broadcast_in_dim3A_1 : vector<16xf32> to vector<1x16xf32>
    tpu.vector_store %arg7[%swap3A_116, %swap3A_117], %swap3A_120 {strides = array<i32>} : memref<16x128xf32, #tpu.memory_space<vmem>>, vector<1x16xf32>,
    %swap3A_121 = arith.constant 2 : i32
    %swap3A_122 = arith.index_cast %swap3A_121 : i32 to index
    %swap3A_123 = arith.constant 64 : index
    %swap3A_124 = tpu.vector_load %arg7[%swap3A_122, %swap3A_123] {strides = array<i32>} : memref<16x128xf32, #tpu.memory_space<vmem>>, vector<1x16xf32>,
    %swap3A_125 = vector.shape_cast %swap3A_124 : vector<1x16xf32> to vector<16xf32>
    %swap3A_126 = vector.shape_cast %broadcast_in_dim3A_1 : vector<16xf32> to vector<1x16xf32>
    tpu.vector_store %arg7[%swap3A_122, %swap3A_123], %swap3A_126 {strides = array<i32>} : memref<16x128xf32, #tpu.memory_space<vmem>>, vector<1x16xf32>,
    %swap3A_127 = arith.constant 2 : i32
    %swap3A_128 = arith.index_cast %swap3A_127 : i32 to index
    %swap3A_129 = arith.constant 80 : index
    %swap3A_130 = tpu.vector_load %arg7[%swap3A_128, %swap3A_129] {strides = array<i32>} : memref<16x128xf32, #tpu.memory_space<vmem>>, vector<1x16xf32>,
    %swap3A_131 = vector.shape_cast %swap3A_130 : vector<1x16xf32> to vector<16xf32>
    %swap3A_132 = vector.shape_cast %broadcast_in_dim3A_1 : vector<16xf32> to vector<1x16xf32>
    tpu.vector_store %arg7[%swap3A_128, %swap3A_129], %swap3A_132 {strides = array<i32>} : memref<16x128xf32, #tpu.memory_space<vmem>>, vector<1x16xf32>,
    %swap3A_133 = arith.constant 2 : i32
    %swap3A_134 = arith.index_cast %swap3A_133 : i32 to index
    %swap3A_135 = arith.constant 96 : index
    %swap3A_136 = tpu.vector_load %arg7[%swap3A_134, %swap3A_135] {strides = array<i32>} : memref<16x128xf32, #tpu.memory_space<vmem>>, vector<1x16xf32>,
    %swap3A_137 = vector.shape_cast %swap3A_136 : vector<1x16xf32> to vector<16xf32>
    %swap3A_138 = vector.shape_cast %broadcast_in_dim3A_1 : vector<16xf32> to vector<1x16xf32>
    tpu.vector_store %arg7[%swap3A_134, %swap3A_135], %swap3A_138 {strides = array<i32>} : memref<16x128xf32, #tpu.memory_space<vmem>>, vector<1x16xf32>,
    %swap3A_139 = arith.constant 2 : i32
    %swap3A_140 = arith.index_cast %swap3A_139 : i32 to index
    %swap3A_141 = arith.constant 112 : index
    %swap3A_142 = tpu.vector_load %arg7[%swap3A_140, %swap3A_141] {strides = array<i32>} : memref<16x128xf32, #tpu.memory_space<vmem>>, vector<1x16xf32>,
    %swap3A_143 = vector.shape_cast %swap3A_142 : vector<1x16xf32> to vector<16xf32>
    %swap3A_144 = vector.shape_cast %broadcast_in_dim3A_1 : vector<16xf32> to vector<1x16xf32>
    tpu.vector_store %arg7[%swap3A_140, %swap3A_141], %swap3A_144 {strides = array<i32>} : memref<16x128xf32, #tpu.memory_space<vmem>>, vector<1x16xf32>,
    %swap3A_145 = arith.constant 3 : i32
    %swap3A_146 = arith.index_cast %swap3A_145 : i32 to index
    %swap3A_147 = arith.constant 0 : index
    %swap3A_148 = tpu.vector_load %arg7[%swap3A_146, %swap3A_147] {strides = array<i32>} : memref<16x128xf32, #tpu.memory_space<vmem>>, vector<1x16xf32>,
    %swap3A_149 = vector.shape_cast %swap3A_148 : vector<1x16xf32> to vector<16xf32>
    %swap3A_150 = vector.shape_cast %broadcast_in_dim3A_1 : vector<16xf32> to vector<1x16xf32>
    tpu.vector_store %arg7[%swap3A_146, %swap3A_147], %swap3A_150 {strides = array<i32>} : memref<16x128xf32, #tpu.memory_space<vmem>>, vector<1x16xf32>,
    %swap3A_151 = arith.constant 3 : i32
    %swap3A_152 = arith.index_cast %swap3A_151 : i32 to index
    %swap3A_153 = arith.constant 16 : index
    %swap3A_154 = tpu.vector_load %arg7[%swap3A_152, %swap3A_153] {strides = array<i32>} : memref<16x128xf32, #tpu.memory_space<vmem>>, vector<1x16xf32>,
    %swap3A_155 = vector.shape_cast %swap3A_154 : vector<1x16xf32> to vector<16xf32>
    %swap3A_156 = vector.shape_cast %broadcast_in_dim3A_1 : vector<16xf32> to vector<1x16xf32>
    tpu.vector_store %arg7[%swap3A_152, %swap3A_153], %swap3A_156 {strides = array<i32>} : memref<16x128xf32, #tpu.memory_space<vmem>>, vector<1x16xf32>,
    %swap3A_157 = arith.constant 3 : i32
    %swap3A_158 = arith.index_cast %swap3A_157 : i32 to index
    %swap3A_159 = arith.constant 32 : index
    %swap3A_160 = tpu.vector_load %arg7[%swap3A_158, %swap3A_159] {strides = array<i32>} : memref<16x128xf32, #tpu.memory_space<vmem>>, vector<1x16xf32>,
    %swap3A_161 = vector.shape_cast %swap3A_160 : vector<1x16xf32> to vector<16xf32>
    %swap3A_162 = vector.shape_cast %broadcast_in_dim3A_1 : vector<16xf32> to vector<1x16xf32>
    tpu.vector_store %arg7[%swap3A_158, %swap3A_159], %swap3A_162 {strides = array<i32>} : memref<16x128xf32, #tpu.memory_space<vmem>>, vector<1x16xf32>,
    %swap3A_163 = arith.constant 3 : i32
    %swap3A_164 = arith.index_cast %swap3A_163 : i32 to index
    %swap3A_165 = arith.constant 48 : index
    %swap3A_166 = tpu.vector_load %arg7[%swap3A_164, %swap3A_165] {strides = array<i32>} : memref<16x128xf32, #tpu.memory_space<vmem>>, vector<1x16xf32>,
    %swap3A_167 = vector.shape_cast %swap3A_166 : vector<1x16xf32> to vector<16xf32>
    %swap3A_168 = vector.shape_cast %broadcast_in_dim3A_1 : vector<16xf32> to vector<1x16xf32>
    tpu.vector_store %arg7[%swap3A_164, %swap3A_165], %swap3A_168 {strides = array<i32>} : memref<16x128xf32, #tpu.memory_space<vmem>>, vector<1x16xf32>,
    %swap3A_169 = arith.constant 3 : i32
    %swap3A_170 = arith.index_cast %swap3A_169 : i32 to index
    %swap3A_171 = arith.constant 64 : index
    %swap3A_172 = tpu.vector_load %arg7[%swap3A_170, %swap3A_171] {strides = array<i32>} : memref<16x128xf32, #tpu.memory_space<vmem>>, vector<1x16xf32>,
    %swap3A_173 = vector.shape_cast %swap3A_172 : vector<1x16xf32> to vector<16xf32>
    %swap3A_174 = vector.shape_cast %broadcast_in_dim3A_1 : vector<16xf32> to vector<1x16xf32>
    tpu.vector_store %arg7[%swap3A_170, %swap3A_171], %swap3A_174 {strides = array<i32>} : memref<16x128xf32, #tpu.memory_space<vmem>>, vector<1x16xf32>,
    %swap3A_175 = arith.constant 3 : i32
    %swap3A_176 = arith.index_cast %swap3A_175 : i32 to index
    %swap3A_177 = arith.constant 80 : index
    %swap3A_178 = tpu.vector_load %arg7[%swap3A_176, %swap3A_177] {strides = array<i32>} : memref<16x128xf32, #tpu.memory_space<vmem>>, vector<1x16xf32>,
    %swap3A_179 = vector.shape_cast %swap3A_178 : vector<1x16xf32> to vector<16xf32>
    %swap3A_180 = vector.shape_cast %broadcast_in_dim3A_1 : vector<16xf32> to vector<1x16xf32>
    tpu.vector_store %arg7[%swap3A_176, %swap3A_177], %swap3A_180 {strides = array<i32>} : memref<16x128xf32, #tpu.memory_space<vmem>>, vector<1x16xf32>,
    %swap3A_181 = arith.constant 3 : i32
    %swap3A_182 = arith.index_cast %swap3A_181 : i32 to index
    %swap3A_183 = arith.constant 96 : index
    %swap3A_184 = tpu.vector_load %arg7[%swap3A_182, %swap3A_183] {strides = array<i32>} : memref<16x128xf32, #tpu.memory_space<vmem>>, vector<1x16xf32>,
    %swap3A_185 = vector.shape_cast %swap3A_184 : vector<1x16xf32> to vector<16xf32>
    %swap3A_186 = vector.shape_cast %broadcast_in_dim3A_1 : vector<16xf32> to vector<1x16xf32>
    tpu.vector_store %arg7[%swap3A_182, %swap3A_183], %swap3A_186 {strides = array<i32>} : memref<16x128xf32, #tpu.memory_space<vmem>>, vector<1x16xf32>,
    %swap3A_187 = arith.constant 3 : i32
    %swap3A_188 = arith.index_cast %swap3A_187 : i32 to index
    %swap3A_189 = arith.constant 112 : index
    %swap3A_190 = tpu.vector_load %arg7[%swap3A_188, %swap3A_189] {strides = array<i32>} : memref<16x128xf32, #tpu.memory_space<vmem>>, vector<1x16xf32>,
    %swap3A_191 = vector.shape_cast %swap3A_190 : vector<1x16xf32> to vector<16xf32>
    %swap3A_192 = vector.shape_cast %broadcast_in_dim3A_1 : vector<16xf32> to vector<1x16xf32>
    tpu.vector_store %arg7[%swap3A_188, %swap3A_189], %swap3A_192 {strides = array<i32>} : memref<16x128xf32, #tpu.memory_space<vmem>>, vector<1x16xf32>,
    %swap3A_193 = arith.constant 4 : i32
    %swap3A_194 = arith.index_cast %swap3A_193 : i32 to index
    %swap3A_195 = arith.constant 0 : index
    %swap3A_196 = tpu.vector_load %arg7[%swap3A_194, %swap3A_195] {strides = array<i32>} : memref<16x128xf32, #tpu.memory_space<vmem>>, vector<1x16xf32>,
    %swap3A_197 = vector.shape_cast %swap3A_196 : vector<1x16xf32> to vector<16xf32>
    %swap3A_198 = vector.shape_cast %broadcast_in_dim3A_1 : vector<16xf32> to vector<1x16xf32>
    tpu.vector_store %arg7[%swap3A_194, %swap3A_195], %swap3A_198 {strides = array<i32>} : memref<16x128xf32, #tpu.memory_space<vmem>>, vector<1x16xf32>,
    %swap3A_199 = arith.constant 4 : i32
    %swap3A_200 = arith.index_cast %swap3A_199 : i32 to index
    %swap3A_201 = arith.constant 16 : index
    %swap3A_202 = tpu.vector_load %arg7[%swap3A_200, %swap3A_201] {strides = array<i32>} : memref<16x128xf32, #tpu.memory_space<vmem>>, vector<1x16xf32>,
    %swap3A_203 = vector.shape_cast %swap3A_202 : vector<1x16xf32> to vector<16xf32>
    %swap3A_204 = vector.shape_cast %broadcast_in_dim3A_1 : vector<16xf32> to vector<1x16xf32>
    tpu.vector_store %arg7[%swap3A_200, %swap3A_201], %swap3A_204 {strides = array<i32>} : memref<16x128xf32, #tpu.memory_space<vmem>>, vector<1x16xf32>,
    %swap3A_205 = arith.constant 4 : i32
    %swap3A_206 = arith.index_cast %swap3A_205 : i32 to index
    %swap3A_207 = arith.constant 32 : index
    %swap3A_208 = tpu.vector_load %arg7[%swap3A_206, %swap3A_207] {strides = array<i32>} : memref<16x128xf32, #tpu.memory_space<vmem>>, vector<1x16xf32>,
    %swap3A_209 = vector.shape_cast %swap3A_208 : vector<1x16xf32> to vector<16xf32>
    %swap3A_210 = vector.shape_cast %broadcast_in_dim3A_1 : vector<16xf32> to vector<1x16xf32>
    tpu.vector_store %arg7[%swap3A_206, %swap3A_207], %swap3A_210 {strides = array<i32>} : memref<16x128xf32, #tpu.memory_space<vmem>>, vector<1x16xf32>,
    %swap3A_211 = arith.constant 4 : i32
    %swap3A_212 = arith.index_cast %swap3A_211 : i32 to index
    %swap3A_213 = arith.constant 48 : index
    %swap3A_214 = tpu.vector_load %arg7[%swap3A_212, %swap3A_213] {strides = array<i32>} : memref<16x128xf32, #tpu.memory_space<vmem>>, vector<1x16xf32>,
    %swap3A_215 = vector.shape_cast %swap3A_214 : vector<1x16xf32> to vector<16xf32>
    %swap3A_216 = vector.shape_cast %broadcast_in_dim3A_1 : vector<16xf32> to vector<1x16xf32>
    tpu.vector_store %arg7[%swap3A_212, %swap3A_213], %swap3A_216 {strides = array<i32>} : memref<16x128xf32, #tpu.memory_space<vmem>>, vector<1x16xf32>,
    %swap3A_217 = arith.constant 4 : i32
    %swap3A_218 = arith.index_cast %swap3A_217 : i32 to index
    %swap3A_219 = arith.constant 64 : index
    %swap3A_220 = tpu.vector_load %arg7[%swap3A_218, %swap3A_219] {strides = array<i32>} : memref<16x128xf32, #tpu.memory_space<vmem>>, vector<1x16xf32>,
    %swap3A_221 = vector.shape_cast %swap3A_220 : vector<1x16xf32> to vector<16xf32>
    %swap3A_222 = vector.shape_cast %broadcast_in_dim3A_1 : vector<16xf32> to vector<1x16xf32>
    tpu.vector_store %arg7[%swap3A_218, %swap3A_219], %swap3A_222 {strides = array<i32>} : memref<16x128xf32, #tpu.memory_space<vmem>>, vector<1x16xf32>,
    %swap3A_223 = arith.constant 4 : i32
    %swap3A_224 = arith.index_cast %swap3A_223 : i32 to index
    %swap3A_225 = arith.constant 80 : index
    %swap3A_226 = tpu.vector_load %arg7[%swap3A_224, %swap3A_225] {strides = array<i32>} : memref<16x128xf32, #tpu.memory_space<vmem>>, vector<1x16xf32>,
    %swap3A_227 = vector.shape_cast %swap3A_226 : vector<1x16xf32> to vector<16xf32>
    %swap3A_228 = vector.shape_cast %broadcast_in_dim3A_1 : vector<16xf32> to vector<1x16xf32>
    tpu.vector_store %arg7[%swap3A_224, %swap3A_225], %swap3A_228 {strides = array<i32>} : memref<16x128xf32, #tpu.memory_space<vmem>>, vector<1x16xf32>,
    %swap3A_229 = arith.constant 4 : i32
    %swap3A_230 = arith.index_cast %swap3A_229 : i32 to index
    %swap3A_231 = arith.constant 96 : index
    %swap3A_232 = tpu.vector_load %arg7[%swap3A_230, %swap3A_231] {strides = array<i32>} : memref<16x128xf32, #tpu.memory_space<vmem>>, vector<1x16xf32>,
    %swap3A_233 = vector.shape_cast %swap3A_232 : vector<1x16xf32> to vector<16xf32>
    %swap3A_234 = vector.shape_cast %broadcast_in_dim3A_1 : vector<16xf32> to vector<1x16xf32>
    tpu.vector_store %arg7[%swap3A_230, %swap3A_231], %swap3A_234 {strides = array<i32>} : memref<16x128xf32, #tpu.memory_space<vmem>>, vector<1x16xf32>,
    %swap3A_235 = arith.constant 4 : i32
    %swap3A_236 = arith.index_cast %swap3A_235 : i32 to index
    %swap3A_237 = arith.constant 112 : index
    %swap3A_238 = tpu.vector_load %arg7[%swap3A_236, %swap3A_237] {strides = array<i32>} : memref<16x128xf32, #tpu.memory_space<vmem>>, vector<1x16xf32>,
    %swap3A_239 = vector.shape_cast %swap3A_238 : vector<1x16xf32> to vector<16xf32>
    %swap3A_240 = vector.shape_cast %broadcast_in_dim3A_1 : vector<16xf32> to vector<1x16xf32>
    tpu.vector_store %arg7[%swap3A_236, %swap3A_237], %swap3A_240 {strides = array<i32>} : memref<16x128xf32, #tpu.memory_space<vmem>>, vector<1x16xf32>,
    %swap3A_241 = arith.constant 5 : i32
    %swap3A_242 = arith.index_cast %swap3A_241 : i32 to index
    %swap3A_243 = arith.constant 0 : index
    %swap3A_244 = tpu.vector_load %arg7[%swap3A_242, %swap3A_243] {strides = array<i32>} : memref<16x128xf32, #tpu.memory_space<vmem>>, vector<1x16xf32>,
    %swap3A_245 = vector.shape_cast %swap3A_244 : vector<1x16xf32> to vector<16xf32>
    %swap3A_246 = vector.shape_cast %broadcast_in_dim3A_1 : vector<16xf32> to vector<1x16xf32>
    tpu.vector_store %arg7[%swap3A_242, %swap3A_243], %swap3A_246 {strides = array<i32>} : memref<16x128xf32, #tpu.memory_space<vmem>>, vector<1x16xf32>,
    %swap3A_247 = arith.constant 5 : i32
    %swap3A_248 = arith.index_cast %swap3A_247 : i32 to index
    %swap3A_249 = arith.constant 16 : index
    %swap3A_250 = tpu.vector_load %arg7[%swap3A_248, %swap3A_249] {strides = array<i32>} : memref<16x128xf32, #tpu.memory_space<vmem>>, vector<1x16xf32>,
    %swap3A_251 = vector.shape_cast %swap3A_250 : vector<1x16xf32> to vector<16xf32>
    %swap3A_252 = vector.shape_cast %broadcast_in_dim3A_1 : vector<16xf32> to vector<1x16xf32>
    tpu.vector_store %arg7[%swap3A_248, %swap3A_249], %swap3A_252 {strides = array<i32>} : memref<16x128xf32, #tpu.memory_space<vmem>>, vector<1x16xf32>,
    %swap3A_253 = arith.constant 5 : i32
    %swap3A_254 = arith.index_cast %swap3A_253 : i32 to index
    %swap3A_255 = arith.constant 32 : index
    %swap3A_256 = tpu.vector_load %arg7[%swap3A_254, %swap3A_255] {strides = array<i32>} : memref<16x128xf32, #tpu.memory_space<vmem>>, vector<1x16xf32>,
    %swap3A_257 = vector.shape_cast %swap3A_256 : vector<1x16xf32> to vector<16xf32>
    %swap3A_258 = vector.shape_cast %broadcast_in_dim3A_1 : vector<16xf32> to vector<1x16xf32>
    tpu.vector_store %arg7[%swap3A_254, %swap3A_255], %swap3A_258 {strides = array<i32>} : memref<16x128xf32, #tpu.memory_space<vmem>>, vector<1x16xf32>,
    %swap3A_259 = arith.constant 5 : i32
    %swap3A_260 = arith.index_cast %swap3A_259 : i32 to index
    %swap3A_261 = arith.constant 48 : index
    %swap3A_262 = tpu.vector_load %arg7[%swap3A_260, %swap3A_261] {strides = array<i32>} : memref<16x128xf32, #tpu.memory_space<vmem>>, vector<1x16xf32>,
    %swap3A_263 = vector.shape_cast %swap3A_262 : vector<1x16xf32> to vector<16xf32>
    %swap3A_264 = vector.shape_cast %broadcast_in_dim3A_1 : vector<16xf32> to vector<1x16xf32>
    tpu.vector_store %arg7[%swap3A_260, %swap3A_261], %swap3A_264 {strides = array<i32>} : memref<16x128xf32, #tpu.memory_space<vmem>>, vector<1x16xf32>,
    %swap3A_265 = arith.constant 5 : i32
    %swap3A_266 = arith.index_cast %swap3A_265 : i32 to index
    %swap3A_267 = arith.constant 64 : index
    %swap3A_268 = tpu.vector_load %arg7[%swap3A_266, %swap3A_267] {strides = array<i32>} : memref<16x128xf32, #tpu.memory_space<vmem>>, vector<1x16xf32>,
    %swap3A_269 = vector.shape_cast %swap3A_268 : vector<1x16xf32> to vector<16xf32>
    %swap3A_270 = vector.shape_cast %broadcast_in_dim3A_1 : vector<16xf32> to vector<1x16xf32>
    tpu.vector_store %arg7[%swap3A_266, %swap3A_267], %swap3A_270 {strides = array<i32>} : memref<16x128xf32, #tpu.memory_space<vmem>>, vector<1x16xf32>,
    %swap3A_271 = arith.constant 5 : i32
    %swap3A_272 = arith.index_cast %swap3A_271 : i32 to index
    %swap3A_273 = arith.constant 80 : index
    %swap3A_274 = tpu.vector_load %arg7[%swap3A_272, %swap3A_273] {strides = array<i32>} : memref<16x128xf32, #tpu.memory_space<vmem>>, vector<1x16xf32>,
    %swap3A_275 = vector.shape_cast %swap3A_274 : vector<1x16xf32> to vector<16xf32>
    %swap3A_276 = vector.shape_cast %broadcast_in_dim3A_1 : vector<16xf32> to vector<1x16xf32>
    tpu.vector_store %arg7[%swap3A_272, %swap3A_273], %swap3A_276 {strides = array<i32>} : memref<16x128xf32, #tpu.memory_space<vmem>>, vector<1x16xf32>,
    %swap3A_277 = arith.constant 5 : i32
    %swap3A_278 = arith.index_cast %swap3A_277 : i32 to index
    %swap3A_279 = arith.constant 96 : index
    %swap3A_280 = tpu.vector_load %arg7[%swap3A_278, %swap3A_279] {strides = array<i32>} : memref<16x128xf32, #tpu.memory_space<vmem>>, vector<1x16xf32>,
    %swap3A_281 = vector.shape_cast %swap3A_280 : vector<1x16xf32> to vector<16xf32>
    %swap3A_282 = vector.shape_cast %broadcast_in_dim3A_1 : vector<16xf32> to vector<1x16xf32>
    tpu.vector_store %arg7[%swap3A_278, %swap3A_279], %swap3A_282 {strides = array<i32>} : memref<16x128xf32, #tpu.memory_space<vmem>>, vector<1x16xf32>,
    %swap3A_283 = arith.constant 5 : i32
    %swap3A_284 = arith.index_cast %swap3A_283 : i32 to index
    %swap3A_285 = arith.constant 112 : index
    %swap3A_286 = tpu.vector_load %arg7[%swap3A_284, %swap3A_285] {strides = array<i32>} : memref<16x128xf32, #tpu.memory_space<vmem>>, vector<1x16xf32>,
    %swap3A_287 = vector.shape_cast %swap3A_286 : vector<1x16xf32> to vector<16xf32>
    %swap3A_288 = vector.shape_cast %broadcast_in_dim3A_1 : vector<16xf32> to vector<1x16xf32>
    tpu.vector_store %arg7[%swap3A_284, %swap3A_285], %swap3A_288 {strides = array<i32>} : memref<16x128xf32, #tpu.memory_space<vmem>>, vector<1x16xf32>,
    %swap3A_289 = arith.constant 6 : i32
    %swap3A_290 = arith.index_cast %swap3A_289 : i32 to index
    %swap3A_291 = arith.constant 0 : index
    %swap3A_292 = tpu.vector_load %arg7[%swap3A_290, %swap3A_291] {strides = array<i32>} : memref<16x128xf32, #tpu.memory_space<vmem>>, vector<1x16xf32>,
    %swap3A_293 = vector.shape_cast %swap3A_292 : vector<1x16xf32> to vector<16xf32>
    %swap3A_294 = vector.shape_cast %broadcast_in_dim3A_1 : vector<16xf32> to vector<1x16xf32>
    tpu.vector_store %arg7[%swap3A_290, %swap3A_291], %swap3A_294 {strides = array<i32>} : memref<16x128xf32, #tpu.memory_space<vmem>>, vector<1x16xf32>,
    %swap3A_295 = arith.constant 6 : i32
    %swap3A_296 = arith.index_cast %swap3A_295 : i32 to index
    %swap3A_297 = arith.constant 16 : index
    %swap3A_298 = tpu.vector_load %arg7[%swap3A_296, %swap3A_297] {strides = array<i32>} : memref<16x128xf32, #tpu.memory_space<vmem>>, vector<1x16xf32>,
    %swap3A_299 = vector.shape_cast %swap3A_298 : vector<1x16xf32> to vector<16xf32>
    %swap3A_300 = vector.shape_cast %broadcast_in_dim3A_1 : vector<16xf32> to vector<1x16xf32>
    tpu.vector_store %arg7[%swap3A_296, %swap3A_297], %swap3A_300 {strides = array<i32>} : memref<16x128xf32, #tpu.memory_space<vmem>>, vector<1x16xf32>,
    %swap3A_301 = arith.constant 6 : i32
    %swap3A_302 = arith.index_cast %swap3A_301 : i32 to index
    %swap3A_303 = arith.constant 32 : index
    %swap3A_304 = tpu.vector_load %arg7[%swap3A_302, %swap3A_303] {strides = array<i32>} : memref<16x128xf32, #tpu.memory_space<vmem>>, vector<1x16xf32>,
    %swap3A_305 = vector.shape_cast %swap3A_304 : vector<1x16xf32> to vector<16xf32>
    %swap3A_306 = vector.shape_cast %broadcast_in_dim3A_1 : vector<16xf32> to vector<1x16xf32>
    tpu.vector_store %arg7[%swap3A_302, %swap3A_303], %swap3A_306 {strides = array<i32>} : memref<16x128xf32, #tpu.memory_space<vmem>>, vector<1x16xf32>,
    %swap3A_307 = arith.constant 6 : i32
    %swap3A_308 = arith.index_cast %swap3A_307 : i32 to index
    %swap3A_309 = arith.constant 48 : index
    %swap3A_310 = tpu.vector_load %arg7[%swap3A_308, %swap3A_309] {strides = array<i32>} : memref<16x128xf32, #tpu.memory_space<vmem>>, vector<1x16xf32>,
    %swap3A_311 = vector.shape_cast %swap3A_310 : vector<1x16xf32> to vector<16xf32>
    %swap3A_312 = vector.shape_cast %broadcast_in_dim3A_1 : vector<16xf32> to vector<1x16xf32>
    tpu.vector_store %arg7[%swap3A_308, %swap3A_309], %swap3A_312 {strides = array<i32>} : memref<16x128xf32, #tpu.memory_space<vmem>>, vector<1x16xf32>,
    %swap3A_313 = arith.constant 6 : i32
    %swap3A_314 = arith.index_cast %swap3A_313 : i32 to index
    %swap3A_315 = arith.constant 64 : index
    %swap3A_316 = tpu.vector_load %arg7[%swap3A_314, %swap3A_315] {strides = array<i32>} : memref<16x128xf32, #tpu.memory_space<vmem>>, vector<1x16xf32>,
    %swap3A_317 = vector.shape_cast %swap3A_316 : vector<1x16xf32> to vector<16xf32>
    %swap3A_318 = vector.shape_cast %broadcast_in_dim3A_1 : vector<16xf32> to vector<1x16xf32>
    tpu.vector_store %arg7[%swap3A_314, %swap3A_315], %swap3A_318 {strides = array<i32>} : memref<16x128xf32, #tpu.memory_space<vmem>>, vector<1x16xf32>,
    %swap3A_319 = arith.constant 6 : i32
    %swap3A_320 = arith.index_cast %swap3A_319 : i32 to index
    %swap3A_321 = arith.constant 80 : index
    %swap3A_322 = tpu.vector_load %arg7[%swap3A_320, %swap3A_321] {strides = array<i32>} : memref<16x128xf32, #tpu.memory_space<vmem>>, vector<1x16xf32>,
    %swap3A_323 = vector.shape_cast %swap3A_322 : vector<1x16xf32> to vector<16xf32>
    %swap3A_324 = vector.shape_cast %broadcast_in_dim3A_1 : vector<16xf32> to vector<1x16xf32>
    tpu.vector_store %arg7[%swap3A_320, %swap3A_321], %swap3A_324 {strides = array<i32>} : memref<16x128xf32, #tpu.memory_space<vmem>>, vector<1x16xf32>,
    %swap3A_325 = arith.constant 6 : i32
    %swap3A_326 = arith.index_cast %swap3A_325 : i32 to index
    %swap3A_327 = arith.constant 96 : index
    %swap3A_328 = tpu.vector_load %arg7[%swap3A_326, %swap3A_327] {strides = array<i32>} : memref<16x128xf32, #tpu.memory_space<vmem>>, vector<1x16xf32>,
    %swap3A_329 = vector.shape_cast %swap3A_328 : vector<1x16xf32> to vector<16xf32>
    %swap3A_330 = vector.shape_cast %broadcast_in_dim3A_1 : vector<16xf32> to vector<1x16xf32>
    tpu.vector_store %arg7[%swap3A_326, %swap3A_327], %swap3A_330 {strides = array<i32>} : memref<16x128xf32, #tpu.memory_space<vmem>>, vector<1x16xf32>,
    %swap3A_331 = arith.constant 6 : i32
    %swap3A_332 = arith.index_cast %swap3A_331 : i32 to index
    %swap3A_333 = arith.constant 112 : index
    %swap3A_334 = tpu.vector_load %arg7[%swap3A_332, %swap3A_333] {strides = array<i32>} : memref<16x128xf32, #tpu.memory_space<vmem>>, vector<1x16xf32>,
    %swap3A_335 = vector.shape_cast %swap3A_334 : vector<1x16xf32> to vector<16xf32>
    %swap3A_336 = vector.shape_cast %broadcast_in_dim3A_1 : vector<16xf32> to vector<1x16xf32>
    tpu.vector_store %arg7[%swap3A_332, %swap3A_333], %swap3A_336 {strides = array<i32>} : memref<16x128xf32, #tpu.memory_space<vmem>>, vector<1x16xf32>,
    %swap3A_337 = arith.constant 7 : i32
    %swap3A_338 = arith.index_cast %swap3A_337 : i32 to index
    %swap3A_339 = arith.constant 0 : index
    %swap3A_340 = tpu.vector_load %arg7[%swap3A_338, %swap3A_339] {strides = array<i32>} : memref<16x128xf32, #tpu.memory_space<vmem>>, vector<1x16xf32>,
    %swap3A_341 = vector.shape_cast %swap3A_340 : vector<1x16xf32> to vector<16xf32>
    %swap3A_342 = vector.shape_cast %broadcast_in_dim3A_1 : vector<16xf32> to vector<1x16xf32>
    tpu.vector_store %arg7[%swap3A_338, %swap3A_339], %swap3A_342 {strides = array<i32>} : memref<16x128xf32, #tpu.memory_space<vmem>>, vector<1x16xf32>,
    %swap3A_343 = arith.constant 7 : i32
    %swap3A_344 = arith.index_cast %swap3A_343 : i32 to index
    %swap3A_345 = arith.constant 16 : index
    %swap3A_346 = tpu.vector_load %arg7[%swap3A_344, %swap3A_345] {strides = array<i32>} : memref<16x128xf32, #tpu.memory_space<vmem>>, vector<1x16xf32>,
    %swap3A_347 = vector.shape_cast %swap3A_346 : vector<1x16xf32> to vector<16xf32>
    %swap3A_348 = vector.shape_cast %broadcast_in_dim3A_1 : vector<16xf32> to vector<1x16xf32>
    tpu.vector_store %arg7[%swap3A_344, %swap3A_345], %swap3A_348 {strides = array<i32>} : memref<16x128xf32, #tpu.memory_space<vmem>>, vector<1x16xf32>,
    %swap3A_349 = arith.constant 7 : i32
    %swap3A_350 = arith.index_cast %swap3A_349 : i32 to index
    %swap3A_351 = arith.constant 32 : index
    %swap3A_352 = tpu.vector_load %arg7[%swap3A_350, %swap3A_351] {strides = array<i32>} : memref<16x128xf32, #tpu.memory_space<vmem>>, vector<1x16xf32>,
    %swap3A_353 = vector.shape_cast %swap3A_352 : vector<1x16xf32> to vector<16xf32>
    %swap3A_354 = vector.shape_cast %broadcast_in_dim3A_1 : vector<16xf32> to vector<1x16xf32>
    tpu.vector_store %arg7[%swap3A_350, %swap3A_351], %swap3A_354 {strides = array<i32>} : memref<16x128xf32, #tpu.memory_space<vmem>>, vector<1x16xf32>,
    %swap3A_355 = arith.constant 7 : i32
    %swap3A_356 = arith.index_cast %swap3A_355 : i32 to index
    %swap3A_357 = arith.constant 48 : index
    %swap3A_358 = tpu.vector_load %arg7[%swap3A_356, %swap3A_357] {strides = array<i32>} : memref<16x128xf32, #tpu.memory_space<vmem>>, vector<1x16xf32>,
    %swap3A_359 = vector.shape_cast %swap3A_358 : vector<1x16xf32> to vector<16xf32>
    %swap3A_360 = vector.shape_cast %broadcast_in_dim3A_1 : vector<16xf32> to vector<1x16xf32>
    tpu.vector_store %arg7[%swap3A_356, %swap3A_357], %swap3A_360 {strides = array<i32>} : memref<16x128xf32, #tpu.memory_space<vmem>>, vector<1x16xf32>,
    %swap3A_361 = arith.constant 7 : i32
    %swap3A_362 = arith.index_cast %swap3A_361 : i32 to index
    %swap3A_363 = arith.constant 64 : index
    %swap3A_364 = tpu.vector_load %arg7[%swap3A_362, %swap3A_363] {strides = array<i32>} : memref<16x128xf32, #tpu.memory_space<vmem>>, vector<1x16xf32>,
    %swap3A_365 = vector.shape_cast %swap3A_364 : vector<1x16xf32> to vector<16xf32>
    %swap3A_366 = vector.shape_cast %broadcast_in_dim3A_1 : vector<16xf32> to vector<1x16xf32>
    tpu.vector_store %arg7[%swap3A_362, %swap3A_363], %swap3A_366 {strides = array<i32>} : memref<16x128xf32, #tpu.memory_space<vmem>>, vector<1x16xf32>,
    %swap3A_367 = arith.constant 7 : i32
    %swap3A_368 = arith.index_cast %swap3A_367 : i32 to index
    %swap3A_369 = arith.constant 80 : index
    %swap3A_370 = tpu.vector_load %arg7[%swap3A_368, %swap3A_369] {strides = array<i32>} : memref<16x128xf32, #tpu.memory_space<vmem>>, vector<1x16xf32>,
    %swap3A_371 = vector.shape_cast %swap3A_370 : vector<1x16xf32> to vector<16xf32>
    %swap3A_372 = vector.shape_cast %broadcast_in_dim3A_1 : vector<16xf32> to vector<1x16xf32>
    tpu.vector_store %arg7[%swap3A_368, %swap3A_369], %swap3A_372 {strides = array<i32>} : memref<16x128xf32, #tpu.memory_space<vmem>>, vector<1x16xf32>,
    %swap3A_373 = arith.constant 7 : i32
    %swap3A_374 = arith.index_cast %swap3A_373 : i32 to index
    %swap3A_375 = arith.constant 96 : index
    %swap3A_376 = tpu.vector_load %arg7[%swap3A_374, %swap3A_375] {strides = array<i32>} : memref<16x128xf32, #tpu.memory_space<vmem>>, vector<1x16xf32>,
    %swap3A_377 = vector.shape_cast %swap3A_376 : vector<1x16xf32> to vector<16xf32>
    %swap3A_378 = vector.shape_cast %broadcast_in_dim3A_1 : vector<16xf32> to vector<1x16xf32>
    tpu.vector_store %arg7[%swap3A_374, %swap3A_375], %swap3A_378 {strides = array<i32>} : memref<16x128xf32, #tpu.memory_space<vmem>>, vector<1x16xf32>,
    %swap3A_379 = arith.constant 7 : i32
    %swap3A_380 = arith.index_cast %swap3A_379 : i32 to index
    %swap3A_381 = arith.constant 112 : index
    %swap3A_382 = tpu.vector_load %arg7[%swap3A_380, %swap3A_381] {strides = array<i32>} : memref<16x128xf32, #tpu.memory_space<vmem>>, vector<1x16xf32>,
    %swap3A_383 = vector.shape_cast %swap3A_382 : vector<1x16xf32> to vector<16xf32>
    %swap3A_384 = vector.shape_cast %broadcast_in_dim3A_1 : vector<16xf32> to vector<1x16xf32>
    tpu.vector_store %arg7[%swap3A_380, %swap3A_381], %swap3A_384 {strides = array<i32>} : memref<16x128xf32, #tpu.memory_space<vmem>>, vector<1x16xf32>,
    %swap3A_385 = arith.constant 8 : i32
    %swap3A_386 = arith.index_cast %swap3A_385 : i32 to index
    %swap3A_387 = arith.constant 0 : index
    %swap3A_388 = tpu.vector_load %arg7[%swap3A_386, %swap3A_387] {strides = array<i32>} : memref<16x128xf32, #tpu.memory_space<vmem>>, vector<1x16xf32>,
    %swap3A_389 = vector.shape_cast %swap3A_388 : vector<1x16xf32> to vector<16xf32>
    %swap3A_390 = vector.shape_cast %broadcast_in_dim3A_1 : vector<16xf32> to vector<1x16xf32>
    tpu.vector_store %arg7[%swap3A_386, %swap3A_387], %swap3A_390 {strides = array<i32>} : memref<16x128xf32, #tpu.memory_space<vmem>>, vector<1x16xf32>,
    %swap3A_391 = arith.constant 8 : i32
    %swap3A_392 = arith.index_cast %swap3A_391 : i32 to index
    %swap3A_393 = arith.constant 16 : index
    %swap3A_394 = tpu.vector_load %arg7[%swap3A_392, %swap3A_393] {strides = array<i32>} : memref<16x128xf32, #tpu.memory_space<vmem>>, vector<1x16xf32>,
    %swap3A_395 = vector.shape_cast %swap3A_394 : vector<1x16xf32> to vector<16xf32>
    %swap3A_396 = vector.shape_cast %broadcast_in_dim3A_1 : vector<16xf32> to vector<1x16xf32>
    tpu.vector_store %arg7[%swap3A_392, %swap3A_393], %swap3A_396 {strides = array<i32>} : memref<16x128xf32, #tpu.memory_space<vmem>>, vector<1x16xf32>,
    %swap3A_397 = arith.constant 8 : i32
    %swap3A_398 = arith.index_cast %swap3A_397 : i32 to index
    %swap3A_399 = arith.constant 32 : index
    %swap3A_400 = tpu.vector_load %arg7[%swap3A_398, %swap3A_399] {strides = array<i32>} : memref<16x128xf32, #tpu.memory_space<vmem>>, vector<1x16xf32>,
    %swap3A_401 = vector.shape_cast %swap3A_400 : vector<1x16xf32> to vector<16xf32>
    %swap3A_402 = vector.shape_cast %broadcast_in_dim3A_1 : vector<16xf32> to vector<1x16xf32>
    tpu.vector_store %arg7[%swap3A_398, %swap3A_399], %swap3A_402 {strides = array<i32>} : memref<16x128xf32, #tpu.memory_space<vmem>>, vector<1x16xf32>,
    %swap3A_403 = arith.constant 8 : i32
    %swap3A_404 = arith.index_cast %swap3A_403 : i32 to index
    %swap3A_405 = arith.constant 48 : index
    %swap3A_406 = tpu.vector_load %arg7[%swap3A_404, %swap3A_405] {strides = array<i32>} : memref<16x128xf32, #tpu.memory_space<vmem>>, vector<1x16xf32>,
    %swap3A_407 = vector.shape_cast %swap3A_406 : vector<1x16xf32> to vector<16xf32>
    %swap3A_408 = vector.shape_cast %broadcast_in_dim3A_1 : vector<16xf32> to vector<1x16xf32>
    tpu.vector_store %arg7[%swap3A_404, %swap3A_405], %swap3A_408 {strides = array<i32>} : memref<16x128xf32, #tpu.memory_space<vmem>>, vector<1x16xf32>,
    %swap3A_409 = arith.constant 8 : i32
    %swap3A_410 = arith.index_cast %swap3A_409 : i32 to index
    %swap3A_411 = arith.constant 64 : index
    %swap3A_412 = tpu.vector_load %arg7[%swap3A_410, %swap3A_411] {strides = array<i32>} : memref<16x128xf32, #tpu.memory_space<vmem>>, vector<1x16xf32>,
    %swap3A_413 = vector.shape_cast %swap3A_412 : vector<1x16xf32> to vector<16xf32>
    %swap3A_414 = vector.shape_cast %broadcast_in_dim3A_1 : vector<16xf32> to vector<1x16xf32>
    tpu.vector_store %arg7[%swap3A_410, %swap3A_411], %swap3A_414 {strides = array<i32>} : memref<16x128xf32, #tpu.memory_space<vmem>>, vector<1x16xf32>,
    %swap3A_415 = arith.constant 8 : i32
    %swap3A_416 = arith.index_cast %swap3A_415 : i32 to index
    %swap3A_417 = arith.constant 80 : index
    %swap3A_418 = tpu.vector_load %arg7[%swap3A_416, %swap3A_417] {strides = array<i32>} : memref<16x128xf32, #tpu.memory_space<vmem>>, vector<1x16xf32>,
    %swap3A_419 = vector.shape_cast %swap3A_418 : vector<1x16xf32> to vector<16xf32>
    %swap3A_420 = vector.shape_cast %broadcast_in_dim3A_1 : vector<16xf32> to vector<1x16xf32>
    tpu.vector_store %arg7[%swap3A_416, %swap3A_417], %swap3A_420 {strides = array<i32>} : memref<16x128xf32, #tpu.memory_space<vmem>>, vector<1x16xf32>,
    %swap3A_421 = arith.constant 8 : i32
    %swap3A_422 = arith.index_cast %swap3A_421 : i32 to index
    %swap3A_423 = arith.constant 96 : index
    %swap3A_424 = tpu.vector_load %arg7[%swap3A_422, %swap3A_423] {strides = array<i32>} : memref<16x128xf32, #tpu.memory_space<vmem>>, vector<1x16xf32>,
    %swap3A_425 = vector.shape_cast %swap3A_424 : vector<1x16xf32> to vector<16xf32>
    %swap3A_426 = vector.shape_cast %broadcast_in_dim3A_1 : vector<16xf32> to vector<1x16xf32>
    tpu.vector_store %arg7[%swap3A_422, %swap3A_423], %swap3A_426 {strides = array<i32>} : memref<16x128xf32, #tpu.memory_space<vmem>>, vector<1x16xf32>,
    %swap3A_427 = arith.constant 8 : i32
    %swap3A_428 = arith.index_cast %swap3A_427 : i32 to index
    %swap3A_429 = arith.constant 112 : index
    %swap3A_430 = tpu.vector_load %arg7[%swap3A_428, %swap3A_429] {strides = array<i32>} : memref<16x128xf32, #tpu.memory_space<vmem>>, vector<1x16xf32>,
    %swap3A_431 = vector.shape_cast %swap3A_430 : vector<1x16xf32> to vector<16xf32>
    %swap3A_432 = vector.shape_cast %broadcast_in_dim3A_1 : vector<16xf32> to vector<1x16xf32>
    tpu.vector_store %arg7[%swap3A_428, %swap3A_429], %swap3A_432 {strides = array<i32>} : memref<16x128xf32, #tpu.memory_space<vmem>>, vector<1x16xf32>,
    %swap3A_433 = arith.constant 9 : i32
    %swap3A_434 = arith.index_cast %swap3A_433 : i32 to index
    %swap3A_435 = arith.constant 0 : index
    %swap3A_436 = tpu.vector_load %arg7[%swap3A_434, %swap3A_435] {strides = array<i32>} : memref<16x128xf32, #tpu.memory_space<vmem>>, vector<1x16xf32>,
    %swap3A_437 = vector.shape_cast %swap3A_436 : vector<1x16xf32> to vector<16xf32>
    %swap3A_438 = vector.shape_cast %broadcast_in_dim3A_1 : vector<16xf32> to vector<1x16xf32>
    tpu.vector_store %arg7[%swap3A_434, %swap3A_435], %swap3A_438 {strides = array<i32>} : memref<16x128xf32, #tpu.memory_space<vmem>>, vector<1x16xf32>,
    %swap3A_439 = arith.constant 9 : i32
    %swap3A_440 = arith.index_cast %swap3A_439 : i32 to index
    %swap3A_441 = arith.constant 16 : index
    %swap3A_442 = tpu.vector_load %arg7[%swap3A_440, %swap3A_441] {strides = array<i32>} : memref<16x128xf32, #tpu.memory_space<vmem>>, vector<1x16xf32>,
    %swap3A_443 = vector.shape_cast %swap3A_442 : vector<1x16xf32> to vector<16xf32>
    %swap3A_444 = vector.shape_cast %broadcast_in_dim3A_1 : vector<16xf32> to vector<1x16xf32>
    tpu.vector_store %arg7[%swap3A_440, %swap3A_441], %swap3A_444 {strides = array<i32>} : memref<16x128xf32, #tpu.memory_space<vmem>>, vector<1x16xf32>,
    %swap3A_445 = arith.constant 9 : i32
    %swap3A_446 = arith.index_cast %swap3A_445 : i32 to index
    %swap3A_447 = arith.constant 32 : index
    %swap3A_448 = tpu.vector_load %arg7[%swap3A_446, %swap3A_447] {strides = array<i32>} : memref<16x128xf32, #tpu.memory_space<vmem>>, vector<1x16xf32>,
    %swap3A_449 = vector.shape_cast %swap3A_448 : vector<1x16xf32> to vector<16xf32>
    %swap3A_450 = vector.shape_cast %broadcast_in_dim3A_1 : vector<16xf32> to vector<1x16xf32>
    tpu.vector_store %arg7[%swap3A_446, %swap3A_447], %swap3A_450 {strides = array<i32>} : memref<16x128xf32, #tpu.memory_space<vmem>>, vector<1x16xf32>,
    %swap3A_451 = arith.constant 9 : i32
    %swap3A_452 = arith.index_cast %swap3A_451 : i32 to index
    %swap3A_453 = arith.constant 48 : index
    %swap3A_454 = tpu.vector_load %arg7[%swap3A_452, %swap3A_453] {strides = array<i32>} : memref<16x128xf32, #tpu.memory_space<vmem>>, vector<1x16xf32>,
    %swap3A_455 = vector.shape_cast %swap3A_454 : vector<1x16xf32> to vector<16xf32>
    %swap3A_456 = vector.shape_cast %broadcast_in_dim3A_1 : vector<16xf32> to vector<1x16xf32>
    tpu.vector_store %arg7[%swap3A_452, %swap3A_453], %swap3A_456 {strides = array<i32>} : memref<16x128xf32, #tpu.memory_space<vmem>>, vector<1x16xf32>,
    %swap3A_457 = arith.constant 9 : i32
    %swap3A_458 = arith.index_cast %swap3A_457 : i32 to index
    %swap3A_459 = arith.constant 64 : index
    %swap3A_460 = tpu.vector_load %arg7[%swap3A_458, %swap3A_459] {strides = array<i32>} : memref<16x128xf32, #tpu.memory_space<vmem>>, vector<1x16xf32>,
    %swap3A_461 = vector.shape_cast %swap3A_460 : vector<1x16xf32> to vector<16xf32>
    %swap3A_462 = vector.shape_cast %broadcast_in_dim3A_1 : vector<16xf32> to vector<1x16xf32>
    tpu.vector_store %arg7[%swap3A_458, %swap3A_459], %swap3A_462 {strides = array<i32>} : memref<16x128xf32, #tpu.memory_space<vmem>>, vector<1x16xf32>,
    %swap3A_463 = arith.constant 9 : i32
    %swap3A_464 = arith.index_cast %swap3A_463 : i32 to index
    %swap3A_465 = arith.constant 80 : index
    %swap3A_466 = tpu.vector_load %arg7[%swap3A_464, %swap3A_465] {strides = array<i32>} : memref<16x128xf32, #tpu.memory_space<vmem>>, vector<1x16xf32>,
    %swap3A_467 = vector.shape_cast %swap3A_466 : vector<1x16xf32> to vector<16xf32>
    %swap3A_468 = vector.shape_cast %broadcast_in_dim3A_1 : vector<16xf32> to vector<1x16xf32>
    tpu.vector_store %arg7[%swap3A_464, %swap3A_465], %swap3A_468 {strides = array<i32>} : memref<16x128xf32, #tpu.memory_space<vmem>>, vector<1x16xf32>,
    %swap3A_469 = arith.constant 9 : i32
    %swap3A_470 = arith.index_cast %swap3A_469 : i32 to index
    %swap3A_471 = arith.constant 96 : index
    %swap3A_472 = tpu.vector_load %arg7[%swap3A_470, %swap3A_471] {strides = array<i32>} : memref<16x128xf32, #tpu.memory_space<vmem>>, vector<1x16xf32>,
    %swap3A_473 = vector.shape_cast %swap3A_472 : vector<1x16xf32> to vector<16xf32>
    %swap3A_474 = vector.shape_cast %broadcast_in_dim3A_1 : vector<16xf32> to vector<1x16xf32>
    tpu.vector_store %arg7[%swap3A_470, %swap3A_471], %swap3A_474 {strides = array<i32>} : memref<16x128xf32, #tpu.memory_space<vmem>>, vector<1x16xf32>,
    %swap3A_475 = arith.constant 9 : i32
    %swap3A_476 = arith.index_cast %swap3A_475 : i32 to index
    %swap3A_477 = arith.constant 112 : index
    %swap3A_478 = tpu.vector_load %arg7[%swap3A_476, %swap3A_477] {strides = array<i32>} : memref<16x128xf32, #tpu.memory_space<vmem>>, vector<1x16xf32>,
    %swap3A_479 = vector.shape_cast %swap3A_478 : vector<1x16xf32> to vector<16xf32>
    %swap3A_480 = vector.shape_cast %broadcast_in_dim3A_1 : vector<16xf32> to vector<1x16xf32>
    tpu.vector_store %arg7[%swap3A_476, %swap3A_477], %swap3A_480 {strides = array<i32>} : memref<16x128xf32, #tpu.memory_space<vmem>>, vector<1x16xf32>,
    %swap3A_481 = arith.constant 10 : i32
    %swap3A_482 = arith.index_cast %swap3A_481 : i32 to index
    %swap3A_483 = arith.constant 0 : index
    %swap3A_484 = tpu.vector_load %arg7[%swap3A_482, %swap3A_483] {strides = array<i32>} : memref<16x128xf32, #tpu.memory_space<vmem>>, vector<1x16xf32>,
    %swap3A_485 = vector.shape_cast %swap3A_484 : vector<1x16xf32> to vector<16xf32>
    %swap3A_486 = vector.shape_cast %broadcast_in_dim3A_1 : vector<16xf32> to vector<1x16xf32>
    tpu.vector_store %arg7[%swap3A_482, %swap3A_483], %swap3A_486 {strides = array<i32>} : memref<16x128xf32, #tpu.memory_space<vmem>>, vector<1x16xf32>,
    %swap3A_487 = arith.constant 10 : i32
    %swap3A_488 = arith.index_cast %swap3A_487 : i32 to index
    %swap3A_489 = arith.constant 16 : index
    %swap3A_490 = tpu.vector_load %arg7[%swap3A_488, %swap3A_489] {strides = array<i32>} : memref<16x128xf32, #tpu.memory_space<vmem>>, vector<1x16xf32>,
    %swap3A_491 = vector.shape_cast %swap3A_490 : vector<1x16xf32> to vector<16xf32>
    %swap3A_492 = vector.shape_cast %broadcast_in_dim3A_1 : vector<16xf32> to vector<1x16xf32>
    tpu.vector_store %arg7[%swap3A_488, %swap3A_489], %swap3A_492 {strides = array<i32>} : memref<16x128xf32, #tpu.memory_space<vmem>>, vector<1x16xf32>,
    %swap3A_493 = arith.constant 10 : i32
    %swap3A_494 = arith.index_cast %swap3A_493 : i32 to index
    %swap3A_495 = arith.constant 32 : index
    %swap3A_496 = tpu.vector_load %arg7[%swap3A_494, %swap3A_495] {strides = array<i32>} : memref<16x128xf32, #tpu.memory_space<vmem>>, vector<1x16xf32>,
    %swap3A_497 = vector.shape_cast %swap3A_496 : vector<1x16xf32> to vector<16xf32>
    %swap3A_498 = vector.shape_cast %broadcast_in_dim3A_1 : vector<16xf32> to vector<1x16xf32>
    tpu.vector_store %arg7[%swap3A_494, %swap3A_495], %swap3A_498 {strides = array<i32>} : memref<16x128xf32, #tpu.memory_space<vmem>>, vector<1x16xf32>,
    %swap3A_499 = arith.constant 10 : i32
    %swap3A_500 = arith.index_cast %swap3A_499 : i32 to index
    %swap3A_501 = arith.constant 48 : index
    %swap3A_502 = tpu.vector_load %arg7[%swap3A_500, %swap3A_501] {strides = array<i32>} : memref<16x128xf32, #tpu.memory_space<vmem>>, vector<1x16xf32>,
    %swap3A_503 = vector.shape_cast %swap3A_502 : vector<1x16xf32> to vector<16xf32>
    %swap3A_504 = vector.shape_cast %broadcast_in_dim3A_1 : vector<16xf32> to vector<1x16xf32>
    tpu.vector_store %arg7[%swap3A_500, %swap3A_501], %swap3A_504 {strides = array<i32>} : memref<16x128xf32, #tpu.memory_space<vmem>>, vector<1x16xf32>,
    %swap3A_505 = arith.constant 10 : i32
    %swap3A_506 = arith.index_cast %swap3A_505 : i32 to index
    %swap3A_507 = arith.constant 64 : index
    %swap3A_508 = tpu.vector_load %arg7[%swap3A_506, %swap3A_507] {strides = array<i32>} : memref<16x128xf32, #tpu.memory_space<vmem>>, vector<1x16xf32>,
    %swap3A_509 = vector.shape_cast %swap3A_508 : vector<1x16xf32> to vector<16xf32>
    %swap3A_510 = vector.shape_cast %broadcast_in_dim3A_1 : vector<16xf32> to vector<1x16xf32>
    tpu.vector_store %arg7[%swap3A_506, %swap3A_507], %swap3A_510 {strides = array<i32>} : memref<16x128xf32, #tpu.memory_space<vmem>>, vector<1x16xf32>,
    %swap3A_511 = arith.constant 10 : i32
    %swap3A_512 = arith.index_cast %swap3A_511 : i32 to index
    %swap3A_513 = arith.constant 80 : index
    %swap3A_514 = tpu.vector_load %arg7[%swap3A_512, %swap3A_513] {strides = array<i32>} : memref<16x128xf32, #tpu.memory_space<vmem>>, vector<1x16xf32>,
    %swap3A_515 = vector.shape_cast %swap3A_514 : vector<1x16xf32> to vector<16xf32>
    %swap3A_516 = vector.shape_cast %broadcast_in_dim3A_1 : vector<16xf32> to vector<1x16xf32>
    tpu.vector_store %arg7[%swap3A_512, %swap3A_513], %swap3A_516 {strides = array<i32>} : memref<16x128xf32, #tpu.memory_space<vmem>>, vector<1x16xf32>,
    %swap3A_517 = arith.constant 10 : i32
    %swap3A_518 = arith.index_cast %swap3A_517 : i32 to index
    %swap3A_519 = arith.constant 96 : index
    %swap3A_520 = tpu.vector_load %arg7[%swap3A_518, %swap3A_519] {strides = array<i32>} : memref<16x128xf32, #tpu.memory_space<vmem>>, vector<1x16xf32>,
    %swap3A_521 = vector.shape_cast %swap3A_520 : vector<1x16xf32> to vector<16xf32>
    %swap3A_522 = vector.shape_cast %broadcast_in_dim3A_1 : vector<16xf32> to vector<1x16xf32>
    tpu.vector_store %arg7[%swap3A_518, %swap3A_519], %swap3A_522 {strides = array<i32>} : memref<16x128xf32, #tpu.memory_space<vmem>>, vector<1x16xf32>,
    %swap3A_523 = arith.constant 10 : i32
    %swap3A_524 = arith.index_cast %swap3A_523 : i32 to index
    %swap3A_525 = arith.constant 112 : index
    %swap3A_526 = tpu.vector_load %arg7[%swap3A_524, %swap3A_525] {strides = array<i32>} : memref<16x128xf32, #tpu.memory_space<vmem>>, vector<1x16xf32>,
    %swap3A_527 = vector.shape_cast %swap3A_526 : vector<1x16xf32> to vector<16xf32>
    %swap3A_528 = vector.shape_cast %broadcast_in_dim3A_1 : vector<16xf32> to vector<1x16xf32>
    tpu.vector_store %arg7[%swap3A_524, %swap3A_525], %swap3A_528 {strides = array<i32>} : memref<16x128xf32, #tpu.memory_space<vmem>>, vector<1x16xf32>,
    %swap3A_529 = arith.constant 11 : i32
    %swap3A_530 = arith.index_cast %swap3A_529 : i32 to index
    %swap3A_531 = arith.constant 0 : index
    %swap3A_532 = tpu.vector_load %arg7[%swap3A_530, %swap3A_531] {strides = array<i32>} : memref<16x128xf32, #tpu.memory_space<vmem>>, vector<1x16xf32>,
    %swap3A_533 = vector.shape_cast %swap3A_532 : vector<1x16xf32> to vector<16xf32>
    %swap3A_534 = vector.shape_cast %broadcast_in_dim3A_1 : vector<16xf32> to vector<1x16xf32>
    tpu.vector_store %arg7[%swap3A_530, %swap3A_531], %swap3A_534 {strides = array<i32>} : memref<16x128xf32, #tpu.memory_space<vmem>>, vector<1x16xf32>,
    %swap3A_535 = arith.constant 11 : i32
    %swap3A_536 = arith.index_cast %swap3A_535 : i32 to index
    %swap3A_537 = arith.constant 16 : index
    %swap3A_538 = tpu.vector_load %arg7[%swap3A_536, %swap3A_537] {strides = array<i32>} : memref<16x128xf32, #tpu.memory_space<vmem>>, vector<1x16xf32>,
    %swap3A_539 = vector.shape_cast %swap3A_538 : vector<1x16xf32> to vector<16xf32>
    %swap3A_540 = vector.shape_cast %broadcast_in_dim3A_1 : vector<16xf32> to vector<1x16xf32>
    tpu.vector_store %arg7[%swap3A_536, %swap3A_537], %swap3A_540 {strides = array<i32>} : memref<16x128xf32, #tpu.memory_space<vmem>>, vector<1x16xf32>,
    %swap3A_541 = arith.constant 11 : i32
    %swap3A_542 = arith.index_cast %swap3A_541 : i32 to index
    %swap3A_543 = arith.constant 32 : index
    %swap3A_544 = tpu.vector_load %arg7[%swap3A_542, %swap3A_543] {strides = array<i32>} : memref<16x128xf32, #tpu.memory_space<vmem>>, vector<1x16xf32>,
    %swap3A_545 = vector.shape_cast %swap3A_544 : vector<1x16xf32> to vector<16xf32>
    %swap3A_546 = vector.shape_cast %broadcast_in_dim3A_1 : vector<16xf32> to vector<1x16xf32>
    tpu.vector_store %arg7[%swap3A_542, %swap3A_543], %swap3A_546 {strides = array<i32>} : memref<16x128xf32, #tpu.memory_space<vmem>>, vector<1x16xf32>,
    %swap3A_547 = arith.constant 11 : i32
    %swap3A_548 = arith.index_cast %swap3A_547 : i32 to index
    %swap3A_549 = arith.constant 48 : index
    %swap3A_550 = tpu.vector_load %arg7[%swap3A_548, %swap3A_549] {strides = array<i32>} : memref<16x128xf32, #tpu.memory_space<vmem>>, vector<1x16xf32>,
    %swap3A_551 = vector.shape_cast %swap3A_550 : vector<1x16xf32> to vector<16xf32>
    %swap3A_552 = vector.shape_cast %broadcast_in_dim3A_1 : vector<16xf32> to vector<1x16xf32>
    tpu.vector_store %arg7[%swap3A_548, %swap3A_549], %swap3A_552 {strides = array<i32>} : memref<16x128xf32, #tpu.memory_space<vmem>>, vector<1x16xf32>,
    %swap3A_553 = arith.constant 11 : i32
    %swap3A_554 = arith.index_cast %swap3A_553 : i32 to index
    %swap3A_555 = arith.constant 64 : index
    %swap3A_556 = tpu.vector_load %arg7[%swap3A_554, %swap3A_555] {strides = array<i32>} : memref<16x128xf32, #tpu.memory_space<vmem>>, vector<1x16xf32>,
    %swap3A_557 = vector.shape_cast %swap3A_556 : vector<1x16xf32> to vector<16xf32>
    %swap3A_558 = vector.shape_cast %broadcast_in_dim3A_1 : vector<16xf32> to vector<1x16xf32>
    tpu.vector_store %arg7[%swap3A_554, %swap3A_555], %swap3A_558 {strides = array<i32>} : memref<16x128xf32, #tpu.memory_space<vmem>>, vector<1x16xf32>,
    %swap3A_559 = arith.constant 11 : i32
    %swap3A_560 = arith.index_cast %swap3A_559 : i32 to index
    %swap3A_561 = arith.constant 80 : index
    %swap3A_562 = tpu.vector_load %arg7[%swap3A_560, %swap3A_561] {strides = array<i32>} : memref<16x128xf32, #tpu.memory_space<vmem>>, vector<1x16xf32>,
    %swap3A_563 = vector.shape_cast %swap3A_562 : vector<1x16xf32> to vector<16xf32>
    %swap3A_564 = vector.shape_cast %broadcast_in_dim3A_1 : vector<16xf32> to vector<1x16xf32>
    tpu.vector_store %arg7[%swap3A_560, %swap3A_561], %swap3A_564 {strides = array<i32>} : memref<16x128xf32, #tpu.memory_space<vmem>>, vector<1x16xf32>,
    %swap3A_565 = arith.constant 11 : i32
    %swap3A_566 = arith.index_cast %swap3A_565 : i32 to index
    %swap3A_567 = arith.constant 96 : index
    %swap3A_568 = tpu.vector_load %arg7[%swap3A_566, %swap3A_567] {strides = array<i32>} : memref<16x128xf32, #tpu.memory_space<vmem>>, vector<1x16xf32>,
    %swap3A_569 = vector.shape_cast %swap3A_568 : vector<1x16xf32> to vector<16xf32>
    %swap3A_570 = vector.shape_cast %broadcast_in_dim3A_1 : vector<16xf32> to vector<1x16xf32>
    tpu.vector_store %arg7[%swap3A_566, %swap3A_567], %swap3A_570 {strides = array<i32>} : memref<16x128xf32, #tpu.memory_space<vmem>>, vector<1x16xf32>,
    %swap3A_571 = arith.constant 11 : i32
    %swap3A_572 = arith.index_cast %swap3A_571 : i32 to index
    %swap3A_573 = arith.constant 112 : index
    %swap3A_574 = tpu.vector_load %arg7[%swap3A_572, %swap3A_573] {strides = array<i32>} : memref<16x128xf32, #tpu.memory_space<vmem>>, vector<1x16xf32>,
    %swap3A_575 = vector.shape_cast %swap3A_574 : vector<1x16xf32> to vector<16xf32>
    %swap3A_576 = vector.shape_cast %broadcast_in_dim3A_1 : vector<16xf32> to vector<1x16xf32>
    tpu.vector_store %arg7[%swap3A_572, %swap3A_573], %swap3A_576 {strides = array<i32>} : memref<16x128xf32, #tpu.memory_space<vmem>>, vector<1x16xf32>,
    %swap3A_577 = arith.constant 12 : i32
    %swap3A_578 = arith.index_cast %swap3A_577 : i32 to index
    %swap3A_579 = arith.constant 0 : index
    %swap3A_580 = tpu.vector_load %arg7[%swap3A_578, %swap3A_579] {strides = array<i32>} : memref<16x128xf32, #tpu.memory_space<vmem>>, vector<1x16xf32>,
    %swap3A_581 = vector.shape_cast %swap3A_580 : vector<1x16xf32> to vector<16xf32>
    %swap3A_582 = vector.shape_cast %broadcast_in_dim3A_1 : vector<16xf32> to vector<1x16xf32>
    tpu.vector_store %arg7[%swap3A_578, %swap3A_579], %swap3A_582 {strides = array<i32>} : memref<16x128xf32, #tpu.memory_space<vmem>>, vector<1x16xf32>,
    %swap3A_583 = arith.constant 12 : i32
    %swap3A_584 = arith.index_cast %swap3A_583 : i32 to index
    %swap3A_585 = arith.constant 16 : index
    %swap3A_586 = tpu.vector_load %arg7[%swap3A_584, %swap3A_585] {strides = array<i32>} : memref<16x128xf32, #tpu.memory_space<vmem>>, vector<1x16xf32>,
    %swap3A_587 = vector.shape_cast %swap3A_586 : vector<1x16xf32> to vector<16xf32>
    %swap3A_588 = vector.shape_cast %broadcast_in_dim3A_1 : vector<16xf32> to vector<1x16xf32>
    tpu.vector_store %arg7[%swap3A_584, %swap3A_585], %swap3A_588 {strides = array<i32>} : memref<16x128xf32, #tpu.memory_space<vmem>>, vector<1x16xf32>,
    %swap3A_589 = arith.constant 12 : i32
    %swap3A_590 = arith.index_cast %swap3A_589 : i32 to index
    %swap3A_591 = arith.constant 32 : index
    %swap3A_592 = tpu.vector_load %arg7[%swap3A_590, %swap3A_591] {strides = array<i32>} : memref<16x128xf32, #tpu.memory_space<vmem>>, vector<1x16xf32>,
    %swap3A_593 = vector.shape_cast %swap3A_592 : vector<1x16xf32> to vector<16xf32>
    %swap3A_594 = vector.shape_cast %broadcast_in_dim3A_1 : vector<16xf32> to vector<1x16xf32>
    tpu.vector_store %arg7[%swap3A_590, %swap3A_591], %swap3A_594 {strides = array<i32>} : memref<16x128xf32, #tpu.memory_space<vmem>>, vector<1x16xf32>,
    %swap3A_595 = arith.constant 12 : i32
    %swap3A_596 = arith.index_cast %swap3A_595 : i32 to index
    %swap3A_597 = arith.constant 48 : index
    %swap3A_598 = tpu.vector_load %arg7[%swap3A_596, %swap3A_597] {strides = array<i32>} : memref<16x128xf32, #tpu.memory_space<vmem>>, vector<1x16xf32>,
    %swap3A_599 = vector.shape_cast %swap3A_598 : vector<1x16xf32> to vector<16xf32>
    %swap3A_600 = vector.shape_cast %broadcast_in_dim3A_1 : vector<16xf32> to vector<1x16xf32>
    tpu.vector_store %arg7[%swap3A_596, %swap3A_597], %swap3A_600 {strides = array<i32>} : memref<16x128xf32, #tpu.memory_space<vmem>>, vector<1x16xf32>,
    %swap3A_601 = arith.constant 12 : i32
    %swap3A_602 = arith.index_cast %swap3A_601 : i32 to index
    %swap3A_603 = arith.constant 64 : index
    %swap3A_604 = tpu.vector_load %arg7[%swap3A_602, %swap3A_603] {strides = array<i32>} : memref<16x128xf32, #tpu.memory_space<vmem>>, vector<1x16xf32>,
    %swap3A_605 = vector.shape_cast %swap3A_604 : vector<1x16xf32> to vector<16xf32>
    %swap3A_606 = vector.shape_cast %broadcast_in_dim3A_1 : vector<16xf32> to vector<1x16xf32>
    tpu.vector_store %arg7[%swap3A_602, %swap3A_603], %swap3A_606 {strides = array<i32>} : memref<16x128xf32, #tpu.memory_space<vmem>>, vector<1x16xf32>,
    %swap3A_607 = arith.constant 12 : i32
    %swap3A_608 = arith.index_cast %swap3A_607 : i32 to index
    %swap3A_609 = arith.constant 80 : index
    %swap3A_610 = tpu.vector_load %arg7[%swap3A_608, %swap3A_609] {strides = array<i32>} : memref<16x128xf32, #tpu.memory_space<vmem>>, vector<1x16xf32>,
    %swap3A_611 = vector.shape_cast %swap3A_610 : vector<1x16xf32> to vector<16xf32>
    %swap3A_612 = vector.shape_cast %broadcast_in_dim3A_1 : vector<16xf32> to vector<1x16xf32>
    tpu.vector_store %arg7[%swap3A_608, %swap3A_609], %swap3A_612 {strides = array<i32>} : memref<16x128xf32, #tpu.memory_space<vmem>>, vector<1x16xf32>,
    %swap3A_613 = arith.constant 12 : i32
    %swap3A_614 = arith.index_cast %swap3A_613 : i32 to index
    %swap3A_615 = arith.constant 96 : index
    %swap3A_616 = tpu.vector_load %arg7[%swap3A_614, %swap3A_615] {strides = array<i32>} : memref<16x128xf32, #tpu.memory_space<vmem>>, vector<1x16xf32>,
    %swap3A_617 = vector.shape_cast %swap3A_616 : vector<1x16xf32> to vector<16xf32>
    %swap3A_618 = vector.shape_cast %broadcast_in_dim3A_1 : vector<16xf32> to vector<1x16xf32>
    tpu.vector_store %arg7[%swap3A_614, %swap3A_615], %swap3A_618 {strides = array<i32>} : memref<16x128xf32, #tpu.memory_space<vmem>>, vector<1x16xf32>,
    %swap3A_619 = arith.constant 12 : i32
    %swap3A_620 = arith.index_cast %swap3A_619 : i32 to index
    %swap3A_621 = arith.constant 112 : index
    %swap3A_622 = tpu.vector_load %arg7[%swap3A_620, %swap3A_621] {strides = array<i32>} : memref<16x128xf32, #tpu.memory_space<vmem>>, vector<1x16xf32>,
    %swap3A_623 = vector.shape_cast %swap3A_622 : vector<1x16xf32> to vector<16xf32>
    %swap3A_624 = vector.shape_cast %broadcast_in_dim3A_1 : vector<16xf32> to vector<1x16xf32>
    tpu.vector_store %arg7[%swap3A_620, %swap3A_621], %swap3A_624 {strides = array<i32>} : memref<16x128xf32, #tpu.memory_space<vmem>>, vector<1x16xf32>,
    %swap3A_625 = arith.constant 13 : i32
    %swap3A_626 = arith.index_cast %swap3A_625 : i32 to index
    %swap3A_627 = arith.constant 0 : index
    %swap3A_628 = tpu.vector_load %arg7[%swap3A_626, %swap3A_627] {strides = array<i32>} : memref<16x128xf32, #tpu.memory_space<vmem>>, vector<1x16xf32>,
    %swap3A_629 = vector.shape_cast %swap3A_628 : vector<1x16xf32> to vector<16xf32>
    %swap3A_630 = vector.shape_cast %broadcast_in_dim3A_1 : vector<16xf32> to vector<1x16xf32>
    tpu.vector_store %arg7[%swap3A_626, %swap3A_627], %swap3A_630 {strides = array<i32>} : memref<16x128xf32, #tpu.memory_space<vmem>>, vector<1x16xf32>,
    %swap3A_631 = arith.constant 13 : i32
    %swap3A_632 = arith.index_cast %swap3A_631 : i32 to index
    %swap3A_633 = arith.constant 16 : index
    %swap3A_634 = tpu.vector_load %arg7[%swap3A_632, %swap3A_633] {strides = array<i32>} : memref<16x128xf32, #tpu.memory_space<vmem>>, vector<1x16xf32>,
    %swap3A_635 = vector.shape_cast %swap3A_634 : vector<1x16xf32> to vector<16xf32>
    %swap3A_636 = vector.shape_cast %broadcast_in_dim3A_1 : vector<16xf32> to vector<1x16xf32>
    tpu.vector_store %arg7[%swap3A_632, %swap3A_633], %swap3A_636 {strides = array<i32>} : memref<16x128xf32, #tpu.memory_space<vmem>>, vector<1x16xf32>,
    %swap3A_637 = arith.constant 13 : i32
    %swap3A_638 = arith.index_cast %swap3A_637 : i32 to index
    %swap3A_639 = arith.constant 32 : index
    %swap3A_640 = tpu.vector_load %arg7[%swap3A_638, %swap3A_639] {strides = array<i32>} : memref<16x128xf32, #tpu.memory_space<vmem>>, vector<1x16xf32>,
    %swap3A_641 = vector.shape_cast %swap3A_640 : vector<1x16xf32> to vector<16xf32>
    %swap3A_642 = vector.shape_cast %broadcast_in_dim3A_1 : vector<16xf32> to vector<1x16xf32>
    tpu.vector_store %arg7[%swap3A_638, %swap3A_639], %swap3A_642 {strides = array<i32>} : memref<16x128xf32, #tpu.memory_space<vmem>>, vector<1x16xf32>,
    %swap3A_643 = arith.constant 13 : i32
    %swap3A_644 = arith.index_cast %swap3A_643 : i32 to index
    %swap3A_645 = arith.constant 48 : index
    %swap3A_646 = tpu.vector_load %arg7[%swap3A_644, %swap3A_645] {strides = array<i32>} : memref<16x128xf32, #tpu.memory_space<vmem>>, vector<1x16xf32>,
    %swap3A_647 = vector.shape_cast %swap3A_646 : vector<1x16xf32> to vector<16xf32>
    %swap3A_648 = vector.shape_cast %broadcast_in_dim3A_1 : vector<16xf32> to vector<1x16xf32>
    tpu.vector_store %arg7[%swap3A_644, %swap3A_645], %swap3A_648 {strides = array<i32>} : memref<16x128xf32, #tpu.memory_space<vmem>>, vector<1x16xf32>,
    %swap3A_649 = arith.constant 13 : i32
    %swap3A_650 = arith.index_cast %swap3A_649 : i32 to index
    %swap3A_651 = arith.constant 64 : index
    %swap3A_652 = tpu.vector_load %arg7[%swap3A_650, %swap3A_651] {strides = array<i32>} : memref<16x128xf32, #tpu.memory_space<vmem>>, vector<1x16xf32>,
    %swap3A_653 = vector.shape_cast %swap3A_652 : vector<1x16xf32> to vector<16xf32>
    %swap3A_654 = vector.shape_cast %broadcast_in_dim3A_1 : vector<16xf32> to vector<1x16xf32>
    tpu.vector_store %arg7[%swap3A_650, %swap3A_651], %swap3A_654 {strides = array<i32>} : memref<16x128xf32, #tpu.memory_space<vmem>>, vector<1x16xf32>,
    %swap3A_655 = arith.constant 13 : i32
    %swap3A_656 = arith.index_cast %swap3A_655 : i32 to index
    %swap3A_657 = arith.constant 80 : index
    %swap3A_658 = tpu.vector_load %arg7[%swap3A_656, %swap3A_657] {strides = array<i32>} : memref<16x128xf32, #tpu.memory_space<vmem>>, vector<1x16xf32>,
    %swap3A_659 = vector.shape_cast %swap3A_658 : vector<1x16xf32> to vector<16xf32>
    %swap3A_660 = vector.shape_cast %broadcast_in_dim3A_1 : vector<16xf32> to vector<1x16xf32>
    tpu.vector_store %arg7[%swap3A_656, %swap3A_657], %swap3A_660 {strides = array<i32>} : memref<16x128xf32, #tpu.memory_space<vmem>>, vector<1x16xf32>,
    %swap3A_661 = arith.constant 13 : i32
    %swap3A_662 = arith.index_cast %swap3A_661 : i32 to index
    %swap3A_663 = arith.constant 96 : index
    %swap3A_664 = tpu.vector_load %arg7[%swap3A_662, %swap3A_663] {strides = array<i32>} : memref<16x128xf32, #tpu.memory_space<vmem>>, vector<1x16xf32>,
    %swap3A_665 = vector.shape_cast %swap3A_664 : vector<1x16xf32> to vector<16xf32>
    %swap3A_666 = vector.shape_cast %broadcast_in_dim3A_1 : vector<16xf32> to vector<1x16xf32>
    tpu.vector_store %arg7[%swap3A_662, %swap3A_663], %swap3A_666 {strides = array<i32>} : memref<16x128xf32, #tpu.memory_space<vmem>>, vector<1x16xf32>,
    %swap3A_667 = arith.constant 13 : i32
    %swap3A_668 = arith.index_cast %swap3A_667 : i32 to index
    %swap3A_669 = arith.constant 112 : index
    %swap3A_670 = tpu.vector_load %arg7[%swap3A_668, %swap3A_669] {strides = array<i32>} : memref<16x128xf32, #tpu.memory_space<vmem>>, vector<1x16xf32>,
    %swap3A_671 = vector.shape_cast %swap3A_670 : vector<1x16xf32> to vector<16xf32>
    %swap3A_672 = vector.shape_cast %broadcast_in_dim3A_1 : vector<16xf32> to vector<1x16xf32>
    tpu.vector_store %arg7[%swap3A_668, %swap3A_669], %swap3A_672 {strides = array<i32>} : memref<16x128xf32, #tpu.memory_space<vmem>>, vector<1x16xf32>,
    %swap3A_673 = arith.constant 14 : i32
    %swap3A_674 = arith.index_cast %swap3A_673 : i32 to index
    %swap3A_675 = arith.constant 0 : index
    %swap3A_676 = tpu.vector_load %arg7[%swap3A_674, %swap3A_675] {strides = array<i32>} : memref<16x128xf32, #tpu.memory_space<vmem>>, vector<1x16xf32>,
    %swap3A_677 = vector.shape_cast %swap3A_676 : vector<1x16xf32> to vector<16xf32>
    %swap3A_678 = vector.shape_cast %broadcast_in_dim3A_1 : vector<16xf32> to vector<1x16xf32>
    tpu.vector_store %arg7[%swap3A_674, %swap3A_675], %swap3A_678 {strides = array<i32>} : memref<16x128xf32, #tpu.memory_space<vmem>>, vector<1x16xf32>,
    %swap3A_679 = arith.constant 14 : i32
    %swap3A_680 = arith.index_cast %swap3A_679 : i32 to index
    %swap3A_681 = arith.constant 16 : index
    %swap3A_682 = tpu.vector_load %arg7[%swap3A_680, %swap3A_681] {strides = array<i32>} : memref<16x128xf32, #tpu.memory_space<vmem>>, vector<1x16xf32>,
    %swap3A_683 = vector.shape_cast %swap3A_682 : vector<1x16xf32> to vector<16xf32>
    %swap3A_684 = vector.shape_cast %broadcast_in_dim3A_1 : vector<16xf32> to vector<1x16xf32>
    tpu.vector_store %arg7[%swap3A_680, %swap3A_681], %swap3A_684 {strides = array<i32>} : memref<16x128xf32, #tpu.memory_space<vmem>>, vector<1x16xf32>,
    %swap3A_685 = arith.constant 14 : i32
    %swap3A_686 = arith.index_cast %swap3A_685 : i32 to index
    %swap3A_687 = arith.constant 32 : index
    %swap3A_688 = tpu.vector_load %arg7[%swap3A_686, %swap3A_687] {strides = array<i32>} : memref<16x128xf32, #tpu.memory_space<vmem>>, vector<1x16xf32>,
    %swap3A_689 = vector.shape_cast %swap3A_688 : vector<1x16xf32> to vector<16xf32>
    %swap3A_690 = vector.shape_cast %broadcast_in_dim3A_1 : vector<16xf32> to vector<1x16xf32>
    tpu.vector_store %arg7[%swap3A_686, %swap3A_687], %swap3A_690 {strides = array<i32>} : memref<16x128xf32, #tpu.memory_space<vmem>>, vector<1x16xf32>,
    %swap3A_691 = arith.constant 14 : i32
    %swap3A_692 = arith.index_cast %swap3A_691 : i32 to index
    %swap3A_693 = arith.constant 48 : index
    %swap3A_694 = tpu.vector_load %arg7[%swap3A_692, %swap3A_693] {strides = array<i32>} : memref<16x128xf32, #tpu.memory_space<vmem>>, vector<1x16xf32>,
    %swap3A_695 = vector.shape_cast %swap3A_694 : vector<1x16xf32> to vector<16xf32>
    %swap3A_696 = vector.shape_cast %broadcast_in_dim3A_1 : vector<16xf32> to vector<1x16xf32>
    tpu.vector_store %arg7[%swap3A_692, %swap3A_693], %swap3A_696 {strides = array<i32>} : memref<16x128xf32, #tpu.memory_space<vmem>>, vector<1x16xf32>,
    %swap3A_697 = arith.constant 14 : i32
    %swap3A_698 = arith.index_cast %swap3A_697 : i32 to index
    %swap3A_699 = arith.constant 64 : index
    %swap3A_700 = tpu.vector_load %arg7[%swap3A_698, %swap3A_699] {strides = array<i32>} : memref<16x128xf32, #tpu.memory_space<vmem>>, vector<1x16xf32>,
    %swap3A_701 = vector.shape_cast %swap3A_700 : vector<1x16xf32> to vector<16xf32>
    %swap3A_702 = vector.shape_cast %broadcast_in_dim3A_1 : vector<16xf32> to vector<1x16xf32>
    tpu.vector_store %arg7[%swap3A_698, %swap3A_699], %swap3A_702 {strides = array<i32>} : memref<16x128xf32, #tpu.memory_space<vmem>>, vector<1x16xf32>,
    %swap3A_703 = arith.constant 14 : i32
    %swap3A_704 = arith.index_cast %swap3A_703 : i32 to index
    %swap3A_705 = arith.constant 80 : index
    %swap3A_706 = tpu.vector_load %arg7[%swap3A_704, %swap3A_705] {strides = array<i32>} : memref<16x128xf32, #tpu.memory_space<vmem>>, vector<1x16xf32>,
    %swap3A_707 = vector.shape_cast %swap3A_706 : vector<1x16xf32> to vector<16xf32>
    %swap3A_708 = vector.shape_cast %broadcast_in_dim3A_1 : vector<16xf32> to vector<1x16xf32>
    tpu.vector_store %arg7[%swap3A_704, %swap3A_705], %swap3A_708 {strides = array<i32>} : memref<16x128xf32, #tpu.memory_space<vmem>>, vector<1x16xf32>,
    %swap3A_709 = arith.constant 14 : i32
    %swap3A_710 = arith.index_cast %swap3A_709 : i32 to index
    %swap3A_711 = arith.constant 96 : index
    %swap3A_712 = tpu.vector_load %arg7[%swap3A_710, %swap3A_711] {strides = array<i32>} : memref<16x128xf32, #tpu.memory_space<vmem>>, vector<1x16xf32>,
    %swap3A_713 = vector.shape_cast %swap3A_712 : vector<1x16xf32> to vector<16xf32>
    %swap3A_714 = vector.shape_cast %broadcast_in_dim3A_1 : vector<16xf32> to vector<1x16xf32>
    tpu.vector_store %arg7[%swap3A_710, %swap3A_711], %swap3A_714 {strides = array<i32>} : memref<16x128xf32, #tpu.memory_space<vmem>>, vector<1x16xf32>,
    %swap3A_715 = arith.constant 14 : i32
    %swap3A_716 = arith.index_cast %swap3A_715 : i32 to index
    %swap3A_717 = arith.constant 112 : index
    %swap3A_718 = tpu.vector_load %arg7[%swap3A_716, %swap3A_717] {strides = array<i32>} : memref<16x128xf32, #tpu.memory_space<vmem>>, vector<1x16xf32>,
    %swap3A_719 = vector.shape_cast %swap3A_718 : vector<1x16xf32> to vector<16xf32>
    %swap3A_720 = vector.shape_cast %broadcast_in_dim3A_1 : vector<16xf32> to vector<1x16xf32>
    tpu.vector_store %arg7[%swap3A_716, %swap3A_717], %swap3A_720 {strides = array<i32>} : memref<16x128xf32, #tpu.memory_space<vmem>>, vector<1x16xf32>,
    %swap3A_721 = arith.constant 15 : i32
    %swap3A_722 = arith.index_cast %swap3A_721 : i32 to index
    %swap3A_723 = arith.constant 0 : index
    %swap3A_724 = tpu.vector_load %arg7[%swap3A_722, %swap3A_723] {strides = array<i32>} : memref<16x128xf32, #tpu.memory_space<vmem>>, vector<1x16xf32>,
    %swap3A_725 = vector.shape_cast %swap3A_724 : vector<1x16xf32> to vector<16xf32>
    %swap3A_726 = vector.shape_cast %broadcast_in_dim3A_1 : vector<16xf32> to vector<1x16xf32>
    tpu.vector_store %arg7[%swap3A_722, %swap3A_723], %swap3A_726 {strides = array<i32>} : memref<16x128xf32, #tpu.memory_space<vmem>>, vector<1x16xf32>,
    %swap3A_727 = arith.constant 15 : i32
    %swap3A_728 = arith.index_cast %swap3A_727 : i32 to index
    %swap3A_729 = arith.constant 16 : index
    %swap3A_730 = tpu.vector_load %arg7[%swap3A_728, %swap3A_729] {strides = array<i32>} : memref<16x128xf32, #tpu.memory_space<vmem>>, vector<1x16xf32>,
    %swap3A_731 = vector.shape_cast %swap3A_730 : vector<1x16xf32> to vector<16xf32>
    %swap3A_732 = vector.shape_cast %broadcast_in_dim3A_1 : vector<16xf32> to vector<1x16xf32>
    tpu.vector_store %arg7[%swap3A_728, %swap3A_729], %swap3A_732 {strides = array<i32>} : memref<16x128xf32, #tpu.memory_space<vmem>>, vector<1x16xf32>,
    %swap3A_733 = arith.constant 15 : i32
    %swap3A_734 = arith.index_cast %swap3A_733 : i32 to index
    %swap3A_735 = arith.constant 32 : index
    %swap3A_736 = tpu.vector_load %arg7[%swap3A_734, %swap3A_735] {strides = array<i32>} : memref<16x128xf32, #tpu.memory_space<vmem>>, vector<1x16xf32>,
    %swap3A_737 = vector.shape_cast %swap3A_736 : vector<1x16xf32> to vector<16xf32>
    %swap3A_738 = vector.shape_cast %broadcast_in_dim3A_1 : vector<16xf32> to vector<1x16xf32>
    tpu.vector_store %arg7[%swap3A_734, %swap3A_735], %swap3A_738 {strides = array<i32>} : memref<16x128xf32, #tpu.memory_space<vmem>>, vector<1x16xf32>,
    %swap3A_739 = arith.constant 15 : i32
    %swap3A_740 = arith.index_cast %swap3A_739 : i32 to index
    %swap3A_741 = arith.constant 48 : index
    %swap3A_742 = tpu.vector_load %arg7[%swap3A_740, %swap3A_741] {strides = array<i32>} : memref<16x128xf32, #tpu.memory_space<vmem>>, vector<1x16xf32>,
    %swap3A_743 = vector.shape_cast %swap3A_742 : vector<1x16xf32> to vector<16xf32>
    %swap3A_744 = vector.shape_cast %broadcast_in_dim3A_1 : vector<16xf32> to vector<1x16xf32>
    tpu.vector_store %arg7[%swap3A_740, %swap3A_741], %swap3A_744 {strides = array<i32>} : memref<16x128xf32, #tpu.memory_space<vmem>>, vector<1x16xf32>,
    %swap3A_745 = arith.constant 15 : i32
    %swap3A_746 = arith.index_cast %swap3A_745 : i32 to index
    %swap3A_747 = arith.constant 64 : index
    %swap3A_748 = tpu.vector_load %arg7[%swap3A_746, %swap3A_747] {strides = array<i32>} : memref<16x128xf32, #tpu.memory_space<vmem>>, vector<1x16xf32>,
    %swap3A_749 = vector.shape_cast %swap3A_748 : vector<1x16xf32> to vector<16xf32>
    %swap3A_750 = vector.shape_cast %broadcast_in_dim3A_1 : vector<16xf32> to vector<1x16xf32>
    tpu.vector_store %arg7[%swap3A_746, %swap3A_747], %swap3A_750 {strides = array<i32>} : memref<16x128xf32, #tpu.memory_space<vmem>>, vector<1x16xf32>,
    %swap3A_751 = arith.constant 15 : i32
    %swap3A_752 = arith.index_cast %swap3A_751 : i32 to index
    %swap3A_753 = arith.constant 80 : index
    %swap3A_754 = tpu.vector_load %arg7[%swap3A_752, %swap3A_753] {strides = array<i32>} : memref<16x128xf32, #tpu.memory_space<vmem>>, vector<1x16xf32>,
    %swap3A_755 = vector.shape_cast %swap3A_754 : vector<1x16xf32> to vector<16xf32>
    %swap3A_756 = vector.shape_cast %broadcast_in_dim3A_1 : vector<16xf32> to vector<1x16xf32>
    tpu.vector_store %arg7[%swap3A_752, %swap3A_753], %swap3A_756 {strides = array<i32>} : memref<16x128xf32, #tpu.memory_space<vmem>>, vector<1x16xf32>,
    %swap3A_757 = arith.constant 15 : i32
    %swap3A_758 = arith.index_cast %swap3A_757 : i32 to index
    %swap3A_759 = arith.constant 96 : index
    %swap3A_760 = tpu.vector_load %arg7[%swap3A_758, %swap3A_759] {strides = array<i32>} : memref<16x128xf32, #tpu.memory_space<vmem>>, vector<1x16xf32>,
    %swap3A_761 = vector.shape_cast %swap3A_760 : vector<1x16xf32> to vector<16xf32>
    %swap3A_762 = vector.shape_cast %broadcast_in_dim3A_1 : vector<16xf32> to vector<1x16xf32>
    tpu.vector_store %arg7[%swap3A_758, %swap3A_759], %swap3A_762 {strides = array<i32>} : memref<16x128xf32, #tpu.memory_space<vmem>>, vector<1x16xf32>,
    %swap3A_763 = arith.constant 15 : i32
    %swap3A_764 = arith.index_cast %swap3A_763 : i32 to index
    %swap3A_765 = arith.constant 112 : index
    %swap3A_766 = tpu.vector_load %arg7[%swap3A_764, %swap3A_765] {strides = array<i32>} : memref<16x128xf32, #tpu.memory_space<vmem>>, vector<1x16xf32>,
    %swap3A_767 = vector.shape_cast %swap3A_766 : vector<1x16xf32> to vector<16xf32>
    %swap3A_768 = vector.shape_cast %broadcast_in_dim3A_1 : vector<16xf32> to vector<1x16xf32>
    tpu.vector_store %arg7[%swap3A_764, %swap3A_765], %swap3A_768 {strides = array<i32>} : memref<16x128xf32, #tpu.memory_space<vmem>>, vector<1x16xf32>,
    %scan3A = arith.constant 0 : i32
    %scan3A_769 = arith.constant 0 : i32
    %scan3A_770 = arith.constant 40 : i32
    %scan3A_771 = arith.addi %scan3A_769, %scan3A_770 : i32
    %scan3A_772 = arith.constant 1 : i32
    scf.for %scan3A_787 = %scan3A_769 to %scan3A_771 step %scan3A_772  : i32 {
      %mul3A_788 = arith.constant 640 : i32
      %mul3A_789 = arith.muli %arg1, %mul3A_788 : i32
      %mul3A_790 = arith.constant 16 : i32
      %mul3A_791 = arith.muli %scan3A_787, %mul3A_790 : i32
      %add3A_792 = arith.addi %mul3A_789, %mul3A_791 : i32
      "tpu.region"() ({
        %run_scoped3A = tpu.sem_alloc : memref<!tpu.dma_semaphore, #tpu.memory_space<semaphore_mem>>
        %dma_start3A = arith.constant 0 : i32
        %dma_start3A_793 = tpu.memref_slice %arg6[%add3A_792, %dma_start3A] : memref<10240x128xf32, #tpu.memory_space<vmem_shared>> -> memref<16x128xf32, #tpu.memory_space<vmem_shared>>
        %dma_start3A_794 = arith.constant 0 : i32
        %dma_start3A_795 = tpu.memref_slice %arg6[%add3A_792, %dma_start3A_794] : memref<10240x128xf32, #tpu.memory_space<vmem_shared>> -> memref<16x128xf32, #tpu.memory_space<vmem_shared>>
        tpu.enqueue_dma source(%arg7 : memref<16x128xf32, #tpu.memory_space<vmem>>) target(%dma_start3A_795 : memref<16x128xf32, #tpu.memory_space<vmem_shared>>) target_semaphore(%run_scoped3A : memref<!tpu.dma_semaphore, #tpu.memory_space<semaphore_mem>>)
        %dma_wait3A = arith.constant 0 : i32
        %dma_wait3A_796 = tpu.memref_slice %arg6[%add3A_792, %dma_wait3A] : memref<10240x128xf32, #tpu.memory_space<vmem_shared>> -> memref<16x128xf32, #tpu.memory_space<vmem_shared>>
        %dma_wait3A_797 = arith.constant 0 : i32
        %dma_wait3A_798 = tpu.memref_slice %arg6[%add3A_792, %dma_wait3A_797] : memref<10240x128xf32, #tpu.memory_space<vmem_shared>> -> memref<16x128xf32, #tpu.memory_space<vmem_shared>>
        tpu.wait_dma2 semaphore(%run_scoped3A : memref<!tpu.dma_semaphore, #tpu.memory_space<semaphore_mem>>) src(%arg7 : memref<16x128xf32, #tpu.memory_space<vmem>>) dst(%dma_wait3A_798 : memref<16x128xf32, #tpu.memory_space<vmem_shared>>)
        tpu.yield
      }) : () -> ()
    }
    %scan3A_773 = arith.constant 40 : i32
    %barrier3A = arith.constant 0 : index
    tpu.barrier barrier_id(%barrier3A)
    %scan3A_774 = arith.constant 0 : i32
    %scan3A_775 = arith.constant 0 : i32
    %scan3A_776 = arith.constant 79 : i32
    %scan3A_777 = arith.addi %scan3A_775, %scan3A_776 : i32
    %scan3A_778 = arith.constant 1 : i32
    scf.for %scan3A_787 = %scan3A_775 to %scan3A_777 step %scan3A_778  : i32 {
      %mul3A_788 = arith.constant 10112 : i32
      %mul3A_789 = arith.muli %add3A, %mul3A_788 : i32
      %mul3A_790 = arith.constant 128 : i32
      %mul3A_791 = arith.muli %scan3A_787, %mul3A_790 : i32
      %add3A_792 = arith.addi %mul3A_789, %mul3A_791 : i32
      "tpu.region"() ({
        %run_scoped3A = tpu.sem_alloc : memref<!tpu.dma_semaphore, #tpu.memory_space<semaphore_mem>>
        %dma_start3A_797 = tpu.memref_slice %arg2[%add3A_792] : memref<323584xi32, #tpu.memory_space<hbm>> -> memref<128xi32, #tpu.memory_space<hbm>>
        %dma_start3A_798 = tpu.memref_slice %arg2[%add3A_792] : memref<323584xi32, #tpu.memory_space<hbm>> -> memref<128xi32, #tpu.memory_space<hbm>>
        tpu.enqueue_dma source(%dma_start3A_798 : memref<128xi32, #tpu.memory_space<hbm>>) target(%arg8 : memref<128xi32, #tpu.memory_space<vmem>>) target_semaphore(%run_scoped3A : memref<!tpu.dma_semaphore, #tpu.memory_space<semaphore_mem>>)
        %dma_wait3A_799 = tpu.memref_slice %arg2[%add3A_792] : memref<323584xi32, #tpu.memory_space<hbm>> -> memref<128xi32, #tpu.memory_space<hbm>>
        %dma_wait3A_800 = tpu.memref_slice %arg2[%add3A_792] : memref<323584xi32, #tpu.memory_space<hbm>> -> memref<128xi32, #tpu.memory_space<hbm>>
        tpu.wait_dma2 semaphore(%run_scoped3A : memref<!tpu.dma_semaphore, #tpu.memory_space<semaphore_mem>>) src(%dma_wait3A_800 : memref<128xi32, #tpu.memory_space<hbm>>) dst(%arg8 : memref<128xi32, #tpu.memory_space<vmem>>)
        tpu.yield
      }) : () -> ()
      "tpu.region"() ({
        %run_scoped3A = tpu.sem_alloc : memref<!tpu.dma_semaphore, #tpu.memory_space<semaphore_mem>>
        %dma_start3A_797 = tpu.memref_slice %arg3[%add3A_792] : memref<323584xi32, #tpu.memory_space<hbm>> -> memref<128xi32, #tpu.memory_space<hbm>>
        %dma_start3A_798 = tpu.memref_slice %arg3[%add3A_792] : memref<323584xi32, #tpu.memory_space<hbm>> -> memref<128xi32, #tpu.memory_space<hbm>>
        tpu.enqueue_dma source(%dma_start3A_798 : memref<128xi32, #tpu.memory_space<hbm>>) target(%arg9 : memref<128xi32, #tpu.memory_space<vmem>>) target_semaphore(%run_scoped3A : memref<!tpu.dma_semaphore, #tpu.memory_space<semaphore_mem>>)
        %dma_wait3A_799 = tpu.memref_slice %arg3[%add3A_792] : memref<323584xi32, #tpu.memory_space<hbm>> -> memref<128xi32, #tpu.memory_space<hbm>>
        %dma_wait3A_800 = tpu.memref_slice %arg3[%add3A_792] : memref<323584xi32, #tpu.memory_space<hbm>> -> memref<128xi32, #tpu.memory_space<hbm>>
        tpu.wait_dma2 semaphore(%run_scoped3A : memref<!tpu.dma_semaphore, #tpu.memory_space<semaphore_mem>>) src(%dma_wait3A_800 : memref<128xi32, #tpu.memory_space<hbm>>) dst(%arg9 : memref<128xi32, #tpu.memory_space<vmem>>)
        tpu.yield
      }) : () -> ()
      %dma_start3A = arith.constant 0 : i32
      %dma_start3A_793 = arith.constant 0 : i32
      %dma_start3A_794 = tpu.memref_slice %arg4[%dma_start3A, %dma_start3A_793] : memref<10000x128xf32, #tpu.memory_space<hbm>> -> memref<10000x128xf32, #tpu.memory_space<hbm>>
      tpu.enqueue_indirect_dma source(%dma_start3A_794 : memref<10000x128xf32, #tpu.memory_space<hbm>>) target(%arg10 : memref<128x128xf32, #tpu.memory_space<vmem>>) offsets(%arg8 : memref<128xi32, #tpu.memory_space<vmem>>) semaphore(%arg11 : memref<!tpu.dma_semaphore, #tpu.memory_space<semaphore_mem>>)
      %dma_wait3A = arith.constant 0 : i32
      %dma_wait3A_795 = arith.constant 0 : i32
      %dma_wait3A_796 = tpu.memref_slice %arg4[%dma_wait3A, %dma_wait3A_795] : memref<10000x128xf32, #tpu.memory_space<hbm>> -> memref<10000x128xf32, #tpu.memory_space<hbm>>
      tpu.wait_indirect_dma semaphore(%arg11 : memref<!tpu.dma_semaphore, #tpu.memory_space<semaphore_mem>>) src(%dma_wait3A_796 : memref<10000x128xf32, #tpu.memory_space<hbm>>) dst(%arg10 : memref<128x128xf32, #tpu.memory_space<vmem>>)
      "tpu.region"() ({
        %run_scoped3A = tpu.sem_alloc : memref<!tpu.dma_semaphore, #tpu.memory_space<semaphore_mem>>
        %dma_start3A_797 = arith.constant 0 : i32
        %dma_start3A_798 = arith.constant 0 : i32
        %dma_start3A_799 = tpu.memref_slice %arg6[%dma_start3A_797, %dma_start3A_798] : memref<10240x128xf32, #tpu.memory_space<vmem_shared>> -> memref<10240x128xf32, #tpu.memory_space<vmem_shared>>
        tpu.enqueue_indirect_dma source(%arg10 : memref<128x128xf32, #tpu.memory_space<vmem>>) target(%dma_start3A_799 : memref<10240x128xf32, #tpu.memory_space<vmem_shared>>) offsets(%arg9 : memref<128xi32, #tpu.memory_space<vmem>>) semaphore(%run_scoped3A : memref<!tpu.dma_semaphore, #tpu.memory_space<semaphore_mem>>) {add = true}
        %dma_wait3A_800 = arith.constant 0 : i32
        %dma_wait3A_801 = arith.constant 0 : i32
        %dma_wait3A_802 = tpu.memref_slice %arg6[%dma_wait3A_800, %dma_wait3A_801] : memref<10240x128xf32, #tpu.memory_space<vmem_shared>> -> memref<10240x128xf32, #tpu.memory_space<vmem_shared>>
        tpu.wait_indirect_dma semaphore(%run_scoped3A : memref<!tpu.dma_semaphore, #tpu.memory_space<semaphore_mem>>) src(%arg10 : memref<128x128xf32, #tpu.memory_space<vmem>>) dst(%dma_wait3A_802 : memref<10240x128xf32, #tpu.memory_space<vmem_shared>>)
        tpu.yield
      }) : () -> ()
    }
    %scan3A_779 = arith.constant 79 : i32
    %barrier3A_780 = arith.constant 0 : index
    tpu.barrier barrier_id(%barrier3A_780)
    %scan3A_781 = arith.constant 0 : i32
    %scan3A_782 = arith.constant 0 : i32
    %scan3A_783 = arith.constant 5 : i32
    %scan3A_784 = arith.addi %scan3A_782, %scan3A_783 : i32
    %scan3A_785 = arith.constant 1 : i32
    scf.for %scan3A_787 = %scan3A_782 to %scan3A_784 step %scan3A_785  : i32 {
      %mul3A_788 = arith.constant 640 : i32
      %mul3A_789 = arith.muli %arg1, %mul3A_788 : i32
      %mul3A_790 = arith.constant 128 : i32
      %mul3A_791 = arith.muli %scan3A_787, %mul3A_790 : i32
      %add3A_792 = arith.addi %mul3A_789, %mul3A_791 : i32
      "tpu.region"() ({
        %run_scoped3A = tpu.sem_alloc : memref<!tpu.dma_semaphore, #tpu.memory_space<semaphore_mem>>
        %dma_start3A = arith.constant 0 : i32
        %dma_start3A_793 = tpu.memref_slice %arg6[%add3A_792, %dma_start3A] : memref<10240x128xf32, #tpu.memory_space<vmem_shared>> -> memref<128x128xf32, #tpu.memory_space<vmem_shared>>
        %dma_start3A_794 = arith.constant 0 : i32
        %dma_start3A_795 = tpu.memref_slice %arg6[%add3A_792, %dma_start3A_794] : memref<10240x128xf32, #tpu.memory_space<vmem_shared>> -> memref<128x128xf32, #tpu.memory_space<vmem_shared>>
        tpu.enqueue_dma source(%dma_start3A_795 : memref<128x128xf32, #tpu.memory_space<vmem_shared>>) target(%arg10 : memref<128x128xf32, #tpu.memory_space<vmem>>) target_semaphore(%run_scoped3A : memref<!tpu.dma_semaphore, #tpu.memory_space<semaphore_mem>>)
        %dma_wait3A = arith.constant 0 : i32
        %dma_wait3A_796 = tpu.memref_slice %arg6[%add3A_792, %dma_wait3A] : memref<10240x128xf32, #tpu.memory_space<vmem_shared>> -> memref<128x128xf32, #tpu.memory_space<vmem_shared>>
        %dma_wait3A_797 = arith.constant 0 : i32
        %dma_wait3A_798 = tpu.memref_slice %arg6[%add3A_792, %dma_wait3A_797] : memref<10240x128xf32, #tpu.memory_space<vmem_shared>> -> memref<128x128xf32, #tpu.memory_space<vmem_shared>>
        tpu.wait_dma2 semaphore(%run_scoped3A : memref<!tpu.dma_semaphore, #tpu.memory_space<semaphore_mem>>) src(%dma_wait3A_798 : memref<128x128xf32, #tpu.memory_space<vmem_shared>>) dst(%arg10 : memref<128x128xf32, #tpu.memory_space<vmem>>)
        tpu.yield
      }) : () -> ()
      "tpu.region"() ({
        %run_scoped3A = tpu.sem_alloc : memref<!tpu.dma_semaphore, #tpu.memory_space<semaphore_mem>>
        %dma_start3A = arith.constant 0 : i32
        %dma_start3A_793 = tpu.memref_slice %arg5[%arg0, %add3A_792, %dma_start3A] : memref<2x10240x128xf32, #tpu.memory_space<hbm>> -> memref<1x128x128xf32, #tpu.memory_space<hbm>>
        %dma_start3A_794 = tpu.memref_squeeze %dma_start3A_793 : memref<1x128x128xf32, #tpu.memory_space<hbm>> -> memref<128x128xf32, #tpu.memory_space<hbm>>
        %dma_start3A_795 = arith.constant 0 : i32
        %dma_start3A_796 = tpu.memref_slice %arg5[%arg0, %add3A_792, %dma_start3A_795] : memref<2x10240x128xf32, #tpu.memory_space<hbm>> -> memref<1x128x128xf32, #tpu.memory_space<hbm>>
        %dma_start3A_797 = tpu.memref_squeeze %dma_start3A_796 : memref<1x128x128xf32, #tpu.memory_space<hbm>> -> memref<128x128xf32, #tpu.memory_space<hbm>>
        tpu.enqueue_dma source(%arg10 : memref<128x128xf32, #tpu.memory_space<vmem>>) target(%dma_start3A_797 : memref<128x128xf32, #tpu.memory_space<hbm>>) target_semaphore(%run_scoped3A : memref<!tpu.dma_semaphore, #tpu.memory_space<semaphore_mem>>)
        %dma_wait3A = arith.constant 0 : i32
        %dma_wait3A_798 = tpu.memref_slice %arg5[%arg0, %add3A_792, %dma_wait3A] : memref<2x10240x128xf32, #tpu.memory_space<hbm>> -> memref<1x128x128xf32, #tpu.memory_space<hbm>>
        %dma_wait3A_799 = tpu.memref_squeeze %dma_wait3A_798 : memref<1x128x128xf32, #tpu.memory_space<hbm>> -> memref<128x128xf32, #tpu.memory_space<hbm>>
        %dma_wait3A_800 = arith.constant 0 : i32
        %dma_wait3A_801 = tpu.memref_slice %arg5[%arg0, %add3A_792, %dma_wait3A_800] : memref<2x10240x128xf32, #tpu.memory_space<hbm>> -> memref<1x128x128xf32, #tpu.memory_space<hbm>>
        %dma_wait3A_802 = tpu.memref_squeeze %dma_wait3A_801 : memref<1x128x128xf32, #tpu.memory_space<hbm>> -> memref<128x128xf32, #tpu.memory_space<hbm>>
        tpu.wait_dma2 semaphore(%run_scoped3A : memref<!tpu.dma_semaphore, #tpu.memory_space<semaphore_mem>>) src(%arg10 : memref<128x128xf32, #tpu.memory_space<vmem>>) dst(%dma_wait3A_802 : memref<128x128xf32, #tpu.memory_space<hbm>>)
        tpu.yield
      }) : () -> ()
    }
    %scan3A_786 = arith.constant 5 : i32
    return
  }
}

#map = affine_map<(d0, d1) -> (0)>
#map1 = affine_map<(d0, d1) -> (0, 0, 0)>
module attributes {stable_mosaic.version = 14 : i64} {
  func.func @body(%arg0: i32, %arg1: i32, %arg2: memref<323584xi32, #tpu.memory_space<hbm>>, %arg3: memref<2x10240x16xf32, #tpu.memory_space<hbm>>, %arg4: memref<10240x16xf32, #tpu.memory_space<vmem_shared>>, %arg5: memref<128x16xf32, #tpu.memory_space<vmem>>, %arg6: memref<128x16xf32, #tpu.memory_space<vmem>>, %arg7: memref<128xi32, #tpu.memory_space<vmem>>) attributes {dimension_semantics = [#tpu.dimension_semantics<core_parallel>, #tpu.dimension_semantics<subcore_parallel>], iteration_bounds = array<i64: 2, 16>, scalar_prefetch = 0 : i64, scratch_operands = 4 : i64, tpu.core_type = #tpu.core_type<sc_vector_subcore>, window_params = [{transform_indices = #map}, {transform_indices = #map1}]} {
    %mul3A = arith.constant 2 : i32
    %mul3A_0 = arith.muli %arg1, %mul3A : i32
    %add3A = arith.addi %mul3A_0, %arg0 : i32
    %broadcast_in_dim3A = arith.constant 1.000000e+00 : f32
    %broadcast_in_dim3A_1 = vector.broadcast %broadcast_in_dim3A : f32 to vector<16xf32>
    %broadcast_in_dim3A_2 = arith.constant 0.000000e+00 : f32
    %broadcast_in_dim3A_3 = vector.broadcast %broadcast_in_dim3A_2 : f32 to vector<16xf32>
    %swap3A = arith.constant 0 : i32
    %swap3A_4 = arith.index_cast %swap3A : i32 to index
    %swap3A_5 = arith.constant 0 : index
    %swap3A_6 = tpu.vector_load %arg5[%swap3A_4, %swap3A_5] {strides = array<i32>} : memref<128x16xf32, #tpu.memory_space<vmem>>, vector<1x16xf32>,
    %swap3A_7 = vector.shape_cast %swap3A_6 : vector<1x16xf32> to vector<16xf32>
    %swap3A_8 = vector.shape_cast %broadcast_in_dim3A_1 : vector<16xf32> to vector<1x16xf32>
    tpu.vector_store %arg5[%swap3A_4, %swap3A_5], %swap3A_8 {strides = array<i32>} : memref<128x16xf32, #tpu.memory_space<vmem>>, vector<1x16xf32>,
    %swap3A_9 = arith.constant 0 : i32
    %swap3A_10 = arith.index_cast %swap3A_9 : i32 to index
    %swap3A_11 = arith.constant 0 : index
    %swap3A_12 = tpu.vector_load %arg6[%swap3A_10, %swap3A_11] {strides = array<i32>} : memref<128x16xf32, #tpu.memory_space<vmem>>, vector<1x16xf32>,
    %swap3A_13 = vector.shape_cast %swap3A_12 : vector<1x16xf32> to vector<16xf32>
    %swap3A_14 = vector.shape_cast %broadcast_in_dim3A_3 : vector<16xf32> to vector<1x16xf32>
    tpu.vector_store %arg6[%swap3A_10, %swap3A_11], %swap3A_14 {strides = array<i32>} : memref<128x16xf32, #tpu.memory_space<vmem>>, vector<1x16xf32>,
    %swap3A_15 = arith.constant 1 : i32
    %swap3A_16 = arith.index_cast %swap3A_15 : i32 to index
    %swap3A_17 = arith.constant 0 : index
    %swap3A_18 = tpu.vector_load %arg5[%swap3A_16, %swap3A_17] {strides = array<i32>} : memref<128x16xf32, #tpu.memory_space<vmem>>, vector<1x16xf32>,
    %swap3A_19 = vector.shape_cast %swap3A_18 : vector<1x16xf32> to vector<16xf32>
    %swap3A_20 = vector.shape_cast %broadcast_in_dim3A_1 : vector<16xf32> to vector<1x16xf32>
    tpu.vector_store %arg5[%swap3A_16, %swap3A_17], %swap3A_20 {strides = array<i32>} : memref<128x16xf32, #tpu.memory_space<vmem>>, vector<1x16xf32>,
    %swap3A_21 = arith.constant 1 : i32
    %swap3A_22 = arith.index_cast %swap3A_21 : i32 to index
    %swap3A_23 = arith.constant 0 : index
    %swap3A_24 = tpu.vector_load %arg6[%swap3A_22, %swap3A_23] {strides = array<i32>} : memref<128x16xf32, #tpu.memory_space<vmem>>, vector<1x16xf32>,
    %swap3A_25 = vector.shape_cast %swap3A_24 : vector<1x16xf32> to vector<16xf32>
    %swap3A_26 = vector.shape_cast %broadcast_in_dim3A_3 : vector<16xf32> to vector<1x16xf32>
    tpu.vector_store %arg6[%swap3A_22, %swap3A_23], %swap3A_26 {strides = array<i32>} : memref<128x16xf32, #tpu.memory_space<vmem>>, vector<1x16xf32>,
    %swap3A_27 = arith.constant 2 : i32
    %swap3A_28 = arith.index_cast %swap3A_27 : i32 to index
    %swap3A_29 = arith.constant 0 : index
    %swap3A_30 = tpu.vector_load %arg5[%swap3A_28, %swap3A_29] {strides = array<i32>} : memref<128x16xf32, #tpu.memory_space<vmem>>, vector<1x16xf32>,
    %swap3A_31 = vector.shape_cast %swap3A_30 : vector<1x16xf32> to vector<16xf32>
    %swap3A_32 = vector.shape_cast %broadcast_in_dim3A_1 : vector<16xf32> to vector<1x16xf32>
    tpu.vector_store %arg5[%swap3A_28, %swap3A_29], %swap3A_32 {strides = array<i32>} : memref<128x16xf32, #tpu.memory_space<vmem>>, vector<1x16xf32>,
    %swap3A_33 = arith.constant 2 : i32
    %swap3A_34 = arith.index_cast %swap3A_33 : i32 to index
    %swap3A_35 = arith.constant 0 : index
    %swap3A_36 = tpu.vector_load %arg6[%swap3A_34, %swap3A_35] {strides = array<i32>} : memref<128x16xf32, #tpu.memory_space<vmem>>, vector<1x16xf32>,
    %swap3A_37 = vector.shape_cast %swap3A_36 : vector<1x16xf32> to vector<16xf32>
    %swap3A_38 = vector.shape_cast %broadcast_in_dim3A_3 : vector<16xf32> to vector<1x16xf32>
    tpu.vector_store %arg6[%swap3A_34, %swap3A_35], %swap3A_38 {strides = array<i32>} : memref<128x16xf32, #tpu.memory_space<vmem>>, vector<1x16xf32>,
    %swap3A_39 = arith.constant 3 : i32
    %swap3A_40 = arith.index_cast %swap3A_39 : i32 to index
    %swap3A_41 = arith.constant 0 : index
    %swap3A_42 = tpu.vector_load %arg5[%swap3A_40, %swap3A_41] {strides = array<i32>} : memref<128x16xf32, #tpu.memory_space<vmem>>, vector<1x16xf32>,
    %swap3A_43 = vector.shape_cast %swap3A_42 : vector<1x16xf32> to vector<16xf32>
    %swap3A_44 = vector.shape_cast %broadcast_in_dim3A_1 : vector<16xf32> to vector<1x16xf32>
    tpu.vector_store %arg5[%swap3A_40, %swap3A_41], %swap3A_44 {strides = array<i32>} : memref<128x16xf32, #tpu.memory_space<vmem>>, vector<1x16xf32>,
    %swap3A_45 = arith.constant 3 : i32
    %swap3A_46 = arith.index_cast %swap3A_45 : i32 to index
    %swap3A_47 = arith.constant 0 : index
    %swap3A_48 = tpu.vector_load %arg6[%swap3A_46, %swap3A_47] {strides = array<i32>} : memref<128x16xf32, #tpu.memory_space<vmem>>, vector<1x16xf32>,
    %swap3A_49 = vector.shape_cast %swap3A_48 : vector<1x16xf32> to vector<16xf32>
    %swap3A_50 = vector.shape_cast %broadcast_in_dim3A_3 : vector<16xf32> to vector<1x16xf32>
    tpu.vector_store %arg6[%swap3A_46, %swap3A_47], %swap3A_50 {strides = array<i32>} : memref<128x16xf32, #tpu.memory_space<vmem>>, vector<1x16xf32>,
    %swap3A_51 = arith.constant 4 : i32
    %swap3A_52 = arith.index_cast %swap3A_51 : i32 to index
    %swap3A_53 = arith.constant 0 : index
    %swap3A_54 = tpu.vector_load %arg5[%swap3A_52, %swap3A_53] {strides = array<i32>} : memref<128x16xf32, #tpu.memory_space<vmem>>, vector<1x16xf32>,
    %swap3A_55 = vector.shape_cast %swap3A_54 : vector<1x16xf32> to vector<16xf32>
    %swap3A_56 = vector.shape_cast %broadcast_in_dim3A_1 : vector<16xf32> to vector<1x16xf32>
    tpu.vector_store %arg5[%swap3A_52, %swap3A_53], %swap3A_56 {strides = array<i32>} : memref<128x16xf32, #tpu.memory_space<vmem>>, vector<1x16xf32>,
    %swap3A_57 = arith.constant 4 : i32
    %swap3A_58 = arith.index_cast %swap3A_57 : i32 to index
    %swap3A_59 = arith.constant 0 : index
    %swap3A_60 = tpu.vector_load %arg6[%swap3A_58, %swap3A_59] {strides = array<i32>} : memref<128x16xf32, #tpu.memory_space<vmem>>, vector<1x16xf32>,
    %swap3A_61 = vector.shape_cast %swap3A_60 : vector<1x16xf32> to vector<16xf32>
    %swap3A_62 = vector.shape_cast %broadcast_in_dim3A_3 : vector<16xf32> to vector<1x16xf32>
    tpu.vector_store %arg6[%swap3A_58, %swap3A_59], %swap3A_62 {strides = array<i32>} : memref<128x16xf32, #tpu.memory_space<vmem>>, vector<1x16xf32>,
    %swap3A_63 = arith.constant 5 : i32
    %swap3A_64 = arith.index_cast %swap3A_63 : i32 to index
    %swap3A_65 = arith.constant 0 : index
    %swap3A_66 = tpu.vector_load %arg5[%swap3A_64, %swap3A_65] {strides = array<i32>} : memref<128x16xf32, #tpu.memory_space<vmem>>, vector<1x16xf32>,
    %swap3A_67 = vector.shape_cast %swap3A_66 : vector<1x16xf32> to vector<16xf32>
    %swap3A_68 = vector.shape_cast %broadcast_in_dim3A_1 : vector<16xf32> to vector<1x16xf32>
    tpu.vector_store %arg5[%swap3A_64, %swap3A_65], %swap3A_68 {strides = array<i32>} : memref<128x16xf32, #tpu.memory_space<vmem>>, vector<1x16xf32>,
    %swap3A_69 = arith.constant 5 : i32
    %swap3A_70 = arith.index_cast %swap3A_69 : i32 to index
    %swap3A_71 = arith.constant 0 : index
    %swap3A_72 = tpu.vector_load %arg6[%swap3A_70, %swap3A_71] {strides = array<i32>} : memref<128x16xf32, #tpu.memory_space<vmem>>, vector<1x16xf32>,
    %swap3A_73 = vector.shape_cast %swap3A_72 : vector<1x16xf32> to vector<16xf32>
    %swap3A_74 = vector.shape_cast %broadcast_in_dim3A_3 : vector<16xf32> to vector<1x16xf32>
    tpu.vector_store %arg6[%swap3A_70, %swap3A_71], %swap3A_74 {strides = array<i32>} : memref<128x16xf32, #tpu.memory_space<vmem>>, vector<1x16xf32>,
    %swap3A_75 = arith.constant 6 : i32
    %swap3A_76 = arith.index_cast %swap3A_75 : i32 to index
    %swap3A_77 = arith.constant 0 : index
    %swap3A_78 = tpu.vector_load %arg5[%swap3A_76, %swap3A_77] {strides = array<i32>} : memref<128x16xf32, #tpu.memory_space<vmem>>, vector<1x16xf32>,
    %swap3A_79 = vector.shape_cast %swap3A_78 : vector<1x16xf32> to vector<16xf32>
    %swap3A_80 = vector.shape_cast %broadcast_in_dim3A_1 : vector<16xf32> to vector<1x16xf32>
    tpu.vector_store %arg5[%swap3A_76, %swap3A_77], %swap3A_80 {strides = array<i32>} : memref<128x16xf32, #tpu.memory_space<vmem>>, vector<1x16xf32>,
    %swap3A_81 = arith.constant 6 : i32
    %swap3A_82 = arith.index_cast %swap3A_81 : i32 to index
    %swap3A_83 = arith.constant 0 : index
    %swap3A_84 = tpu.vector_load %arg6[%swap3A_82, %swap3A_83] {strides = array<i32>} : memref<128x16xf32, #tpu.memory_space<vmem>>, vector<1x16xf32>,
    %swap3A_85 = vector.shape_cast %swap3A_84 : vector<1x16xf32> to vector<16xf32>
    %swap3A_86 = vector.shape_cast %broadcast_in_dim3A_3 : vector<16xf32> to vector<1x16xf32>
    tpu.vector_store %arg6[%swap3A_82, %swap3A_83], %swap3A_86 {strides = array<i32>} : memref<128x16xf32, #tpu.memory_space<vmem>>, vector<1x16xf32>,
    %swap3A_87 = arith.constant 7 : i32
    %swap3A_88 = arith.index_cast %swap3A_87 : i32 to index
    %swap3A_89 = arith.constant 0 : index
    %swap3A_90 = tpu.vector_load %arg5[%swap3A_88, %swap3A_89] {strides = array<i32>} : memref<128x16xf32, #tpu.memory_space<vmem>>, vector<1x16xf32>,
    %swap3A_91 = vector.shape_cast %swap3A_90 : vector<1x16xf32> to vector<16xf32>
    %swap3A_92 = vector.shape_cast %broadcast_in_dim3A_1 : vector<16xf32> to vector<1x16xf32>
    tpu.vector_store %arg5[%swap3A_88, %swap3A_89], %swap3A_92 {strides = array<i32>} : memref<128x16xf32, #tpu.memory_space<vmem>>, vector<1x16xf32>,
    %swap3A_93 = arith.constant 7 : i32
    %swap3A_94 = arith.index_cast %swap3A_93 : i32 to index
    %swap3A_95 = arith.constant 0 : index
    %swap3A_96 = tpu.vector_load %arg6[%swap3A_94, %swap3A_95] {strides = array<i32>} : memref<128x16xf32, #tpu.memory_space<vmem>>, vector<1x16xf32>,
    %swap3A_97 = vector.shape_cast %swap3A_96 : vector<1x16xf32> to vector<16xf32>
    %swap3A_98 = vector.shape_cast %broadcast_in_dim3A_3 : vector<16xf32> to vector<1x16xf32>
    tpu.vector_store %arg6[%swap3A_94, %swap3A_95], %swap3A_98 {strides = array<i32>} : memref<128x16xf32, #tpu.memory_space<vmem>>, vector<1x16xf32>,
    %swap3A_99 = arith.constant 8 : i32
    %swap3A_100 = arith.index_cast %swap3A_99 : i32 to index
    %swap3A_101 = arith.constant 0 : index
    %swap3A_102 = tpu.vector_load %arg5[%swap3A_100, %swap3A_101] {strides = array<i32>} : memref<128x16xf32, #tpu.memory_space<vmem>>, vector<1x16xf32>,
    %swap3A_103 = vector.shape_cast %swap3A_102 : vector<1x16xf32> to vector<16xf32>
    %swap3A_104 = vector.shape_cast %broadcast_in_dim3A_1 : vector<16xf32> to vector<1x16xf32>
    tpu.vector_store %arg5[%swap3A_100, %swap3A_101], %swap3A_104 {strides = array<i32>} : memref<128x16xf32, #tpu.memory_space<vmem>>, vector<1x16xf32>,
    %swap3A_105 = arith.constant 8 : i32
    %swap3A_106 = arith.index_cast %swap3A_105 : i32 to index
    %swap3A_107 = arith.constant 0 : index
    %swap3A_108 = tpu.vector_load %arg6[%swap3A_106, %swap3A_107] {strides = array<i32>} : memref<128x16xf32, #tpu.memory_space<vmem>>, vector<1x16xf32>,
    %swap3A_109 = vector.shape_cast %swap3A_108 : vector<1x16xf32> to vector<16xf32>
    %swap3A_110 = vector.shape_cast %broadcast_in_dim3A_3 : vector<16xf32> to vector<1x16xf32>
    tpu.vector_store %arg6[%swap3A_106, %swap3A_107], %swap3A_110 {strides = array<i32>} : memref<128x16xf32, #tpu.memory_space<vmem>>, vector<1x16xf32>,
    %swap3A_111 = arith.constant 9 : i32
    %swap3A_112 = arith.index_cast %swap3A_111 : i32 to index
    %swap3A_113 = arith.constant 0 : index
    %swap3A_114 = tpu.vector_load %arg5[%swap3A_112, %swap3A_113] {strides = array<i32>} : memref<128x16xf32, #tpu.memory_space<vmem>>, vector<1x16xf32>,
    %swap3A_115 = vector.shape_cast %swap3A_114 : vector<1x16xf32> to vector<16xf32>
    %swap3A_116 = vector.shape_cast %broadcast_in_dim3A_1 : vector<16xf32> to vector<1x16xf32>
    tpu.vector_store %arg5[%swap3A_112, %swap3A_113], %swap3A_116 {strides = array<i32>} : memref<128x16xf32, #tpu.memory_space<vmem>>, vector<1x16xf32>,
    %swap3A_117 = arith.constant 9 : i32
    %swap3A_118 = arith.index_cast %swap3A_117 : i32 to index
    %swap3A_119 = arith.constant 0 : index
    %swap3A_120 = tpu.vector_load %arg6[%swap3A_118, %swap3A_119] {strides = array<i32>} : memref<128x16xf32, #tpu.memory_space<vmem>>, vector<1x16xf32>,
    %swap3A_121 = vector.shape_cast %swap3A_120 : vector<1x16xf32> to vector<16xf32>
    %swap3A_122 = vector.shape_cast %broadcast_in_dim3A_3 : vector<16xf32> to vector<1x16xf32>
    tpu.vector_store %arg6[%swap3A_118, %swap3A_119], %swap3A_122 {strides = array<i32>} : memref<128x16xf32, #tpu.memory_space<vmem>>, vector<1x16xf32>,
    %swap3A_123 = arith.constant 10 : i32
    %swap3A_124 = arith.index_cast %swap3A_123 : i32 to index
    %swap3A_125 = arith.constant 0 : index
    %swap3A_126 = tpu.vector_load %arg5[%swap3A_124, %swap3A_125] {strides = array<i32>} : memref<128x16xf32, #tpu.memory_space<vmem>>, vector<1x16xf32>,
    %swap3A_127 = vector.shape_cast %swap3A_126 : vector<1x16xf32> to vector<16xf32>
    %swap3A_128 = vector.shape_cast %broadcast_in_dim3A_1 : vector<16xf32> to vector<1x16xf32>
    tpu.vector_store %arg5[%swap3A_124, %swap3A_125], %swap3A_128 {strides = array<i32>} : memref<128x16xf32, #tpu.memory_space<vmem>>, vector<1x16xf32>,
    %swap3A_129 = arith.constant 10 : i32
    %swap3A_130 = arith.index_cast %swap3A_129 : i32 to index
    %swap3A_131 = arith.constant 0 : index
    %swap3A_132 = tpu.vector_load %arg6[%swap3A_130, %swap3A_131] {strides = array<i32>} : memref<128x16xf32, #tpu.memory_space<vmem>>, vector<1x16xf32>,
    %swap3A_133 = vector.shape_cast %swap3A_132 : vector<1x16xf32> to vector<16xf32>
    %swap3A_134 = vector.shape_cast %broadcast_in_dim3A_3 : vector<16xf32> to vector<1x16xf32>
    tpu.vector_store %arg6[%swap3A_130, %swap3A_131], %swap3A_134 {strides = array<i32>} : memref<128x16xf32, #tpu.memory_space<vmem>>, vector<1x16xf32>,
    %swap3A_135 = arith.constant 11 : i32
    %swap3A_136 = arith.index_cast %swap3A_135 : i32 to index
    %swap3A_137 = arith.constant 0 : index
    %swap3A_138 = tpu.vector_load %arg5[%swap3A_136, %swap3A_137] {strides = array<i32>} : memref<128x16xf32, #tpu.memory_space<vmem>>, vector<1x16xf32>,
    %swap3A_139 = vector.shape_cast %swap3A_138 : vector<1x16xf32> to vector<16xf32>
    %swap3A_140 = vector.shape_cast %broadcast_in_dim3A_1 : vector<16xf32> to vector<1x16xf32>
    tpu.vector_store %arg5[%swap3A_136, %swap3A_137], %swap3A_140 {strides = array<i32>} : memref<128x16xf32, #tpu.memory_space<vmem>>, vector<1x16xf32>,
    %swap3A_141 = arith.constant 11 : i32
    %swap3A_142 = arith.index_cast %swap3A_141 : i32 to index
    %swap3A_143 = arith.constant 0 : index
    %swap3A_144 = tpu.vector_load %arg6[%swap3A_142, %swap3A_143] {strides = array<i32>} : memref<128x16xf32, #tpu.memory_space<vmem>>, vector<1x16xf32>,
    %swap3A_145 = vector.shape_cast %swap3A_144 : vector<1x16xf32> to vector<16xf32>
    %swap3A_146 = vector.shape_cast %broadcast_in_dim3A_3 : vector<16xf32> to vector<1x16xf32>
    tpu.vector_store %arg6[%swap3A_142, %swap3A_143], %swap3A_146 {strides = array<i32>} : memref<128x16xf32, #tpu.memory_space<vmem>>, vector<1x16xf32>,
    %swap3A_147 = arith.constant 12 : i32
    %swap3A_148 = arith.index_cast %swap3A_147 : i32 to index
    %swap3A_149 = arith.constant 0 : index
    %swap3A_150 = tpu.vector_load %arg5[%swap3A_148, %swap3A_149] {strides = array<i32>} : memref<128x16xf32, #tpu.memory_space<vmem>>, vector<1x16xf32>,
    %swap3A_151 = vector.shape_cast %swap3A_150 : vector<1x16xf32> to vector<16xf32>
    %swap3A_152 = vector.shape_cast %broadcast_in_dim3A_1 : vector<16xf32> to vector<1x16xf32>
    tpu.vector_store %arg5[%swap3A_148, %swap3A_149], %swap3A_152 {strides = array<i32>} : memref<128x16xf32, #tpu.memory_space<vmem>>, vector<1x16xf32>,
    %swap3A_153 = arith.constant 12 : i32
    %swap3A_154 = arith.index_cast %swap3A_153 : i32 to index
    %swap3A_155 = arith.constant 0 : index
    %swap3A_156 = tpu.vector_load %arg6[%swap3A_154, %swap3A_155] {strides = array<i32>} : memref<128x16xf32, #tpu.memory_space<vmem>>, vector<1x16xf32>,
    %swap3A_157 = vector.shape_cast %swap3A_156 : vector<1x16xf32> to vector<16xf32>
    %swap3A_158 = vector.shape_cast %broadcast_in_dim3A_3 : vector<16xf32> to vector<1x16xf32>
    tpu.vector_store %arg6[%swap3A_154, %swap3A_155], %swap3A_158 {strides = array<i32>} : memref<128x16xf32, #tpu.memory_space<vmem>>, vector<1x16xf32>,
    %swap3A_159 = arith.constant 13 : i32
    %swap3A_160 = arith.index_cast %swap3A_159 : i32 to index
    %swap3A_161 = arith.constant 0 : index
    %swap3A_162 = tpu.vector_load %arg5[%swap3A_160, %swap3A_161] {strides = array<i32>} : memref<128x16xf32, #tpu.memory_space<vmem>>, vector<1x16xf32>,
    %swap3A_163 = vector.shape_cast %swap3A_162 : vector<1x16xf32> to vector<16xf32>
    %swap3A_164 = vector.shape_cast %broadcast_in_dim3A_1 : vector<16xf32> to vector<1x16xf32>
    tpu.vector_store %arg5[%swap3A_160, %swap3A_161], %swap3A_164 {strides = array<i32>} : memref<128x16xf32, #tpu.memory_space<vmem>>, vector<1x16xf32>,
    %swap3A_165 = arith.constant 13 : i32
    %swap3A_166 = arith.index_cast %swap3A_165 : i32 to index
    %swap3A_167 = arith.constant 0 : index
    %swap3A_168 = tpu.vector_load %arg6[%swap3A_166, %swap3A_167] {strides = array<i32>} : memref<128x16xf32, #tpu.memory_space<vmem>>, vector<1x16xf32>,
    %swap3A_169 = vector.shape_cast %swap3A_168 : vector<1x16xf32> to vector<16xf32>
    %swap3A_170 = vector.shape_cast %broadcast_in_dim3A_3 : vector<16xf32> to vector<1x16xf32>
    tpu.vector_store %arg6[%swap3A_166, %swap3A_167], %swap3A_170 {strides = array<i32>} : memref<128x16xf32, #tpu.memory_space<vmem>>, vector<1x16xf32>,
    %swap3A_171 = arith.constant 14 : i32
    %swap3A_172 = arith.index_cast %swap3A_171 : i32 to index
    %swap3A_173 = arith.constant 0 : index
    %swap3A_174 = tpu.vector_load %arg5[%swap3A_172, %swap3A_173] {strides = array<i32>} : memref<128x16xf32, #tpu.memory_space<vmem>>, vector<1x16xf32>,
    %swap3A_175 = vector.shape_cast %swap3A_174 : vector<1x16xf32> to vector<16xf32>
    %swap3A_176 = vector.shape_cast %broadcast_in_dim3A_1 : vector<16xf32> to vector<1x16xf32>
    tpu.vector_store %arg5[%swap3A_172, %swap3A_173], %swap3A_176 {strides = array<i32>} : memref<128x16xf32, #tpu.memory_space<vmem>>, vector<1x16xf32>,
    %swap3A_177 = arith.constant 14 : i32
    %swap3A_178 = arith.index_cast %swap3A_177 : i32 to index
    %swap3A_179 = arith.constant 0 : index
    %swap3A_180 = tpu.vector_load %arg6[%swap3A_178, %swap3A_179] {strides = array<i32>} : memref<128x16xf32, #tpu.memory_space<vmem>>, vector<1x16xf32>,
    %swap3A_181 = vector.shape_cast %swap3A_180 : vector<1x16xf32> to vector<16xf32>
    %swap3A_182 = vector.shape_cast %broadcast_in_dim3A_3 : vector<16xf32> to vector<1x16xf32>
    tpu.vector_store %arg6[%swap3A_178, %swap3A_179], %swap3A_182 {strides = array<i32>} : memref<128x16xf32, #tpu.memory_space<vmem>>, vector<1x16xf32>,
    %swap3A_183 = arith.constant 15 : i32
    %swap3A_184 = arith.index_cast %swap3A_183 : i32 to index
    %swap3A_185 = arith.constant 0 : index
    %swap3A_186 = tpu.vector_load %arg5[%swap3A_184, %swap3A_185] {strides = array<i32>} : memref<128x16xf32, #tpu.memory_space<vmem>>, vector<1x16xf32>,
    %swap3A_187 = vector.shape_cast %swap3A_186 : vector<1x16xf32> to vector<16xf32>
    %swap3A_188 = vector.shape_cast %broadcast_in_dim3A_1 : vector<16xf32> to vector<1x16xf32>
    tpu.vector_store %arg5[%swap3A_184, %swap3A_185], %swap3A_188 {strides = array<i32>} : memref<128x16xf32, #tpu.memory_space<vmem>>, vector<1x16xf32>,
    %swap3A_189 = arith.constant 15 : i32
    %swap3A_190 = arith.index_cast %swap3A_189 : i32 to index
    %swap3A_191 = arith.constant 0 : index
    %swap3A_192 = tpu.vector_load %arg6[%swap3A_190, %swap3A_191] {strides = array<i32>} : memref<128x16xf32, #tpu.memory_space<vmem>>, vector<1x16xf32>,
    %swap3A_193 = vector.shape_cast %swap3A_192 : vector<1x16xf32> to vector<16xf32>
    %swap3A_194 = vector.shape_cast %broadcast_in_dim3A_3 : vector<16xf32> to vector<1x16xf32>
    tpu.vector_store %arg6[%swap3A_190, %swap3A_191], %swap3A_194 {strides = array<i32>} : memref<128x16xf32, #tpu.memory_space<vmem>>, vector<1x16xf32>,
    %swap3A_195 = arith.constant 16 : i32
    %swap3A_196 = arith.index_cast %swap3A_195 : i32 to index
    %swap3A_197 = arith.constant 0 : index
    %swap3A_198 = tpu.vector_load %arg5[%swap3A_196, %swap3A_197] {strides = array<i32>} : memref<128x16xf32, #tpu.memory_space<vmem>>, vector<1x16xf32>,
    %swap3A_199 = vector.shape_cast %swap3A_198 : vector<1x16xf32> to vector<16xf32>
    %swap3A_200 = vector.shape_cast %broadcast_in_dim3A_1 : vector<16xf32> to vector<1x16xf32>
    tpu.vector_store %arg5[%swap3A_196, %swap3A_197], %swap3A_200 {strides = array<i32>} : memref<128x16xf32, #tpu.memory_space<vmem>>, vector<1x16xf32>,
    %swap3A_201 = arith.constant 16 : i32
    %swap3A_202 = arith.index_cast %swap3A_201 : i32 to index
    %swap3A_203 = arith.constant 0 : index
    %swap3A_204 = tpu.vector_load %arg6[%swap3A_202, %swap3A_203] {strides = array<i32>} : memref<128x16xf32, #tpu.memory_space<vmem>>, vector<1x16xf32>,
    %swap3A_205 = vector.shape_cast %swap3A_204 : vector<1x16xf32> to vector<16xf32>
    %swap3A_206 = vector.shape_cast %broadcast_in_dim3A_3 : vector<16xf32> to vector<1x16xf32>
    tpu.vector_store %arg6[%swap3A_202, %swap3A_203], %swap3A_206 {strides = array<i32>} : memref<128x16xf32, #tpu.memory_space<vmem>>, vector<1x16xf32>,
    %swap3A_207 = arith.constant 17 : i32
    %swap3A_208 = arith.index_cast %swap3A_207 : i32 to index
    %swap3A_209 = arith.constant 0 : index
    %swap3A_210 = tpu.vector_load %arg5[%swap3A_208, %swap3A_209] {strides = array<i32>} : memref<128x16xf32, #tpu.memory_space<vmem>>, vector<1x16xf32>,
    %swap3A_211 = vector.shape_cast %swap3A_210 : vector<1x16xf32> to vector<16xf32>
    %swap3A_212 = vector.shape_cast %broadcast_in_dim3A_1 : vector<16xf32> to vector<1x16xf32>
    tpu.vector_store %arg5[%swap3A_208, %swap3A_209], %swap3A_212 {strides = array<i32>} : memref<128x16xf32, #tpu.memory_space<vmem>>, vector<1x16xf32>,
    %swap3A_213 = arith.constant 17 : i32
    %swap3A_214 = arith.index_cast %swap3A_213 : i32 to index
    %swap3A_215 = arith.constant 0 : index
    %swap3A_216 = tpu.vector_load %arg6[%swap3A_214, %swap3A_215] {strides = array<i32>} : memref<128x16xf32, #tpu.memory_space<vmem>>, vector<1x16xf32>,
    %swap3A_217 = vector.shape_cast %swap3A_216 : vector<1x16xf32> to vector<16xf32>
    %swap3A_218 = vector.shape_cast %broadcast_in_dim3A_3 : vector<16xf32> to vector<1x16xf32>
    tpu.vector_store %arg6[%swap3A_214, %swap3A_215], %swap3A_218 {strides = array<i32>} : memref<128x16xf32, #tpu.memory_space<vmem>>, vector<1x16xf32>,
    %swap3A_219 = arith.constant 18 : i32
    %swap3A_220 = arith.index_cast %swap3A_219 : i32 to index
    %swap3A_221 = arith.constant 0 : index
    %swap3A_222 = tpu.vector_load %arg5[%swap3A_220, %swap3A_221] {strides = array<i32>} : memref<128x16xf32, #tpu.memory_space<vmem>>, vector<1x16xf32>,
    %swap3A_223 = vector.shape_cast %swap3A_222 : vector<1x16xf32> to vector<16xf32>
    %swap3A_224 = vector.shape_cast %broadcast_in_dim3A_1 : vector<16xf32> to vector<1x16xf32>
    tpu.vector_store %arg5[%swap3A_220, %swap3A_221], %swap3A_224 {strides = array<i32>} : memref<128x16xf32, #tpu.memory_space<vmem>>, vector<1x16xf32>,
    %swap3A_225 = arith.constant 18 : i32
    %swap3A_226 = arith.index_cast %swap3A_225 : i32 to index
    %swap3A_227 = arith.constant 0 : index
    %swap3A_228 = tpu.vector_load %arg6[%swap3A_226, %swap3A_227] {strides = array<i32>} : memref<128x16xf32, #tpu.memory_space<vmem>>, vector<1x16xf32>,
    %swap3A_229 = vector.shape_cast %swap3A_228 : vector<1x16xf32> to vector<16xf32>
    %swap3A_230 = vector.shape_cast %broadcast_in_dim3A_3 : vector<16xf32> to vector<1x16xf32>
    tpu.vector_store %arg6[%swap3A_226, %swap3A_227], %swap3A_230 {strides = array<i32>} : memref<128x16xf32, #tpu.memory_space<vmem>>, vector<1x16xf32>,
    %swap3A_231 = arith.constant 19 : i32
    %swap3A_232 = arith.index_cast %swap3A_231 : i32 to index
    %swap3A_233 = arith.constant 0 : index
    %swap3A_234 = tpu.vector_load %arg5[%swap3A_232, %swap3A_233] {strides = array<i32>} : memref<128x16xf32, #tpu.memory_space<vmem>>, vector<1x16xf32>,
    %swap3A_235 = vector.shape_cast %swap3A_234 : vector<1x16xf32> to vector<16xf32>
    %swap3A_236 = vector.shape_cast %broadcast_in_dim3A_1 : vector<16xf32> to vector<1x16xf32>
    tpu.vector_store %arg5[%swap3A_232, %swap3A_233], %swap3A_236 {strides = array<i32>} : memref<128x16xf32, #tpu.memory_space<vmem>>, vector<1x16xf32>,
    %swap3A_237 = arith.constant 19 : i32
    %swap3A_238 = arith.index_cast %swap3A_237 : i32 to index
    %swap3A_239 = arith.constant 0 : index
    %swap3A_240 = tpu.vector_load %arg6[%swap3A_238, %swap3A_239] {strides = array<i32>} : memref<128x16xf32, #tpu.memory_space<vmem>>, vector<1x16xf32>,
    %swap3A_241 = vector.shape_cast %swap3A_240 : vector<1x16xf32> to vector<16xf32>
    %swap3A_242 = vector.shape_cast %broadcast_in_dim3A_3 : vector<16xf32> to vector<1x16xf32>
    tpu.vector_store %arg6[%swap3A_238, %swap3A_239], %swap3A_242 {strides = array<i32>} : memref<128x16xf32, #tpu.memory_space<vmem>>, vector<1x16xf32>,
    %swap3A_243 = arith.constant 20 : i32
    %swap3A_244 = arith.index_cast %swap3A_243 : i32 to index
    %swap3A_245 = arith.constant 0 : index
    %swap3A_246 = tpu.vector_load %arg5[%swap3A_244, %swap3A_245] {strides = array<i32>} : memref<128x16xf32, #tpu.memory_space<vmem>>, vector<1x16xf32>,
    %swap3A_247 = vector.shape_cast %swap3A_246 : vector<1x16xf32> to vector<16xf32>
    %swap3A_248 = vector.shape_cast %broadcast_in_dim3A_1 : vector<16xf32> to vector<1x16xf32>
    tpu.vector_store %arg5[%swap3A_244, %swap3A_245], %swap3A_248 {strides = array<i32>} : memref<128x16xf32, #tpu.memory_space<vmem>>, vector<1x16xf32>,
    %swap3A_249 = arith.constant 20 : i32
    %swap3A_250 = arith.index_cast %swap3A_249 : i32 to index
    %swap3A_251 = arith.constant 0 : index
    %swap3A_252 = tpu.vector_load %arg6[%swap3A_250, %swap3A_251] {strides = array<i32>} : memref<128x16xf32, #tpu.memory_space<vmem>>, vector<1x16xf32>,
    %swap3A_253 = vector.shape_cast %swap3A_252 : vector<1x16xf32> to vector<16xf32>
    %swap3A_254 = vector.shape_cast %broadcast_in_dim3A_3 : vector<16xf32> to vector<1x16xf32>
    tpu.vector_store %arg6[%swap3A_250, %swap3A_251], %swap3A_254 {strides = array<i32>} : memref<128x16xf32, #tpu.memory_space<vmem>>, vector<1x16xf32>,
    %swap3A_255 = arith.constant 21 : i32
    %swap3A_256 = arith.index_cast %swap3A_255 : i32 to index
    %swap3A_257 = arith.constant 0 : index
    %swap3A_258 = tpu.vector_load %arg5[%swap3A_256, %swap3A_257] {strides = array<i32>} : memref<128x16xf32, #tpu.memory_space<vmem>>, vector<1x16xf32>,
    %swap3A_259 = vector.shape_cast %swap3A_258 : vector<1x16xf32> to vector<16xf32>
    %swap3A_260 = vector.shape_cast %broadcast_in_dim3A_1 : vector<16xf32> to vector<1x16xf32>
    tpu.vector_store %arg5[%swap3A_256, %swap3A_257], %swap3A_260 {strides = array<i32>} : memref<128x16xf32, #tpu.memory_space<vmem>>, vector<1x16xf32>,
    %swap3A_261 = arith.constant 21 : i32
    %swap3A_262 = arith.index_cast %swap3A_261 : i32 to index
    %swap3A_263 = arith.constant 0 : index
    %swap3A_264 = tpu.vector_load %arg6[%swap3A_262, %swap3A_263] {strides = array<i32>} : memref<128x16xf32, #tpu.memory_space<vmem>>, vector<1x16xf32>,
    %swap3A_265 = vector.shape_cast %swap3A_264 : vector<1x16xf32> to vector<16xf32>
    %swap3A_266 = vector.shape_cast %broadcast_in_dim3A_3 : vector<16xf32> to vector<1x16xf32>
    tpu.vector_store %arg6[%swap3A_262, %swap3A_263], %swap3A_266 {strides = array<i32>} : memref<128x16xf32, #tpu.memory_space<vmem>>, vector<1x16xf32>,
    %swap3A_267 = arith.constant 22 : i32
    %swap3A_268 = arith.index_cast %swap3A_267 : i32 to index
    %swap3A_269 = arith.constant 0 : index
    %swap3A_270 = tpu.vector_load %arg5[%swap3A_268, %swap3A_269] {strides = array<i32>} : memref<128x16xf32, #tpu.memory_space<vmem>>, vector<1x16xf32>,
    %swap3A_271 = vector.shape_cast %swap3A_270 : vector<1x16xf32> to vector<16xf32>
    %swap3A_272 = vector.shape_cast %broadcast_in_dim3A_1 : vector<16xf32> to vector<1x16xf32>
    tpu.vector_store %arg5[%swap3A_268, %swap3A_269], %swap3A_272 {strides = array<i32>} : memref<128x16xf32, #tpu.memory_space<vmem>>, vector<1x16xf32>,
    %swap3A_273 = arith.constant 22 : i32
    %swap3A_274 = arith.index_cast %swap3A_273 : i32 to index
    %swap3A_275 = arith.constant 0 : index
    %swap3A_276 = tpu.vector_load %arg6[%swap3A_274, %swap3A_275] {strides = array<i32>} : memref<128x16xf32, #tpu.memory_space<vmem>>, vector<1x16xf32>,
    %swap3A_277 = vector.shape_cast %swap3A_276 : vector<1x16xf32> to vector<16xf32>
    %swap3A_278 = vector.shape_cast %broadcast_in_dim3A_3 : vector<16xf32> to vector<1x16xf32>
    tpu.vector_store %arg6[%swap3A_274, %swap3A_275], %swap3A_278 {strides = array<i32>} : memref<128x16xf32, #tpu.memory_space<vmem>>, vector<1x16xf32>,
    %swap3A_279 = arith.constant 23 : i32
    %swap3A_280 = arith.index_cast %swap3A_279 : i32 to index
    %swap3A_281 = arith.constant 0 : index
    %swap3A_282 = tpu.vector_load %arg5[%swap3A_280, %swap3A_281] {strides = array<i32>} : memref<128x16xf32, #tpu.memory_space<vmem>>, vector<1x16xf32>,
    %swap3A_283 = vector.shape_cast %swap3A_282 : vector<1x16xf32> to vector<16xf32>
    %swap3A_284 = vector.shape_cast %broadcast_in_dim3A_1 : vector<16xf32> to vector<1x16xf32>
    tpu.vector_store %arg5[%swap3A_280, %swap3A_281], %swap3A_284 {strides = array<i32>} : memref<128x16xf32, #tpu.memory_space<vmem>>, vector<1x16xf32>,
    %swap3A_285 = arith.constant 23 : i32
    %swap3A_286 = arith.index_cast %swap3A_285 : i32 to index
    %swap3A_287 = arith.constant 0 : index
    %swap3A_288 = tpu.vector_load %arg6[%swap3A_286, %swap3A_287] {strides = array<i32>} : memref<128x16xf32, #tpu.memory_space<vmem>>, vector<1x16xf32>,
    %swap3A_289 = vector.shape_cast %swap3A_288 : vector<1x16xf32> to vector<16xf32>
    %swap3A_290 = vector.shape_cast %broadcast_in_dim3A_3 : vector<16xf32> to vector<1x16xf32>
    tpu.vector_store %arg6[%swap3A_286, %swap3A_287], %swap3A_290 {strides = array<i32>} : memref<128x16xf32, #tpu.memory_space<vmem>>, vector<1x16xf32>,
    %swap3A_291 = arith.constant 24 : i32
    %swap3A_292 = arith.index_cast %swap3A_291 : i32 to index
    %swap3A_293 = arith.constant 0 : index
    %swap3A_294 = tpu.vector_load %arg5[%swap3A_292, %swap3A_293] {strides = array<i32>} : memref<128x16xf32, #tpu.memory_space<vmem>>, vector<1x16xf32>,
    %swap3A_295 = vector.shape_cast %swap3A_294 : vector<1x16xf32> to vector<16xf32>
    %swap3A_296 = vector.shape_cast %broadcast_in_dim3A_1 : vector<16xf32> to vector<1x16xf32>
    tpu.vector_store %arg5[%swap3A_292, %swap3A_293], %swap3A_296 {strides = array<i32>} : memref<128x16xf32, #tpu.memory_space<vmem>>, vector<1x16xf32>,
    %swap3A_297 = arith.constant 24 : i32
    %swap3A_298 = arith.index_cast %swap3A_297 : i32 to index
    %swap3A_299 = arith.constant 0 : index
    %swap3A_300 = tpu.vector_load %arg6[%swap3A_298, %swap3A_299] {strides = array<i32>} : memref<128x16xf32, #tpu.memory_space<vmem>>, vector<1x16xf32>,
    %swap3A_301 = vector.shape_cast %swap3A_300 : vector<1x16xf32> to vector<16xf32>
    %swap3A_302 = vector.shape_cast %broadcast_in_dim3A_3 : vector<16xf32> to vector<1x16xf32>
    tpu.vector_store %arg6[%swap3A_298, %swap3A_299], %swap3A_302 {strides = array<i32>} : memref<128x16xf32, #tpu.memory_space<vmem>>, vector<1x16xf32>,
    %swap3A_303 = arith.constant 25 : i32
    %swap3A_304 = arith.index_cast %swap3A_303 : i32 to index
    %swap3A_305 = arith.constant 0 : index
    %swap3A_306 = tpu.vector_load %arg5[%swap3A_304, %swap3A_305] {strides = array<i32>} : memref<128x16xf32, #tpu.memory_space<vmem>>, vector<1x16xf32>,
    %swap3A_307 = vector.shape_cast %swap3A_306 : vector<1x16xf32> to vector<16xf32>
    %swap3A_308 = vector.shape_cast %broadcast_in_dim3A_1 : vector<16xf32> to vector<1x16xf32>
    tpu.vector_store %arg5[%swap3A_304, %swap3A_305], %swap3A_308 {strides = array<i32>} : memref<128x16xf32, #tpu.memory_space<vmem>>, vector<1x16xf32>,
    %swap3A_309 = arith.constant 25 : i32
    %swap3A_310 = arith.index_cast %swap3A_309 : i32 to index
    %swap3A_311 = arith.constant 0 : index
    %swap3A_312 = tpu.vector_load %arg6[%swap3A_310, %swap3A_311] {strides = array<i32>} : memref<128x16xf32, #tpu.memory_space<vmem>>, vector<1x16xf32>,
    %swap3A_313 = vector.shape_cast %swap3A_312 : vector<1x16xf32> to vector<16xf32>
    %swap3A_314 = vector.shape_cast %broadcast_in_dim3A_3 : vector<16xf32> to vector<1x16xf32>
    tpu.vector_store %arg6[%swap3A_310, %swap3A_311], %swap3A_314 {strides = array<i32>} : memref<128x16xf32, #tpu.memory_space<vmem>>, vector<1x16xf32>,
    %swap3A_315 = arith.constant 26 : i32
    %swap3A_316 = arith.index_cast %swap3A_315 : i32 to index
    %swap3A_317 = arith.constant 0 : index
    %swap3A_318 = tpu.vector_load %arg5[%swap3A_316, %swap3A_317] {strides = array<i32>} : memref<128x16xf32, #tpu.memory_space<vmem>>, vector<1x16xf32>,
    %swap3A_319 = vector.shape_cast %swap3A_318 : vector<1x16xf32> to vector<16xf32>
    %swap3A_320 = vector.shape_cast %broadcast_in_dim3A_1 : vector<16xf32> to vector<1x16xf32>
    tpu.vector_store %arg5[%swap3A_316, %swap3A_317], %swap3A_320 {strides = array<i32>} : memref<128x16xf32, #tpu.memory_space<vmem>>, vector<1x16xf32>,
    %swap3A_321 = arith.constant 26 : i32
    %swap3A_322 = arith.index_cast %swap3A_321 : i32 to index
    %swap3A_323 = arith.constant 0 : index
    %swap3A_324 = tpu.vector_load %arg6[%swap3A_322, %swap3A_323] {strides = array<i32>} : memref<128x16xf32, #tpu.memory_space<vmem>>, vector<1x16xf32>,
    %swap3A_325 = vector.shape_cast %swap3A_324 : vector<1x16xf32> to vector<16xf32>
    %swap3A_326 = vector.shape_cast %broadcast_in_dim3A_3 : vector<16xf32> to vector<1x16xf32>
    tpu.vector_store %arg6[%swap3A_322, %swap3A_323], %swap3A_326 {strides = array<i32>} : memref<128x16xf32, #tpu.memory_space<vmem>>, vector<1x16xf32>,
    %swap3A_327 = arith.constant 27 : i32
    %swap3A_328 = arith.index_cast %swap3A_327 : i32 to index
    %swap3A_329 = arith.constant 0 : index
    %swap3A_330 = tpu.vector_load %arg5[%swap3A_328, %swap3A_329] {strides = array<i32>} : memref<128x16xf32, #tpu.memory_space<vmem>>, vector<1x16xf32>,
    %swap3A_331 = vector.shape_cast %swap3A_330 : vector<1x16xf32> to vector<16xf32>
    %swap3A_332 = vector.shape_cast %broadcast_in_dim3A_1 : vector<16xf32> to vector<1x16xf32>
    tpu.vector_store %arg5[%swap3A_328, %swap3A_329], %swap3A_332 {strides = array<i32>} : memref<128x16xf32, #tpu.memory_space<vmem>>, vector<1x16xf32>,
    %swap3A_333 = arith.constant 27 : i32
    %swap3A_334 = arith.index_cast %swap3A_333 : i32 to index
    %swap3A_335 = arith.constant 0 : index
    %swap3A_336 = tpu.vector_load %arg6[%swap3A_334, %swap3A_335] {strides = array<i32>} : memref<128x16xf32, #tpu.memory_space<vmem>>, vector<1x16xf32>,
    %swap3A_337 = vector.shape_cast %swap3A_336 : vector<1x16xf32> to vector<16xf32>
    %swap3A_338 = vector.shape_cast %broadcast_in_dim3A_3 : vector<16xf32> to vector<1x16xf32>
    tpu.vector_store %arg6[%swap3A_334, %swap3A_335], %swap3A_338 {strides = array<i32>} : memref<128x16xf32, #tpu.memory_space<vmem>>, vector<1x16xf32>,
    %swap3A_339 = arith.constant 28 : i32
    %swap3A_340 = arith.index_cast %swap3A_339 : i32 to index
    %swap3A_341 = arith.constant 0 : index
    %swap3A_342 = tpu.vector_load %arg5[%swap3A_340, %swap3A_341] {strides = array<i32>} : memref<128x16xf32, #tpu.memory_space<vmem>>, vector<1x16xf32>,
    %swap3A_343 = vector.shape_cast %swap3A_342 : vector<1x16xf32> to vector<16xf32>
    %swap3A_344 = vector.shape_cast %broadcast_in_dim3A_1 : vector<16xf32> to vector<1x16xf32>
    tpu.vector_store %arg5[%swap3A_340, %swap3A_341], %swap3A_344 {strides = array<i32>} : memref<128x16xf32, #tpu.memory_space<vmem>>, vector<1x16xf32>,
    %swap3A_345 = arith.constant 28 : i32
    %swap3A_346 = arith.index_cast %swap3A_345 : i32 to index
    %swap3A_347 = arith.constant 0 : index
    %swap3A_348 = tpu.vector_load %arg6[%swap3A_346, %swap3A_347] {strides = array<i32>} : memref<128x16xf32, #tpu.memory_space<vmem>>, vector<1x16xf32>,
    %swap3A_349 = vector.shape_cast %swap3A_348 : vector<1x16xf32> to vector<16xf32>
    %swap3A_350 = vector.shape_cast %broadcast_in_dim3A_3 : vector<16xf32> to vector<1x16xf32>
    tpu.vector_store %arg6[%swap3A_346, %swap3A_347], %swap3A_350 {strides = array<i32>} : memref<128x16xf32, #tpu.memory_space<vmem>>, vector<1x16xf32>,
    %swap3A_351 = arith.constant 29 : i32
    %swap3A_352 = arith.index_cast %swap3A_351 : i32 to index
    %swap3A_353 = arith.constant 0 : index
    %swap3A_354 = tpu.vector_load %arg5[%swap3A_352, %swap3A_353] {strides = array<i32>} : memref<128x16xf32, #tpu.memory_space<vmem>>, vector<1x16xf32>,
    %swap3A_355 = vector.shape_cast %swap3A_354 : vector<1x16xf32> to vector<16xf32>
    %swap3A_356 = vector.shape_cast %broadcast_in_dim3A_1 : vector<16xf32> to vector<1x16xf32>
    tpu.vector_store %arg5[%swap3A_352, %swap3A_353], %swap3A_356 {strides = array<i32>} : memref<128x16xf32, #tpu.memory_space<vmem>>, vector<1x16xf32>,
    %swap3A_357 = arith.constant 29 : i32
    %swap3A_358 = arith.index_cast %swap3A_357 : i32 to index
    %swap3A_359 = arith.constant 0 : index
    %swap3A_360 = tpu.vector_load %arg6[%swap3A_358, %swap3A_359] {strides = array<i32>} : memref<128x16xf32, #tpu.memory_space<vmem>>, vector<1x16xf32>,
    %swap3A_361 = vector.shape_cast %swap3A_360 : vector<1x16xf32> to vector<16xf32>
    %swap3A_362 = vector.shape_cast %broadcast_in_dim3A_3 : vector<16xf32> to vector<1x16xf32>
    tpu.vector_store %arg6[%swap3A_358, %swap3A_359], %swap3A_362 {strides = array<i32>} : memref<128x16xf32, #tpu.memory_space<vmem>>, vector<1x16xf32>,
    %swap3A_363 = arith.constant 30 : i32
    %swap3A_364 = arith.index_cast %swap3A_363 : i32 to index
    %swap3A_365 = arith.constant 0 : index
    %swap3A_366 = tpu.vector_load %arg5[%swap3A_364, %swap3A_365] {strides = array<i32>} : memref<128x16xf32, #tpu.memory_space<vmem>>, vector<1x16xf32>,
    %swap3A_367 = vector.shape_cast %swap3A_366 : vector<1x16xf32> to vector<16xf32>
    %swap3A_368 = vector.shape_cast %broadcast_in_dim3A_1 : vector<16xf32> to vector<1x16xf32>
    tpu.vector_store %arg5[%swap3A_364, %swap3A_365], %swap3A_368 {strides = array<i32>} : memref<128x16xf32, #tpu.memory_space<vmem>>, vector<1x16xf32>,
    %swap3A_369 = arith.constant 30 : i32
    %swap3A_370 = arith.index_cast %swap3A_369 : i32 to index
    %swap3A_371 = arith.constant 0 : index
    %swap3A_372 = tpu.vector_load %arg6[%swap3A_370, %swap3A_371] {strides = array<i32>} : memref<128x16xf32, #tpu.memory_space<vmem>>, vector<1x16xf32>,
    %swap3A_373 = vector.shape_cast %swap3A_372 : vector<1x16xf32> to vector<16xf32>
    %swap3A_374 = vector.shape_cast %broadcast_in_dim3A_3 : vector<16xf32> to vector<1x16xf32>
    tpu.vector_store %arg6[%swap3A_370, %swap3A_371], %swap3A_374 {strides = array<i32>} : memref<128x16xf32, #tpu.memory_space<vmem>>, vector<1x16xf32>,
    %swap3A_375 = arith.constant 31 : i32
    %swap3A_376 = arith.index_cast %swap3A_375 : i32 to index
    %swap3A_377 = arith.constant 0 : index
    %swap3A_378 = tpu.vector_load %arg5[%swap3A_376, %swap3A_377] {strides = array<i32>} : memref<128x16xf32, #tpu.memory_space<vmem>>, vector<1x16xf32>,
    %swap3A_379 = vector.shape_cast %swap3A_378 : vector<1x16xf32> to vector<16xf32>
    %swap3A_380 = vector.shape_cast %broadcast_in_dim3A_1 : vector<16xf32> to vector<1x16xf32>
    tpu.vector_store %arg5[%swap3A_376, %swap3A_377], %swap3A_380 {strides = array<i32>} : memref<128x16xf32, #tpu.memory_space<vmem>>, vector<1x16xf32>,
    %swap3A_381 = arith.constant 31 : i32
    %swap3A_382 = arith.index_cast %swap3A_381 : i32 to index
    %swap3A_383 = arith.constant 0 : index
    %swap3A_384 = tpu.vector_load %arg6[%swap3A_382, %swap3A_383] {strides = array<i32>} : memref<128x16xf32, #tpu.memory_space<vmem>>, vector<1x16xf32>,
    %swap3A_385 = vector.shape_cast %swap3A_384 : vector<1x16xf32> to vector<16xf32>
    %swap3A_386 = vector.shape_cast %broadcast_in_dim3A_3 : vector<16xf32> to vector<1x16xf32>
    tpu.vector_store %arg6[%swap3A_382, %swap3A_383], %swap3A_386 {strides = array<i32>} : memref<128x16xf32, #tpu.memory_space<vmem>>, vector<1x16xf32>,
    %swap3A_387 = arith.constant 32 : i32
    %swap3A_388 = arith.index_cast %swap3A_387 : i32 to index
    %swap3A_389 = arith.constant 0 : index
    %swap3A_390 = tpu.vector_load %arg5[%swap3A_388, %swap3A_389] {strides = array<i32>} : memref<128x16xf32, #tpu.memory_space<vmem>>, vector<1x16xf32>,
    %swap3A_391 = vector.shape_cast %swap3A_390 : vector<1x16xf32> to vector<16xf32>
    %swap3A_392 = vector.shape_cast %broadcast_in_dim3A_1 : vector<16xf32> to vector<1x16xf32>
    tpu.vector_store %arg5[%swap3A_388, %swap3A_389], %swap3A_392 {strides = array<i32>} : memref<128x16xf32, #tpu.memory_space<vmem>>, vector<1x16xf32>,
    %swap3A_393 = arith.constant 32 : i32
    %swap3A_394 = arith.index_cast %swap3A_393 : i32 to index
    %swap3A_395 = arith.constant 0 : index
    %swap3A_396 = tpu.vector_load %arg6[%swap3A_394, %swap3A_395] {strides = array<i32>} : memref<128x16xf32, #tpu.memory_space<vmem>>, vector<1x16xf32>,
    %swap3A_397 = vector.shape_cast %swap3A_396 : vector<1x16xf32> to vector<16xf32>
    %swap3A_398 = vector.shape_cast %broadcast_in_dim3A_3 : vector<16xf32> to vector<1x16xf32>
    tpu.vector_store %arg6[%swap3A_394, %swap3A_395], %swap3A_398 {strides = array<i32>} : memref<128x16xf32, #tpu.memory_space<vmem>>, vector<1x16xf32>,
    %swap3A_399 = arith.constant 33 : i32
    %swap3A_400 = arith.index_cast %swap3A_399 : i32 to index
    %swap3A_401 = arith.constant 0 : index
    %swap3A_402 = tpu.vector_load %arg5[%swap3A_400, %swap3A_401] {strides = array<i32>} : memref<128x16xf32, #tpu.memory_space<vmem>>, vector<1x16xf32>,
    %swap3A_403 = vector.shape_cast %swap3A_402 : vector<1x16xf32> to vector<16xf32>
    %swap3A_404 = vector.shape_cast %broadcast_in_dim3A_1 : vector<16xf32> to vector<1x16xf32>
    tpu.vector_store %arg5[%swap3A_400, %swap3A_401], %swap3A_404 {strides = array<i32>} : memref<128x16xf32, #tpu.memory_space<vmem>>, vector<1x16xf32>,
    %swap3A_405 = arith.constant 33 : i32
    %swap3A_406 = arith.index_cast %swap3A_405 : i32 to index
    %swap3A_407 = arith.constant 0 : index
    %swap3A_408 = tpu.vector_load %arg6[%swap3A_406, %swap3A_407] {strides = array<i32>} : memref<128x16xf32, #tpu.memory_space<vmem>>, vector<1x16xf32>,
    %swap3A_409 = vector.shape_cast %swap3A_408 : vector<1x16xf32> to vector<16xf32>
    %swap3A_410 = vector.shape_cast %broadcast_in_dim3A_3 : vector<16xf32> to vector<1x16xf32>
    tpu.vector_store %arg6[%swap3A_406, %swap3A_407], %swap3A_410 {strides = array<i32>} : memref<128x16xf32, #tpu.memory_space<vmem>>, vector<1x16xf32>,
    %swap3A_411 = arith.constant 34 : i32
    %swap3A_412 = arith.index_cast %swap3A_411 : i32 to index
    %swap3A_413 = arith.constant 0 : index
    %swap3A_414 = tpu.vector_load %arg5[%swap3A_412, %swap3A_413] {strides = array<i32>} : memref<128x16xf32, #tpu.memory_space<vmem>>, vector<1x16xf32>,
    %swap3A_415 = vector.shape_cast %swap3A_414 : vector<1x16xf32> to vector<16xf32>
    %swap3A_416 = vector.shape_cast %broadcast_in_dim3A_1 : vector<16xf32> to vector<1x16xf32>
    tpu.vector_store %arg5[%swap3A_412, %swap3A_413], %swap3A_416 {strides = array<i32>} : memref<128x16xf32, #tpu.memory_space<vmem>>, vector<1x16xf32>,
    %swap3A_417 = arith.constant 34 : i32
    %swap3A_418 = arith.index_cast %swap3A_417 : i32 to index
    %swap3A_419 = arith.constant 0 : index
    %swap3A_420 = tpu.vector_load %arg6[%swap3A_418, %swap3A_419] {strides = array<i32>} : memref<128x16xf32, #tpu.memory_space<vmem>>, vector<1x16xf32>,
    %swap3A_421 = vector.shape_cast %swap3A_420 : vector<1x16xf32> to vector<16xf32>
    %swap3A_422 = vector.shape_cast %broadcast_in_dim3A_3 : vector<16xf32> to vector<1x16xf32>
    tpu.vector_store %arg6[%swap3A_418, %swap3A_419], %swap3A_422 {strides = array<i32>} : memref<128x16xf32, #tpu.memory_space<vmem>>, vector<1x16xf32>,
    %swap3A_423 = arith.constant 35 : i32
    %swap3A_424 = arith.index_cast %swap3A_423 : i32 to index
    %swap3A_425 = arith.constant 0 : index
    %swap3A_426 = tpu.vector_load %arg5[%swap3A_424, %swap3A_425] {strides = array<i32>} : memref<128x16xf32, #tpu.memory_space<vmem>>, vector<1x16xf32>,
    %swap3A_427 = vector.shape_cast %swap3A_426 : vector<1x16xf32> to vector<16xf32>
    %swap3A_428 = vector.shape_cast %broadcast_in_dim3A_1 : vector<16xf32> to vector<1x16xf32>
    tpu.vector_store %arg5[%swap3A_424, %swap3A_425], %swap3A_428 {strides = array<i32>} : memref<128x16xf32, #tpu.memory_space<vmem>>, vector<1x16xf32>,
    %swap3A_429 = arith.constant 35 : i32
    %swap3A_430 = arith.index_cast %swap3A_429 : i32 to index
    %swap3A_431 = arith.constant 0 : index
    %swap3A_432 = tpu.vector_load %arg6[%swap3A_430, %swap3A_431] {strides = array<i32>} : memref<128x16xf32, #tpu.memory_space<vmem>>, vector<1x16xf32>,
    %swap3A_433 = vector.shape_cast %swap3A_432 : vector<1x16xf32> to vector<16xf32>
    %swap3A_434 = vector.shape_cast %broadcast_in_dim3A_3 : vector<16xf32> to vector<1x16xf32>
    tpu.vector_store %arg6[%swap3A_430, %swap3A_431], %swap3A_434 {strides = array<i32>} : memref<128x16xf32, #tpu.memory_space<vmem>>, vector<1x16xf32>,
    %swap3A_435 = arith.constant 36 : i32
    %swap3A_436 = arith.index_cast %swap3A_435 : i32 to index
    %swap3A_437 = arith.constant 0 : index
    %swap3A_438 = tpu.vector_load %arg5[%swap3A_436, %swap3A_437] {strides = array<i32>} : memref<128x16xf32, #tpu.memory_space<vmem>>, vector<1x16xf32>,
    %swap3A_439 = vector.shape_cast %swap3A_438 : vector<1x16xf32> to vector<16xf32>
    %swap3A_440 = vector.shape_cast %broadcast_in_dim3A_1 : vector<16xf32> to vector<1x16xf32>
    tpu.vector_store %arg5[%swap3A_436, %swap3A_437], %swap3A_440 {strides = array<i32>} : memref<128x16xf32, #tpu.memory_space<vmem>>, vector<1x16xf32>,
    %swap3A_441 = arith.constant 36 : i32
    %swap3A_442 = arith.index_cast %swap3A_441 : i32 to index
    %swap3A_443 = arith.constant 0 : index
    %swap3A_444 = tpu.vector_load %arg6[%swap3A_442, %swap3A_443] {strides = array<i32>} : memref<128x16xf32, #tpu.memory_space<vmem>>, vector<1x16xf32>,
    %swap3A_445 = vector.shape_cast %swap3A_444 : vector<1x16xf32> to vector<16xf32>
    %swap3A_446 = vector.shape_cast %broadcast_in_dim3A_3 : vector<16xf32> to vector<1x16xf32>
    tpu.vector_store %arg6[%swap3A_442, %swap3A_443], %swap3A_446 {strides = array<i32>} : memref<128x16xf32, #tpu.memory_space<vmem>>, vector<1x16xf32>,
    %swap3A_447 = arith.constant 37 : i32
    %swap3A_448 = arith.index_cast %swap3A_447 : i32 to index
    %swap3A_449 = arith.constant 0 : index
    %swap3A_450 = tpu.vector_load %arg5[%swap3A_448, %swap3A_449] {strides = array<i32>} : memref<128x16xf32, #tpu.memory_space<vmem>>, vector<1x16xf32>,
    %swap3A_451 = vector.shape_cast %swap3A_450 : vector<1x16xf32> to vector<16xf32>
    %swap3A_452 = vector.shape_cast %broadcast_in_dim3A_1 : vector<16xf32> to vector<1x16xf32>
    tpu.vector_store %arg5[%swap3A_448, %swap3A_449], %swap3A_452 {strides = array<i32>} : memref<128x16xf32, #tpu.memory_space<vmem>>, vector<1x16xf32>,
    %swap3A_453 = arith.constant 37 : i32
    %swap3A_454 = arith.index_cast %swap3A_453 : i32 to index
    %swap3A_455 = arith.constant 0 : index
    %swap3A_456 = tpu.vector_load %arg6[%swap3A_454, %swap3A_455] {strides = array<i32>} : memref<128x16xf32, #tpu.memory_space<vmem>>, vector<1x16xf32>,
    %swap3A_457 = vector.shape_cast %swap3A_456 : vector<1x16xf32> to vector<16xf32>
    %swap3A_458 = vector.shape_cast %broadcast_in_dim3A_3 : vector<16xf32> to vector<1x16xf32>
    tpu.vector_store %arg6[%swap3A_454, %swap3A_455], %swap3A_458 {strides = array<i32>} : memref<128x16xf32, #tpu.memory_space<vmem>>, vector<1x16xf32>,
    %swap3A_459 = arith.constant 38 : i32
    %swap3A_460 = arith.index_cast %swap3A_459 : i32 to index
    %swap3A_461 = arith.constant 0 : index
    %swap3A_462 = tpu.vector_load %arg5[%swap3A_460, %swap3A_461] {strides = array<i32>} : memref<128x16xf32, #tpu.memory_space<vmem>>, vector<1x16xf32>,
    %swap3A_463 = vector.shape_cast %swap3A_462 : vector<1x16xf32> to vector<16xf32>
    %swap3A_464 = vector.shape_cast %broadcast_in_dim3A_1 : vector<16xf32> to vector<1x16xf32>
    tpu.vector_store %arg5[%swap3A_460, %swap3A_461], %swap3A_464 {strides = array<i32>} : memref<128x16xf32, #tpu.memory_space<vmem>>, vector<1x16xf32>,
    %swap3A_465 = arith.constant 38 : i32
    %swap3A_466 = arith.index_cast %swap3A_465 : i32 to index
    %swap3A_467 = arith.constant 0 : index
    %swap3A_468 = tpu.vector_load %arg6[%swap3A_466, %swap3A_467] {strides = array<i32>} : memref<128x16xf32, #tpu.memory_space<vmem>>, vector<1x16xf32>,
    %swap3A_469 = vector.shape_cast %swap3A_468 : vector<1x16xf32> to vector<16xf32>
    %swap3A_470 = vector.shape_cast %broadcast_in_dim3A_3 : vector<16xf32> to vector<1x16xf32>
    tpu.vector_store %arg6[%swap3A_466, %swap3A_467], %swap3A_470 {strides = array<i32>} : memref<128x16xf32, #tpu.memory_space<vmem>>, vector<1x16xf32>,
    %swap3A_471 = arith.constant 39 : i32
    %swap3A_472 = arith.index_cast %swap3A_471 : i32 to index
    %swap3A_473 = arith.constant 0 : index
    %swap3A_474 = tpu.vector_load %arg5[%swap3A_472, %swap3A_473] {strides = array<i32>} : memref<128x16xf32, #tpu.memory_space<vmem>>, vector<1x16xf32>,
    %swap3A_475 = vector.shape_cast %swap3A_474 : vector<1x16xf32> to vector<16xf32>
    %swap3A_476 = vector.shape_cast %broadcast_in_dim3A_1 : vector<16xf32> to vector<1x16xf32>
    tpu.vector_store %arg5[%swap3A_472, %swap3A_473], %swap3A_476 {strides = array<i32>} : memref<128x16xf32, #tpu.memory_space<vmem>>, vector<1x16xf32>,
    %swap3A_477 = arith.constant 39 : i32
    %swap3A_478 = arith.index_cast %swap3A_477 : i32 to index
    %swap3A_479 = arith.constant 0 : index
    %swap3A_480 = tpu.vector_load %arg6[%swap3A_478, %swap3A_479] {strides = array<i32>} : memref<128x16xf32, #tpu.memory_space<vmem>>, vector<1x16xf32>,
    %swap3A_481 = vector.shape_cast %swap3A_480 : vector<1x16xf32> to vector<16xf32>
    %swap3A_482 = vector.shape_cast %broadcast_in_dim3A_3 : vector<16xf32> to vector<1x16xf32>
    tpu.vector_store %arg6[%swap3A_478, %swap3A_479], %swap3A_482 {strides = array<i32>} : memref<128x16xf32, #tpu.memory_space<vmem>>, vector<1x16xf32>,
    %swap3A_483 = arith.constant 40 : i32
    %swap3A_484 = arith.index_cast %swap3A_483 : i32 to index
    %swap3A_485 = arith.constant 0 : index
    %swap3A_486 = tpu.vector_load %arg5[%swap3A_484, %swap3A_485] {strides = array<i32>} : memref<128x16xf32, #tpu.memory_space<vmem>>, vector<1x16xf32>,
    %swap3A_487 = vector.shape_cast %swap3A_486 : vector<1x16xf32> to vector<16xf32>
    %swap3A_488 = vector.shape_cast %broadcast_in_dim3A_1 : vector<16xf32> to vector<1x16xf32>
    tpu.vector_store %arg5[%swap3A_484, %swap3A_485], %swap3A_488 {strides = array<i32>} : memref<128x16xf32, #tpu.memory_space<vmem>>, vector<1x16xf32>,
    %swap3A_489 = arith.constant 40 : i32
    %swap3A_490 = arith.index_cast %swap3A_489 : i32 to index
    %swap3A_491 = arith.constant 0 : index
    %swap3A_492 = tpu.vector_load %arg6[%swap3A_490, %swap3A_491] {strides = array<i32>} : memref<128x16xf32, #tpu.memory_space<vmem>>, vector<1x16xf32>,
    %swap3A_493 = vector.shape_cast %swap3A_492 : vector<1x16xf32> to vector<16xf32>
    %swap3A_494 = vector.shape_cast %broadcast_in_dim3A_3 : vector<16xf32> to vector<1x16xf32>
    tpu.vector_store %arg6[%swap3A_490, %swap3A_491], %swap3A_494 {strides = array<i32>} : memref<128x16xf32, #tpu.memory_space<vmem>>, vector<1x16xf32>,
    %swap3A_495 = arith.constant 41 : i32
    %swap3A_496 = arith.index_cast %swap3A_495 : i32 to index
    %swap3A_497 = arith.constant 0 : index
    %swap3A_498 = tpu.vector_load %arg5[%swap3A_496, %swap3A_497] {strides = array<i32>} : memref<128x16xf32, #tpu.memory_space<vmem>>, vector<1x16xf32>,
    %swap3A_499 = vector.shape_cast %swap3A_498 : vector<1x16xf32> to vector<16xf32>
    %swap3A_500 = vector.shape_cast %broadcast_in_dim3A_1 : vector<16xf32> to vector<1x16xf32>
    tpu.vector_store %arg5[%swap3A_496, %swap3A_497], %swap3A_500 {strides = array<i32>} : memref<128x16xf32, #tpu.memory_space<vmem>>, vector<1x16xf32>,
    %swap3A_501 = arith.constant 41 : i32
    %swap3A_502 = arith.index_cast %swap3A_501 : i32 to index
    %swap3A_503 = arith.constant 0 : index
    %swap3A_504 = tpu.vector_load %arg6[%swap3A_502, %swap3A_503] {strides = array<i32>} : memref<128x16xf32, #tpu.memory_space<vmem>>, vector<1x16xf32>,
    %swap3A_505 = vector.shape_cast %swap3A_504 : vector<1x16xf32> to vector<16xf32>
    %swap3A_506 = vector.shape_cast %broadcast_in_dim3A_3 : vector<16xf32> to vector<1x16xf32>
    tpu.vector_store %arg6[%swap3A_502, %swap3A_503], %swap3A_506 {strides = array<i32>} : memref<128x16xf32, #tpu.memory_space<vmem>>, vector<1x16xf32>,
    %swap3A_507 = arith.constant 42 : i32
    %swap3A_508 = arith.index_cast %swap3A_507 : i32 to index
    %swap3A_509 = arith.constant 0 : index
    %swap3A_510 = tpu.vector_load %arg5[%swap3A_508, %swap3A_509] {strides = array<i32>} : memref<128x16xf32, #tpu.memory_space<vmem>>, vector<1x16xf32>,
    %swap3A_511 = vector.shape_cast %swap3A_510 : vector<1x16xf32> to vector<16xf32>
    %swap3A_512 = vector.shape_cast %broadcast_in_dim3A_1 : vector<16xf32> to vector<1x16xf32>
    tpu.vector_store %arg5[%swap3A_508, %swap3A_509], %swap3A_512 {strides = array<i32>} : memref<128x16xf32, #tpu.memory_space<vmem>>, vector<1x16xf32>,
    %swap3A_513 = arith.constant 42 : i32
    %swap3A_514 = arith.index_cast %swap3A_513 : i32 to index
    %swap3A_515 = arith.constant 0 : index
    %swap3A_516 = tpu.vector_load %arg6[%swap3A_514, %swap3A_515] {strides = array<i32>} : memref<128x16xf32, #tpu.memory_space<vmem>>, vector<1x16xf32>,
    %swap3A_517 = vector.shape_cast %swap3A_516 : vector<1x16xf32> to vector<16xf32>
    %swap3A_518 = vector.shape_cast %broadcast_in_dim3A_3 : vector<16xf32> to vector<1x16xf32>
    tpu.vector_store %arg6[%swap3A_514, %swap3A_515], %swap3A_518 {strides = array<i32>} : memref<128x16xf32, #tpu.memory_space<vmem>>, vector<1x16xf32>,
    %swap3A_519 = arith.constant 43 : i32
    %swap3A_520 = arith.index_cast %swap3A_519 : i32 to index
    %swap3A_521 = arith.constant 0 : index
    %swap3A_522 = tpu.vector_load %arg5[%swap3A_520, %swap3A_521] {strides = array<i32>} : memref<128x16xf32, #tpu.memory_space<vmem>>, vector<1x16xf32>,
    %swap3A_523 = vector.shape_cast %swap3A_522 : vector<1x16xf32> to vector<16xf32>
    %swap3A_524 = vector.shape_cast %broadcast_in_dim3A_1 : vector<16xf32> to vector<1x16xf32>
    tpu.vector_store %arg5[%swap3A_520, %swap3A_521], %swap3A_524 {strides = array<i32>} : memref<128x16xf32, #tpu.memory_space<vmem>>, vector<1x16xf32>,
    %swap3A_525 = arith.constant 43 : i32
    %swap3A_526 = arith.index_cast %swap3A_525 : i32 to index
    %swap3A_527 = arith.constant 0 : index
    %swap3A_528 = tpu.vector_load %arg6[%swap3A_526, %swap3A_527] {strides = array<i32>} : memref<128x16xf32, #tpu.memory_space<vmem>>, vector<1x16xf32>,
    %swap3A_529 = vector.shape_cast %swap3A_528 : vector<1x16xf32> to vector<16xf32>
    %swap3A_530 = vector.shape_cast %broadcast_in_dim3A_3 : vector<16xf32> to vector<1x16xf32>
    tpu.vector_store %arg6[%swap3A_526, %swap3A_527], %swap3A_530 {strides = array<i32>} : memref<128x16xf32, #tpu.memory_space<vmem>>, vector<1x16xf32>,
    %swap3A_531 = arith.constant 44 : i32
    %swap3A_532 = arith.index_cast %swap3A_531 : i32 to index
    %swap3A_533 = arith.constant 0 : index
    %swap3A_534 = tpu.vector_load %arg5[%swap3A_532, %swap3A_533] {strides = array<i32>} : memref<128x16xf32, #tpu.memory_space<vmem>>, vector<1x16xf32>,
    %swap3A_535 = vector.shape_cast %swap3A_534 : vector<1x16xf32> to vector<16xf32>
    %swap3A_536 = vector.shape_cast %broadcast_in_dim3A_1 : vector<16xf32> to vector<1x16xf32>
    tpu.vector_store %arg5[%swap3A_532, %swap3A_533], %swap3A_536 {strides = array<i32>} : memref<128x16xf32, #tpu.memory_space<vmem>>, vector<1x16xf32>,
    %swap3A_537 = arith.constant 44 : i32
    %swap3A_538 = arith.index_cast %swap3A_537 : i32 to index
    %swap3A_539 = arith.constant 0 : index
    %swap3A_540 = tpu.vector_load %arg6[%swap3A_538, %swap3A_539] {strides = array<i32>} : memref<128x16xf32, #tpu.memory_space<vmem>>, vector<1x16xf32>,
    %swap3A_541 = vector.shape_cast %swap3A_540 : vector<1x16xf32> to vector<16xf32>
    %swap3A_542 = vector.shape_cast %broadcast_in_dim3A_3 : vector<16xf32> to vector<1x16xf32>
    tpu.vector_store %arg6[%swap3A_538, %swap3A_539], %swap3A_542 {strides = array<i32>} : memref<128x16xf32, #tpu.memory_space<vmem>>, vector<1x16xf32>,
    %swap3A_543 = arith.constant 45 : i32
    %swap3A_544 = arith.index_cast %swap3A_543 : i32 to index
    %swap3A_545 = arith.constant 0 : index
    %swap3A_546 = tpu.vector_load %arg5[%swap3A_544, %swap3A_545] {strides = array<i32>} : memref<128x16xf32, #tpu.memory_space<vmem>>, vector<1x16xf32>,
    %swap3A_547 = vector.shape_cast %swap3A_546 : vector<1x16xf32> to vector<16xf32>
    %swap3A_548 = vector.shape_cast %broadcast_in_dim3A_1 : vector<16xf32> to vector<1x16xf32>
    tpu.vector_store %arg5[%swap3A_544, %swap3A_545], %swap3A_548 {strides = array<i32>} : memref<128x16xf32, #tpu.memory_space<vmem>>, vector<1x16xf32>,
    %swap3A_549 = arith.constant 45 : i32
    %swap3A_550 = arith.index_cast %swap3A_549 : i32 to index
    %swap3A_551 = arith.constant 0 : index
    %swap3A_552 = tpu.vector_load %arg6[%swap3A_550, %swap3A_551] {strides = array<i32>} : memref<128x16xf32, #tpu.memory_space<vmem>>, vector<1x16xf32>,
    %swap3A_553 = vector.shape_cast %swap3A_552 : vector<1x16xf32> to vector<16xf32>
    %swap3A_554 = vector.shape_cast %broadcast_in_dim3A_3 : vector<16xf32> to vector<1x16xf32>
    tpu.vector_store %arg6[%swap3A_550, %swap3A_551], %swap3A_554 {strides = array<i32>} : memref<128x16xf32, #tpu.memory_space<vmem>>, vector<1x16xf32>,
    %swap3A_555 = arith.constant 46 : i32
    %swap3A_556 = arith.index_cast %swap3A_555 : i32 to index
    %swap3A_557 = arith.constant 0 : index
    %swap3A_558 = tpu.vector_load %arg5[%swap3A_556, %swap3A_557] {strides = array<i32>} : memref<128x16xf32, #tpu.memory_space<vmem>>, vector<1x16xf32>,
    %swap3A_559 = vector.shape_cast %swap3A_558 : vector<1x16xf32> to vector<16xf32>
    %swap3A_560 = vector.shape_cast %broadcast_in_dim3A_1 : vector<16xf32> to vector<1x16xf32>
    tpu.vector_store %arg5[%swap3A_556, %swap3A_557], %swap3A_560 {strides = array<i32>} : memref<128x16xf32, #tpu.memory_space<vmem>>, vector<1x16xf32>,
    %swap3A_561 = arith.constant 46 : i32
    %swap3A_562 = arith.index_cast %swap3A_561 : i32 to index
    %swap3A_563 = arith.constant 0 : index
    %swap3A_564 = tpu.vector_load %arg6[%swap3A_562, %swap3A_563] {strides = array<i32>} : memref<128x16xf32, #tpu.memory_space<vmem>>, vector<1x16xf32>,
    %swap3A_565 = vector.shape_cast %swap3A_564 : vector<1x16xf32> to vector<16xf32>
    %swap3A_566 = vector.shape_cast %broadcast_in_dim3A_3 : vector<16xf32> to vector<1x16xf32>
    tpu.vector_store %arg6[%swap3A_562, %swap3A_563], %swap3A_566 {strides = array<i32>} : memref<128x16xf32, #tpu.memory_space<vmem>>, vector<1x16xf32>,
    %swap3A_567 = arith.constant 47 : i32
    %swap3A_568 = arith.index_cast %swap3A_567 : i32 to index
    %swap3A_569 = arith.constant 0 : index
    %swap3A_570 = tpu.vector_load %arg5[%swap3A_568, %swap3A_569] {strides = array<i32>} : memref<128x16xf32, #tpu.memory_space<vmem>>, vector<1x16xf32>,
    %swap3A_571 = vector.shape_cast %swap3A_570 : vector<1x16xf32> to vector<16xf32>
    %swap3A_572 = vector.shape_cast %broadcast_in_dim3A_1 : vector<16xf32> to vector<1x16xf32>
    tpu.vector_store %arg5[%swap3A_568, %swap3A_569], %swap3A_572 {strides = array<i32>} : memref<128x16xf32, #tpu.memory_space<vmem>>, vector<1x16xf32>,
    %swap3A_573 = arith.constant 47 : i32
    %swap3A_574 = arith.index_cast %swap3A_573 : i32 to index
    %swap3A_575 = arith.constant 0 : index
    %swap3A_576 = tpu.vector_load %arg6[%swap3A_574, %swap3A_575] {strides = array<i32>} : memref<128x16xf32, #tpu.memory_space<vmem>>, vector<1x16xf32>,
    %swap3A_577 = vector.shape_cast %swap3A_576 : vector<1x16xf32> to vector<16xf32>
    %swap3A_578 = vector.shape_cast %broadcast_in_dim3A_3 : vector<16xf32> to vector<1x16xf32>
    tpu.vector_store %arg6[%swap3A_574, %swap3A_575], %swap3A_578 {strides = array<i32>} : memref<128x16xf32, #tpu.memory_space<vmem>>, vector<1x16xf32>,
    %swap3A_579 = arith.constant 48 : i32
    %swap3A_580 = arith.index_cast %swap3A_579 : i32 to index
    %swap3A_581 = arith.constant 0 : index
    %swap3A_582 = tpu.vector_load %arg5[%swap3A_580, %swap3A_581] {strides = array<i32>} : memref<128x16xf32, #tpu.memory_space<vmem>>, vector<1x16xf32>,
    %swap3A_583 = vector.shape_cast %swap3A_582 : vector<1x16xf32> to vector<16xf32>
    %swap3A_584 = vector.shape_cast %broadcast_in_dim3A_1 : vector<16xf32> to vector<1x16xf32>
    tpu.vector_store %arg5[%swap3A_580, %swap3A_581], %swap3A_584 {strides = array<i32>} : memref<128x16xf32, #tpu.memory_space<vmem>>, vector<1x16xf32>,
    %swap3A_585 = arith.constant 48 : i32
    %swap3A_586 = arith.index_cast %swap3A_585 : i32 to index
    %swap3A_587 = arith.constant 0 : index
    %swap3A_588 = tpu.vector_load %arg6[%swap3A_586, %swap3A_587] {strides = array<i32>} : memref<128x16xf32, #tpu.memory_space<vmem>>, vector<1x16xf32>,
    %swap3A_589 = vector.shape_cast %swap3A_588 : vector<1x16xf32> to vector<16xf32>
    %swap3A_590 = vector.shape_cast %broadcast_in_dim3A_3 : vector<16xf32> to vector<1x16xf32>
    tpu.vector_store %arg6[%swap3A_586, %swap3A_587], %swap3A_590 {strides = array<i32>} : memref<128x16xf32, #tpu.memory_space<vmem>>, vector<1x16xf32>,
    %swap3A_591 = arith.constant 49 : i32
    %swap3A_592 = arith.index_cast %swap3A_591 : i32 to index
    %swap3A_593 = arith.constant 0 : index
    %swap3A_594 = tpu.vector_load %arg5[%swap3A_592, %swap3A_593] {strides = array<i32>} : memref<128x16xf32, #tpu.memory_space<vmem>>, vector<1x16xf32>,
    %swap3A_595 = vector.shape_cast %swap3A_594 : vector<1x16xf32> to vector<16xf32>
    %swap3A_596 = vector.shape_cast %broadcast_in_dim3A_1 : vector<16xf32> to vector<1x16xf32>
    tpu.vector_store %arg5[%swap3A_592, %swap3A_593], %swap3A_596 {strides = array<i32>} : memref<128x16xf32, #tpu.memory_space<vmem>>, vector<1x16xf32>,
    %swap3A_597 = arith.constant 49 : i32
    %swap3A_598 = arith.index_cast %swap3A_597 : i32 to index
    %swap3A_599 = arith.constant 0 : index
    %swap3A_600 = tpu.vector_load %arg6[%swap3A_598, %swap3A_599] {strides = array<i32>} : memref<128x16xf32, #tpu.memory_space<vmem>>, vector<1x16xf32>,
    %swap3A_601 = vector.shape_cast %swap3A_600 : vector<1x16xf32> to vector<16xf32>
    %swap3A_602 = vector.shape_cast %broadcast_in_dim3A_3 : vector<16xf32> to vector<1x16xf32>
    tpu.vector_store %arg6[%swap3A_598, %swap3A_599], %swap3A_602 {strides = array<i32>} : memref<128x16xf32, #tpu.memory_space<vmem>>, vector<1x16xf32>,
    %swap3A_603 = arith.constant 50 : i32
    %swap3A_604 = arith.index_cast %swap3A_603 : i32 to index
    %swap3A_605 = arith.constant 0 : index
    %swap3A_606 = tpu.vector_load %arg5[%swap3A_604, %swap3A_605] {strides = array<i32>} : memref<128x16xf32, #tpu.memory_space<vmem>>, vector<1x16xf32>,
    %swap3A_607 = vector.shape_cast %swap3A_606 : vector<1x16xf32> to vector<16xf32>
    %swap3A_608 = vector.shape_cast %broadcast_in_dim3A_1 : vector<16xf32> to vector<1x16xf32>
    tpu.vector_store %arg5[%swap3A_604, %swap3A_605], %swap3A_608 {strides = array<i32>} : memref<128x16xf32, #tpu.memory_space<vmem>>, vector<1x16xf32>,
    %swap3A_609 = arith.constant 50 : i32
    %swap3A_610 = arith.index_cast %swap3A_609 : i32 to index
    %swap3A_611 = arith.constant 0 : index
    %swap3A_612 = tpu.vector_load %arg6[%swap3A_610, %swap3A_611] {strides = array<i32>} : memref<128x16xf32, #tpu.memory_space<vmem>>, vector<1x16xf32>,
    %swap3A_613 = vector.shape_cast %swap3A_612 : vector<1x16xf32> to vector<16xf32>
    %swap3A_614 = vector.shape_cast %broadcast_in_dim3A_3 : vector<16xf32> to vector<1x16xf32>
    tpu.vector_store %arg6[%swap3A_610, %swap3A_611], %swap3A_614 {strides = array<i32>} : memref<128x16xf32, #tpu.memory_space<vmem>>, vector<1x16xf32>,
    %swap3A_615 = arith.constant 51 : i32
    %swap3A_616 = arith.index_cast %swap3A_615 : i32 to index
    %swap3A_617 = arith.constant 0 : index
    %swap3A_618 = tpu.vector_load %arg5[%swap3A_616, %swap3A_617] {strides = array<i32>} : memref<128x16xf32, #tpu.memory_space<vmem>>, vector<1x16xf32>,
    %swap3A_619 = vector.shape_cast %swap3A_618 : vector<1x16xf32> to vector<16xf32>
    %swap3A_620 = vector.shape_cast %broadcast_in_dim3A_1 : vector<16xf32> to vector<1x16xf32>
    tpu.vector_store %arg5[%swap3A_616, %swap3A_617], %swap3A_620 {strides = array<i32>} : memref<128x16xf32, #tpu.memory_space<vmem>>, vector<1x16xf32>,
    %swap3A_621 = arith.constant 51 : i32
    %swap3A_622 = arith.index_cast %swap3A_621 : i32 to index
    %swap3A_623 = arith.constant 0 : index
    %swap3A_624 = tpu.vector_load %arg6[%swap3A_622, %swap3A_623] {strides = array<i32>} : memref<128x16xf32, #tpu.memory_space<vmem>>, vector<1x16xf32>,
    %swap3A_625 = vector.shape_cast %swap3A_624 : vector<1x16xf32> to vector<16xf32>
    %swap3A_626 = vector.shape_cast %broadcast_in_dim3A_3 : vector<16xf32> to vector<1x16xf32>
    tpu.vector_store %arg6[%swap3A_622, %swap3A_623], %swap3A_626 {strides = array<i32>} : memref<128x16xf32, #tpu.memory_space<vmem>>, vector<1x16xf32>,
    %swap3A_627 = arith.constant 52 : i32
    %swap3A_628 = arith.index_cast %swap3A_627 : i32 to index
    %swap3A_629 = arith.constant 0 : index
    %swap3A_630 = tpu.vector_load %arg5[%swap3A_628, %swap3A_629] {strides = array<i32>} : memref<128x16xf32, #tpu.memory_space<vmem>>, vector<1x16xf32>,
    %swap3A_631 = vector.shape_cast %swap3A_630 : vector<1x16xf32> to vector<16xf32>
    %swap3A_632 = vector.shape_cast %broadcast_in_dim3A_1 : vector<16xf32> to vector<1x16xf32>
    tpu.vector_store %arg5[%swap3A_628, %swap3A_629], %swap3A_632 {strides = array<i32>} : memref<128x16xf32, #tpu.memory_space<vmem>>, vector<1x16xf32>,
    %swap3A_633 = arith.constant 52 : i32
    %swap3A_634 = arith.index_cast %swap3A_633 : i32 to index
    %swap3A_635 = arith.constant 0 : index
    %swap3A_636 = tpu.vector_load %arg6[%swap3A_634, %swap3A_635] {strides = array<i32>} : memref<128x16xf32, #tpu.memory_space<vmem>>, vector<1x16xf32>,
    %swap3A_637 = vector.shape_cast %swap3A_636 : vector<1x16xf32> to vector<16xf32>
    %swap3A_638 = vector.shape_cast %broadcast_in_dim3A_3 : vector<16xf32> to vector<1x16xf32>
    tpu.vector_store %arg6[%swap3A_634, %swap3A_635], %swap3A_638 {strides = array<i32>} : memref<128x16xf32, #tpu.memory_space<vmem>>, vector<1x16xf32>,
    %swap3A_639 = arith.constant 53 : i32
    %swap3A_640 = arith.index_cast %swap3A_639 : i32 to index
    %swap3A_641 = arith.constant 0 : index
    %swap3A_642 = tpu.vector_load %arg5[%swap3A_640, %swap3A_641] {strides = array<i32>} : memref<128x16xf32, #tpu.memory_space<vmem>>, vector<1x16xf32>,
    %swap3A_643 = vector.shape_cast %swap3A_642 : vector<1x16xf32> to vector<16xf32>
    %swap3A_644 = vector.shape_cast %broadcast_in_dim3A_1 : vector<16xf32> to vector<1x16xf32>
    tpu.vector_store %arg5[%swap3A_640, %swap3A_641], %swap3A_644 {strides = array<i32>} : memref<128x16xf32, #tpu.memory_space<vmem>>, vector<1x16xf32>,
    %swap3A_645 = arith.constant 53 : i32
    %swap3A_646 = arith.index_cast %swap3A_645 : i32 to index
    %swap3A_647 = arith.constant 0 : index
    %swap3A_648 = tpu.vector_load %arg6[%swap3A_646, %swap3A_647] {strides = array<i32>} : memref<128x16xf32, #tpu.memory_space<vmem>>, vector<1x16xf32>,
    %swap3A_649 = vector.shape_cast %swap3A_648 : vector<1x16xf32> to vector<16xf32>
    %swap3A_650 = vector.shape_cast %broadcast_in_dim3A_3 : vector<16xf32> to vector<1x16xf32>
    tpu.vector_store %arg6[%swap3A_646, %swap3A_647], %swap3A_650 {strides = array<i32>} : memref<128x16xf32, #tpu.memory_space<vmem>>, vector<1x16xf32>,
    %swap3A_651 = arith.constant 54 : i32
    %swap3A_652 = arith.index_cast %swap3A_651 : i32 to index
    %swap3A_653 = arith.constant 0 : index
    %swap3A_654 = tpu.vector_load %arg5[%swap3A_652, %swap3A_653] {strides = array<i32>} : memref<128x16xf32, #tpu.memory_space<vmem>>, vector<1x16xf32>,
    %swap3A_655 = vector.shape_cast %swap3A_654 : vector<1x16xf32> to vector<16xf32>
    %swap3A_656 = vector.shape_cast %broadcast_in_dim3A_1 : vector<16xf32> to vector<1x16xf32>
    tpu.vector_store %arg5[%swap3A_652, %swap3A_653], %swap3A_656 {strides = array<i32>} : memref<128x16xf32, #tpu.memory_space<vmem>>, vector<1x16xf32>,
    %swap3A_657 = arith.constant 54 : i32
    %swap3A_658 = arith.index_cast %swap3A_657 : i32 to index
    %swap3A_659 = arith.constant 0 : index
    %swap3A_660 = tpu.vector_load %arg6[%swap3A_658, %swap3A_659] {strides = array<i32>} : memref<128x16xf32, #tpu.memory_space<vmem>>, vector<1x16xf32>,
    %swap3A_661 = vector.shape_cast %swap3A_660 : vector<1x16xf32> to vector<16xf32>
    %swap3A_662 = vector.shape_cast %broadcast_in_dim3A_3 : vector<16xf32> to vector<1x16xf32>
    tpu.vector_store %arg6[%swap3A_658, %swap3A_659], %swap3A_662 {strides = array<i32>} : memref<128x16xf32, #tpu.memory_space<vmem>>, vector<1x16xf32>,
    %swap3A_663 = arith.constant 55 : i32
    %swap3A_664 = arith.index_cast %swap3A_663 : i32 to index
    %swap3A_665 = arith.constant 0 : index
    %swap3A_666 = tpu.vector_load %arg5[%swap3A_664, %swap3A_665] {strides = array<i32>} : memref<128x16xf32, #tpu.memory_space<vmem>>, vector<1x16xf32>,
    %swap3A_667 = vector.shape_cast %swap3A_666 : vector<1x16xf32> to vector<16xf32>
    %swap3A_668 = vector.shape_cast %broadcast_in_dim3A_1 : vector<16xf32> to vector<1x16xf32>
    tpu.vector_store %arg5[%swap3A_664, %swap3A_665], %swap3A_668 {strides = array<i32>} : memref<128x16xf32, #tpu.memory_space<vmem>>, vector<1x16xf32>,
    %swap3A_669 = arith.constant 55 : i32
    %swap3A_670 = arith.index_cast %swap3A_669 : i32 to index
    %swap3A_671 = arith.constant 0 : index
    %swap3A_672 = tpu.vector_load %arg6[%swap3A_670, %swap3A_671] {strides = array<i32>} : memref<128x16xf32, #tpu.memory_space<vmem>>, vector<1x16xf32>,
    %swap3A_673 = vector.shape_cast %swap3A_672 : vector<1x16xf32> to vector<16xf32>
    %swap3A_674 = vector.shape_cast %broadcast_in_dim3A_3 : vector<16xf32> to vector<1x16xf32>
    tpu.vector_store %arg6[%swap3A_670, %swap3A_671], %swap3A_674 {strides = array<i32>} : memref<128x16xf32, #tpu.memory_space<vmem>>, vector<1x16xf32>,
    %swap3A_675 = arith.constant 56 : i32
    %swap3A_676 = arith.index_cast %swap3A_675 : i32 to index
    %swap3A_677 = arith.constant 0 : index
    %swap3A_678 = tpu.vector_load %arg5[%swap3A_676, %swap3A_677] {strides = array<i32>} : memref<128x16xf32, #tpu.memory_space<vmem>>, vector<1x16xf32>,
    %swap3A_679 = vector.shape_cast %swap3A_678 : vector<1x16xf32> to vector<16xf32>
    %swap3A_680 = vector.shape_cast %broadcast_in_dim3A_1 : vector<16xf32> to vector<1x16xf32>
    tpu.vector_store %arg5[%swap3A_676, %swap3A_677], %swap3A_680 {strides = array<i32>} : memref<128x16xf32, #tpu.memory_space<vmem>>, vector<1x16xf32>,
    %swap3A_681 = arith.constant 56 : i32
    %swap3A_682 = arith.index_cast %swap3A_681 : i32 to index
    %swap3A_683 = arith.constant 0 : index
    %swap3A_684 = tpu.vector_load %arg6[%swap3A_682, %swap3A_683] {strides = array<i32>} : memref<128x16xf32, #tpu.memory_space<vmem>>, vector<1x16xf32>,
    %swap3A_685 = vector.shape_cast %swap3A_684 : vector<1x16xf32> to vector<16xf32>
    %swap3A_686 = vector.shape_cast %broadcast_in_dim3A_3 : vector<16xf32> to vector<1x16xf32>
    tpu.vector_store %arg6[%swap3A_682, %swap3A_683], %swap3A_686 {strides = array<i32>} : memref<128x16xf32, #tpu.memory_space<vmem>>, vector<1x16xf32>,
    %swap3A_687 = arith.constant 57 : i32
    %swap3A_688 = arith.index_cast %swap3A_687 : i32 to index
    %swap3A_689 = arith.constant 0 : index
    %swap3A_690 = tpu.vector_load %arg5[%swap3A_688, %swap3A_689] {strides = array<i32>} : memref<128x16xf32, #tpu.memory_space<vmem>>, vector<1x16xf32>,
    %swap3A_691 = vector.shape_cast %swap3A_690 : vector<1x16xf32> to vector<16xf32>
    %swap3A_692 = vector.shape_cast %broadcast_in_dim3A_1 : vector<16xf32> to vector<1x16xf32>
    tpu.vector_store %arg5[%swap3A_688, %swap3A_689], %swap3A_692 {strides = array<i32>} : memref<128x16xf32, #tpu.memory_space<vmem>>, vector<1x16xf32>,
    %swap3A_693 = arith.constant 57 : i32
    %swap3A_694 = arith.index_cast %swap3A_693 : i32 to index
    %swap3A_695 = arith.constant 0 : index
    %swap3A_696 = tpu.vector_load %arg6[%swap3A_694, %swap3A_695] {strides = array<i32>} : memref<128x16xf32, #tpu.memory_space<vmem>>, vector<1x16xf32>,
    %swap3A_697 = vector.shape_cast %swap3A_696 : vector<1x16xf32> to vector<16xf32>
    %swap3A_698 = vector.shape_cast %broadcast_in_dim3A_3 : vector<16xf32> to vector<1x16xf32>
    tpu.vector_store %arg6[%swap3A_694, %swap3A_695], %swap3A_698 {strides = array<i32>} : memref<128x16xf32, #tpu.memory_space<vmem>>, vector<1x16xf32>,
    %swap3A_699 = arith.constant 58 : i32
    %swap3A_700 = arith.index_cast %swap3A_699 : i32 to index
    %swap3A_701 = arith.constant 0 : index
    %swap3A_702 = tpu.vector_load %arg5[%swap3A_700, %swap3A_701] {strides = array<i32>} : memref<128x16xf32, #tpu.memory_space<vmem>>, vector<1x16xf32>,
    %swap3A_703 = vector.shape_cast %swap3A_702 : vector<1x16xf32> to vector<16xf32>
    %swap3A_704 = vector.shape_cast %broadcast_in_dim3A_1 : vector<16xf32> to vector<1x16xf32>
    tpu.vector_store %arg5[%swap3A_700, %swap3A_701], %swap3A_704 {strides = array<i32>} : memref<128x16xf32, #tpu.memory_space<vmem>>, vector<1x16xf32>,
    %swap3A_705 = arith.constant 58 : i32
    %swap3A_706 = arith.index_cast %swap3A_705 : i32 to index
    %swap3A_707 = arith.constant 0 : index
    %swap3A_708 = tpu.vector_load %arg6[%swap3A_706, %swap3A_707] {strides = array<i32>} : memref<128x16xf32, #tpu.memory_space<vmem>>, vector<1x16xf32>,
    %swap3A_709 = vector.shape_cast %swap3A_708 : vector<1x16xf32> to vector<16xf32>
    %swap3A_710 = vector.shape_cast %broadcast_in_dim3A_3 : vector<16xf32> to vector<1x16xf32>
    tpu.vector_store %arg6[%swap3A_706, %swap3A_707], %swap3A_710 {strides = array<i32>} : memref<128x16xf32, #tpu.memory_space<vmem>>, vector<1x16xf32>,
    %swap3A_711 = arith.constant 59 : i32
    %swap3A_712 = arith.index_cast %swap3A_711 : i32 to index
    %swap3A_713 = arith.constant 0 : index
    %swap3A_714 = tpu.vector_load %arg5[%swap3A_712, %swap3A_713] {strides = array<i32>} : memref<128x16xf32, #tpu.memory_space<vmem>>, vector<1x16xf32>,
    %swap3A_715 = vector.shape_cast %swap3A_714 : vector<1x16xf32> to vector<16xf32>
    %swap3A_716 = vector.shape_cast %broadcast_in_dim3A_1 : vector<16xf32> to vector<1x16xf32>
    tpu.vector_store %arg5[%swap3A_712, %swap3A_713], %swap3A_716 {strides = array<i32>} : memref<128x16xf32, #tpu.memory_space<vmem>>, vector<1x16xf32>,
    %swap3A_717 = arith.constant 59 : i32
    %swap3A_718 = arith.index_cast %swap3A_717 : i32 to index
    %swap3A_719 = arith.constant 0 : index
    %swap3A_720 = tpu.vector_load %arg6[%swap3A_718, %swap3A_719] {strides = array<i32>} : memref<128x16xf32, #tpu.memory_space<vmem>>, vector<1x16xf32>,
    %swap3A_721 = vector.shape_cast %swap3A_720 : vector<1x16xf32> to vector<16xf32>
    %swap3A_722 = vector.shape_cast %broadcast_in_dim3A_3 : vector<16xf32> to vector<1x16xf32>
    tpu.vector_store %arg6[%swap3A_718, %swap3A_719], %swap3A_722 {strides = array<i32>} : memref<128x16xf32, #tpu.memory_space<vmem>>, vector<1x16xf32>,
    %swap3A_723 = arith.constant 60 : i32
    %swap3A_724 = arith.index_cast %swap3A_723 : i32 to index
    %swap3A_725 = arith.constant 0 : index
    %swap3A_726 = tpu.vector_load %arg5[%swap3A_724, %swap3A_725] {strides = array<i32>} : memref<128x16xf32, #tpu.memory_space<vmem>>, vector<1x16xf32>,
    %swap3A_727 = vector.shape_cast %swap3A_726 : vector<1x16xf32> to vector<16xf32>
    %swap3A_728 = vector.shape_cast %broadcast_in_dim3A_1 : vector<16xf32> to vector<1x16xf32>
    tpu.vector_store %arg5[%swap3A_724, %swap3A_725], %swap3A_728 {strides = array<i32>} : memref<128x16xf32, #tpu.memory_space<vmem>>, vector<1x16xf32>,
    %swap3A_729 = arith.constant 60 : i32
    %swap3A_730 = arith.index_cast %swap3A_729 : i32 to index
    %swap3A_731 = arith.constant 0 : index
    %swap3A_732 = tpu.vector_load %arg6[%swap3A_730, %swap3A_731] {strides = array<i32>} : memref<128x16xf32, #tpu.memory_space<vmem>>, vector<1x16xf32>,
    %swap3A_733 = vector.shape_cast %swap3A_732 : vector<1x16xf32> to vector<16xf32>
    %swap3A_734 = vector.shape_cast %broadcast_in_dim3A_3 : vector<16xf32> to vector<1x16xf32>
    tpu.vector_store %arg6[%swap3A_730, %swap3A_731], %swap3A_734 {strides = array<i32>} : memref<128x16xf32, #tpu.memory_space<vmem>>, vector<1x16xf32>,
    %swap3A_735 = arith.constant 61 : i32
    %swap3A_736 = arith.index_cast %swap3A_735 : i32 to index
    %swap3A_737 = arith.constant 0 : index
    %swap3A_738 = tpu.vector_load %arg5[%swap3A_736, %swap3A_737] {strides = array<i32>} : memref<128x16xf32, #tpu.memory_space<vmem>>, vector<1x16xf32>,
    %swap3A_739 = vector.shape_cast %swap3A_738 : vector<1x16xf32> to vector<16xf32>
    %swap3A_740 = vector.shape_cast %broadcast_in_dim3A_1 : vector<16xf32> to vector<1x16xf32>
    tpu.vector_store %arg5[%swap3A_736, %swap3A_737], %swap3A_740 {strides = array<i32>} : memref<128x16xf32, #tpu.memory_space<vmem>>, vector<1x16xf32>,
    %swap3A_741 = arith.constant 61 : i32
    %swap3A_742 = arith.index_cast %swap3A_741 : i32 to index
    %swap3A_743 = arith.constant 0 : index
    %swap3A_744 = tpu.vector_load %arg6[%swap3A_742, %swap3A_743] {strides = array<i32>} : memref<128x16xf32, #tpu.memory_space<vmem>>, vector<1x16xf32>,
    %swap3A_745 = vector.shape_cast %swap3A_744 : vector<1x16xf32> to vector<16xf32>
    %swap3A_746 = vector.shape_cast %broadcast_in_dim3A_3 : vector<16xf32> to vector<1x16xf32>
    tpu.vector_store %arg6[%swap3A_742, %swap3A_743], %swap3A_746 {strides = array<i32>} : memref<128x16xf32, #tpu.memory_space<vmem>>, vector<1x16xf32>,
    %swap3A_747 = arith.constant 62 : i32
    %swap3A_748 = arith.index_cast %swap3A_747 : i32 to index
    %swap3A_749 = arith.constant 0 : index
    %swap3A_750 = tpu.vector_load %arg5[%swap3A_748, %swap3A_749] {strides = array<i32>} : memref<128x16xf32, #tpu.memory_space<vmem>>, vector<1x16xf32>,
    %swap3A_751 = vector.shape_cast %swap3A_750 : vector<1x16xf32> to vector<16xf32>
    %swap3A_752 = vector.shape_cast %broadcast_in_dim3A_1 : vector<16xf32> to vector<1x16xf32>
    tpu.vector_store %arg5[%swap3A_748, %swap3A_749], %swap3A_752 {strides = array<i32>} : memref<128x16xf32, #tpu.memory_space<vmem>>, vector<1x16xf32>,
    %swap3A_753 = arith.constant 62 : i32
    %swap3A_754 = arith.index_cast %swap3A_753 : i32 to index
    %swap3A_755 = arith.constant 0 : index
    %swap3A_756 = tpu.vector_load %arg6[%swap3A_754, %swap3A_755] {strides = array<i32>} : memref<128x16xf32, #tpu.memory_space<vmem>>, vector<1x16xf32>,
    %swap3A_757 = vector.shape_cast %swap3A_756 : vector<1x16xf32> to vector<16xf32>
    %swap3A_758 = vector.shape_cast %broadcast_in_dim3A_3 : vector<16xf32> to vector<1x16xf32>
    tpu.vector_store %arg6[%swap3A_754, %swap3A_755], %swap3A_758 {strides = array<i32>} : memref<128x16xf32, #tpu.memory_space<vmem>>, vector<1x16xf32>,
    %swap3A_759 = arith.constant 63 : i32
    %swap3A_760 = arith.index_cast %swap3A_759 : i32 to index
    %swap3A_761 = arith.constant 0 : index
    %swap3A_762 = tpu.vector_load %arg5[%swap3A_760, %swap3A_761] {strides = array<i32>} : memref<128x16xf32, #tpu.memory_space<vmem>>, vector<1x16xf32>,
    %swap3A_763 = vector.shape_cast %swap3A_762 : vector<1x16xf32> to vector<16xf32>
    %swap3A_764 = vector.shape_cast %broadcast_in_dim3A_1 : vector<16xf32> to vector<1x16xf32>
    tpu.vector_store %arg5[%swap3A_760, %swap3A_761], %swap3A_764 {strides = array<i32>} : memref<128x16xf32, #tpu.memory_space<vmem>>, vector<1x16xf32>,
    %swap3A_765 = arith.constant 63 : i32
    %swap3A_766 = arith.index_cast %swap3A_765 : i32 to index
    %swap3A_767 = arith.constant 0 : index
    %swap3A_768 = tpu.vector_load %arg6[%swap3A_766, %swap3A_767] {strides = array<i32>} : memref<128x16xf32, #tpu.memory_space<vmem>>, vector<1x16xf32>,
    %swap3A_769 = vector.shape_cast %swap3A_768 : vector<1x16xf32> to vector<16xf32>
    %swap3A_770 = vector.shape_cast %broadcast_in_dim3A_3 : vector<16xf32> to vector<1x16xf32>
    tpu.vector_store %arg6[%swap3A_766, %swap3A_767], %swap3A_770 {strides = array<i32>} : memref<128x16xf32, #tpu.memory_space<vmem>>, vector<1x16xf32>,
    %swap3A_771 = arith.constant 64 : i32
    %swap3A_772 = arith.index_cast %swap3A_771 : i32 to index
    %swap3A_773 = arith.constant 0 : index
    %swap3A_774 = tpu.vector_load %arg5[%swap3A_772, %swap3A_773] {strides = array<i32>} : memref<128x16xf32, #tpu.memory_space<vmem>>, vector<1x16xf32>,
    %swap3A_775 = vector.shape_cast %swap3A_774 : vector<1x16xf32> to vector<16xf32>
    %swap3A_776 = vector.shape_cast %broadcast_in_dim3A_1 : vector<16xf32> to vector<1x16xf32>
    tpu.vector_store %arg5[%swap3A_772, %swap3A_773], %swap3A_776 {strides = array<i32>} : memref<128x16xf32, #tpu.memory_space<vmem>>, vector<1x16xf32>,
    %swap3A_777 = arith.constant 64 : i32
    %swap3A_778 = arith.index_cast %swap3A_777 : i32 to index
    %swap3A_779 = arith.constant 0 : index
    %swap3A_780 = tpu.vector_load %arg6[%swap3A_778, %swap3A_779] {strides = array<i32>} : memref<128x16xf32, #tpu.memory_space<vmem>>, vector<1x16xf32>,
    %swap3A_781 = vector.shape_cast %swap3A_780 : vector<1x16xf32> to vector<16xf32>
    %swap3A_782 = vector.shape_cast %broadcast_in_dim3A_3 : vector<16xf32> to vector<1x16xf32>
    tpu.vector_store %arg6[%swap3A_778, %swap3A_779], %swap3A_782 {strides = array<i32>} : memref<128x16xf32, #tpu.memory_space<vmem>>, vector<1x16xf32>,
    %swap3A_783 = arith.constant 65 : i32
    %swap3A_784 = arith.index_cast %swap3A_783 : i32 to index
    %swap3A_785 = arith.constant 0 : index
    %swap3A_786 = tpu.vector_load %arg5[%swap3A_784, %swap3A_785] {strides = array<i32>} : memref<128x16xf32, #tpu.memory_space<vmem>>, vector<1x16xf32>,
    %swap3A_787 = vector.shape_cast %swap3A_786 : vector<1x16xf32> to vector<16xf32>
    %swap3A_788 = vector.shape_cast %broadcast_in_dim3A_1 : vector<16xf32> to vector<1x16xf32>
    tpu.vector_store %arg5[%swap3A_784, %swap3A_785], %swap3A_788 {strides = array<i32>} : memref<128x16xf32, #tpu.memory_space<vmem>>, vector<1x16xf32>,
    %swap3A_789 = arith.constant 65 : i32
    %swap3A_790 = arith.index_cast %swap3A_789 : i32 to index
    %swap3A_791 = arith.constant 0 : index
    %swap3A_792 = tpu.vector_load %arg6[%swap3A_790, %swap3A_791] {strides = array<i32>} : memref<128x16xf32, #tpu.memory_space<vmem>>, vector<1x16xf32>,
    %swap3A_793 = vector.shape_cast %swap3A_792 : vector<1x16xf32> to vector<16xf32>
    %swap3A_794 = vector.shape_cast %broadcast_in_dim3A_3 : vector<16xf32> to vector<1x16xf32>
    tpu.vector_store %arg6[%swap3A_790, %swap3A_791], %swap3A_794 {strides = array<i32>} : memref<128x16xf32, #tpu.memory_space<vmem>>, vector<1x16xf32>,
    %swap3A_795 = arith.constant 66 : i32
    %swap3A_796 = arith.index_cast %swap3A_795 : i32 to index
    %swap3A_797 = arith.constant 0 : index
    %swap3A_798 = tpu.vector_load %arg5[%swap3A_796, %swap3A_797] {strides = array<i32>} : memref<128x16xf32, #tpu.memory_space<vmem>>, vector<1x16xf32>,
    %swap3A_799 = vector.shape_cast %swap3A_798 : vector<1x16xf32> to vector<16xf32>
    %swap3A_800 = vector.shape_cast %broadcast_in_dim3A_1 : vector<16xf32> to vector<1x16xf32>
    tpu.vector_store %arg5[%swap3A_796, %swap3A_797], %swap3A_800 {strides = array<i32>} : memref<128x16xf32, #tpu.memory_space<vmem>>, vector<1x16xf32>,
    %swap3A_801 = arith.constant 66 : i32
    %swap3A_802 = arith.index_cast %swap3A_801 : i32 to index
    %swap3A_803 = arith.constant 0 : index
    %swap3A_804 = tpu.vector_load %arg6[%swap3A_802, %swap3A_803] {strides = array<i32>} : memref<128x16xf32, #tpu.memory_space<vmem>>, vector<1x16xf32>,
    %swap3A_805 = vector.shape_cast %swap3A_804 : vector<1x16xf32> to vector<16xf32>
    %swap3A_806 = vector.shape_cast %broadcast_in_dim3A_3 : vector<16xf32> to vector<1x16xf32>
    tpu.vector_store %arg6[%swap3A_802, %swap3A_803], %swap3A_806 {strides = array<i32>} : memref<128x16xf32, #tpu.memory_space<vmem>>, vector<1x16xf32>,
    %swap3A_807 = arith.constant 67 : i32
    %swap3A_808 = arith.index_cast %swap3A_807 : i32 to index
    %swap3A_809 = arith.constant 0 : index
    %swap3A_810 = tpu.vector_load %arg5[%swap3A_808, %swap3A_809] {strides = array<i32>} : memref<128x16xf32, #tpu.memory_space<vmem>>, vector<1x16xf32>,
    %swap3A_811 = vector.shape_cast %swap3A_810 : vector<1x16xf32> to vector<16xf32>
    %swap3A_812 = vector.shape_cast %broadcast_in_dim3A_1 : vector<16xf32> to vector<1x16xf32>
    tpu.vector_store %arg5[%swap3A_808, %swap3A_809], %swap3A_812 {strides = array<i32>} : memref<128x16xf32, #tpu.memory_space<vmem>>, vector<1x16xf32>,
    %swap3A_813 = arith.constant 67 : i32
    %swap3A_814 = arith.index_cast %swap3A_813 : i32 to index
    %swap3A_815 = arith.constant 0 : index
    %swap3A_816 = tpu.vector_load %arg6[%swap3A_814, %swap3A_815] {strides = array<i32>} : memref<128x16xf32, #tpu.memory_space<vmem>>, vector<1x16xf32>,
    %swap3A_817 = vector.shape_cast %swap3A_816 : vector<1x16xf32> to vector<16xf32>
    %swap3A_818 = vector.shape_cast %broadcast_in_dim3A_3 : vector<16xf32> to vector<1x16xf32>
    tpu.vector_store %arg6[%swap3A_814, %swap3A_815], %swap3A_818 {strides = array<i32>} : memref<128x16xf32, #tpu.memory_space<vmem>>, vector<1x16xf32>,
    %swap3A_819 = arith.constant 68 : i32
    %swap3A_820 = arith.index_cast %swap3A_819 : i32 to index
    %swap3A_821 = arith.constant 0 : index
    %swap3A_822 = tpu.vector_load %arg5[%swap3A_820, %swap3A_821] {strides = array<i32>} : memref<128x16xf32, #tpu.memory_space<vmem>>, vector<1x16xf32>,
    %swap3A_823 = vector.shape_cast %swap3A_822 : vector<1x16xf32> to vector<16xf32>
    %swap3A_824 = vector.shape_cast %broadcast_in_dim3A_1 : vector<16xf32> to vector<1x16xf32>
    tpu.vector_store %arg5[%swap3A_820, %swap3A_821], %swap3A_824 {strides = array<i32>} : memref<128x16xf32, #tpu.memory_space<vmem>>, vector<1x16xf32>,
    %swap3A_825 = arith.constant 68 : i32
    %swap3A_826 = arith.index_cast %swap3A_825 : i32 to index
    %swap3A_827 = arith.constant 0 : index
    %swap3A_828 = tpu.vector_load %arg6[%swap3A_826, %swap3A_827] {strides = array<i32>} : memref<128x16xf32, #tpu.memory_space<vmem>>, vector<1x16xf32>,
    %swap3A_829 = vector.shape_cast %swap3A_828 : vector<1x16xf32> to vector<16xf32>
    %swap3A_830 = vector.shape_cast %broadcast_in_dim3A_3 : vector<16xf32> to vector<1x16xf32>
    tpu.vector_store %arg6[%swap3A_826, %swap3A_827], %swap3A_830 {strides = array<i32>} : memref<128x16xf32, #tpu.memory_space<vmem>>, vector<1x16xf32>,
    %swap3A_831 = arith.constant 69 : i32
    %swap3A_832 = arith.index_cast %swap3A_831 : i32 to index
    %swap3A_833 = arith.constant 0 : index
    %swap3A_834 = tpu.vector_load %arg5[%swap3A_832, %swap3A_833] {strides = array<i32>} : memref<128x16xf32, #tpu.memory_space<vmem>>, vector<1x16xf32>,
    %swap3A_835 = vector.shape_cast %swap3A_834 : vector<1x16xf32> to vector<16xf32>
    %swap3A_836 = vector.shape_cast %broadcast_in_dim3A_1 : vector<16xf32> to vector<1x16xf32>
    tpu.vector_store %arg5[%swap3A_832, %swap3A_833], %swap3A_836 {strides = array<i32>} : memref<128x16xf32, #tpu.memory_space<vmem>>, vector<1x16xf32>,
    %swap3A_837 = arith.constant 69 : i32
    %swap3A_838 = arith.index_cast %swap3A_837 : i32 to index
    %swap3A_839 = arith.constant 0 : index
    %swap3A_840 = tpu.vector_load %arg6[%swap3A_838, %swap3A_839] {strides = array<i32>} : memref<128x16xf32, #tpu.memory_space<vmem>>, vector<1x16xf32>,
    %swap3A_841 = vector.shape_cast %swap3A_840 : vector<1x16xf32> to vector<16xf32>
    %swap3A_842 = vector.shape_cast %broadcast_in_dim3A_3 : vector<16xf32> to vector<1x16xf32>
    tpu.vector_store %arg6[%swap3A_838, %swap3A_839], %swap3A_842 {strides = array<i32>} : memref<128x16xf32, #tpu.memory_space<vmem>>, vector<1x16xf32>,
    %swap3A_843 = arith.constant 70 : i32
    %swap3A_844 = arith.index_cast %swap3A_843 : i32 to index
    %swap3A_845 = arith.constant 0 : index
    %swap3A_846 = tpu.vector_load %arg5[%swap3A_844, %swap3A_845] {strides = array<i32>} : memref<128x16xf32, #tpu.memory_space<vmem>>, vector<1x16xf32>,
    %swap3A_847 = vector.shape_cast %swap3A_846 : vector<1x16xf32> to vector<16xf32>
    %swap3A_848 = vector.shape_cast %broadcast_in_dim3A_1 : vector<16xf32> to vector<1x16xf32>
    tpu.vector_store %arg5[%swap3A_844, %swap3A_845], %swap3A_848 {strides = array<i32>} : memref<128x16xf32, #tpu.memory_space<vmem>>, vector<1x16xf32>,
    %swap3A_849 = arith.constant 70 : i32
    %swap3A_850 = arith.index_cast %swap3A_849 : i32 to index
    %swap3A_851 = arith.constant 0 : index
    %swap3A_852 = tpu.vector_load %arg6[%swap3A_850, %swap3A_851] {strides = array<i32>} : memref<128x16xf32, #tpu.memory_space<vmem>>, vector<1x16xf32>,
    %swap3A_853 = vector.shape_cast %swap3A_852 : vector<1x16xf32> to vector<16xf32>
    %swap3A_854 = vector.shape_cast %broadcast_in_dim3A_3 : vector<16xf32> to vector<1x16xf32>
    tpu.vector_store %arg6[%swap3A_850, %swap3A_851], %swap3A_854 {strides = array<i32>} : memref<128x16xf32, #tpu.memory_space<vmem>>, vector<1x16xf32>,
    %swap3A_855 = arith.constant 71 : i32
    %swap3A_856 = arith.index_cast %swap3A_855 : i32 to index
    %swap3A_857 = arith.constant 0 : index
    %swap3A_858 = tpu.vector_load %arg5[%swap3A_856, %swap3A_857] {strides = array<i32>} : memref<128x16xf32, #tpu.memory_space<vmem>>, vector<1x16xf32>,
    %swap3A_859 = vector.shape_cast %swap3A_858 : vector<1x16xf32> to vector<16xf32>
    %swap3A_860 = vector.shape_cast %broadcast_in_dim3A_1 : vector<16xf32> to vector<1x16xf32>
    tpu.vector_store %arg5[%swap3A_856, %swap3A_857], %swap3A_860 {strides = array<i32>} : memref<128x16xf32, #tpu.memory_space<vmem>>, vector<1x16xf32>,
    %swap3A_861 = arith.constant 71 : i32
    %swap3A_862 = arith.index_cast %swap3A_861 : i32 to index
    %swap3A_863 = arith.constant 0 : index
    %swap3A_864 = tpu.vector_load %arg6[%swap3A_862, %swap3A_863] {strides = array<i32>} : memref<128x16xf32, #tpu.memory_space<vmem>>, vector<1x16xf32>,
    %swap3A_865 = vector.shape_cast %swap3A_864 : vector<1x16xf32> to vector<16xf32>
    %swap3A_866 = vector.shape_cast %broadcast_in_dim3A_3 : vector<16xf32> to vector<1x16xf32>
    tpu.vector_store %arg6[%swap3A_862, %swap3A_863], %swap3A_866 {strides = array<i32>} : memref<128x16xf32, #tpu.memory_space<vmem>>, vector<1x16xf32>,
    %swap3A_867 = arith.constant 72 : i32
    %swap3A_868 = arith.index_cast %swap3A_867 : i32 to index
    %swap3A_869 = arith.constant 0 : index
    %swap3A_870 = tpu.vector_load %arg5[%swap3A_868, %swap3A_869] {strides = array<i32>} : memref<128x16xf32, #tpu.memory_space<vmem>>, vector<1x16xf32>,
    %swap3A_871 = vector.shape_cast %swap3A_870 : vector<1x16xf32> to vector<16xf32>
    %swap3A_872 = vector.shape_cast %broadcast_in_dim3A_1 : vector<16xf32> to vector<1x16xf32>
    tpu.vector_store %arg5[%swap3A_868, %swap3A_869], %swap3A_872 {strides = array<i32>} : memref<128x16xf32, #tpu.memory_space<vmem>>, vector<1x16xf32>,
    %swap3A_873 = arith.constant 72 : i32
    %swap3A_874 = arith.index_cast %swap3A_873 : i32 to index
    %swap3A_875 = arith.constant 0 : index
    %swap3A_876 = tpu.vector_load %arg6[%swap3A_874, %swap3A_875] {strides = array<i32>} : memref<128x16xf32, #tpu.memory_space<vmem>>, vector<1x16xf32>,
    %swap3A_877 = vector.shape_cast %swap3A_876 : vector<1x16xf32> to vector<16xf32>
    %swap3A_878 = vector.shape_cast %broadcast_in_dim3A_3 : vector<16xf32> to vector<1x16xf32>
    tpu.vector_store %arg6[%swap3A_874, %swap3A_875], %swap3A_878 {strides = array<i32>} : memref<128x16xf32, #tpu.memory_space<vmem>>, vector<1x16xf32>,
    %swap3A_879 = arith.constant 73 : i32
    %swap3A_880 = arith.index_cast %swap3A_879 : i32 to index
    %swap3A_881 = arith.constant 0 : index
    %swap3A_882 = tpu.vector_load %arg5[%swap3A_880, %swap3A_881] {strides = array<i32>} : memref<128x16xf32, #tpu.memory_space<vmem>>, vector<1x16xf32>,
    %swap3A_883 = vector.shape_cast %swap3A_882 : vector<1x16xf32> to vector<16xf32>
    %swap3A_884 = vector.shape_cast %broadcast_in_dim3A_1 : vector<16xf32> to vector<1x16xf32>
    tpu.vector_store %arg5[%swap3A_880, %swap3A_881], %swap3A_884 {strides = array<i32>} : memref<128x16xf32, #tpu.memory_space<vmem>>, vector<1x16xf32>,
    %swap3A_885 = arith.constant 73 : i32
    %swap3A_886 = arith.index_cast %swap3A_885 : i32 to index
    %swap3A_887 = arith.constant 0 : index
    %swap3A_888 = tpu.vector_load %arg6[%swap3A_886, %swap3A_887] {strides = array<i32>} : memref<128x16xf32, #tpu.memory_space<vmem>>, vector<1x16xf32>,
    %swap3A_889 = vector.shape_cast %swap3A_888 : vector<1x16xf32> to vector<16xf32>
    %swap3A_890 = vector.shape_cast %broadcast_in_dim3A_3 : vector<16xf32> to vector<1x16xf32>
    tpu.vector_store %arg6[%swap3A_886, %swap3A_887], %swap3A_890 {strides = array<i32>} : memref<128x16xf32, #tpu.memory_space<vmem>>, vector<1x16xf32>,
    %swap3A_891 = arith.constant 74 : i32
    %swap3A_892 = arith.index_cast %swap3A_891 : i32 to index
    %swap3A_893 = arith.constant 0 : index
    %swap3A_894 = tpu.vector_load %arg5[%swap3A_892, %swap3A_893] {strides = array<i32>} : memref<128x16xf32, #tpu.memory_space<vmem>>, vector<1x16xf32>,
    %swap3A_895 = vector.shape_cast %swap3A_894 : vector<1x16xf32> to vector<16xf32>
    %swap3A_896 = vector.shape_cast %broadcast_in_dim3A_1 : vector<16xf32> to vector<1x16xf32>
    tpu.vector_store %arg5[%swap3A_892, %swap3A_893], %swap3A_896 {strides = array<i32>} : memref<128x16xf32, #tpu.memory_space<vmem>>, vector<1x16xf32>,
    %swap3A_897 = arith.constant 74 : i32
    %swap3A_898 = arith.index_cast %swap3A_897 : i32 to index
    %swap3A_899 = arith.constant 0 : index
    %swap3A_900 = tpu.vector_load %arg6[%swap3A_898, %swap3A_899] {strides = array<i32>} : memref<128x16xf32, #tpu.memory_space<vmem>>, vector<1x16xf32>,
    %swap3A_901 = vector.shape_cast %swap3A_900 : vector<1x16xf32> to vector<16xf32>
    %swap3A_902 = vector.shape_cast %broadcast_in_dim3A_3 : vector<16xf32> to vector<1x16xf32>
    tpu.vector_store %arg6[%swap3A_898, %swap3A_899], %swap3A_902 {strides = array<i32>} : memref<128x16xf32, #tpu.memory_space<vmem>>, vector<1x16xf32>,
    %swap3A_903 = arith.constant 75 : i32
    %swap3A_904 = arith.index_cast %swap3A_903 : i32 to index
    %swap3A_905 = arith.constant 0 : index
    %swap3A_906 = tpu.vector_load %arg5[%swap3A_904, %swap3A_905] {strides = array<i32>} : memref<128x16xf32, #tpu.memory_space<vmem>>, vector<1x16xf32>,
    %swap3A_907 = vector.shape_cast %swap3A_906 : vector<1x16xf32> to vector<16xf32>
    %swap3A_908 = vector.shape_cast %broadcast_in_dim3A_1 : vector<16xf32> to vector<1x16xf32>
    tpu.vector_store %arg5[%swap3A_904, %swap3A_905], %swap3A_908 {strides = array<i32>} : memref<128x16xf32, #tpu.memory_space<vmem>>, vector<1x16xf32>,
    %swap3A_909 = arith.constant 75 : i32
    %swap3A_910 = arith.index_cast %swap3A_909 : i32 to index
    %swap3A_911 = arith.constant 0 : index
    %swap3A_912 = tpu.vector_load %arg6[%swap3A_910, %swap3A_911] {strides = array<i32>} : memref<128x16xf32, #tpu.memory_space<vmem>>, vector<1x16xf32>,
    %swap3A_913 = vector.shape_cast %swap3A_912 : vector<1x16xf32> to vector<16xf32>
    %swap3A_914 = vector.shape_cast %broadcast_in_dim3A_3 : vector<16xf32> to vector<1x16xf32>
    tpu.vector_store %arg6[%swap3A_910, %swap3A_911], %swap3A_914 {strides = array<i32>} : memref<128x16xf32, #tpu.memory_space<vmem>>, vector<1x16xf32>,
    %swap3A_915 = arith.constant 76 : i32
    %swap3A_916 = arith.index_cast %swap3A_915 : i32 to index
    %swap3A_917 = arith.constant 0 : index
    %swap3A_918 = tpu.vector_load %arg5[%swap3A_916, %swap3A_917] {strides = array<i32>} : memref<128x16xf32, #tpu.memory_space<vmem>>, vector<1x16xf32>,
    %swap3A_919 = vector.shape_cast %swap3A_918 : vector<1x16xf32> to vector<16xf32>
    %swap3A_920 = vector.shape_cast %broadcast_in_dim3A_1 : vector<16xf32> to vector<1x16xf32>
    tpu.vector_store %arg5[%swap3A_916, %swap3A_917], %swap3A_920 {strides = array<i32>} : memref<128x16xf32, #tpu.memory_space<vmem>>, vector<1x16xf32>,
    %swap3A_921 = arith.constant 76 : i32
    %swap3A_922 = arith.index_cast %swap3A_921 : i32 to index
    %swap3A_923 = arith.constant 0 : index
    %swap3A_924 = tpu.vector_load %arg6[%swap3A_922, %swap3A_923] {strides = array<i32>} : memref<128x16xf32, #tpu.memory_space<vmem>>, vector<1x16xf32>,
    %swap3A_925 = vector.shape_cast %swap3A_924 : vector<1x16xf32> to vector<16xf32>
    %swap3A_926 = vector.shape_cast %broadcast_in_dim3A_3 : vector<16xf32> to vector<1x16xf32>
    tpu.vector_store %arg6[%swap3A_922, %swap3A_923], %swap3A_926 {strides = array<i32>} : memref<128x16xf32, #tpu.memory_space<vmem>>, vector<1x16xf32>,
    %swap3A_927 = arith.constant 77 : i32
    %swap3A_928 = arith.index_cast %swap3A_927 : i32 to index
    %swap3A_929 = arith.constant 0 : index
    %swap3A_930 = tpu.vector_load %arg5[%swap3A_928, %swap3A_929] {strides = array<i32>} : memref<128x16xf32, #tpu.memory_space<vmem>>, vector<1x16xf32>,
    %swap3A_931 = vector.shape_cast %swap3A_930 : vector<1x16xf32> to vector<16xf32>
    %swap3A_932 = vector.shape_cast %broadcast_in_dim3A_1 : vector<16xf32> to vector<1x16xf32>
    tpu.vector_store %arg5[%swap3A_928, %swap3A_929], %swap3A_932 {strides = array<i32>} : memref<128x16xf32, #tpu.memory_space<vmem>>, vector<1x16xf32>,
    %swap3A_933 = arith.constant 77 : i32
    %swap3A_934 = arith.index_cast %swap3A_933 : i32 to index
    %swap3A_935 = arith.constant 0 : index
    %swap3A_936 = tpu.vector_load %arg6[%swap3A_934, %swap3A_935] {strides = array<i32>} : memref<128x16xf32, #tpu.memory_space<vmem>>, vector<1x16xf32>,
    %swap3A_937 = vector.shape_cast %swap3A_936 : vector<1x16xf32> to vector<16xf32>
    %swap3A_938 = vector.shape_cast %broadcast_in_dim3A_3 : vector<16xf32> to vector<1x16xf32>
    tpu.vector_store %arg6[%swap3A_934, %swap3A_935], %swap3A_938 {strides = array<i32>} : memref<128x16xf32, #tpu.memory_space<vmem>>, vector<1x16xf32>,
    %swap3A_939 = arith.constant 78 : i32
    %swap3A_940 = arith.index_cast %swap3A_939 : i32 to index
    %swap3A_941 = arith.constant 0 : index
    %swap3A_942 = tpu.vector_load %arg5[%swap3A_940, %swap3A_941] {strides = array<i32>} : memref<128x16xf32, #tpu.memory_space<vmem>>, vector<1x16xf32>,
    %swap3A_943 = vector.shape_cast %swap3A_942 : vector<1x16xf32> to vector<16xf32>
    %swap3A_944 = vector.shape_cast %broadcast_in_dim3A_1 : vector<16xf32> to vector<1x16xf32>
    tpu.vector_store %arg5[%swap3A_940, %swap3A_941], %swap3A_944 {strides = array<i32>} : memref<128x16xf32, #tpu.memory_space<vmem>>, vector<1x16xf32>,
    %swap3A_945 = arith.constant 78 : i32
    %swap3A_946 = arith.index_cast %swap3A_945 : i32 to index
    %swap3A_947 = arith.constant 0 : index
    %swap3A_948 = tpu.vector_load %arg6[%swap3A_946, %swap3A_947] {strides = array<i32>} : memref<128x16xf32, #tpu.memory_space<vmem>>, vector<1x16xf32>,
    %swap3A_949 = vector.shape_cast %swap3A_948 : vector<1x16xf32> to vector<16xf32>
    %swap3A_950 = vector.shape_cast %broadcast_in_dim3A_3 : vector<16xf32> to vector<1x16xf32>
    tpu.vector_store %arg6[%swap3A_946, %swap3A_947], %swap3A_950 {strides = array<i32>} : memref<128x16xf32, #tpu.memory_space<vmem>>, vector<1x16xf32>,
    %swap3A_951 = arith.constant 79 : i32
    %swap3A_952 = arith.index_cast %swap3A_951 : i32 to index
    %swap3A_953 = arith.constant 0 : index
    %swap3A_954 = tpu.vector_load %arg5[%swap3A_952, %swap3A_953] {strides = array<i32>} : memref<128x16xf32, #tpu.memory_space<vmem>>, vector<1x16xf32>,
    %swap3A_955 = vector.shape_cast %swap3A_954 : vector<1x16xf32> to vector<16xf32>
    %swap3A_956 = vector.shape_cast %broadcast_in_dim3A_1 : vector<16xf32> to vector<1x16xf32>
    tpu.vector_store %arg5[%swap3A_952, %swap3A_953], %swap3A_956 {strides = array<i32>} : memref<128x16xf32, #tpu.memory_space<vmem>>, vector<1x16xf32>,
    %swap3A_957 = arith.constant 79 : i32
    %swap3A_958 = arith.index_cast %swap3A_957 : i32 to index
    %swap3A_959 = arith.constant 0 : index
    %swap3A_960 = tpu.vector_load %arg6[%swap3A_958, %swap3A_959] {strides = array<i32>} : memref<128x16xf32, #tpu.memory_space<vmem>>, vector<1x16xf32>,
    %swap3A_961 = vector.shape_cast %swap3A_960 : vector<1x16xf32> to vector<16xf32>
    %swap3A_962 = vector.shape_cast %broadcast_in_dim3A_3 : vector<16xf32> to vector<1x16xf32>
    tpu.vector_store %arg6[%swap3A_958, %swap3A_959], %swap3A_962 {strides = array<i32>} : memref<128x16xf32, #tpu.memory_space<vmem>>, vector<1x16xf32>,
    %swap3A_963 = arith.constant 80 : i32
    %swap3A_964 = arith.index_cast %swap3A_963 : i32 to index
    %swap3A_965 = arith.constant 0 : index
    %swap3A_966 = tpu.vector_load %arg5[%swap3A_964, %swap3A_965] {strides = array<i32>} : memref<128x16xf32, #tpu.memory_space<vmem>>, vector<1x16xf32>,
    %swap3A_967 = vector.shape_cast %swap3A_966 : vector<1x16xf32> to vector<16xf32>
    %swap3A_968 = vector.shape_cast %broadcast_in_dim3A_1 : vector<16xf32> to vector<1x16xf32>
    tpu.vector_store %arg5[%swap3A_964, %swap3A_965], %swap3A_968 {strides = array<i32>} : memref<128x16xf32, #tpu.memory_space<vmem>>, vector<1x16xf32>,
    %swap3A_969 = arith.constant 80 : i32
    %swap3A_970 = arith.index_cast %swap3A_969 : i32 to index
    %swap3A_971 = arith.constant 0 : index
    %swap3A_972 = tpu.vector_load %arg6[%swap3A_970, %swap3A_971] {strides = array<i32>} : memref<128x16xf32, #tpu.memory_space<vmem>>, vector<1x16xf32>,
    %swap3A_973 = vector.shape_cast %swap3A_972 : vector<1x16xf32> to vector<16xf32>
    %swap3A_974 = vector.shape_cast %broadcast_in_dim3A_3 : vector<16xf32> to vector<1x16xf32>
    tpu.vector_store %arg6[%swap3A_970, %swap3A_971], %swap3A_974 {strides = array<i32>} : memref<128x16xf32, #tpu.memory_space<vmem>>, vector<1x16xf32>,
    %swap3A_975 = arith.constant 81 : i32
    %swap3A_976 = arith.index_cast %swap3A_975 : i32 to index
    %swap3A_977 = arith.constant 0 : index
    %swap3A_978 = tpu.vector_load %arg5[%swap3A_976, %swap3A_977] {strides = array<i32>} : memref<128x16xf32, #tpu.memory_space<vmem>>, vector<1x16xf32>,
    %swap3A_979 = vector.shape_cast %swap3A_978 : vector<1x16xf32> to vector<16xf32>
    %swap3A_980 = vector.shape_cast %broadcast_in_dim3A_1 : vector<16xf32> to vector<1x16xf32>
    tpu.vector_store %arg5[%swap3A_976, %swap3A_977], %swap3A_980 {strides = array<i32>} : memref<128x16xf32, #tpu.memory_space<vmem>>, vector<1x16xf32>,
    %swap3A_981 = arith.constant 81 : i32
    %swap3A_982 = arith.index_cast %swap3A_981 : i32 to index
    %swap3A_983 = arith.constant 0 : index
    %swap3A_984 = tpu.vector_load %arg6[%swap3A_982, %swap3A_983] {strides = array<i32>} : memref<128x16xf32, #tpu.memory_space<vmem>>, vector<1x16xf32>,
    %swap3A_985 = vector.shape_cast %swap3A_984 : vector<1x16xf32> to vector<16xf32>
    %swap3A_986 = vector.shape_cast %broadcast_in_dim3A_3 : vector<16xf32> to vector<1x16xf32>
    tpu.vector_store %arg6[%swap3A_982, %swap3A_983], %swap3A_986 {strides = array<i32>} : memref<128x16xf32, #tpu.memory_space<vmem>>, vector<1x16xf32>,
    %swap3A_987 = arith.constant 82 : i32
    %swap3A_988 = arith.index_cast %swap3A_987 : i32 to index
    %swap3A_989 = arith.constant 0 : index
    %swap3A_990 = tpu.vector_load %arg5[%swap3A_988, %swap3A_989] {strides = array<i32>} : memref<128x16xf32, #tpu.memory_space<vmem>>, vector<1x16xf32>,
    %swap3A_991 = vector.shape_cast %swap3A_990 : vector<1x16xf32> to vector<16xf32>
    %swap3A_992 = vector.shape_cast %broadcast_in_dim3A_1 : vector<16xf32> to vector<1x16xf32>
    tpu.vector_store %arg5[%swap3A_988, %swap3A_989], %swap3A_992 {strides = array<i32>} : memref<128x16xf32, #tpu.memory_space<vmem>>, vector<1x16xf32>,
    %swap3A_993 = arith.constant 82 : i32
    %swap3A_994 = arith.index_cast %swap3A_993 : i32 to index
    %swap3A_995 = arith.constant 0 : index
    %swap3A_996 = tpu.vector_load %arg6[%swap3A_994, %swap3A_995] {strides = array<i32>} : memref<128x16xf32, #tpu.memory_space<vmem>>, vector<1x16xf32>,
    %swap3A_997 = vector.shape_cast %swap3A_996 : vector<1x16xf32> to vector<16xf32>
    %swap3A_998 = vector.shape_cast %broadcast_in_dim3A_3 : vector<16xf32> to vector<1x16xf32>
    tpu.vector_store %arg6[%swap3A_994, %swap3A_995], %swap3A_998 {strides = array<i32>} : memref<128x16xf32, #tpu.memory_space<vmem>>, vector<1x16xf32>,
    %swap3A_999 = arith.constant 83 : i32
    %swap3A_1000 = arith.index_cast %swap3A_999 : i32 to index
    %swap3A_1001 = arith.constant 0 : index
    %swap3A_1002 = tpu.vector_load %arg5[%swap3A_1000, %swap3A_1001] {strides = array<i32>} : memref<128x16xf32, #tpu.memory_space<vmem>>, vector<1x16xf32>,
    %swap3A_1003 = vector.shape_cast %swap3A_1002 : vector<1x16xf32> to vector<16xf32>
    %swap3A_1004 = vector.shape_cast %broadcast_in_dim3A_1 : vector<16xf32> to vector<1x16xf32>
    tpu.vector_store %arg5[%swap3A_1000, %swap3A_1001], %swap3A_1004 {strides = array<i32>} : memref<128x16xf32, #tpu.memory_space<vmem>>, vector<1x16xf32>,
    %swap3A_1005 = arith.constant 83 : i32
    %swap3A_1006 = arith.index_cast %swap3A_1005 : i32 to index
    %swap3A_1007 = arith.constant 0 : index
    %swap3A_1008 = tpu.vector_load %arg6[%swap3A_1006, %swap3A_1007] {strides = array<i32>} : memref<128x16xf32, #tpu.memory_space<vmem>>, vector<1x16xf32>,
    %swap3A_1009 = vector.shape_cast %swap3A_1008 : vector<1x16xf32> to vector<16xf32>
    %swap3A_1010 = vector.shape_cast %broadcast_in_dim3A_3 : vector<16xf32> to vector<1x16xf32>
    tpu.vector_store %arg6[%swap3A_1006, %swap3A_1007], %swap3A_1010 {strides = array<i32>} : memref<128x16xf32, #tpu.memory_space<vmem>>, vector<1x16xf32>,
    %swap3A_1011 = arith.constant 84 : i32
    %swap3A_1012 = arith.index_cast %swap3A_1011 : i32 to index
    %swap3A_1013 = arith.constant 0 : index
    %swap3A_1014 = tpu.vector_load %arg5[%swap3A_1012, %swap3A_1013] {strides = array<i32>} : memref<128x16xf32, #tpu.memory_space<vmem>>, vector<1x16xf32>,
    %swap3A_1015 = vector.shape_cast %swap3A_1014 : vector<1x16xf32> to vector<16xf32>
    %swap3A_1016 = vector.shape_cast %broadcast_in_dim3A_1 : vector<16xf32> to vector<1x16xf32>
    tpu.vector_store %arg5[%swap3A_1012, %swap3A_1013], %swap3A_1016 {strides = array<i32>} : memref<128x16xf32, #tpu.memory_space<vmem>>, vector<1x16xf32>,
    %swap3A_1017 = arith.constant 84 : i32
    %swap3A_1018 = arith.index_cast %swap3A_1017 : i32 to index
    %swap3A_1019 = arith.constant 0 : index
    %swap3A_1020 = tpu.vector_load %arg6[%swap3A_1018, %swap3A_1019] {strides = array<i32>} : memref<128x16xf32, #tpu.memory_space<vmem>>, vector<1x16xf32>,
    %swap3A_1021 = vector.shape_cast %swap3A_1020 : vector<1x16xf32> to vector<16xf32>
    %swap3A_1022 = vector.shape_cast %broadcast_in_dim3A_3 : vector<16xf32> to vector<1x16xf32>
    tpu.vector_store %arg6[%swap3A_1018, %swap3A_1019], %swap3A_1022 {strides = array<i32>} : memref<128x16xf32, #tpu.memory_space<vmem>>, vector<1x16xf32>,
    %swap3A_1023 = arith.constant 85 : i32
    %swap3A_1024 = arith.index_cast %swap3A_1023 : i32 to index
    %swap3A_1025 = arith.constant 0 : index
    %swap3A_1026 = tpu.vector_load %arg5[%swap3A_1024, %swap3A_1025] {strides = array<i32>} : memref<128x16xf32, #tpu.memory_space<vmem>>, vector<1x16xf32>,
    %swap3A_1027 = vector.shape_cast %swap3A_1026 : vector<1x16xf32> to vector<16xf32>
    %swap3A_1028 = vector.shape_cast %broadcast_in_dim3A_1 : vector<16xf32> to vector<1x16xf32>
    tpu.vector_store %arg5[%swap3A_1024, %swap3A_1025], %swap3A_1028 {strides = array<i32>} : memref<128x16xf32, #tpu.memory_space<vmem>>, vector<1x16xf32>,
    %swap3A_1029 = arith.constant 85 : i32
    %swap3A_1030 = arith.index_cast %swap3A_1029 : i32 to index
    %swap3A_1031 = arith.constant 0 : index
    %swap3A_1032 = tpu.vector_load %arg6[%swap3A_1030, %swap3A_1031] {strides = array<i32>} : memref<128x16xf32, #tpu.memory_space<vmem>>, vector<1x16xf32>,
    %swap3A_1033 = vector.shape_cast %swap3A_1032 : vector<1x16xf32> to vector<16xf32>
    %swap3A_1034 = vector.shape_cast %broadcast_in_dim3A_3 : vector<16xf32> to vector<1x16xf32>
    tpu.vector_store %arg6[%swap3A_1030, %swap3A_1031], %swap3A_1034 {strides = array<i32>} : memref<128x16xf32, #tpu.memory_space<vmem>>, vector<1x16xf32>,
    %swap3A_1035 = arith.constant 86 : i32
    %swap3A_1036 = arith.index_cast %swap3A_1035 : i32 to index
    %swap3A_1037 = arith.constant 0 : index
    %swap3A_1038 = tpu.vector_load %arg5[%swap3A_1036, %swap3A_1037] {strides = array<i32>} : memref<128x16xf32, #tpu.memory_space<vmem>>, vector<1x16xf32>,
    %swap3A_1039 = vector.shape_cast %swap3A_1038 : vector<1x16xf32> to vector<16xf32>
    %swap3A_1040 = vector.shape_cast %broadcast_in_dim3A_1 : vector<16xf32> to vector<1x16xf32>
    tpu.vector_store %arg5[%swap3A_1036, %swap3A_1037], %swap3A_1040 {strides = array<i32>} : memref<128x16xf32, #tpu.memory_space<vmem>>, vector<1x16xf32>,
    %swap3A_1041 = arith.constant 86 : i32
    %swap3A_1042 = arith.index_cast %swap3A_1041 : i32 to index
    %swap3A_1043 = arith.constant 0 : index
    %swap3A_1044 = tpu.vector_load %arg6[%swap3A_1042, %swap3A_1043] {strides = array<i32>} : memref<128x16xf32, #tpu.memory_space<vmem>>, vector<1x16xf32>,
    %swap3A_1045 = vector.shape_cast %swap3A_1044 : vector<1x16xf32> to vector<16xf32>
    %swap3A_1046 = vector.shape_cast %broadcast_in_dim3A_3 : vector<16xf32> to vector<1x16xf32>
    tpu.vector_store %arg6[%swap3A_1042, %swap3A_1043], %swap3A_1046 {strides = array<i32>} : memref<128x16xf32, #tpu.memory_space<vmem>>, vector<1x16xf32>,
    %swap3A_1047 = arith.constant 87 : i32
    %swap3A_1048 = arith.index_cast %swap3A_1047 : i32 to index
    %swap3A_1049 = arith.constant 0 : index
    %swap3A_1050 = tpu.vector_load %arg5[%swap3A_1048, %swap3A_1049] {strides = array<i32>} : memref<128x16xf32, #tpu.memory_space<vmem>>, vector<1x16xf32>,
    %swap3A_1051 = vector.shape_cast %swap3A_1050 : vector<1x16xf32> to vector<16xf32>
    %swap3A_1052 = vector.shape_cast %broadcast_in_dim3A_1 : vector<16xf32> to vector<1x16xf32>
    tpu.vector_store %arg5[%swap3A_1048, %swap3A_1049], %swap3A_1052 {strides = array<i32>} : memref<128x16xf32, #tpu.memory_space<vmem>>, vector<1x16xf32>,
    %swap3A_1053 = arith.constant 87 : i32
    %swap3A_1054 = arith.index_cast %swap3A_1053 : i32 to index
    %swap3A_1055 = arith.constant 0 : index
    %swap3A_1056 = tpu.vector_load %arg6[%swap3A_1054, %swap3A_1055] {strides = array<i32>} : memref<128x16xf32, #tpu.memory_space<vmem>>, vector<1x16xf32>,
    %swap3A_1057 = vector.shape_cast %swap3A_1056 : vector<1x16xf32> to vector<16xf32>
    %swap3A_1058 = vector.shape_cast %broadcast_in_dim3A_3 : vector<16xf32> to vector<1x16xf32>
    tpu.vector_store %arg6[%swap3A_1054, %swap3A_1055], %swap3A_1058 {strides = array<i32>} : memref<128x16xf32, #tpu.memory_space<vmem>>, vector<1x16xf32>,
    %swap3A_1059 = arith.constant 88 : i32
    %swap3A_1060 = arith.index_cast %swap3A_1059 : i32 to index
    %swap3A_1061 = arith.constant 0 : index
    %swap3A_1062 = tpu.vector_load %arg5[%swap3A_1060, %swap3A_1061] {strides = array<i32>} : memref<128x16xf32, #tpu.memory_space<vmem>>, vector<1x16xf32>,
    %swap3A_1063 = vector.shape_cast %swap3A_1062 : vector<1x16xf32> to vector<16xf32>
    %swap3A_1064 = vector.shape_cast %broadcast_in_dim3A_1 : vector<16xf32> to vector<1x16xf32>
    tpu.vector_store %arg5[%swap3A_1060, %swap3A_1061], %swap3A_1064 {strides = array<i32>} : memref<128x16xf32, #tpu.memory_space<vmem>>, vector<1x16xf32>,
    %swap3A_1065 = arith.constant 88 : i32
    %swap3A_1066 = arith.index_cast %swap3A_1065 : i32 to index
    %swap3A_1067 = arith.constant 0 : index
    %swap3A_1068 = tpu.vector_load %arg6[%swap3A_1066, %swap3A_1067] {strides = array<i32>} : memref<128x16xf32, #tpu.memory_space<vmem>>, vector<1x16xf32>,
    %swap3A_1069 = vector.shape_cast %swap3A_1068 : vector<1x16xf32> to vector<16xf32>
    %swap3A_1070 = vector.shape_cast %broadcast_in_dim3A_3 : vector<16xf32> to vector<1x16xf32>
    tpu.vector_store %arg6[%swap3A_1066, %swap3A_1067], %swap3A_1070 {strides = array<i32>} : memref<128x16xf32, #tpu.memory_space<vmem>>, vector<1x16xf32>,
    %swap3A_1071 = arith.constant 89 : i32
    %swap3A_1072 = arith.index_cast %swap3A_1071 : i32 to index
    %swap3A_1073 = arith.constant 0 : index
    %swap3A_1074 = tpu.vector_load %arg5[%swap3A_1072, %swap3A_1073] {strides = array<i32>} : memref<128x16xf32, #tpu.memory_space<vmem>>, vector<1x16xf32>,
    %swap3A_1075 = vector.shape_cast %swap3A_1074 : vector<1x16xf32> to vector<16xf32>
    %swap3A_1076 = vector.shape_cast %broadcast_in_dim3A_1 : vector<16xf32> to vector<1x16xf32>
    tpu.vector_store %arg5[%swap3A_1072, %swap3A_1073], %swap3A_1076 {strides = array<i32>} : memref<128x16xf32, #tpu.memory_space<vmem>>, vector<1x16xf32>,
    %swap3A_1077 = arith.constant 89 : i32
    %swap3A_1078 = arith.index_cast %swap3A_1077 : i32 to index
    %swap3A_1079 = arith.constant 0 : index
    %swap3A_1080 = tpu.vector_load %arg6[%swap3A_1078, %swap3A_1079] {strides = array<i32>} : memref<128x16xf32, #tpu.memory_space<vmem>>, vector<1x16xf32>,
    %swap3A_1081 = vector.shape_cast %swap3A_1080 : vector<1x16xf32> to vector<16xf32>
    %swap3A_1082 = vector.shape_cast %broadcast_in_dim3A_3 : vector<16xf32> to vector<1x16xf32>
    tpu.vector_store %arg6[%swap3A_1078, %swap3A_1079], %swap3A_1082 {strides = array<i32>} : memref<128x16xf32, #tpu.memory_space<vmem>>, vector<1x16xf32>,
    %swap3A_1083 = arith.constant 90 : i32
    %swap3A_1084 = arith.index_cast %swap3A_1083 : i32 to index
    %swap3A_1085 = arith.constant 0 : index
    %swap3A_1086 = tpu.vector_load %arg5[%swap3A_1084, %swap3A_1085] {strides = array<i32>} : memref<128x16xf32, #tpu.memory_space<vmem>>, vector<1x16xf32>,
    %swap3A_1087 = vector.shape_cast %swap3A_1086 : vector<1x16xf32> to vector<16xf32>
    %swap3A_1088 = vector.shape_cast %broadcast_in_dim3A_1 : vector<16xf32> to vector<1x16xf32>
    tpu.vector_store %arg5[%swap3A_1084, %swap3A_1085], %swap3A_1088 {strides = array<i32>} : memref<128x16xf32, #tpu.memory_space<vmem>>, vector<1x16xf32>,
    %swap3A_1089 = arith.constant 90 : i32
    %swap3A_1090 = arith.index_cast %swap3A_1089 : i32 to index
    %swap3A_1091 = arith.constant 0 : index
    %swap3A_1092 = tpu.vector_load %arg6[%swap3A_1090, %swap3A_1091] {strides = array<i32>} : memref<128x16xf32, #tpu.memory_space<vmem>>, vector<1x16xf32>,
    %swap3A_1093 = vector.shape_cast %swap3A_1092 : vector<1x16xf32> to vector<16xf32>
    %swap3A_1094 = vector.shape_cast %broadcast_in_dim3A_3 : vector<16xf32> to vector<1x16xf32>
    tpu.vector_store %arg6[%swap3A_1090, %swap3A_1091], %swap3A_1094 {strides = array<i32>} : memref<128x16xf32, #tpu.memory_space<vmem>>, vector<1x16xf32>,
    %swap3A_1095 = arith.constant 91 : i32
    %swap3A_1096 = arith.index_cast %swap3A_1095 : i32 to index
    %swap3A_1097 = arith.constant 0 : index
    %swap3A_1098 = tpu.vector_load %arg5[%swap3A_1096, %swap3A_1097] {strides = array<i32>} : memref<128x16xf32, #tpu.memory_space<vmem>>, vector<1x16xf32>,
    %swap3A_1099 = vector.shape_cast %swap3A_1098 : vector<1x16xf32> to vector<16xf32>
    %swap3A_1100 = vector.shape_cast %broadcast_in_dim3A_1 : vector<16xf32> to vector<1x16xf32>
    tpu.vector_store %arg5[%swap3A_1096, %swap3A_1097], %swap3A_1100 {strides = array<i32>} : memref<128x16xf32, #tpu.memory_space<vmem>>, vector<1x16xf32>,
    %swap3A_1101 = arith.constant 91 : i32
    %swap3A_1102 = arith.index_cast %swap3A_1101 : i32 to index
    %swap3A_1103 = arith.constant 0 : index
    %swap3A_1104 = tpu.vector_load %arg6[%swap3A_1102, %swap3A_1103] {strides = array<i32>} : memref<128x16xf32, #tpu.memory_space<vmem>>, vector<1x16xf32>,
    %swap3A_1105 = vector.shape_cast %swap3A_1104 : vector<1x16xf32> to vector<16xf32>
    %swap3A_1106 = vector.shape_cast %broadcast_in_dim3A_3 : vector<16xf32> to vector<1x16xf32>
    tpu.vector_store %arg6[%swap3A_1102, %swap3A_1103], %swap3A_1106 {strides = array<i32>} : memref<128x16xf32, #tpu.memory_space<vmem>>, vector<1x16xf32>,
    %swap3A_1107 = arith.constant 92 : i32
    %swap3A_1108 = arith.index_cast %swap3A_1107 : i32 to index
    %swap3A_1109 = arith.constant 0 : index
    %swap3A_1110 = tpu.vector_load %arg5[%swap3A_1108, %swap3A_1109] {strides = array<i32>} : memref<128x16xf32, #tpu.memory_space<vmem>>, vector<1x16xf32>,
    %swap3A_1111 = vector.shape_cast %swap3A_1110 : vector<1x16xf32> to vector<16xf32>
    %swap3A_1112 = vector.shape_cast %broadcast_in_dim3A_1 : vector<16xf32> to vector<1x16xf32>
    tpu.vector_store %arg5[%swap3A_1108, %swap3A_1109], %swap3A_1112 {strides = array<i32>} : memref<128x16xf32, #tpu.memory_space<vmem>>, vector<1x16xf32>,
    %swap3A_1113 = arith.constant 92 : i32
    %swap3A_1114 = arith.index_cast %swap3A_1113 : i32 to index
    %swap3A_1115 = arith.constant 0 : index
    %swap3A_1116 = tpu.vector_load %arg6[%swap3A_1114, %swap3A_1115] {strides = array<i32>} : memref<128x16xf32, #tpu.memory_space<vmem>>, vector<1x16xf32>,
    %swap3A_1117 = vector.shape_cast %swap3A_1116 : vector<1x16xf32> to vector<16xf32>
    %swap3A_1118 = vector.shape_cast %broadcast_in_dim3A_3 : vector<16xf32> to vector<1x16xf32>
    tpu.vector_store %arg6[%swap3A_1114, %swap3A_1115], %swap3A_1118 {strides = array<i32>} : memref<128x16xf32, #tpu.memory_space<vmem>>, vector<1x16xf32>,
    %swap3A_1119 = arith.constant 93 : i32
    %swap3A_1120 = arith.index_cast %swap3A_1119 : i32 to index
    %swap3A_1121 = arith.constant 0 : index
    %swap3A_1122 = tpu.vector_load %arg5[%swap3A_1120, %swap3A_1121] {strides = array<i32>} : memref<128x16xf32, #tpu.memory_space<vmem>>, vector<1x16xf32>,
    %swap3A_1123 = vector.shape_cast %swap3A_1122 : vector<1x16xf32> to vector<16xf32>
    %swap3A_1124 = vector.shape_cast %broadcast_in_dim3A_1 : vector<16xf32> to vector<1x16xf32>
    tpu.vector_store %arg5[%swap3A_1120, %swap3A_1121], %swap3A_1124 {strides = array<i32>} : memref<128x16xf32, #tpu.memory_space<vmem>>, vector<1x16xf32>,
    %swap3A_1125 = arith.constant 93 : i32
    %swap3A_1126 = arith.index_cast %swap3A_1125 : i32 to index
    %swap3A_1127 = arith.constant 0 : index
    %swap3A_1128 = tpu.vector_load %arg6[%swap3A_1126, %swap3A_1127] {strides = array<i32>} : memref<128x16xf32, #tpu.memory_space<vmem>>, vector<1x16xf32>,
    %swap3A_1129 = vector.shape_cast %swap3A_1128 : vector<1x16xf32> to vector<16xf32>
    %swap3A_1130 = vector.shape_cast %broadcast_in_dim3A_3 : vector<16xf32> to vector<1x16xf32>
    tpu.vector_store %arg6[%swap3A_1126, %swap3A_1127], %swap3A_1130 {strides = array<i32>} : memref<128x16xf32, #tpu.memory_space<vmem>>, vector<1x16xf32>,
    %swap3A_1131 = arith.constant 94 : i32
    %swap3A_1132 = arith.index_cast %swap3A_1131 : i32 to index
    %swap3A_1133 = arith.constant 0 : index
    %swap3A_1134 = tpu.vector_load %arg5[%swap3A_1132, %swap3A_1133] {strides = array<i32>} : memref<128x16xf32, #tpu.memory_space<vmem>>, vector<1x16xf32>,
    %swap3A_1135 = vector.shape_cast %swap3A_1134 : vector<1x16xf32> to vector<16xf32>
    %swap3A_1136 = vector.shape_cast %broadcast_in_dim3A_1 : vector<16xf32> to vector<1x16xf32>
    tpu.vector_store %arg5[%swap3A_1132, %swap3A_1133], %swap3A_1136 {strides = array<i32>} : memref<128x16xf32, #tpu.memory_space<vmem>>, vector<1x16xf32>,
    %swap3A_1137 = arith.constant 94 : i32
    %swap3A_1138 = arith.index_cast %swap3A_1137 : i32 to index
    %swap3A_1139 = arith.constant 0 : index
    %swap3A_1140 = tpu.vector_load %arg6[%swap3A_1138, %swap3A_1139] {strides = array<i32>} : memref<128x16xf32, #tpu.memory_space<vmem>>, vector<1x16xf32>,
    %swap3A_1141 = vector.shape_cast %swap3A_1140 : vector<1x16xf32> to vector<16xf32>
    %swap3A_1142 = vector.shape_cast %broadcast_in_dim3A_3 : vector<16xf32> to vector<1x16xf32>
    tpu.vector_store %arg6[%swap3A_1138, %swap3A_1139], %swap3A_1142 {strides = array<i32>} : memref<128x16xf32, #tpu.memory_space<vmem>>, vector<1x16xf32>,
    %swap3A_1143 = arith.constant 95 : i32
    %swap3A_1144 = arith.index_cast %swap3A_1143 : i32 to index
    %swap3A_1145 = arith.constant 0 : index
    %swap3A_1146 = tpu.vector_load %arg5[%swap3A_1144, %swap3A_1145] {strides = array<i32>} : memref<128x16xf32, #tpu.memory_space<vmem>>, vector<1x16xf32>,
    %swap3A_1147 = vector.shape_cast %swap3A_1146 : vector<1x16xf32> to vector<16xf32>
    %swap3A_1148 = vector.shape_cast %broadcast_in_dim3A_1 : vector<16xf32> to vector<1x16xf32>
    tpu.vector_store %arg5[%swap3A_1144, %swap3A_1145], %swap3A_1148 {strides = array<i32>} : memref<128x16xf32, #tpu.memory_space<vmem>>, vector<1x16xf32>,
    %swap3A_1149 = arith.constant 95 : i32
    %swap3A_1150 = arith.index_cast %swap3A_1149 : i32 to index
    %swap3A_1151 = arith.constant 0 : index
    %swap3A_1152 = tpu.vector_load %arg6[%swap3A_1150, %swap3A_1151] {strides = array<i32>} : memref<128x16xf32, #tpu.memory_space<vmem>>, vector<1x16xf32>,
    %swap3A_1153 = vector.shape_cast %swap3A_1152 : vector<1x16xf32> to vector<16xf32>
    %swap3A_1154 = vector.shape_cast %broadcast_in_dim3A_3 : vector<16xf32> to vector<1x16xf32>
    tpu.vector_store %arg6[%swap3A_1150, %swap3A_1151], %swap3A_1154 {strides = array<i32>} : memref<128x16xf32, #tpu.memory_space<vmem>>, vector<1x16xf32>,
    %swap3A_1155 = arith.constant 96 : i32
    %swap3A_1156 = arith.index_cast %swap3A_1155 : i32 to index
    %swap3A_1157 = arith.constant 0 : index
    %swap3A_1158 = tpu.vector_load %arg5[%swap3A_1156, %swap3A_1157] {strides = array<i32>} : memref<128x16xf32, #tpu.memory_space<vmem>>, vector<1x16xf32>,
    %swap3A_1159 = vector.shape_cast %swap3A_1158 : vector<1x16xf32> to vector<16xf32>
    %swap3A_1160 = vector.shape_cast %broadcast_in_dim3A_1 : vector<16xf32> to vector<1x16xf32>
    tpu.vector_store %arg5[%swap3A_1156, %swap3A_1157], %swap3A_1160 {strides = array<i32>} : memref<128x16xf32, #tpu.memory_space<vmem>>, vector<1x16xf32>,
    %swap3A_1161 = arith.constant 96 : i32
    %swap3A_1162 = arith.index_cast %swap3A_1161 : i32 to index
    %swap3A_1163 = arith.constant 0 : index
    %swap3A_1164 = tpu.vector_load %arg6[%swap3A_1162, %swap3A_1163] {strides = array<i32>} : memref<128x16xf32, #tpu.memory_space<vmem>>, vector<1x16xf32>,
    %swap3A_1165 = vector.shape_cast %swap3A_1164 : vector<1x16xf32> to vector<16xf32>
    %swap3A_1166 = vector.shape_cast %broadcast_in_dim3A_3 : vector<16xf32> to vector<1x16xf32>
    tpu.vector_store %arg6[%swap3A_1162, %swap3A_1163], %swap3A_1166 {strides = array<i32>} : memref<128x16xf32, #tpu.memory_space<vmem>>, vector<1x16xf32>,
    %swap3A_1167 = arith.constant 97 : i32
    %swap3A_1168 = arith.index_cast %swap3A_1167 : i32 to index
    %swap3A_1169 = arith.constant 0 : index
    %swap3A_1170 = tpu.vector_load %arg5[%swap3A_1168, %swap3A_1169] {strides = array<i32>} : memref<128x16xf32, #tpu.memory_space<vmem>>, vector<1x16xf32>,
    %swap3A_1171 = vector.shape_cast %swap3A_1170 : vector<1x16xf32> to vector<16xf32>
    %swap3A_1172 = vector.shape_cast %broadcast_in_dim3A_1 : vector<16xf32> to vector<1x16xf32>
    tpu.vector_store %arg5[%swap3A_1168, %swap3A_1169], %swap3A_1172 {strides = array<i32>} : memref<128x16xf32, #tpu.memory_space<vmem>>, vector<1x16xf32>,
    %swap3A_1173 = arith.constant 97 : i32
    %swap3A_1174 = arith.index_cast %swap3A_1173 : i32 to index
    %swap3A_1175 = arith.constant 0 : index
    %swap3A_1176 = tpu.vector_load %arg6[%swap3A_1174, %swap3A_1175] {strides = array<i32>} : memref<128x16xf32, #tpu.memory_space<vmem>>, vector<1x16xf32>,
    %swap3A_1177 = vector.shape_cast %swap3A_1176 : vector<1x16xf32> to vector<16xf32>
    %swap3A_1178 = vector.shape_cast %broadcast_in_dim3A_3 : vector<16xf32> to vector<1x16xf32>
    tpu.vector_store %arg6[%swap3A_1174, %swap3A_1175], %swap3A_1178 {strides = array<i32>} : memref<128x16xf32, #tpu.memory_space<vmem>>, vector<1x16xf32>,
    %swap3A_1179 = arith.constant 98 : i32
    %swap3A_1180 = arith.index_cast %swap3A_1179 : i32 to index
    %swap3A_1181 = arith.constant 0 : index
    %swap3A_1182 = tpu.vector_load %arg5[%swap3A_1180, %swap3A_1181] {strides = array<i32>} : memref<128x16xf32, #tpu.memory_space<vmem>>, vector<1x16xf32>,
    %swap3A_1183 = vector.shape_cast %swap3A_1182 : vector<1x16xf32> to vector<16xf32>
    %swap3A_1184 = vector.shape_cast %broadcast_in_dim3A_1 : vector<16xf32> to vector<1x16xf32>
    tpu.vector_store %arg5[%swap3A_1180, %swap3A_1181], %swap3A_1184 {strides = array<i32>} : memref<128x16xf32, #tpu.memory_space<vmem>>, vector<1x16xf32>,
    %swap3A_1185 = arith.constant 98 : i32
    %swap3A_1186 = arith.index_cast %swap3A_1185 : i32 to index
    %swap3A_1187 = arith.constant 0 : index
    %swap3A_1188 = tpu.vector_load %arg6[%swap3A_1186, %swap3A_1187] {strides = array<i32>} : memref<128x16xf32, #tpu.memory_space<vmem>>, vector<1x16xf32>,
    %swap3A_1189 = vector.shape_cast %swap3A_1188 : vector<1x16xf32> to vector<16xf32>
    %swap3A_1190 = vector.shape_cast %broadcast_in_dim3A_3 : vector<16xf32> to vector<1x16xf32>
    tpu.vector_store %arg6[%swap3A_1186, %swap3A_1187], %swap3A_1190 {strides = array<i32>} : memref<128x16xf32, #tpu.memory_space<vmem>>, vector<1x16xf32>,
    %swap3A_1191 = arith.constant 99 : i32
    %swap3A_1192 = arith.index_cast %swap3A_1191 : i32 to index
    %swap3A_1193 = arith.constant 0 : index
    %swap3A_1194 = tpu.vector_load %arg5[%swap3A_1192, %swap3A_1193] {strides = array<i32>} : memref<128x16xf32, #tpu.memory_space<vmem>>, vector<1x16xf32>,
    %swap3A_1195 = vector.shape_cast %swap3A_1194 : vector<1x16xf32> to vector<16xf32>
    %swap3A_1196 = vector.shape_cast %broadcast_in_dim3A_1 : vector<16xf32> to vector<1x16xf32>
    tpu.vector_store %arg5[%swap3A_1192, %swap3A_1193], %swap3A_1196 {strides = array<i32>} : memref<128x16xf32, #tpu.memory_space<vmem>>, vector<1x16xf32>,
    %swap3A_1197 = arith.constant 99 : i32
    %swap3A_1198 = arith.index_cast %swap3A_1197 : i32 to index
    %swap3A_1199 = arith.constant 0 : index
    %swap3A_1200 = tpu.vector_load %arg6[%swap3A_1198, %swap3A_1199] {strides = array<i32>} : memref<128x16xf32, #tpu.memory_space<vmem>>, vector<1x16xf32>,
    %swap3A_1201 = vector.shape_cast %swap3A_1200 : vector<1x16xf32> to vector<16xf32>
    %swap3A_1202 = vector.shape_cast %broadcast_in_dim3A_3 : vector<16xf32> to vector<1x16xf32>
    tpu.vector_store %arg6[%swap3A_1198, %swap3A_1199], %swap3A_1202 {strides = array<i32>} : memref<128x16xf32, #tpu.memory_space<vmem>>, vector<1x16xf32>,
    %swap3A_1203 = arith.constant 100 : i32
    %swap3A_1204 = arith.index_cast %swap3A_1203 : i32 to index
    %swap3A_1205 = arith.constant 0 : index
    %swap3A_1206 = tpu.vector_load %arg5[%swap3A_1204, %swap3A_1205] {strides = array<i32>} : memref<128x16xf32, #tpu.memory_space<vmem>>, vector<1x16xf32>,
    %swap3A_1207 = vector.shape_cast %swap3A_1206 : vector<1x16xf32> to vector<16xf32>
    %swap3A_1208 = vector.shape_cast %broadcast_in_dim3A_1 : vector<16xf32> to vector<1x16xf32>
    tpu.vector_store %arg5[%swap3A_1204, %swap3A_1205], %swap3A_1208 {strides = array<i32>} : memref<128x16xf32, #tpu.memory_space<vmem>>, vector<1x16xf32>,
    %swap3A_1209 = arith.constant 100 : i32
    %swap3A_1210 = arith.index_cast %swap3A_1209 : i32 to index
    %swap3A_1211 = arith.constant 0 : index
    %swap3A_1212 = tpu.vector_load %arg6[%swap3A_1210, %swap3A_1211] {strides = array<i32>} : memref<128x16xf32, #tpu.memory_space<vmem>>, vector<1x16xf32>,
    %swap3A_1213 = vector.shape_cast %swap3A_1212 : vector<1x16xf32> to vector<16xf32>
    %swap3A_1214 = vector.shape_cast %broadcast_in_dim3A_3 : vector<16xf32> to vector<1x16xf32>
    tpu.vector_store %arg6[%swap3A_1210, %swap3A_1211], %swap3A_1214 {strides = array<i32>} : memref<128x16xf32, #tpu.memory_space<vmem>>, vector<1x16xf32>,
    %swap3A_1215 = arith.constant 101 : i32
    %swap3A_1216 = arith.index_cast %swap3A_1215 : i32 to index
    %swap3A_1217 = arith.constant 0 : index
    %swap3A_1218 = tpu.vector_load %arg5[%swap3A_1216, %swap3A_1217] {strides = array<i32>} : memref<128x16xf32, #tpu.memory_space<vmem>>, vector<1x16xf32>,
    %swap3A_1219 = vector.shape_cast %swap3A_1218 : vector<1x16xf32> to vector<16xf32>
    %swap3A_1220 = vector.shape_cast %broadcast_in_dim3A_1 : vector<16xf32> to vector<1x16xf32>
    tpu.vector_store %arg5[%swap3A_1216, %swap3A_1217], %swap3A_1220 {strides = array<i32>} : memref<128x16xf32, #tpu.memory_space<vmem>>, vector<1x16xf32>,
    %swap3A_1221 = arith.constant 101 : i32
    %swap3A_1222 = arith.index_cast %swap3A_1221 : i32 to index
    %swap3A_1223 = arith.constant 0 : index
    %swap3A_1224 = tpu.vector_load %arg6[%swap3A_1222, %swap3A_1223] {strides = array<i32>} : memref<128x16xf32, #tpu.memory_space<vmem>>, vector<1x16xf32>,
    %swap3A_1225 = vector.shape_cast %swap3A_1224 : vector<1x16xf32> to vector<16xf32>
    %swap3A_1226 = vector.shape_cast %broadcast_in_dim3A_3 : vector<16xf32> to vector<1x16xf32>
    tpu.vector_store %arg6[%swap3A_1222, %swap3A_1223], %swap3A_1226 {strides = array<i32>} : memref<128x16xf32, #tpu.memory_space<vmem>>, vector<1x16xf32>,
    %swap3A_1227 = arith.constant 102 : i32
    %swap3A_1228 = arith.index_cast %swap3A_1227 : i32 to index
    %swap3A_1229 = arith.constant 0 : index
    %swap3A_1230 = tpu.vector_load %arg5[%swap3A_1228, %swap3A_1229] {strides = array<i32>} : memref<128x16xf32, #tpu.memory_space<vmem>>, vector<1x16xf32>,
    %swap3A_1231 = vector.shape_cast %swap3A_1230 : vector<1x16xf32> to vector<16xf32>
    %swap3A_1232 = vector.shape_cast %broadcast_in_dim3A_1 : vector<16xf32> to vector<1x16xf32>
    tpu.vector_store %arg5[%swap3A_1228, %swap3A_1229], %swap3A_1232 {strides = array<i32>} : memref<128x16xf32, #tpu.memory_space<vmem>>, vector<1x16xf32>,
    %swap3A_1233 = arith.constant 102 : i32
    %swap3A_1234 = arith.index_cast %swap3A_1233 : i32 to index
    %swap3A_1235 = arith.constant 0 : index
    %swap3A_1236 = tpu.vector_load %arg6[%swap3A_1234, %swap3A_1235] {strides = array<i32>} : memref<128x16xf32, #tpu.memory_space<vmem>>, vector<1x16xf32>,
    %swap3A_1237 = vector.shape_cast %swap3A_1236 : vector<1x16xf32> to vector<16xf32>
    %swap3A_1238 = vector.shape_cast %broadcast_in_dim3A_3 : vector<16xf32> to vector<1x16xf32>
    tpu.vector_store %arg6[%swap3A_1234, %swap3A_1235], %swap3A_1238 {strides = array<i32>} : memref<128x16xf32, #tpu.memory_space<vmem>>, vector<1x16xf32>,
    %swap3A_1239 = arith.constant 103 : i32
    %swap3A_1240 = arith.index_cast %swap3A_1239 : i32 to index
    %swap3A_1241 = arith.constant 0 : index
    %swap3A_1242 = tpu.vector_load %arg5[%swap3A_1240, %swap3A_1241] {strides = array<i32>} : memref<128x16xf32, #tpu.memory_space<vmem>>, vector<1x16xf32>,
    %swap3A_1243 = vector.shape_cast %swap3A_1242 : vector<1x16xf32> to vector<16xf32>
    %swap3A_1244 = vector.shape_cast %broadcast_in_dim3A_1 : vector<16xf32> to vector<1x16xf32>
    tpu.vector_store %arg5[%swap3A_1240, %swap3A_1241], %swap3A_1244 {strides = array<i32>} : memref<128x16xf32, #tpu.memory_space<vmem>>, vector<1x16xf32>,
    %swap3A_1245 = arith.constant 103 : i32
    %swap3A_1246 = arith.index_cast %swap3A_1245 : i32 to index
    %swap3A_1247 = arith.constant 0 : index
    %swap3A_1248 = tpu.vector_load %arg6[%swap3A_1246, %swap3A_1247] {strides = array<i32>} : memref<128x16xf32, #tpu.memory_space<vmem>>, vector<1x16xf32>,
    %swap3A_1249 = vector.shape_cast %swap3A_1248 : vector<1x16xf32> to vector<16xf32>
    %swap3A_1250 = vector.shape_cast %broadcast_in_dim3A_3 : vector<16xf32> to vector<1x16xf32>
    tpu.vector_store %arg6[%swap3A_1246, %swap3A_1247], %swap3A_1250 {strides = array<i32>} : memref<128x16xf32, #tpu.memory_space<vmem>>, vector<1x16xf32>,
    %swap3A_1251 = arith.constant 104 : i32
    %swap3A_1252 = arith.index_cast %swap3A_1251 : i32 to index
    %swap3A_1253 = arith.constant 0 : index
    %swap3A_1254 = tpu.vector_load %arg5[%swap3A_1252, %swap3A_1253] {strides = array<i32>} : memref<128x16xf32, #tpu.memory_space<vmem>>, vector<1x16xf32>,
    %swap3A_1255 = vector.shape_cast %swap3A_1254 : vector<1x16xf32> to vector<16xf32>
    %swap3A_1256 = vector.shape_cast %broadcast_in_dim3A_1 : vector<16xf32> to vector<1x16xf32>
    tpu.vector_store %arg5[%swap3A_1252, %swap3A_1253], %swap3A_1256 {strides = array<i32>} : memref<128x16xf32, #tpu.memory_space<vmem>>, vector<1x16xf32>,
    %swap3A_1257 = arith.constant 104 : i32
    %swap3A_1258 = arith.index_cast %swap3A_1257 : i32 to index
    %swap3A_1259 = arith.constant 0 : index
    %swap3A_1260 = tpu.vector_load %arg6[%swap3A_1258, %swap3A_1259] {strides = array<i32>} : memref<128x16xf32, #tpu.memory_space<vmem>>, vector<1x16xf32>,
    %swap3A_1261 = vector.shape_cast %swap3A_1260 : vector<1x16xf32> to vector<16xf32>
    %swap3A_1262 = vector.shape_cast %broadcast_in_dim3A_3 : vector<16xf32> to vector<1x16xf32>
    tpu.vector_store %arg6[%swap3A_1258, %swap3A_1259], %swap3A_1262 {strides = array<i32>} : memref<128x16xf32, #tpu.memory_space<vmem>>, vector<1x16xf32>,
    %swap3A_1263 = arith.constant 105 : i32
    %swap3A_1264 = arith.index_cast %swap3A_1263 : i32 to index
    %swap3A_1265 = arith.constant 0 : index
    %swap3A_1266 = tpu.vector_load %arg5[%swap3A_1264, %swap3A_1265] {strides = array<i32>} : memref<128x16xf32, #tpu.memory_space<vmem>>, vector<1x16xf32>,
    %swap3A_1267 = vector.shape_cast %swap3A_1266 : vector<1x16xf32> to vector<16xf32>
    %swap3A_1268 = vector.shape_cast %broadcast_in_dim3A_1 : vector<16xf32> to vector<1x16xf32>
    tpu.vector_store %arg5[%swap3A_1264, %swap3A_1265], %swap3A_1268 {strides = array<i32>} : memref<128x16xf32, #tpu.memory_space<vmem>>, vector<1x16xf32>,
    %swap3A_1269 = arith.constant 105 : i32
    %swap3A_1270 = arith.index_cast %swap3A_1269 : i32 to index
    %swap3A_1271 = arith.constant 0 : index
    %swap3A_1272 = tpu.vector_load %arg6[%swap3A_1270, %swap3A_1271] {strides = array<i32>} : memref<128x16xf32, #tpu.memory_space<vmem>>, vector<1x16xf32>,
    %swap3A_1273 = vector.shape_cast %swap3A_1272 : vector<1x16xf32> to vector<16xf32>
    %swap3A_1274 = vector.shape_cast %broadcast_in_dim3A_3 : vector<16xf32> to vector<1x16xf32>
    tpu.vector_store %arg6[%swap3A_1270, %swap3A_1271], %swap3A_1274 {strides = array<i32>} : memref<128x16xf32, #tpu.memory_space<vmem>>, vector<1x16xf32>,
    %swap3A_1275 = arith.constant 106 : i32
    %swap3A_1276 = arith.index_cast %swap3A_1275 : i32 to index
    %swap3A_1277 = arith.constant 0 : index
    %swap3A_1278 = tpu.vector_load %arg5[%swap3A_1276, %swap3A_1277] {strides = array<i32>} : memref<128x16xf32, #tpu.memory_space<vmem>>, vector<1x16xf32>,
    %swap3A_1279 = vector.shape_cast %swap3A_1278 : vector<1x16xf32> to vector<16xf32>
    %swap3A_1280 = vector.shape_cast %broadcast_in_dim3A_1 : vector<16xf32> to vector<1x16xf32>
    tpu.vector_store %arg5[%swap3A_1276, %swap3A_1277], %swap3A_1280 {strides = array<i32>} : memref<128x16xf32, #tpu.memory_space<vmem>>, vector<1x16xf32>,
    %swap3A_1281 = arith.constant 106 : i32
    %swap3A_1282 = arith.index_cast %swap3A_1281 : i32 to index
    %swap3A_1283 = arith.constant 0 : index
    %swap3A_1284 = tpu.vector_load %arg6[%swap3A_1282, %swap3A_1283] {strides = array<i32>} : memref<128x16xf32, #tpu.memory_space<vmem>>, vector<1x16xf32>,
    %swap3A_1285 = vector.shape_cast %swap3A_1284 : vector<1x16xf32> to vector<16xf32>
    %swap3A_1286 = vector.shape_cast %broadcast_in_dim3A_3 : vector<16xf32> to vector<1x16xf32>
    tpu.vector_store %arg6[%swap3A_1282, %swap3A_1283], %swap3A_1286 {strides = array<i32>} : memref<128x16xf32, #tpu.memory_space<vmem>>, vector<1x16xf32>,
    %swap3A_1287 = arith.constant 107 : i32
    %swap3A_1288 = arith.index_cast %swap3A_1287 : i32 to index
    %swap3A_1289 = arith.constant 0 : index
    %swap3A_1290 = tpu.vector_load %arg5[%swap3A_1288, %swap3A_1289] {strides = array<i32>} : memref<128x16xf32, #tpu.memory_space<vmem>>, vector<1x16xf32>,
    %swap3A_1291 = vector.shape_cast %swap3A_1290 : vector<1x16xf32> to vector<16xf32>
    %swap3A_1292 = vector.shape_cast %broadcast_in_dim3A_1 : vector<16xf32> to vector<1x16xf32>
    tpu.vector_store %arg5[%swap3A_1288, %swap3A_1289], %swap3A_1292 {strides = array<i32>} : memref<128x16xf32, #tpu.memory_space<vmem>>, vector<1x16xf32>,
    %swap3A_1293 = arith.constant 107 : i32
    %swap3A_1294 = arith.index_cast %swap3A_1293 : i32 to index
    %swap3A_1295 = arith.constant 0 : index
    %swap3A_1296 = tpu.vector_load %arg6[%swap3A_1294, %swap3A_1295] {strides = array<i32>} : memref<128x16xf32, #tpu.memory_space<vmem>>, vector<1x16xf32>,
    %swap3A_1297 = vector.shape_cast %swap3A_1296 : vector<1x16xf32> to vector<16xf32>
    %swap3A_1298 = vector.shape_cast %broadcast_in_dim3A_3 : vector<16xf32> to vector<1x16xf32>
    tpu.vector_store %arg6[%swap3A_1294, %swap3A_1295], %swap3A_1298 {strides = array<i32>} : memref<128x16xf32, #tpu.memory_space<vmem>>, vector<1x16xf32>,
    %swap3A_1299 = arith.constant 108 : i32
    %swap3A_1300 = arith.index_cast %swap3A_1299 : i32 to index
    %swap3A_1301 = arith.constant 0 : index
    %swap3A_1302 = tpu.vector_load %arg5[%swap3A_1300, %swap3A_1301] {strides = array<i32>} : memref<128x16xf32, #tpu.memory_space<vmem>>, vector<1x16xf32>,
    %swap3A_1303 = vector.shape_cast %swap3A_1302 : vector<1x16xf32> to vector<16xf32>
    %swap3A_1304 = vector.shape_cast %broadcast_in_dim3A_1 : vector<16xf32> to vector<1x16xf32>
    tpu.vector_store %arg5[%swap3A_1300, %swap3A_1301], %swap3A_1304 {strides = array<i32>} : memref<128x16xf32, #tpu.memory_space<vmem>>, vector<1x16xf32>,
    %swap3A_1305 = arith.constant 108 : i32
    %swap3A_1306 = arith.index_cast %swap3A_1305 : i32 to index
    %swap3A_1307 = arith.constant 0 : index
    %swap3A_1308 = tpu.vector_load %arg6[%swap3A_1306, %swap3A_1307] {strides = array<i32>} : memref<128x16xf32, #tpu.memory_space<vmem>>, vector<1x16xf32>,
    %swap3A_1309 = vector.shape_cast %swap3A_1308 : vector<1x16xf32> to vector<16xf32>
    %swap3A_1310 = vector.shape_cast %broadcast_in_dim3A_3 : vector<16xf32> to vector<1x16xf32>
    tpu.vector_store %arg6[%swap3A_1306, %swap3A_1307], %swap3A_1310 {strides = array<i32>} : memref<128x16xf32, #tpu.memory_space<vmem>>, vector<1x16xf32>,
    %swap3A_1311 = arith.constant 109 : i32
    %swap3A_1312 = arith.index_cast %swap3A_1311 : i32 to index
    %swap3A_1313 = arith.constant 0 : index
    %swap3A_1314 = tpu.vector_load %arg5[%swap3A_1312, %swap3A_1313] {strides = array<i32>} : memref<128x16xf32, #tpu.memory_space<vmem>>, vector<1x16xf32>,
    %swap3A_1315 = vector.shape_cast %swap3A_1314 : vector<1x16xf32> to vector<16xf32>
    %swap3A_1316 = vector.shape_cast %broadcast_in_dim3A_1 : vector<16xf32> to vector<1x16xf32>
    tpu.vector_store %arg5[%swap3A_1312, %swap3A_1313], %swap3A_1316 {strides = array<i32>} : memref<128x16xf32, #tpu.memory_space<vmem>>, vector<1x16xf32>,
    %swap3A_1317 = arith.constant 109 : i32
    %swap3A_1318 = arith.index_cast %swap3A_1317 : i32 to index
    %swap3A_1319 = arith.constant 0 : index
    %swap3A_1320 = tpu.vector_load %arg6[%swap3A_1318, %swap3A_1319] {strides = array<i32>} : memref<128x16xf32, #tpu.memory_space<vmem>>, vector<1x16xf32>,
    %swap3A_1321 = vector.shape_cast %swap3A_1320 : vector<1x16xf32> to vector<16xf32>
    %swap3A_1322 = vector.shape_cast %broadcast_in_dim3A_3 : vector<16xf32> to vector<1x16xf32>
    tpu.vector_store %arg6[%swap3A_1318, %swap3A_1319], %swap3A_1322 {strides = array<i32>} : memref<128x16xf32, #tpu.memory_space<vmem>>, vector<1x16xf32>,
    %swap3A_1323 = arith.constant 110 : i32
    %swap3A_1324 = arith.index_cast %swap3A_1323 : i32 to index
    %swap3A_1325 = arith.constant 0 : index
    %swap3A_1326 = tpu.vector_load %arg5[%swap3A_1324, %swap3A_1325] {strides = array<i32>} : memref<128x16xf32, #tpu.memory_space<vmem>>, vector<1x16xf32>,
    %swap3A_1327 = vector.shape_cast %swap3A_1326 : vector<1x16xf32> to vector<16xf32>
    %swap3A_1328 = vector.shape_cast %broadcast_in_dim3A_1 : vector<16xf32> to vector<1x16xf32>
    tpu.vector_store %arg5[%swap3A_1324, %swap3A_1325], %swap3A_1328 {strides = array<i32>} : memref<128x16xf32, #tpu.memory_space<vmem>>, vector<1x16xf32>,
    %swap3A_1329 = arith.constant 110 : i32
    %swap3A_1330 = arith.index_cast %swap3A_1329 : i32 to index
    %swap3A_1331 = arith.constant 0 : index
    %swap3A_1332 = tpu.vector_load %arg6[%swap3A_1330, %swap3A_1331] {strides = array<i32>} : memref<128x16xf32, #tpu.memory_space<vmem>>, vector<1x16xf32>,
    %swap3A_1333 = vector.shape_cast %swap3A_1332 : vector<1x16xf32> to vector<16xf32>
    %swap3A_1334 = vector.shape_cast %broadcast_in_dim3A_3 : vector<16xf32> to vector<1x16xf32>
    tpu.vector_store %arg6[%swap3A_1330, %swap3A_1331], %swap3A_1334 {strides = array<i32>} : memref<128x16xf32, #tpu.memory_space<vmem>>, vector<1x16xf32>,
    %swap3A_1335 = arith.constant 111 : i32
    %swap3A_1336 = arith.index_cast %swap3A_1335 : i32 to index
    %swap3A_1337 = arith.constant 0 : index
    %swap3A_1338 = tpu.vector_load %arg5[%swap3A_1336, %swap3A_1337] {strides = array<i32>} : memref<128x16xf32, #tpu.memory_space<vmem>>, vector<1x16xf32>,
    %swap3A_1339 = vector.shape_cast %swap3A_1338 : vector<1x16xf32> to vector<16xf32>
    %swap3A_1340 = vector.shape_cast %broadcast_in_dim3A_1 : vector<16xf32> to vector<1x16xf32>
    tpu.vector_store %arg5[%swap3A_1336, %swap3A_1337], %swap3A_1340 {strides = array<i32>} : memref<128x16xf32, #tpu.memory_space<vmem>>, vector<1x16xf32>,
    %swap3A_1341 = arith.constant 111 : i32
    %swap3A_1342 = arith.index_cast %swap3A_1341 : i32 to index
    %swap3A_1343 = arith.constant 0 : index
    %swap3A_1344 = tpu.vector_load %arg6[%swap3A_1342, %swap3A_1343] {strides = array<i32>} : memref<128x16xf32, #tpu.memory_space<vmem>>, vector<1x16xf32>,
    %swap3A_1345 = vector.shape_cast %swap3A_1344 : vector<1x16xf32> to vector<16xf32>
    %swap3A_1346 = vector.shape_cast %broadcast_in_dim3A_3 : vector<16xf32> to vector<1x16xf32>
    tpu.vector_store %arg6[%swap3A_1342, %swap3A_1343], %swap3A_1346 {strides = array<i32>} : memref<128x16xf32, #tpu.memory_space<vmem>>, vector<1x16xf32>,
    %swap3A_1347 = arith.constant 112 : i32
    %swap3A_1348 = arith.index_cast %swap3A_1347 : i32 to index
    %swap3A_1349 = arith.constant 0 : index
    %swap3A_1350 = tpu.vector_load %arg5[%swap3A_1348, %swap3A_1349] {strides = array<i32>} : memref<128x16xf32, #tpu.memory_space<vmem>>, vector<1x16xf32>,
    %swap3A_1351 = vector.shape_cast %swap3A_1350 : vector<1x16xf32> to vector<16xf32>
    %swap3A_1352 = vector.shape_cast %broadcast_in_dim3A_1 : vector<16xf32> to vector<1x16xf32>
    tpu.vector_store %arg5[%swap3A_1348, %swap3A_1349], %swap3A_1352 {strides = array<i32>} : memref<128x16xf32, #tpu.memory_space<vmem>>, vector<1x16xf32>,
    %swap3A_1353 = arith.constant 112 : i32
    %swap3A_1354 = arith.index_cast %swap3A_1353 : i32 to index
    %swap3A_1355 = arith.constant 0 : index
    %swap3A_1356 = tpu.vector_load %arg6[%swap3A_1354, %swap3A_1355] {strides = array<i32>} : memref<128x16xf32, #tpu.memory_space<vmem>>, vector<1x16xf32>,
    %swap3A_1357 = vector.shape_cast %swap3A_1356 : vector<1x16xf32> to vector<16xf32>
    %swap3A_1358 = vector.shape_cast %broadcast_in_dim3A_3 : vector<16xf32> to vector<1x16xf32>
    tpu.vector_store %arg6[%swap3A_1354, %swap3A_1355], %swap3A_1358 {strides = array<i32>} : memref<128x16xf32, #tpu.memory_space<vmem>>, vector<1x16xf32>,
    %swap3A_1359 = arith.constant 113 : i32
    %swap3A_1360 = arith.index_cast %swap3A_1359 : i32 to index
    %swap3A_1361 = arith.constant 0 : index
    %swap3A_1362 = tpu.vector_load %arg5[%swap3A_1360, %swap3A_1361] {strides = array<i32>} : memref<128x16xf32, #tpu.memory_space<vmem>>, vector<1x16xf32>,
    %swap3A_1363 = vector.shape_cast %swap3A_1362 : vector<1x16xf32> to vector<16xf32>
    %swap3A_1364 = vector.shape_cast %broadcast_in_dim3A_1 : vector<16xf32> to vector<1x16xf32>
    tpu.vector_store %arg5[%swap3A_1360, %swap3A_1361], %swap3A_1364 {strides = array<i32>} : memref<128x16xf32, #tpu.memory_space<vmem>>, vector<1x16xf32>,
    %swap3A_1365 = arith.constant 113 : i32
    %swap3A_1366 = arith.index_cast %swap3A_1365 : i32 to index
    %swap3A_1367 = arith.constant 0 : index
    %swap3A_1368 = tpu.vector_load %arg6[%swap3A_1366, %swap3A_1367] {strides = array<i32>} : memref<128x16xf32, #tpu.memory_space<vmem>>, vector<1x16xf32>,
    %swap3A_1369 = vector.shape_cast %swap3A_1368 : vector<1x16xf32> to vector<16xf32>
    %swap3A_1370 = vector.shape_cast %broadcast_in_dim3A_3 : vector<16xf32> to vector<1x16xf32>
    tpu.vector_store %arg6[%swap3A_1366, %swap3A_1367], %swap3A_1370 {strides = array<i32>} : memref<128x16xf32, #tpu.memory_space<vmem>>, vector<1x16xf32>,
    %swap3A_1371 = arith.constant 114 : i32
    %swap3A_1372 = arith.index_cast %swap3A_1371 : i32 to index
    %swap3A_1373 = arith.constant 0 : index
    %swap3A_1374 = tpu.vector_load %arg5[%swap3A_1372, %swap3A_1373] {strides = array<i32>} : memref<128x16xf32, #tpu.memory_space<vmem>>, vector<1x16xf32>,
    %swap3A_1375 = vector.shape_cast %swap3A_1374 : vector<1x16xf32> to vector<16xf32>
    %swap3A_1376 = vector.shape_cast %broadcast_in_dim3A_1 : vector<16xf32> to vector<1x16xf32>
    tpu.vector_store %arg5[%swap3A_1372, %swap3A_1373], %swap3A_1376 {strides = array<i32>} : memref<128x16xf32, #tpu.memory_space<vmem>>, vector<1x16xf32>,
    %swap3A_1377 = arith.constant 114 : i32
    %swap3A_1378 = arith.index_cast %swap3A_1377 : i32 to index
    %swap3A_1379 = arith.constant 0 : index
    %swap3A_1380 = tpu.vector_load %arg6[%swap3A_1378, %swap3A_1379] {strides = array<i32>} : memref<128x16xf32, #tpu.memory_space<vmem>>, vector<1x16xf32>,
    %swap3A_1381 = vector.shape_cast %swap3A_1380 : vector<1x16xf32> to vector<16xf32>
    %swap3A_1382 = vector.shape_cast %broadcast_in_dim3A_3 : vector<16xf32> to vector<1x16xf32>
    tpu.vector_store %arg6[%swap3A_1378, %swap3A_1379], %swap3A_1382 {strides = array<i32>} : memref<128x16xf32, #tpu.memory_space<vmem>>, vector<1x16xf32>,
    %swap3A_1383 = arith.constant 115 : i32
    %swap3A_1384 = arith.index_cast %swap3A_1383 : i32 to index
    %swap3A_1385 = arith.constant 0 : index
    %swap3A_1386 = tpu.vector_load %arg5[%swap3A_1384, %swap3A_1385] {strides = array<i32>} : memref<128x16xf32, #tpu.memory_space<vmem>>, vector<1x16xf32>,
    %swap3A_1387 = vector.shape_cast %swap3A_1386 : vector<1x16xf32> to vector<16xf32>
    %swap3A_1388 = vector.shape_cast %broadcast_in_dim3A_1 : vector<16xf32> to vector<1x16xf32>
    tpu.vector_store %arg5[%swap3A_1384, %swap3A_1385], %swap3A_1388 {strides = array<i32>} : memref<128x16xf32, #tpu.memory_space<vmem>>, vector<1x16xf32>,
    %swap3A_1389 = arith.constant 115 : i32
    %swap3A_1390 = arith.index_cast %swap3A_1389 : i32 to index
    %swap3A_1391 = arith.constant 0 : index
    %swap3A_1392 = tpu.vector_load %arg6[%swap3A_1390, %swap3A_1391] {strides = array<i32>} : memref<128x16xf32, #tpu.memory_space<vmem>>, vector<1x16xf32>,
    %swap3A_1393 = vector.shape_cast %swap3A_1392 : vector<1x16xf32> to vector<16xf32>
    %swap3A_1394 = vector.shape_cast %broadcast_in_dim3A_3 : vector<16xf32> to vector<1x16xf32>
    tpu.vector_store %arg6[%swap3A_1390, %swap3A_1391], %swap3A_1394 {strides = array<i32>} : memref<128x16xf32, #tpu.memory_space<vmem>>, vector<1x16xf32>,
    %swap3A_1395 = arith.constant 116 : i32
    %swap3A_1396 = arith.index_cast %swap3A_1395 : i32 to index
    %swap3A_1397 = arith.constant 0 : index
    %swap3A_1398 = tpu.vector_load %arg5[%swap3A_1396, %swap3A_1397] {strides = array<i32>} : memref<128x16xf32, #tpu.memory_space<vmem>>, vector<1x16xf32>,
    %swap3A_1399 = vector.shape_cast %swap3A_1398 : vector<1x16xf32> to vector<16xf32>
    %swap3A_1400 = vector.shape_cast %broadcast_in_dim3A_1 : vector<16xf32> to vector<1x16xf32>
    tpu.vector_store %arg5[%swap3A_1396, %swap3A_1397], %swap3A_1400 {strides = array<i32>} : memref<128x16xf32, #tpu.memory_space<vmem>>, vector<1x16xf32>,
    %swap3A_1401 = arith.constant 116 : i32
    %swap3A_1402 = arith.index_cast %swap3A_1401 : i32 to index
    %swap3A_1403 = arith.constant 0 : index
    %swap3A_1404 = tpu.vector_load %arg6[%swap3A_1402, %swap3A_1403] {strides = array<i32>} : memref<128x16xf32, #tpu.memory_space<vmem>>, vector<1x16xf32>,
    %swap3A_1405 = vector.shape_cast %swap3A_1404 : vector<1x16xf32> to vector<16xf32>
    %swap3A_1406 = vector.shape_cast %broadcast_in_dim3A_3 : vector<16xf32> to vector<1x16xf32>
    tpu.vector_store %arg6[%swap3A_1402, %swap3A_1403], %swap3A_1406 {strides = array<i32>} : memref<128x16xf32, #tpu.memory_space<vmem>>, vector<1x16xf32>,
    %swap3A_1407 = arith.constant 117 : i32
    %swap3A_1408 = arith.index_cast %swap3A_1407 : i32 to index
    %swap3A_1409 = arith.constant 0 : index
    %swap3A_1410 = tpu.vector_load %arg5[%swap3A_1408, %swap3A_1409] {strides = array<i32>} : memref<128x16xf32, #tpu.memory_space<vmem>>, vector<1x16xf32>,
    %swap3A_1411 = vector.shape_cast %swap3A_1410 : vector<1x16xf32> to vector<16xf32>
    %swap3A_1412 = vector.shape_cast %broadcast_in_dim3A_1 : vector<16xf32> to vector<1x16xf32>
    tpu.vector_store %arg5[%swap3A_1408, %swap3A_1409], %swap3A_1412 {strides = array<i32>} : memref<128x16xf32, #tpu.memory_space<vmem>>, vector<1x16xf32>,
    %swap3A_1413 = arith.constant 117 : i32
    %swap3A_1414 = arith.index_cast %swap3A_1413 : i32 to index
    %swap3A_1415 = arith.constant 0 : index
    %swap3A_1416 = tpu.vector_load %arg6[%swap3A_1414, %swap3A_1415] {strides = array<i32>} : memref<128x16xf32, #tpu.memory_space<vmem>>, vector<1x16xf32>,
    %swap3A_1417 = vector.shape_cast %swap3A_1416 : vector<1x16xf32> to vector<16xf32>
    %swap3A_1418 = vector.shape_cast %broadcast_in_dim3A_3 : vector<16xf32> to vector<1x16xf32>
    tpu.vector_store %arg6[%swap3A_1414, %swap3A_1415], %swap3A_1418 {strides = array<i32>} : memref<128x16xf32, #tpu.memory_space<vmem>>, vector<1x16xf32>,
    %swap3A_1419 = arith.constant 118 : i32
    %swap3A_1420 = arith.index_cast %swap3A_1419 : i32 to index
    %swap3A_1421 = arith.constant 0 : index
    %swap3A_1422 = tpu.vector_load %arg5[%swap3A_1420, %swap3A_1421] {strides = array<i32>} : memref<128x16xf32, #tpu.memory_space<vmem>>, vector<1x16xf32>,
    %swap3A_1423 = vector.shape_cast %swap3A_1422 : vector<1x16xf32> to vector<16xf32>
    %swap3A_1424 = vector.shape_cast %broadcast_in_dim3A_1 : vector<16xf32> to vector<1x16xf32>
    tpu.vector_store %arg5[%swap3A_1420, %swap3A_1421], %swap3A_1424 {strides = array<i32>} : memref<128x16xf32, #tpu.memory_space<vmem>>, vector<1x16xf32>,
    %swap3A_1425 = arith.constant 118 : i32
    %swap3A_1426 = arith.index_cast %swap3A_1425 : i32 to index
    %swap3A_1427 = arith.constant 0 : index
    %swap3A_1428 = tpu.vector_load %arg6[%swap3A_1426, %swap3A_1427] {strides = array<i32>} : memref<128x16xf32, #tpu.memory_space<vmem>>, vector<1x16xf32>,
    %swap3A_1429 = vector.shape_cast %swap3A_1428 : vector<1x16xf32> to vector<16xf32>
    %swap3A_1430 = vector.shape_cast %broadcast_in_dim3A_3 : vector<16xf32> to vector<1x16xf32>
    tpu.vector_store %arg6[%swap3A_1426, %swap3A_1427], %swap3A_1430 {strides = array<i32>} : memref<128x16xf32, #tpu.memory_space<vmem>>, vector<1x16xf32>,
    %swap3A_1431 = arith.constant 119 : i32
    %swap3A_1432 = arith.index_cast %swap3A_1431 : i32 to index
    %swap3A_1433 = arith.constant 0 : index
    %swap3A_1434 = tpu.vector_load %arg5[%swap3A_1432, %swap3A_1433] {strides = array<i32>} : memref<128x16xf32, #tpu.memory_space<vmem>>, vector<1x16xf32>,
    %swap3A_1435 = vector.shape_cast %swap3A_1434 : vector<1x16xf32> to vector<16xf32>
    %swap3A_1436 = vector.shape_cast %broadcast_in_dim3A_1 : vector<16xf32> to vector<1x16xf32>
    tpu.vector_store %arg5[%swap3A_1432, %swap3A_1433], %swap3A_1436 {strides = array<i32>} : memref<128x16xf32, #tpu.memory_space<vmem>>, vector<1x16xf32>,
    %swap3A_1437 = arith.constant 119 : i32
    %swap3A_1438 = arith.index_cast %swap3A_1437 : i32 to index
    %swap3A_1439 = arith.constant 0 : index
    %swap3A_1440 = tpu.vector_load %arg6[%swap3A_1438, %swap3A_1439] {strides = array<i32>} : memref<128x16xf32, #tpu.memory_space<vmem>>, vector<1x16xf32>,
    %swap3A_1441 = vector.shape_cast %swap3A_1440 : vector<1x16xf32> to vector<16xf32>
    %swap3A_1442 = vector.shape_cast %broadcast_in_dim3A_3 : vector<16xf32> to vector<1x16xf32>
    tpu.vector_store %arg6[%swap3A_1438, %swap3A_1439], %swap3A_1442 {strides = array<i32>} : memref<128x16xf32, #tpu.memory_space<vmem>>, vector<1x16xf32>,
    %swap3A_1443 = arith.constant 120 : i32
    %swap3A_1444 = arith.index_cast %swap3A_1443 : i32 to index
    %swap3A_1445 = arith.constant 0 : index
    %swap3A_1446 = tpu.vector_load %arg5[%swap3A_1444, %swap3A_1445] {strides = array<i32>} : memref<128x16xf32, #tpu.memory_space<vmem>>, vector<1x16xf32>,
    %swap3A_1447 = vector.shape_cast %swap3A_1446 : vector<1x16xf32> to vector<16xf32>
    %swap3A_1448 = vector.shape_cast %broadcast_in_dim3A_1 : vector<16xf32> to vector<1x16xf32>
    tpu.vector_store %arg5[%swap3A_1444, %swap3A_1445], %swap3A_1448 {strides = array<i32>} : memref<128x16xf32, #tpu.memory_space<vmem>>, vector<1x16xf32>,
    %swap3A_1449 = arith.constant 120 : i32
    %swap3A_1450 = arith.index_cast %swap3A_1449 : i32 to index
    %swap3A_1451 = arith.constant 0 : index
    %swap3A_1452 = tpu.vector_load %arg6[%swap3A_1450, %swap3A_1451] {strides = array<i32>} : memref<128x16xf32, #tpu.memory_space<vmem>>, vector<1x16xf32>,
    %swap3A_1453 = vector.shape_cast %swap3A_1452 : vector<1x16xf32> to vector<16xf32>
    %swap3A_1454 = vector.shape_cast %broadcast_in_dim3A_3 : vector<16xf32> to vector<1x16xf32>
    tpu.vector_store %arg6[%swap3A_1450, %swap3A_1451], %swap3A_1454 {strides = array<i32>} : memref<128x16xf32, #tpu.memory_space<vmem>>, vector<1x16xf32>,
    %swap3A_1455 = arith.constant 121 : i32
    %swap3A_1456 = arith.index_cast %swap3A_1455 : i32 to index
    %swap3A_1457 = arith.constant 0 : index
    %swap3A_1458 = tpu.vector_load %arg5[%swap3A_1456, %swap3A_1457] {strides = array<i32>} : memref<128x16xf32, #tpu.memory_space<vmem>>, vector<1x16xf32>,
    %swap3A_1459 = vector.shape_cast %swap3A_1458 : vector<1x16xf32> to vector<16xf32>
    %swap3A_1460 = vector.shape_cast %broadcast_in_dim3A_1 : vector<16xf32> to vector<1x16xf32>
    tpu.vector_store %arg5[%swap3A_1456, %swap3A_1457], %swap3A_1460 {strides = array<i32>} : memref<128x16xf32, #tpu.memory_space<vmem>>, vector<1x16xf32>,
    %swap3A_1461 = arith.constant 121 : i32
    %swap3A_1462 = arith.index_cast %swap3A_1461 : i32 to index
    %swap3A_1463 = arith.constant 0 : index
    %swap3A_1464 = tpu.vector_load %arg6[%swap3A_1462, %swap3A_1463] {strides = array<i32>} : memref<128x16xf32, #tpu.memory_space<vmem>>, vector<1x16xf32>,
    %swap3A_1465 = vector.shape_cast %swap3A_1464 : vector<1x16xf32> to vector<16xf32>
    %swap3A_1466 = vector.shape_cast %broadcast_in_dim3A_3 : vector<16xf32> to vector<1x16xf32>
    tpu.vector_store %arg6[%swap3A_1462, %swap3A_1463], %swap3A_1466 {strides = array<i32>} : memref<128x16xf32, #tpu.memory_space<vmem>>, vector<1x16xf32>,
    %swap3A_1467 = arith.constant 122 : i32
    %swap3A_1468 = arith.index_cast %swap3A_1467 : i32 to index
    %swap3A_1469 = arith.constant 0 : index
    %swap3A_1470 = tpu.vector_load %arg5[%swap3A_1468, %swap3A_1469] {strides = array<i32>} : memref<128x16xf32, #tpu.memory_space<vmem>>, vector<1x16xf32>,
    %swap3A_1471 = vector.shape_cast %swap3A_1470 : vector<1x16xf32> to vector<16xf32>
    %swap3A_1472 = vector.shape_cast %broadcast_in_dim3A_1 : vector<16xf32> to vector<1x16xf32>
    tpu.vector_store %arg5[%swap3A_1468, %swap3A_1469], %swap3A_1472 {strides = array<i32>} : memref<128x16xf32, #tpu.memory_space<vmem>>, vector<1x16xf32>,
    %swap3A_1473 = arith.constant 122 : i32
    %swap3A_1474 = arith.index_cast %swap3A_1473 : i32 to index
    %swap3A_1475 = arith.constant 0 : index
    %swap3A_1476 = tpu.vector_load %arg6[%swap3A_1474, %swap3A_1475] {strides = array<i32>} : memref<128x16xf32, #tpu.memory_space<vmem>>, vector<1x16xf32>,
    %swap3A_1477 = vector.shape_cast %swap3A_1476 : vector<1x16xf32> to vector<16xf32>
    %swap3A_1478 = vector.shape_cast %broadcast_in_dim3A_3 : vector<16xf32> to vector<1x16xf32>
    tpu.vector_store %arg6[%swap3A_1474, %swap3A_1475], %swap3A_1478 {strides = array<i32>} : memref<128x16xf32, #tpu.memory_space<vmem>>, vector<1x16xf32>,
    %swap3A_1479 = arith.constant 123 : i32
    %swap3A_1480 = arith.index_cast %swap3A_1479 : i32 to index
    %swap3A_1481 = arith.constant 0 : index
    %swap3A_1482 = tpu.vector_load %arg5[%swap3A_1480, %swap3A_1481] {strides = array<i32>} : memref<128x16xf32, #tpu.memory_space<vmem>>, vector<1x16xf32>,
    %swap3A_1483 = vector.shape_cast %swap3A_1482 : vector<1x16xf32> to vector<16xf32>
    %swap3A_1484 = vector.shape_cast %broadcast_in_dim3A_1 : vector<16xf32> to vector<1x16xf32>
    tpu.vector_store %arg5[%swap3A_1480, %swap3A_1481], %swap3A_1484 {strides = array<i32>} : memref<128x16xf32, #tpu.memory_space<vmem>>, vector<1x16xf32>,
    %swap3A_1485 = arith.constant 123 : i32
    %swap3A_1486 = arith.index_cast %swap3A_1485 : i32 to index
    %swap3A_1487 = arith.constant 0 : index
    %swap3A_1488 = tpu.vector_load %arg6[%swap3A_1486, %swap3A_1487] {strides = array<i32>} : memref<128x16xf32, #tpu.memory_space<vmem>>, vector<1x16xf32>,
    %swap3A_1489 = vector.shape_cast %swap3A_1488 : vector<1x16xf32> to vector<16xf32>
    %swap3A_1490 = vector.shape_cast %broadcast_in_dim3A_3 : vector<16xf32> to vector<1x16xf32>
    tpu.vector_store %arg6[%swap3A_1486, %swap3A_1487], %swap3A_1490 {strides = array<i32>} : memref<128x16xf32, #tpu.memory_space<vmem>>, vector<1x16xf32>,
    %swap3A_1491 = arith.constant 124 : i32
    %swap3A_1492 = arith.index_cast %swap3A_1491 : i32 to index
    %swap3A_1493 = arith.constant 0 : index
    %swap3A_1494 = tpu.vector_load %arg5[%swap3A_1492, %swap3A_1493] {strides = array<i32>} : memref<128x16xf32, #tpu.memory_space<vmem>>, vector<1x16xf32>,
    %swap3A_1495 = vector.shape_cast %swap3A_1494 : vector<1x16xf32> to vector<16xf32>
    %swap3A_1496 = vector.shape_cast %broadcast_in_dim3A_1 : vector<16xf32> to vector<1x16xf32>
    tpu.vector_store %arg5[%swap3A_1492, %swap3A_1493], %swap3A_1496 {strides = array<i32>} : memref<128x16xf32, #tpu.memory_space<vmem>>, vector<1x16xf32>,
    %swap3A_1497 = arith.constant 124 : i32
    %swap3A_1498 = arith.index_cast %swap3A_1497 : i32 to index
    %swap3A_1499 = arith.constant 0 : index
    %swap3A_1500 = tpu.vector_load %arg6[%swap3A_1498, %swap3A_1499] {strides = array<i32>} : memref<128x16xf32, #tpu.memory_space<vmem>>, vector<1x16xf32>,
    %swap3A_1501 = vector.shape_cast %swap3A_1500 : vector<1x16xf32> to vector<16xf32>
    %swap3A_1502 = vector.shape_cast %broadcast_in_dim3A_3 : vector<16xf32> to vector<1x16xf32>
    tpu.vector_store %arg6[%swap3A_1498, %swap3A_1499], %swap3A_1502 {strides = array<i32>} : memref<128x16xf32, #tpu.memory_space<vmem>>, vector<1x16xf32>,
    %swap3A_1503 = arith.constant 125 : i32
    %swap3A_1504 = arith.index_cast %swap3A_1503 : i32 to index
    %swap3A_1505 = arith.constant 0 : index
    %swap3A_1506 = tpu.vector_load %arg5[%swap3A_1504, %swap3A_1505] {strides = array<i32>} : memref<128x16xf32, #tpu.memory_space<vmem>>, vector<1x16xf32>,
    %swap3A_1507 = vector.shape_cast %swap3A_1506 : vector<1x16xf32> to vector<16xf32>
    %swap3A_1508 = vector.shape_cast %broadcast_in_dim3A_1 : vector<16xf32> to vector<1x16xf32>
    tpu.vector_store %arg5[%swap3A_1504, %swap3A_1505], %swap3A_1508 {strides = array<i32>} : memref<128x16xf32, #tpu.memory_space<vmem>>, vector<1x16xf32>,
    %swap3A_1509 = arith.constant 125 : i32
    %swap3A_1510 = arith.index_cast %swap3A_1509 : i32 to index
    %swap3A_1511 = arith.constant 0 : index
    %swap3A_1512 = tpu.vector_load %arg6[%swap3A_1510, %swap3A_1511] {strides = array<i32>} : memref<128x16xf32, #tpu.memory_space<vmem>>, vector<1x16xf32>,
    %swap3A_1513 = vector.shape_cast %swap3A_1512 : vector<1x16xf32> to vector<16xf32>
    %swap3A_1514 = vector.shape_cast %broadcast_in_dim3A_3 : vector<16xf32> to vector<1x16xf32>
    tpu.vector_store %arg6[%swap3A_1510, %swap3A_1511], %swap3A_1514 {strides = array<i32>} : memref<128x16xf32, #tpu.memory_space<vmem>>, vector<1x16xf32>,
    %swap3A_1515 = arith.constant 126 : i32
    %swap3A_1516 = arith.index_cast %swap3A_1515 : i32 to index
    %swap3A_1517 = arith.constant 0 : index
    %swap3A_1518 = tpu.vector_load %arg5[%swap3A_1516, %swap3A_1517] {strides = array<i32>} : memref<128x16xf32, #tpu.memory_space<vmem>>, vector<1x16xf32>,
    %swap3A_1519 = vector.shape_cast %swap3A_1518 : vector<1x16xf32> to vector<16xf32>
    %swap3A_1520 = vector.shape_cast %broadcast_in_dim3A_1 : vector<16xf32> to vector<1x16xf32>
    tpu.vector_store %arg5[%swap3A_1516, %swap3A_1517], %swap3A_1520 {strides = array<i32>} : memref<128x16xf32, #tpu.memory_space<vmem>>, vector<1x16xf32>,
    %swap3A_1521 = arith.constant 126 : i32
    %swap3A_1522 = arith.index_cast %swap3A_1521 : i32 to index
    %swap3A_1523 = arith.constant 0 : index
    %swap3A_1524 = tpu.vector_load %arg6[%swap3A_1522, %swap3A_1523] {strides = array<i32>} : memref<128x16xf32, #tpu.memory_space<vmem>>, vector<1x16xf32>,
    %swap3A_1525 = vector.shape_cast %swap3A_1524 : vector<1x16xf32> to vector<16xf32>
    %swap3A_1526 = vector.shape_cast %broadcast_in_dim3A_3 : vector<16xf32> to vector<1x16xf32>
    tpu.vector_store %arg6[%swap3A_1522, %swap3A_1523], %swap3A_1526 {strides = array<i32>} : memref<128x16xf32, #tpu.memory_space<vmem>>, vector<1x16xf32>,
    %swap3A_1527 = arith.constant 127 : i32
    %swap3A_1528 = arith.index_cast %swap3A_1527 : i32 to index
    %swap3A_1529 = arith.constant 0 : index
    %swap3A_1530 = tpu.vector_load %arg5[%swap3A_1528, %swap3A_1529] {strides = array<i32>} : memref<128x16xf32, #tpu.memory_space<vmem>>, vector<1x16xf32>,
    %swap3A_1531 = vector.shape_cast %swap3A_1530 : vector<1x16xf32> to vector<16xf32>
    %swap3A_1532 = vector.shape_cast %broadcast_in_dim3A_1 : vector<16xf32> to vector<1x16xf32>
    tpu.vector_store %arg5[%swap3A_1528, %swap3A_1529], %swap3A_1532 {strides = array<i32>} : memref<128x16xf32, #tpu.memory_space<vmem>>, vector<1x16xf32>,
    %swap3A_1533 = arith.constant 127 : i32
    %swap3A_1534 = arith.index_cast %swap3A_1533 : i32 to index
    %swap3A_1535 = arith.constant 0 : index
    %swap3A_1536 = tpu.vector_load %arg6[%swap3A_1534, %swap3A_1535] {strides = array<i32>} : memref<128x16xf32, #tpu.memory_space<vmem>>, vector<1x16xf32>,
    %swap3A_1537 = vector.shape_cast %swap3A_1536 : vector<1x16xf32> to vector<16xf32>
    %swap3A_1538 = vector.shape_cast %broadcast_in_dim3A_3 : vector<16xf32> to vector<1x16xf32>
    tpu.vector_store %arg6[%swap3A_1534, %swap3A_1535], %swap3A_1538 {strides = array<i32>} : memref<128x16xf32, #tpu.memory_space<vmem>>, vector<1x16xf32>,
    %scan3A = arith.constant 0 : i32
    %scan3A_1539 = arith.constant 0 : i32
    %scan3A_1540 = arith.constant 5 : i32
    %scan3A_1541 = arith.addi %scan3A_1539, %scan3A_1540 : i32
    %scan3A_1542 = arith.constant 1 : i32
    scf.for %scan3A_1557 = %scan3A_1539 to %scan3A_1541 step %scan3A_1542  : i32 {
      %mul3A_1558 = arith.constant 640 : i32
      %mul3A_1559 = arith.muli %arg1, %mul3A_1558 : i32
      %mul3A_1560 = arith.constant 128 : i32
      %mul3A_1561 = arith.muli %scan3A_1557, %mul3A_1560 : i32
      %add3A_1562 = arith.addi %mul3A_1559, %mul3A_1561 : i32
      "tpu.region"() ({
        %run_scoped3A = tpu.sem_alloc : memref<!tpu.dma_semaphore, #tpu.memory_space<semaphore_mem>>
        %dma_start3A = arith.constant 0 : i32
        %dma_start3A_1563 = tpu.memref_slice %arg4[%add3A_1562, %dma_start3A] : memref<10240x16xf32, #tpu.memory_space<vmem_shared>> -> memref<128x16xf32, #tpu.memory_space<vmem_shared>>
        %dma_start3A_1564 = arith.constant 0 : i32
        %dma_start3A_1565 = tpu.memref_slice %arg4[%add3A_1562, %dma_start3A_1564] : memref<10240x16xf32, #tpu.memory_space<vmem_shared>> -> memref<128x16xf32, #tpu.memory_space<vmem_shared>>
        tpu.enqueue_dma source(%arg6 : memref<128x16xf32, #tpu.memory_space<vmem>>) target(%dma_start3A_1565 : memref<128x16xf32, #tpu.memory_space<vmem_shared>>) target_semaphore(%run_scoped3A : memref<!tpu.dma_semaphore, #tpu.memory_space<semaphore_mem>>)
        %dma_wait3A = arith.constant 0 : i32
        %dma_wait3A_1566 = tpu.memref_slice %arg4[%add3A_1562, %dma_wait3A] : memref<10240x16xf32, #tpu.memory_space<vmem_shared>> -> memref<128x16xf32, #tpu.memory_space<vmem_shared>>
        %dma_wait3A_1567 = arith.constant 0 : i32
        %dma_wait3A_1568 = tpu.memref_slice %arg4[%add3A_1562, %dma_wait3A_1567] : memref<10240x16xf32, #tpu.memory_space<vmem_shared>> -> memref<128x16xf32, #tpu.memory_space<vmem_shared>>
        tpu.wait_dma2 semaphore(%run_scoped3A : memref<!tpu.dma_semaphore, #tpu.memory_space<semaphore_mem>>) src(%arg6 : memref<128x16xf32, #tpu.memory_space<vmem>>) dst(%dma_wait3A_1568 : memref<128x16xf32, #tpu.memory_space<vmem_shared>>)
        tpu.yield
      }) : () -> ()
    }
    %scan3A_1543 = arith.constant 5 : i32
    %barrier3A = arith.constant 0 : index
    tpu.barrier barrier_id(%barrier3A)
    %scan3A_1544 = arith.constant 0 : i32
    %scan3A_1545 = arith.constant 0 : i32
    %scan3A_1546 = arith.constant 79 : i32
    %scan3A_1547 = arith.addi %scan3A_1545, %scan3A_1546 : i32
    %scan3A_1548 = arith.constant 1 : i32
    scf.for %scan3A_1557 = %scan3A_1545 to %scan3A_1547 step %scan3A_1548  : i32 {
      %mul3A_1558 = arith.constant 10112 : i32
      %mul3A_1559 = arith.muli %add3A, %mul3A_1558 : i32
      %mul3A_1560 = arith.constant 128 : i32
      %mul3A_1561 = arith.muli %scan3A_1557, %mul3A_1560 : i32
      %add3A_1562 = arith.addi %mul3A_1559, %mul3A_1561 : i32
      "tpu.region"() ({
        %run_scoped3A = tpu.sem_alloc : memref<!tpu.dma_semaphore, #tpu.memory_space<semaphore_mem>>
        %dma_start3A = tpu.memref_slice %arg2[%add3A_1562] : memref<323584xi32, #tpu.memory_space<hbm>> -> memref<128xi32, #tpu.memory_space<hbm>>
        %dma_start3A_1563 = tpu.memref_slice %arg2[%add3A_1562] : memref<323584xi32, #tpu.memory_space<hbm>> -> memref<128xi32, #tpu.memory_space<hbm>>
        tpu.enqueue_dma source(%dma_start3A_1563 : memref<128xi32, #tpu.memory_space<hbm>>) target(%arg7 : memref<128xi32, #tpu.memory_space<vmem>>) target_semaphore(%run_scoped3A : memref<!tpu.dma_semaphore, #tpu.memory_space<semaphore_mem>>)
        %dma_wait3A = tpu.memref_slice %arg2[%add3A_1562] : memref<323584xi32, #tpu.memory_space<hbm>> -> memref<128xi32, #tpu.memory_space<hbm>>
        %dma_wait3A_1564 = tpu.memref_slice %arg2[%add3A_1562] : memref<323584xi32, #tpu.memory_space<hbm>> -> memref<128xi32, #tpu.memory_space<hbm>>
        tpu.wait_dma2 semaphore(%run_scoped3A : memref<!tpu.dma_semaphore, #tpu.memory_space<semaphore_mem>>) src(%dma_wait3A_1564 : memref<128xi32, #tpu.memory_space<hbm>>) dst(%arg7 : memref<128xi32, #tpu.memory_space<vmem>>)
        tpu.yield
      }) : () -> ()
      "tpu.region"() ({
        %run_scoped3A = tpu.sem_alloc : memref<!tpu.dma_semaphore, #tpu.memory_space<semaphore_mem>>
        %dma_start3A = arith.constant 0 : i32
        %dma_start3A_1563 = arith.constant 0 : i32
        %dma_start3A_1564 = tpu.memref_slice %arg4[%dma_start3A, %dma_start3A_1563] : memref<10240x16xf32, #tpu.memory_space<vmem_shared>> -> memref<10240x16xf32, #tpu.memory_space<vmem_shared>>
        tpu.enqueue_indirect_dma source(%arg5 : memref<128x16xf32, #tpu.memory_space<vmem>>) target(%dma_start3A_1564 : memref<10240x16xf32, #tpu.memory_space<vmem_shared>>) offsets(%arg7 : memref<128xi32, #tpu.memory_space<vmem>>) semaphore(%run_scoped3A : memref<!tpu.dma_semaphore, #tpu.memory_space<semaphore_mem>>) {add = true}
        %dma_wait3A = arith.constant 0 : i32
        %dma_wait3A_1565 = arith.constant 0 : i32
        %dma_wait3A_1566 = tpu.memref_slice %arg4[%dma_wait3A, %dma_wait3A_1565] : memref<10240x16xf32, #tpu.memory_space<vmem_shared>> -> memref<10240x16xf32, #tpu.memory_space<vmem_shared>>
        tpu.wait_indirect_dma semaphore(%run_scoped3A : memref<!tpu.dma_semaphore, #tpu.memory_space<semaphore_mem>>) src(%arg5 : memref<128x16xf32, #tpu.memory_space<vmem>>) dst(%dma_wait3A_1566 : memref<10240x16xf32, #tpu.memory_space<vmem_shared>>)
        tpu.yield
      }) : () -> ()
    }
    %scan3A_1549 = arith.constant 79 : i32
    %barrier3A_1550 = arith.constant 0 : index
    tpu.barrier barrier_id(%barrier3A_1550)
    %scan3A_1551 = arith.constant 0 : i32
    %scan3A_1552 = arith.constant 0 : i32
    %scan3A_1553 = arith.constant 5 : i32
    %scan3A_1554 = arith.addi %scan3A_1552, %scan3A_1553 : i32
    %scan3A_1555 = arith.constant 1 : i32
    scf.for %scan3A_1557 = %scan3A_1552 to %scan3A_1554 step %scan3A_1555  : i32 {
      %mul3A_1558 = arith.constant 640 : i32
      %mul3A_1559 = arith.muli %arg1, %mul3A_1558 : i32
      %mul3A_1560 = arith.constant 128 : i32
      %mul3A_1561 = arith.muli %scan3A_1557, %mul3A_1560 : i32
      %add3A_1562 = arith.addi %mul3A_1559, %mul3A_1561 : i32
      "tpu.region"() ({
        %run_scoped3A = tpu.sem_alloc : memref<!tpu.dma_semaphore, #tpu.memory_space<semaphore_mem>>
        %dma_start3A = arith.constant 0 : i32
        %dma_start3A_1563 = tpu.memref_slice %arg4[%add3A_1562, %dma_start3A] : memref<10240x16xf32, #tpu.memory_space<vmem_shared>> -> memref<128x16xf32, #tpu.memory_space<vmem_shared>>
        %dma_start3A_1564 = arith.constant 0 : i32
        %dma_start3A_1565 = tpu.memref_slice %arg4[%add3A_1562, %dma_start3A_1564] : memref<10240x16xf32, #tpu.memory_space<vmem_shared>> -> memref<128x16xf32, #tpu.memory_space<vmem_shared>>
        tpu.enqueue_dma source(%dma_start3A_1565 : memref<128x16xf32, #tpu.memory_space<vmem_shared>>) target(%arg6 : memref<128x16xf32, #tpu.memory_space<vmem>>) target_semaphore(%run_scoped3A : memref<!tpu.dma_semaphore, #tpu.memory_space<semaphore_mem>>)
        %dma_wait3A = arith.constant 0 : i32
        %dma_wait3A_1566 = tpu.memref_slice %arg4[%add3A_1562, %dma_wait3A] : memref<10240x16xf32, #tpu.memory_space<vmem_shared>> -> memref<128x16xf32, #tpu.memory_space<vmem_shared>>
        %dma_wait3A_1567 = arith.constant 0 : i32
        %dma_wait3A_1568 = tpu.memref_slice %arg4[%add3A_1562, %dma_wait3A_1567] : memref<10240x16xf32, #tpu.memory_space<vmem_shared>> -> memref<128x16xf32, #tpu.memory_space<vmem_shared>>
        tpu.wait_dma2 semaphore(%run_scoped3A : memref<!tpu.dma_semaphore, #tpu.memory_space<semaphore_mem>>) src(%dma_wait3A_1568 : memref<128x16xf32, #tpu.memory_space<vmem_shared>>) dst(%arg6 : memref<128x16xf32, #tpu.memory_space<vmem>>)
        tpu.yield
      }) : () -> ()
      "tpu.region"() ({
        %run_scoped3A = tpu.sem_alloc : memref<!tpu.dma_semaphore, #tpu.memory_space<semaphore_mem>>
        %dma_start3A = arith.constant 0 : i32
        %dma_start3A_1563 = tpu.memref_slice %arg3[%arg0, %add3A_1562, %dma_start3A] : memref<2x10240x16xf32, #tpu.memory_space<hbm>> -> memref<1x128x16xf32, #tpu.memory_space<hbm>>
        %dma_start3A_1564 = tpu.memref_squeeze %dma_start3A_1563 : memref<1x128x16xf32, #tpu.memory_space<hbm>> -> memref<128x16xf32, #tpu.memory_space<hbm>>
        %dma_start3A_1565 = arith.constant 0 : i32
        %dma_start3A_1566 = tpu.memref_slice %arg3[%arg0, %add3A_1562, %dma_start3A_1565] : memref<2x10240x16xf32, #tpu.memory_space<hbm>> -> memref<1x128x16xf32, #tpu.memory_space<hbm>>
        %dma_start3A_1567 = tpu.memref_squeeze %dma_start3A_1566 : memref<1x128x16xf32, #tpu.memory_space<hbm>> -> memref<128x16xf32, #tpu.memory_space<hbm>>
        tpu.enqueue_dma source(%arg6 : memref<128x16xf32, #tpu.memory_space<vmem>>) target(%dma_start3A_1567 : memref<128x16xf32, #tpu.memory_space<hbm>>) target_semaphore(%run_scoped3A : memref<!tpu.dma_semaphore, #tpu.memory_space<semaphore_mem>>)
        %dma_wait3A = arith.constant 0 : i32
        %dma_wait3A_1568 = tpu.memref_slice %arg3[%arg0, %add3A_1562, %dma_wait3A] : memref<2x10240x16xf32, #tpu.memory_space<hbm>> -> memref<1x128x16xf32, #tpu.memory_space<hbm>>
        %dma_wait3A_1569 = tpu.memref_squeeze %dma_wait3A_1568 : memref<1x128x16xf32, #tpu.memory_space<hbm>> -> memref<128x16xf32, #tpu.memory_space<hbm>>
        %dma_wait3A_1570 = arith.constant 0 : i32
        %dma_wait3A_1571 = tpu.memref_slice %arg3[%arg0, %add3A_1562, %dma_wait3A_1570] : memref<2x10240x16xf32, #tpu.memory_space<hbm>> -> memref<1x128x16xf32, #tpu.memory_space<hbm>>
        %dma_wait3A_1572 = tpu.memref_squeeze %dma_wait3A_1571 : memref<1x128x16xf32, #tpu.memory_space<hbm>> -> memref<128x16xf32, #tpu.memory_space<hbm>>
        tpu.wait_dma2 semaphore(%run_scoped3A : memref<!tpu.dma_semaphore, #tpu.memory_space<semaphore_mem>>) src(%arg6 : memref<128x16xf32, #tpu.memory_space<vmem>>) dst(%dma_wait3A_1572 : memref<128x16xf32, #tpu.memory_space<hbm>>)
        tpu.yield
      }) : () -> ()
    }
    %scan3A_1556 = arith.constant 5 : i32
    return
  }
}

module attributes {stable_mosaic.version = 14 : i64} {
  func.func @body(%arg0: i32, %arg1: memref<2x1000x128xf32, #tpu.memory_space<vmem>>, %arg2: memref<1000x128xf32, #tpu.memory_space<vmem>>, %arg3: memref<2x1000x16xf32, #tpu.memory_space<vmem>>, %arg4: memref<1x128xf32, #tpu.memory_space<vmem>>, %arg5: memref<1000x128xf32, #tpu.memory_space<vmem>>) attributes {dimension_semantics = [#tpu.dimension_semantics<arbitrary>], iteration_bounds = array<i64: 10>, scalar_prefetch = 0 : i64, scratch_operands = 0 : i64, tpu.core_type = #tpu.core_type<tc>, window_params = [{transform_indices = @transform_0, window_bounds = array<i64: 2, 1000, 128>}, {transform_indices = @transform_1, window_bounds = array<i64: 1000, 128>}, {transform_indices = @transform_2, window_bounds = array<i64: 2, 1000, 16>}, {pipeline_mode = #tpu.pipeline_mode<synchronous>, transform_indices = @transform_3, window_bounds = array<i64: 1, 128>}, {transform_indices = @transform_4, window_bounds = array<i64: 1000, 128>}]} {
    %get3A = arith.constant 0 : index
    %get3A_0 = arith.constant 0 : index
    %get3A_1 = arith.constant 0 : index
    %get3A_2 = vector.load %arg1[%get3A, %get3A_0, %get3A_1] : memref<2x1000x128xf32, #tpu.memory_space<vmem>>, vector<1x1000x128xf32>
    %get3A_3 = vector.shape_cast %get3A_2 : vector<1x1000x128xf32> to vector<1000x128xf32>
    %get3A_4 = arith.constant 1 : index
    %get3A_5 = arith.constant 0 : index
    %get3A_6 = arith.constant 0 : index
    %get3A_7 = vector.load %arg1[%get3A_4, %get3A_5, %get3A_6] : memref<2x1000x128xf32, #tpu.memory_space<vmem>>, vector<1x1000x128xf32>
    %get3A_8 = vector.shape_cast %get3A_7 : vector<1x1000x128xf32> to vector<1000x128xf32>
    %add3A = arith.addf %get3A_3, %get3A_8 : vector<1000x128xf32>
    %get3A_9 = arith.constant 0 : index
    %get3A_10 = arith.constant 0 : index
    %get3A_11 = vector.load %arg2[%get3A_9, %get3A_10] : memref<1000x128xf32, #tpu.memory_space<vmem>>, vector<1000x128xf32>
    %add3A_12 = arith.addf %add3A, %get3A_11 : vector<1000x128xf32>
    %get3A_13 = arith.constant 0 : index
    %get3A_14 = arith.constant 0 : index
    %get3A_15 = arith.constant 0 : index
    %get3A_16 = vector.load %arg3[%get3A_13, %get3A_14, %get3A_15] : memref<2x1000x16xf32, #tpu.memory_space<vmem>>, vector<1x1000x16xf32>
    %get3A_17 = vector.shape_cast %get3A_16 : vector<1x1000x16xf32> to vector<1000x16xf32>
    %get3A_18 = arith.constant 1 : index
    %get3A_19 = arith.constant 0 : index
    %get3A_20 = arith.constant 0 : index
    %get3A_21 = vector.load %arg3[%get3A_18, %get3A_19, %get3A_20] : memref<2x1000x16xf32, #tpu.memory_space<vmem>>, vector<1x1000x16xf32>
    %get3A_22 = vector.shape_cast %get3A_21 : vector<1x1000x16xf32> to vector<1000x16xf32>
    %add3A_23 = arith.addf %get3A_17, %get3A_22 : vector<1000x16xf32>
    %slice3A = vector.extract_strided_slice %add3A_23 {offsets = [0, 0], sizes = [1000, 1], strides = [1, 1]} : vector<1000x16xf32> to vector<1000x1xf32>
    %add3A_24 = arith.constant 1.000000e+00 : f32
    %add3A_25 = vector.broadcast %add3A_24 : f32 to vector<1000x1xf32>
    %add3A_26 = arith.addf %slice3A, %add3A_25 : vector<1000x1xf32>
    %rsqrt3A = math.rsqrt %add3A_26 : vector<1000x1xf32>
    %mul3A = vector.broadcast %rsqrt3A : vector<1000x1xf32> to vector<1000x128xf32>
    %mul3A_27 = arith.mulf %add3A_12, %mul3A : vector<1000x128xf32>
    %get3A_28 = arith.constant 0 : index
    %get3A_29 = arith.constant 0 : index
    %get3A_30 = vector.load %arg4[%get3A_28, %get3A_29] : memref<1x128xf32, #tpu.memory_space<vmem>>, vector<1x128xf32>
    %add3A_31 = vector.broadcast %get3A_30 : vector<1x128xf32> to vector<1000x128xf32>
    %add3A_32 = arith.addf %mul3A_27, %add3A_31 : vector<1000x128xf32>
    %max3A = arith.constant 0.000000e+00 : f32
    %max3A_33 = vector.broadcast %max3A : f32 to vector<1000x128xf32>
    %max3A_34 = arith.maximumf %add3A_32, %max3A_33 : vector<1000x128xf32>
    %swap3A = arith.constant 0 : index
    %swap3A_35 = arith.constant 0 : index
    %swap3A_36 = vector.load %arg5[%swap3A, %swap3A_35] : memref<1000x128xf32, #tpu.memory_space<vmem>>, vector<1000x128xf32>
    tpu.vector_store %arg5[%swap3A, %swap3A_35], %max3A_34 {strides = array<i32>} : memref<1000x128xf32, #tpu.memory_space<vmem>>, vector<1000x128xf32>,
    return
  }
  func.func @transform_0(%arg0: i32) -> (i32, i32, i32) {
    %c0_i32 = arith.constant 0 : i32
    %c0_i32_0 = arith.constant 0 : i32
    %c0_i32_1 = arith.constant 0 : i32
    return %c0_i32, %arg0, %c0_i32_0 : i32, i32, i32
  }
  func.func @transform_1(%arg0: i32) -> (i32, i32) {
    %c0_i32 = arith.constant 0 : i32
    %c0_i32_0 = arith.constant 0 : i32
    return %arg0, %c0_i32 : i32, i32
  }
  func.func @transform_2(%arg0: i32) -> (i32, i32, i32) {
    %c0_i32 = arith.constant 0 : i32
    %c0_i32_0 = arith.constant 0 : i32
    %c0_i32_1 = arith.constant 0 : i32
    return %c0_i32, %arg0, %c0_i32_0 : i32, i32, i32
  }
  func.func @transform_3(%arg0: i32) -> (i32, i32) {
    %c0_i32 = arith.constant 0 : i32
    %c0_i32_0 = arith.constant 0 : i32
    %c0_i32_1 = arith.constant 0 : i32
    return %c0_i32, %c0_i32_0 : i32, i32
  }
  func.func @transform_4(%arg0: i32) -> (i32, i32) {
    %c0_i32 = arith.constant 0 : i32
    %c0_i32_0 = arith.constant 0 : i32
    return %arg0, %c0_i32 : i32, i32
  }
}

module attributes {stable_mosaic.version = 14 : i64} {
  func.func @body(%arg0: i32, %arg1: memref<1000x128xf32, #tpu.memory_space<vmem>>, %arg2: memref<128x128xf32, #tpu.memory_space<vmem>>, %arg3: memref<2x1000x16xf32, #tpu.memory_space<vmem>>, %arg4: memref<1000x128xf32, #tpu.memory_space<vmem>>) attributes {dimension_semantics = [#tpu.dimension_semantics<arbitrary>], iteration_bounds = array<i64: 10>, scalar_prefetch = 0 : i64, scratch_operands = 0 : i64, tpu.core_type = #tpu.core_type<tc>, window_params = [{transform_indices = @transform_0, window_bounds = array<i64: 1000, 128>}, {pipeline_mode = #tpu.pipeline_mode<synchronous>, transform_indices = @transform_1, window_bounds = array<i64: 128, 128>}, {transform_indices = @transform_2, window_bounds = array<i64: 2, 1000, 16>}, {transform_indices = @transform_3, window_bounds = array<i64: 1000, 128>}]} {
    %get3A = arith.constant 0 : index
    %get3A_0 = arith.constant 0 : index
    %get3A_1 = arith.constant 0 : index
    %get3A_2 = vector.load %arg3[%get3A, %get3A_0, %get3A_1] : memref<2x1000x16xf32, #tpu.memory_space<vmem>>, vector<1x1000x16xf32>
    %get3A_3 = vector.shape_cast %get3A_2 : vector<1x1000x16xf32> to vector<1000x16xf32>
    %get3A_4 = arith.constant 1 : index
    %get3A_5 = arith.constant 0 : index
    %get3A_6 = arith.constant 0 : index
    %get3A_7 = vector.load %arg3[%get3A_4, %get3A_5, %get3A_6] : memref<2x1000x16xf32, #tpu.memory_space<vmem>>, vector<1x1000x16xf32>
    %get3A_8 = vector.shape_cast %get3A_7 : vector<1x1000x16xf32> to vector<1000x16xf32>
    %add3A = arith.addf %get3A_3, %get3A_8 : vector<1000x16xf32>
    %slice3A = vector.extract_strided_slice %add3A {offsets = [0, 0], sizes = [1000, 1], strides = [1, 1]} : vector<1000x16xf32> to vector<1000x1xf32>
    %add3A_9 = arith.constant 1.000000e+00 : f32
    %add3A_10 = vector.broadcast %add3A_9 : f32 to vector<1000x1xf32>
    %add3A_11 = arith.addf %slice3A, %add3A_10 : vector<1000x1xf32>
    %rsqrt3A = math.rsqrt %add3A_11 : vector<1000x1xf32>
    %get3A_12 = arith.constant 0 : index
    %get3A_13 = arith.constant 0 : index
    %get3A_14 = vector.load %arg1[%get3A_12, %get3A_13] : memref<1000x128xf32, #tpu.memory_space<vmem>>, vector<1000x128xf32>
    %get3A_15 = arith.constant 0 : index
    %get3A_16 = arith.constant 0 : index
    %get3A_17 = vector.load %arg2[%get3A_15, %get3A_16] : memref<128x128xf32, #tpu.memory_space<vmem>>, vector<128x128xf32>
    %dot_general3A = arith.constant dense<0.000000e+00> : vector<1000x128xf32>
    %dot_general3A_18 = tpu.matmul %get3A_14, %get3A_17, %dot_general3A {dimension_numbers = #tpu.dot_dimension_numbers<[1], [0], [0], [1], [0, 0, 1, 1], [], []>, transpose_lhs_hint = false} : vector<1000x128xf32>, vector<128x128xf32>, vector<1000x128xf32> -> vector<1000x128xf32>
    %mul3A = vector.broadcast %rsqrt3A : vector<1000x1xf32> to vector<1000x128xf32>
    %mul3A_19 = arith.mulf %dot_general3A_18, %mul3A : vector<1000x128xf32>
    %swap3A = arith.constant 0 : index
    %swap3A_20 = arith.constant 0 : index
    %swap3A_21 = vector.load %arg4[%swap3A, %swap3A_20] : memref<1000x128xf32, #tpu.memory_space<vmem>>, vector<1000x128xf32>
    tpu.vector_store %arg4[%swap3A, %swap3A_20], %mul3A_19 {strides = array<i32>} : memref<1000x128xf32, #tpu.memory_space<vmem>>, vector<1000x128xf32>,
    return
  }
  func.func @transform_0(%arg0: i32) -> (i32, i32) {
    %c0_i32 = arith.constant 0 : i32
    %c0_i32_0 = arith.constant 0 : i32
    return %arg0, %c0_i32 : i32, i32
  }
  func.func @transform_1(%arg0: i32) -> (i32, i32) {
    %c0_i32 = arith.constant 0 : i32
    %c0_i32_0 = arith.constant 0 : i32
    %c0_i32_1 = arith.constant 0 : i32
    return %c0_i32, %c0_i32_0 : i32, i32
  }
  func.func @transform_2(%arg0: i32) -> (i32, i32, i32) {
    %c0_i32 = arith.constant 0 : i32
    %c0_i32_0 = arith.constant 0 : i32
    %c0_i32_1 = arith.constant 0 : i32
    return %c0_i32, %arg0, %c0_i32_0 : i32, i32, i32
  }
  func.func @transform_3(%arg0: i32) -> (i32, i32) {
    %c0_i32 = arith.constant 0 : i32
    %c0_i32_0 = arith.constant 0 : i32
    return %arg0, %c0_i32 : i32, i32
  }
}

</mosaic_0001>

<sc_bundles>
// kernel: kernel.6.cloned.1.call-start
scs
__scs_entry_jumppad:
0x0: {  	(pc) =	sbr.rel $0x88, $3  }
0x1: {  	(tag) =	ssettag $0x0;
	lr =	simm.s32 $0x1  }
0x2: {  	[smem:$0x3F9D] =	sst lr;
	_ =	strace $0xD0000000  }
0x3: {  	_ = 	snop  }
0x4: {  	_ = 	snop  }
0x5: {  	_ = 	snop  }
0x6: {  	_ = 	snop  }
0x7: {  	_ = 	snop  }
__scs_overlays_trampoline_lowered:
0x8: {  	[smem:$0x3FAC] =	sst s0  }
0x9: {  	[smem:$0x3FAD] =	sst s1  }
0xa: {  	[smem:$0x3FAE] =	sst s2  }
0xb: {  	[smem:$0x3FAF] =	sst s3  }
0xc: {  	[smem:$0x3FB0] =	sst s4  }
0xd: {  	[smem:$0x3FB1] =	sst s5  }
0xe: {  	[smem:$0x3FB2] =	sst s6  }
0xf: {  	[smem:$0x3FB3] =	sst s7  }
0x10: {  	[smem:$0x3FB4] =	sst s8  }
0x11: {  	[smem:$0x3FB5] =	sst s9;
	s0 =	simm.s32 @!p0 $0x0  }
0x12: {  	s1 =	sld [smem:$0x3F9B];
	s0 =	simm.s32 @p0 $0x1  }
0x13: {  	[smem:$0x3FB6] =	sst s0;
	s0 =	simm.s32 @!p1 $0x0  }
0x14: {  	s2 =	sld [smem:$0x3F9A];
	s0 =	simm.s32 @p1 $0x1  }
0x15: {  	[smem:$0x3FB7] =	sst s0;
	s0 =	simm.s32 @!p2 $0x0  }
0x16: {  	s3 =	sld [smem:$0x3FDB];
	s0 =	simm.s32 @p2 $0x1  }
0x17: {  	s4 =	simm.s32 $0x1BF5;
	[smem:$0x3FB9] =	sst s0  }
0x18: {  	s0 =	sld [smem:$0x3F9C];
	_ =	swait.ge [sflag:s4], $0x0  }
0x19: {  	s7 =	sld [smem:$0x3F9D]  }
0x1a: {  	s8 =	sadd.s32 $0xFFFFE003, lr  }
0x1b: {  	s9 =	sadd.s32 $0xFFFFFEF7, lr;
	s5 =	simm.s32 $0xFFFFFFFF;
	p2 =	slt.u32 s8, $0xFFFFF086  }
0x1c: {  	p1 =	slt.u32 s9, $0xF7A;
	s5 =	simm.s32 @!p2 $0x0  }
0x1d: {  	s5 =	simm.s32 @p1 $0x1;
	p0 =	seq.s32 s7, s2  }
0x1e: {  	s7 =	smul.u32 @!p0 $0xF7A, s2;
	p2 =	seq.s32 @!p0 s5, $0x0  }
0x1f: {  	s9 =	smul.u32 $0xF7A, s1;
	s8 =	simm.s32 @!p0 $0x1BF5;
	p2 =	por !p2, p0  }
0x20: {  	[sflag:s8] =	ssyncset.s32 @!p0 $0xFFFFF086;
	s6 =	sadd.s32 @!p0 s3, s7;
	s7 =	simm.s32 @!p0 $0x108  }
0x21: {  	s3 =	sadd.s32 s3, s9;
	s6 =	sadd.s32 @!p0 $0x88, s6;
	s7 =	simm.s32 @p2 $0x1082  }
0x22: {  	[simem:s7], [sflag:s8] =	dma.local @!p0 [hbm:s6], $0xF7A  }
0x23: {  	s9 =	sor.u32 $0xD0000000, s2;
	s6 =	simm.s32 $0x108;
	_ =	swait.ge @!p0 [sflag:s8], $0x0  }
0x24: {  	s3 =	sadd.s32 $0x88, s3;
	s6 =	simm.s32 @!p1 $0x1082;
	[sflag:s4] =	ssyncset.s32 $0xFFFFF086  }
0x25: {  	[simem:s6], [sflag:s4] =	dma.local [hbm:s3], $0xF7A  }
0x26: {  	[smem:$0x3F9D] =	sst s1;
	(tag) =	ssettag s2;
	_ =	strace s9  }
0x27: {  	s1 =	sld [smem:$0x3FAD]  }
0x28: {  	s2 =	sld [smem:$0x3FAE]  }
0x29: {  	s4 =	sld [smem:$0x3FB0]  }
0x2a: {  	p0 =	seq.s32 s5, $0x0;
	s5 =	sld [smem:$0x3FB1]  }
0x2b: {  	s6 =	sld [smem:$0x3FB2]  }
0x2c: {  	s7 =	sld [smem:$0x3FB3]  }
0x2d: {  	s3 =	simm.s32 $0x108;
	s8 =	sld [smem:$0x3FB4]  }
0x2e: {  	s3 =	simm.s32 @!p0 $0x1082;
	s9 =	sld [smem:$0x3FB5]  }
0x2f: {  	lr =	sadd.s32 s0, s3;
	s0 =	sld [smem:$0x3FAC]  }
0x30: {  	s3 =	sld [smem:$0x3FAF]  }
0x31: {  	[smem:$0x3FB8] =	sst s10  }
0x32: {  	s10 =	sld [smem:$0x3FB6];
	_ =	sdelay $0x3  }
0x33: {  	p0 =	seq.s32 s10, $0x1;
	s10 =	sld [smem:$0x3FB8];
	_ =	sdelay $0x3  }
0x34: {  	[smem:$0x3FB8] =	sst s10  }
0x35: {  	s10 =	sld [smem:$0x3FB7];
	_ =	sdelay $0x3  }
0x36: {  	p1 =	seq.s32 s10, $0x1;
	s10 =	sld [smem:$0x3FB8];
	_ =	sdelay $0x3  }
0x37: {  	[smem:$0x3FB8] =	sst s10  }
0x38: {  	s10 =	sld [smem:$0x3FB9]  }
0x39: {  	_ = 	snop;
	(pc) =	sbr.ind lr, $3  }
0x3a: {  	_ = 	snop  }
0x3b: {  	_ = 	snop  }
0x3c: {  	p2 =	seq.s32 s10, $0x1;
	s10 =	sld [smem:$0x3FB8]  }
0x3d: {  	_ =	shalt  }
0x3e: {  	_ =	shalt  }
0x3f: {  	_ =	shalt  }
0x40: {  	_ =	shalt  }
0x41: {  	_ =	shalt  }
0x42: {  	_ =	shalt  }
0x43: {  	_ =	shalt  }
0x44: {  	_ =	shalt  }
0x45: {  	_ =	shalt  }
0x46: {  	_ =	shalt  }
0x47: {  	_ =	shalt  }
0x48: {  	_ =	shalt  }
0x49: {  	_ =	shalt  }
0x4a: {  	_ =	shalt  }
0x4b: {  	_ =	shalt  }
0x4c: {  	_ =	shalt  }
0x4d: {  	_ =	shalt  }
0x4e: {  	_ =	shalt  }
0x4f: {  	_ =	shalt  }
0x50: {  	_ =	shalt  }
0x51: {  	_ =	shalt  }
0x52: {  	_ =	shalt  }
0x53: {  	_ =	shalt  }
0x54: {  	_ =	shalt  }
0x55: {  	_ =	shalt  }
0x56: {  	_ =	shalt  }
0x57: {  	_ =	shalt  }
0x58: {  	_ =	shalt  }
0x59: {  	_ =	shalt  }
0x5a: {  	_ =	shalt  }
0x5b: {  	_ =	shalt  }
0x5c: {  	_ =	shalt  }
0x5d: {  	_ =	shalt  }
0x5e: {  	_ =	shalt  }
0x5f: {  	_ =	shalt  }
0x60: {  	_ =	shalt  }
0x61: {  	_ =	shalt  }
0x62: {  	_ =	shalt  }
0x63: {  	_ =	shalt  }
0x64: {  	_ =	shalt  }
0x65: {  	_ =	shalt  }
0x66: {  	_ =	shalt  }
0x67: {  	_ =	shalt  }
0x68: {  	_ =	shalt  }
0x69: {  	_ =	shalt  }
0x6a: {  	_ =	shalt  }
0x6b: {  	_ =	shalt  }
0x6c: {  	_ =	shalt  }
0x6d: {  	_ =	shalt  }
0x6e: {  	_ =	shalt  }
0x6f: {  	_ =	shalt  }
0x70: {  	_ =	shalt  }
0x71: {  	_ =	shalt  }
0x72: {  	_ =	shalt  }
0x73: {  	_ =	shalt  }
0x74: {  	_ =	shalt  }
0x75: {  	_ =	shalt  }
0x76: {  	_ =	shalt  }
0x77: {  	_ =	shalt  }
0x78: {  	_ =	shalt  }
0x79: {  	_ =	shalt  }
0x7a: {  	_ =	shalt  }
0x7b: {  	_ =	shalt  }
0x7c: {  	_ =	shalt  }
0x7d: {  	_ =	shalt  }
0x7e: {  	_ =	shalt  }
0x7f: {  	_ =	shalt  }
0x80: {  	_ =	shalt  }
0x81: {  	_ =	shalt  }
0x82: {  	_ =	shalt  }
0x83: {  	_ =	shalt  }
0x84: {  	_ =	shalt  }
0x85: {  	_ =	shalt  }
0x86: {  	_ =	shalt  }
0x87: {  	_ =	shalt  }
.Lfunc_end0:
.L_simem_size_0:
called_computation_lowered:
.L_overlay_start_0:
0x88: {  	s2 =	sld [smem:$0x3FD9]  }
0x89: {  	s3 =	sld [smem:$0x3FFE];
	_ =	sdelay $0x1  }
0x8a: {  	s1 =	srdreg.scid  }
0x8b: {  	s0 =	sand.u32 $0x1, s1  }
0x8c: {  	s16 =	sshll.u32 s0, $0xA;
	s2 =	sadd.s32 s3, s2  }
0x8d: {  	s2 =	sadd.s32 s2, s16  }
0x8e: {  	[smem:$0x3FC4] =	sst s2  }
0x8f: {  	_ = 	snop  }
0x90: {  	(tm) =	ssettm $0x1  }
0x91: {  	s17 =	sld [smem:$0x3FFB];
	_ =	sdelay $0x3  }
0x92: {  	_ =	strace s17  }
0x93: {  	s2 =	sld [smem:$0x3FFC];
	_ =	sdelay $0x3  }
0x94: {  	_ =	strace s2  }
0x95: {  	s2 =	sld [smem:$0x3FFD];
	_ =	sdelay $0x3  }
0x96: {  	_ =	strace s2  }
0x97: {  	_ =	strace $0x8FFFFFFF  }
0x98: {  	s18 =	sld [smem:$0x3FDB];
	_ =	sdelay $0x1  }
0x99: {  	s19 =	simm.s32 $_scs_section_size  }
0x9a: {  	s4 =	simm.s32 $_size__tile_overlayer_lowered;
	s5 =	simm.s32 $_tile_overlayer_lowered  }
0x9b: {  	s22 =	simm.s32 $0x1BFF;
	s21 =	sshll.u32 s5, $0x1;
	s2 =	sadd.s32 s19, s18  }
0x9c: {  	s6 =	simm.s32 $0x0;
	s20 =	sshll.u32 s4, $0x1;
	s4 =	sadd.s32 s21, s2  }
0x9d: {  	[timem:s6], [sflag:s22] =	dma.local [hbm:s4], s20  }
0x9e: {  	_ =	swait.ge [sflag:s22], s20  }
0x9f: {  	s3 =	ssub.s32 $0x0, s20;
	[sflag:s22] =	ssyncset.done $0x0  }
0xa0: {  	[sflag:s22] =	ssyncadd.s32 s3;
	_ =	sdelay $0x1  }
0xa1: {  	s23 =	simm.s32 $0x1B8B  }
0xa2: {  	_ =	swait.ge [sflag:s23], $0x1  }
0xa3: {  	[sflag:s23] =	ssyncset.done $0x0  }
0xa4: {  	s25 =	simm.s32 $0x1B8E;
	s24 =	sld [smem:$0x3FFE];
	[sflag:s23] =	ssyncadd.s32 $0xFFFFFFFF  }
0xa5: {  	s26 =	simm.s32 $execute0_lowered;
	[smem:$0x3FD2] =	sst s25  }
0xa6: {  	s4 =	sshll.u32 s26, $0x1;
	_ =	strace $0x80000046;
	[dreg:$0x1] =	wrdreg $0xFFFFFFFF  }
0xa7: {  	s28 =	simm.s32 $_size_execute0_lowered;
	s2 =	sadd.s32 s2, s4;
	[dreg:$0x0] =	wrdreg $0x0  }
0xa8: {  	s4 =	sshll.u32 s28, $0x1;
	[dreg:$0x2] =	wrdreg s2  }
0xa9: {  	[dreg:$0x3] =	wrdreg s4  }
0xaa: {  	[dreg:$0x4] =	wrdreg $0xC0  }
0xab: {  	_ =	task [dreg:s6], $0x5FFFF  }
0xac: {  	[dreg:$0x1] =	wrdreg $0xFFFFFFFF  }
0xad: {  	[dreg:$0x0] =	wrdreg $0x60  }
0xae: {  	[dreg:$0x2] =	wrdreg s24  }
0xaf: {  	[dreg:$0x3] =	wrdreg $0x0  }
0xb0: {  	[dreg:$0x4] =	wrdreg $0x9  }
0xb1: {  	_ =	task.clear_ibuf [dreg:s6], $0x5FFFF;
	_ =	strace $0x90000046  }
0xb2: {  	s29 =	simm.s32 $0x9;
	_ =	strace $0x80000048  }
0xb3: {  	_ =	swait.ge [sflag:s29], $0x1  }
0xb4: {  	[sflag:s29] =	ssyncadd.s32 $0xFFFFFFFF  }
0xb5: {  	_ =	strace $0x90000048  }
0xb6: {  	_ =	sfence  }
0xb7: {  	s30 =	sld [smem:$0x0];
	_ =	sdelay $0x2  }
0xb8: {  	s31 =	sshll.u32 s1, $0xD;
	s1 =	sshrl.u32 s1, $0x2  }
0xb9: {  	s3 =	sand.u32 $0x4000, s31;
	s1 =	sadd.s32 s1, s30  }
0xba: {  	s0 =	sor.u32 s3, s0;
	s1 =	sshll.u32 s1, $0x11  }
0xbb: {  	s0 =	sor.u32 s1, s0  }
0xbc: {  	s0 =	sadd.s32 $0x8F2B, s0  }
0xbd: {  	[sflag:s0] =	ssyncadd.remote.s32 $0x1  }
0xbe: {  	_ =	sfence.sel $0xFFFF  }
0xbf: {  	[dreg:$0x0] =	wrdreg $0xFFFFFFFF;
	(pc) =	sbr.abs _section_cstart, $3  }
0xc0: {  	[dreg:$0x1] =	wrdreg $0xFFFFFFFF  }
0xc1: {  	_ =	task.clear_ibuf [dreg:s6], $0x2FFFF;
	_ =	strace $0x9FFFFFFF  }
0xc2: {  	(tm) =	ssettm $0x7FFFFFFF  }
0xc3: {  	_ =	shalt  }
tec
execute0_lowered:
.L_overlay_start_1:
0x0: {  	(tag) =	ssettag $0x1  }
0x1: {  	s4 =	rddreg [dreg:$0x0]  }
0x2: {  	s2 =	rddreg [dreg:$0x1];
	s1 =	stileid.u32  }
0x3: {  	s0 =	rddreg [dreg:$0x2];
	s3 =	simm.s32 $0x0;
	s6 =	smul.u32 $0x9E0, s1  }
0x4: {  	s5 =	srdreg.scid;
	s23 =	simm.s32 $0x80;
	s7 =	smul.u32 $0x50000, s1  }
0x5: {  	s24 =	simm.s32 $0x2800;
	s15 =	sand.u32 $0x1, s5;
	s19 =	smul.u32 $0x14000, s1  }
0x6: {  	[smem:$0x7FF] =	sst s3;
	s18 =	sadd.s32 $0xB200, s4;
	s16 =	smul.u32 $0x140000, s15  }
0x7: {  	_ =	strace $0x80000047;
	s5 =	ssub.s32 $0x2, s15;
	s22 =	smul.u32 $0x4F0, s15  }
0x8: {  	s17 =	sadd.s32 s6, s4;
	s25 =	sshrl.u32 s5, $0x1;
	s26 =	sshrl.u32 s7, $0x2  }
0x9: {  	s11 =	sadd.s32 $0x4000, s19;
	s13 =	sadd.s32 $0x8000, s19;
	s20 =	sadd.s32 $0xC000, s19  }
0xa: {  	s5 =	ssub.s32 s5, s25;
	s4 =	sadd.s32 s26, s2;
	s10 =	sadd.s32 s16, s19  }
0xb: {  	s12 =	sadd.s32 s16, s11;
	s14 =	sadd.s32 s16, s13;
	s11 =	sadd.s32 s11, s2  }
0xc: {  	s13 =	sadd.s32 s13, s2;
	s21 =	sadd.s32 s16, s20;
	s19 =	sadd.s32 $0x10000, s19  }
0xd: {  	s15 =	sadd.s32 s20, s2;
	s31 =	sadd.s32 s22, s17;
	s20 =	simm.s32 $0x6800  }
0xe: {  	s22 =	simm.s32 $0xA800;
	s25 =	simm.s32 $0x0;
	s5 =	smax.u32 s5, $0x1  }
0xf: {  	s6 =	sadd.s32 $0x4000, s4;
	s7 =	sadd.s32 $0x8000, s4;
	s8 =	sadd.s32 $0xC000, s4  }
0x10: {  	s9 =	sadd.s32 $0x10000, s4;
	s10 =	sshrl.u32 s10, $0x3;
	s12 =	sshrl.u32 s12, $0x3  }
0x11: {  	s14 =	sshrl.u32 s14, $0x3;
	s28 =	sshrl.u32 s21, $0x3;
	s29 =	sadd.s32 s16, s19  }
0x12: {  	s17 =	sadd.s32 s19, s2;
	s19 =	sadd.s32 $0x1400, s31;
	s21 =	simm.s32 $0x1  }
0x13: {  	s10 =	sadd.s32 s18, s10;
	s12 =	sadd.s32 s18, s12;
	s30 =	sshrl.u32 s29, $0x3  }
0x14: {  	v0 =	vimm.f32 $1.000000000e+00;
	v1 =	vimm.f32 $0.0e+00;
	s14 =	sadd.s32 s18, s14;
	s16 =	sadd.s32 s18, s28;
	s18 =	sadd.s32 s18, s30  }
.LBB2_1:
0x15: {  	[tilespmem:$0x2800] =	vst v0  }
0x16: {  	[tilespmem:$0x6800] =	vst v1  }
0x17: {  	[tilespmem:$0x2880] =	vst v0  }
0x18: {  	[tilespmem:$0x6880] =	vst v1  }
0x19: {  	[tilespmem:$0x2900] =	vst v0  }
0x1a: {  	[tilespmem:$0x6900] =	vst v1  }
0x1b: {  	[tilespmem:$0x2980] =	vst v0  }
0x1c: {  	[tilespmem:$0x6980] =	vst v1  }
0x1d: {  	[tilespmem:$0x2A00] =	vst v0  }
0x1e: {  	[tilespmem:$0x6A00] =	vst v1  }
0x1f: {  	[tilespmem:$0x2A80] =	vst v0  }
0x20: {  	[tilespmem:$0x6A80] =	vst v1  }
0x21: {  	[tilespmem:$0x2B00] =	vst v0  }
0x22: {  	[tilespmem:$0x6B00] =	vst v1  }
0x23: {  	[tilespmem:$0x2B80] =	vst v0  }
0x24: {  	[tilespmem:$0x6B80] =	vst v1  }
0x25: {  	[tilespmem:$0x2C00] =	vst v0  }
0x26: {  	[tilespmem:$0x6C00] =	vst v1  }
0x27: {  	[tilespmem:$0x2C80] =	vst v0  }
0x28: {  	[tilespmem:$0x6C80] =	vst v1  }
0x29: {  	[tilespmem:$0x2D00] =	vst v0  }
0x2a: {  	[tilespmem:$0x6D00] =	vst v1  }
0x2b: {  	[tilespmem:$0x2D80] =	vst v0  }
0x2c: {  	[tilespmem:$0x6D80] =	vst v1  }
0x2d: {  	[tilespmem:$0x2E00] =	vst v0  }
0x2e: {  	[tilespmem:$0x6E00] =	vst v1  }
0x2f: {  	[tilespmem:$0x2E80] =	vst v0  }
0x30: {  	[tilespmem:$0x6E80] =	vst v1  }
0x31: {  	[tilespmem:$0x2F00] =	vst v0  }
0x32: {  	[tilespmem:$0x6F00] =	vst v1  }
0x33: {  	[tilespmem:$0x2F80] =	vst v0  }
0x34: {  	[tilespmem:$0x6F80] =	vst v1  }
0x35: {  	[tilespmem:$0x3000] =	vst v0  }
0x36: {  	[tilespmem:$0x7000] =	vst v1  }
0x37: {  	[tilespmem:$0x3080] =	vst v0  }
0x38: {  	[tilespmem:$0x7080] =	vst v1  }
0x39: {  	[tilespmem:$0x3100] =	vst v0  }
0x3a: {  	[tilespmem:$0x7100] =	vst v1  }
0x3b: {  	[tilespmem:$0x3180] =	vst v0  }
0x3c: {  	[tilespmem:$0x7180] =	vst v1  }
0x3d: {  	[tilespmem:$0x3200] =	vst v0  }
0x3e: {  	[tilespmem:$0x7200] =	vst v1  }
0x3f: {  	[tilespmem:$0x3280] =	vst v0  }
0x40: {  	[tilespmem:$0x7280] =	vst v1  }
0x41: {  	[tilespmem:$0x3300] =	vst v0  }
0x42: {  	[tilespmem:$0x7300] =	vst v1  }
0x43: {  	[tilespmem:$0x3380] =	vst v0  }
0x44: {  	[tilespmem:$0x7380] =	vst v1  }
0x45: {  	[tilespmem:$0x3400] =	vst v0  }
0x46: {  	[tilespmem:$0x7400] =	vst v1  }
0x47: {  	[tilespmem:$0x3480] =	vst v0  }
0x48: {  	[tilespmem:$0x7480] =	vst v1  }
0x49: {  	[tilespmem:$0x3500] =	vst v0  }
0x4a: {  	[tilespmem:$0x7500] =	vst v1  }
0x4b: {  	[tilespmem:$0x3580] =	vst v0  }
0x4c: {  	[tilespmem:$0x7580] =	vst v1  }
0x4d: {  	[tilespmem:$0x3600] =	vst v0  }
0x4e: {  	[tilespmem:$0x7600] =	vst v1  }
0x4f: {  	[tilespmem:$0x3680] =	vst v0  }
0x50: {  	[tilespmem:$0x7680] =	vst v1  }
0x51: {  	[tilespmem:$0x3700] =	vst v0  }
0x52: {  	[tilespmem:$0x7700] =	vst v1  }
0x53: {  	[tilespmem:$0x3780] =	vst v0  }
0x54: {  	[tilespmem:$0x7780] =	vst v1  }
0x55: {  	[tilespmem:$0x3800] =	vst v0  }
0x56: {  	[tilespmem:$0x7800] =	vst v1  }
0x57: {  	[tilespmem:$0x3880] =	vst v0  }
0x58: {  	[tilespmem:$0x7880] =	vst v1  }
0x59: {  	[tilespmem:$0x3900] =	vst v0  }
0x5a: {  	[tilespmem:$0x7900] =	vst v1  }
0x5b: {  	[tilespmem:$0x3980] =	vst v0  }
0x5c: {  	[tilespmem:$0x7980] =	vst v1  }
0x5d: {  	[tilespmem:$0x3A00] =	vst v0  }
0x5e: {  	[tilespmem:$0x7A00] =	vst v1  }
0x5f: {  	[tilespmem:$0x3A80] =	vst v0  }
0x60: {  	[tilespmem:$0x7A80] =	vst v1  }
0x61: {  	[tilespmem:$0x3B00] =	vst v0  }
0x62: {  	[tilespmem:$0x7B00] =	vst v1  }
0x63: {  	[tilespmem:$0x3B80] =	vst v0  }
0x64: {  	[tilespmem:$0x7B80] =	vst v1  }
0x65: {  	[tilespmem:$0x3C00] =	vst v0  }
0x66: {  	[tilespmem:$0x7C00] =	vst v1  }
0x67: {  	[tilespmem:$0x3C80] =	vst v0  }
0x68: {  	[tilespmem:$0x7C80] =	vst v1  }
0x69: {  	[tilespmem:$0x3D00] =	vst v0  }
0x6a: {  	[tilespmem:$0x7D00] =	vst v1  }
0x6b: {  	[tilespmem:$0x3D80] =	vst v0  }
0x6c: {  	[tilespmem:$0x7D80] =	vst v1  }
0x6d: {  	[tilespmem:$0x3E00] =	vst v0  }
0x6e: {  	[tilespmem:$0x7E00] =	vst v1  }
0x6f: {  	[tilespmem:$0x3E80] =	vst v0  }
0x70: {  	[tilespmem:$0x7E80] =	vst v1  }
0x71: {  	[tilespmem:$0x3F00] =	vst v0  }
0x72: {  	[tilespmem:$0x7F00] =	vst v1  }
0x73: {  	[tilespmem:$0x3F80] =	vst v0  }
0x74: {  	[tilespmem:$0x7F80] =	vst v1  }
0x75: {  	[tilespmem:$0x4000] =	vst v0  }
0x76: {  	[tilespmem:$0x8000] =	vst v1  }
0x77: {  	[tilespmem:$0x4080] =	vst v0  }
0x78: {  	[tilespmem:$0x8080] =	vst v1  }
0x79: {  	[tilespmem:$0x4100] =	vst v0  }
0x7a: {  	[tilespmem:$0x8100] =	vst v1  }
0x7b: {  	[tilespmem:$0x4180] =	vst v0  }
0x7c: {  	[tilespmem:$0x8180] =	vst v1  }
0x7d: {  	[tilespmem:$0x4200] =	vst v0  }
0x7e: {  	[tilespmem:$0x8200] =	vst v1  }
0x7f: {  	[tilespmem:$0x4280] =	vst v0  }
0x80: {  	[tilespmem:$0x8280] =	vst v1  }
0x81: {  	[tilespmem:$0x4300] =	vst v0  }
0x82: {  	[tilespmem:$0x8300] =	vst v1  }
0x83: {  	[tilespmem:$0x4380] =	vst v0  }
0x84: {  	[tilespmem:$0x8380] =	vst v1  }
0x85: {  	[tilespmem:$0x4400] =	vst v0  }
0x86: {  	[tilespmem:$0x8400] =	vst v1  }
0x87: {  	[tilespmem:$0x4480] =	vst v0  }
0x88: {  	[tilespmem:$0x8480] =	vst v1  }
0x89: {  	[tilespmem:$0x4500] =	vst v0  }
0x8a: {  	[tilespmem:$0x8500] =	vst v1  }
0x8b: {  	[tilespmem:$0x4580] =	vst v0  }
0x8c: {  	[tilespmem:$0x8580] =	vst v1  }
0x8d: {  	[tilespmem:$0x4600] =	vst v0  }
0x8e: {  	[tilespmem:$0x8600] =	vst v1  }
0x8f: {  	[tilespmem:$0x4680] =	vst v0  }
0x90: {  	[tilespmem:$0x8680] =	vst v1  }
0x91: {  	[tilespmem:$0x4700] =	vst v0  }
0x92: {  	[tilespmem:$0x8700] =	vst v1  }
0x93: {  	[tilespmem:$0x4780] =	vst v0  }
0x94: {  	[tilespmem:$0x8780] =	vst v1  }
0x95: {  	[tilespmem:$0x4800] =	vst v0  }
0x96: {  	[tilespmem:$0x8800] =	vst v1  }
0x97: {  	[tilespmem:$0x4880] =	vst v0  }
0x98: {  	[tilespmem:$0x8880] =	vst v1  }
0x99: {  	[tilespmem:$0x4900] =	vst v0  }
0x9a: {  	[tilespmem:$0x8900] =	vst v1  }
0x9b: {  	[tilespmem:$0x4980] =	vst v0  }
0x9c: {  	[tilespmem:$0x8980] =	vst v1  }
0x9d: {  	[tilespmem:$0x4A00] =	vst v0  }
0x9e: {  	[tilespmem:$0x8A00] =	vst v1  }
0x9f: {  	[tilespmem:$0x4A80] =	vst v0  }
0xa0: {  	[tilespmem:$0x8A80] =	vst v1  }
0xa1: {  	[tilespmem:$0x4B00] =	vst v0  }
0xa2: {  	[tilespmem:$0x8B00] =	vst v1  }
0xa3: {  	[tilespmem:$0x4B80] =	vst v0  }
0xa4: {  	[tilespmem:$0x8B80] =	vst v1  }
0xa5: {  	[tilespmem:$0x4C00] =	vst v0  }
0xa6: {  	[tilespmem:$0x8C00] =	vst v1  }
0xa7: {  	[tilespmem:$0x4C80] =	vst v0  }
0xa8: {  	[tilespmem:$0x8C80] =	vst v1  }
0xa9: {  	[tilespmem:$0x4D00] =	vst v0  }
0xaa: {  	[tilespmem:$0x8D00] =	vst v1  }
0xab: {  	[tilespmem:$0x4D80] =	vst v0  }
0xac: {  	[tilespmem:$0x8D80] =	vst v1  }
0xad: {  	[tilespmem:$0x4E00] =	vst v0  }
0xae: {  	[tilespmem:$0x8E00] =	vst v1  }
0xaf: {  	[tilespmem:$0x4E80] =	vst v0  }
0xb0: {  	[tilespmem:$0x8E80] =	vst v1  }
0xb1: {  	[tilespmem:$0x4F00] =	vst v0  }
0xb2: {  	[tilespmem:$0x8F00] =	vst v1  }
0xb3: {  	[tilespmem:$0x4F80] =	vst v0  }
0xb4: {  	[tilespmem:$0x8F80] =	vst v1  }
0xb5: {  	[tilespmem:$0x5000] =	vst v0  }
0xb6: {  	[tilespmem:$0x9000] =	vst v1  }
0xb7: {  	[tilespmem:$0x5080] =	vst v0  }
0xb8: {  	[tilespmem:$0x9080] =	vst v1  }
0xb9: {  	[tilespmem:$0x5100] =	vst v0  }
0xba: {  	[tilespmem:$0x9100] =	vst v1  }
0xbb: {  	[tilespmem:$0x5180] =	vst v0  }
0xbc: {  	[tilespmem:$0x9180] =	vst v1  }
0xbd: {  	[tilespmem:$0x5200] =	vst v0  }
0xbe: {  	[tilespmem:$0x9200] =	vst v1  }
0xbf: {  	[tilespmem:$0x5280] =	vst v0  }
0xc0: {  	[tilespmem:$0x9280] =	vst v1  }
0xc1: {  	[tilespmem:$0x5300] =	vst v0  }
0xc2: {  	[tilespmem:$0x9300] =	vst v1  }
0xc3: {  	[tilespmem:$0x5380] =	vst v0  }
0xc4: {  	[tilespmem:$0x9380] =	vst v1  }
0xc5: {  	[tilespmem:$0x5400] =	vst v0  }
0xc6: {  	[tilespmem:$0x9400] =	vst v1  }
0xc7: {  	[tilespmem:$0x5480] =	vst v0  }
0xc8: {  	[tilespmem:$0x9480] =	vst v1  }
0xc9: {  	[tilespmem:$0x5500] =	vst v0  }
0xca: {  	[tilespmem:$0x9500] =	vst v1  }
0xcb: {  	[tilespmem:$0x5580] =	vst v0  }
0xcc: {  	[tilespmem:$0x9580] =	vst v1  }
0xcd: {  	[tilespmem:$0x5600] =	vst v0  }
0xce: {  	[tilespmem:$0x9600] =	vst v1  }
0xcf: {  	[tilespmem:$0x5680] =	vst v0  }
0xd0: {  	[tilespmem:$0x9680] =	vst v1  }
0xd1: {  	[tilespmem:$0x5700] =	vst v0  }
0xd2: {  	[tilespmem:$0x9700] =	vst v1  }
0xd3: {  	[tilespmem:$0x5780] =	vst v0  }
0xd4: {  	[tilespmem:$0x9780] =	vst v1  }
0xd5: {  	[tilespmem:$0x5800] =	vst v0  }
0xd6: {  	[tilespmem:$0x9800] =	vst v1  }
0xd7: {  	[tilespmem:$0x5880] =	vst v0  }
0xd8: {  	[tilespmem:$0x9880] =	vst v1  }
0xd9: {  	[tilespmem:$0x5900] =	vst v0  }
0xda: {  	[tilespmem:$0x9900] =	vst v1  }
0xdb: {  	[tilespmem:$0x5980] =	vst v0  }
0xdc: {  	[tilespmem:$0x9980] =	vst v1  }
0xdd: {  	[tilespmem:$0x5A00] =	vst v0  }
0xde: {  	[tilespmem:$0x9A00] =	vst v1  }
0xdf: {  	[tilespmem:$0x5A80] =	vst v0  }
0xe0: {  	[tilespmem:$0x9A80] =	vst v1  }
0xe1: {  	[tilespmem:$0x5B00] =	vst v0  }
0xe2: {  	[tilespmem:$0x9B00] =	vst v1  }
0xe3: {  	[tilespmem:$0x5B80] =	vst v0  }
0xe4: {  	[tilespmem:$0x9B80] =	vst v1  }
0xe5: {  	[tilespmem:$0x5C00] =	vst v0  }
0xe6: {  	[tilespmem:$0x9C00] =	vst v1  }
0xe7: {  	[tilespmem:$0x5C80] =	vst v0  }
0xe8: {  	[tilespmem:$0x9C80] =	vst v1  }
0xe9: {  	[tilespmem:$0x5D00] =	vst v0  }
0xea: {  	[tilespmem:$0x9D00] =	vst v1  }
0xeb: {  	[tilespmem:$0x5D80] =	vst v0  }
0xec: {  	[tilespmem:$0x9D80] =	vst v1  }
0xed: {  	[tilespmem:$0x5E00] =	vst v0  }
0xee: {  	[tilespmem:$0x9E00] =	vst v1  }
0xef: {  	[tilespmem:$0x5E80] =	vst v0  }
0xf0: {  	[tilespmem:$0x9E80] =	vst v1  }
0xf1: {  	[tilespmem:$0x5F00] =	vst v0  }
0xf2: {  	[tilespmem:$0x9F00] =	vst v1  }
0xf3: {  	[tilespmem:$0x5F80] =	vst v0  }
0xf4: {  	[tilespmem:$0x9F80] =	vst v1  }
0xf5: {  	[tilespmem:$0x6000] =	vst v0  }
0xf6: {  	[tilespmem:$0xA000] =	vst v1  }
0xf7: {  	[tilespmem:$0x6080] =	vst v0  }
0xf8: {  	[tilespmem:$0xA080] =	vst v1  }
0xf9: {  	[tilespmem:$0x6100] =	vst v0  }
0xfa: {  	[tilespmem:$0xA100] =	vst v1  }
0xfb: {  	[tilespmem:$0x6180] =	vst v0  }
0xfc: {  	[tilespmem:$0xA180] =	vst v1  }
0xfd: {  	[tilespmem:$0x6200] =	vst v0  }
0xfe: {  	[tilespmem:$0xA200] =	vst v1  }
0xff: {  	[tilespmem:$0x6280] =	vst v0  }
0x100: {  	[tilespmem:$0xA280] =	vst v1  }
0x101: {  	[tilespmem:$0x6300] =	vst v0  }
0x102: {  	[tilespmem:$0xA300] =	vst v1  }
0x103: {  	[tilespmem:$0x6380] =	vst v0  }
0x104: {  	[tilespmem:$0xA380] =	vst v1  }
0x105: {  	[tilespmem:$0x6400] =	vst v0  }
0x106: {  	[tilespmem:$0xA400] =	vst v1  }
0x107: {  	[tilespmem:$0x6480] =	vst v0  }
0x108: {  	[tilespmem:$0xA480] =	vst v1  }
0x109: {  	[tilespmem:$0x6500] =	vst v0  }
0x10a: {  	[tilespmem:$0xA500] =	vst v1  }
0x10b: {  	[tilespmem:$0x6580] =	vst v0  }
0x10c: {  	[tilespmem:$0xA580] =	vst v1  }
0x10d: {  	[tilespmem:$0x6600] =	vst v0  }
0x10e: {  	[tilespmem:$0xA600] =	vst v1  }
0x10f: {  	[tilespmem:$0x6680] =	vst v0  }
0x110: {  	[tilespmem:$0xA680] =	vst v1  }
0x111: {  	[tilespmem:$0x6700] =	vst v0  }
0x112: {  	[tilespmem:$0xA700] =	vst v1  }
0x113: {  	[tilespmem:$0x6780] =	vst v0  }
0x114: {  	[tilespmem:$0xA780] =	vst v1  }
0x115: {  	[spmem:s4] =	stream.linear.scatter [tilespmem:s20], [sflag:$0x1], $0x4000, $0x38;
	[tilespmem:$0xA880] =	vst v63  }
0x116: {  	_ =	swait.ge [sflag:s21], $0x4000  }
0x117: {  	[sflag:s21] =	ssyncset.done $0x0  }
0x118: {  	[sflag:s21] =	ssyncadd.s32 $0xFFFFC000  }
0x119: {  	[spmem:s6] =	stream.linear.scatter [tilespmem:s20], [sflag:$0x1], $0x4000, $0x38;
	[tilespmem:$0xA880] =	vst v63  }
0x11a: {  	_ =	swait.ge [sflag:s21], $0x4000  }
0x11b: {  	[sflag:s21] =	ssyncset.done $0x0  }
0x11c: {  	[sflag:s21] =	ssyncadd.s32 $0xFFFFC000  }
0x11d: {  	[spmem:s7] =	stream.linear.scatter [tilespmem:s20], [sflag:$0x1], $0x4000, $0x38;
	[tilespmem:$0xA880] =	vst v63  }
0x11e: {  	_ =	swait.ge [sflag:s21], $0x4000  }
0x11f: {  	[sflag:s21] =	ssyncset.done $0x0  }
0x120: {  	[sflag:s21] =	ssyncadd.s32 $0xFFFFC000  }
0x121: {  	[spmem:s8] =	stream.linear.scatter [tilespmem:s20], [sflag:$0x1], $0x4000, $0x38;
	[tilespmem:$0xA880] =	vst v63  }
0x122: {  	_ =	swait.ge [sflag:s21], $0x4000  }
0x123: {  	[sflag:s21] =	ssyncset.done $0x0  }
0x124: {  	[sflag:s21] =	ssyncadd.s32 $0xFFFFC000  }
0x125: {  	[spmem:s9] =	stream.linear.scatter [tilespmem:s20], [sflag:$0x1], $0x4000, $0x38;
	[tilespmem:$0xA880] =	vst v63  }
0x126: {  	_ =	swait.ge [sflag:s21], $0x4000  }
0x127: {  	[sflag:s21] =	ssyncset.done $0x0  }
0x128: {  	[sflag:s21] =	ssyncadd.s32 $0xFFFFC000  }
0x129: {  	s26 =	sadd.s32 $0x0, s19;
	[bflag:$0x0] =	sbarrier.arrive $0xFFFF  }
0x12a: {  	[tilespmem:s22], [sflag:$0x1] =	stream.linear.gather [hbm4b:s26+s3], $0x80, $0x38;
	[tilespmem:$0xA880] =	vst v63  }
0x12b: {  	_ =	swait.ge [sflag:s21], $0x80  }
0x12c: {  	[sflag:s21] =	ssyncset.done $0x0  }
0x12d: {  	[sflag:s21] =	ssyncadd.s32 $0xFFFFFF80  }
0x12e: {  	[spmem:s2] =	stream.indirect.scatter.add.f32 [tilespmem:s24], [sflag:$0x1], $0x10, s22, s23, $0xb8;
	[tilespmem:$0xA880] =	vst v63  }
0x12f: {  	_ =	swait.ge [sflag:s21], $0x800  }
0x130: {  	s28 =	simm.s32 $0x20;
	s26 =	simm.s32 $0x10;
	[sflag:s21] =	ssyncset.done $0x0  }
.LBB2_2:
0x131: {  	s29 =	sadd.s32 s26, s19  }
0x132: {  	[sflag:s21] =	ssyncadd.s32 $0xFFFFF800;
	s26 =	smov.u32 s28;
	s30 =	sadd.s32 $0x10, s28  }
0x133: {  	[tilespmem:s22], [sflag:$0x1] =	stream.linear.gather [hbm4b:s29+s3], $0x80, $0x38;
	[tilespmem:$0xA880] =	vst v63  }
0x134: {  	p0 =	sne.s32 s28, $0x4E0;
	_ =	swait.ge [sflag:s21], $0x80  }
.Ltmp0:
0x135: {  	[sflag:s21] =	ssyncset.done $0x0;
	(pc) =	sbr.rel @p0 .LBB2_2-.Ltmp0, $4  }
0x136: {  	[sflag:s21] =	ssyncadd.s32 $0xFFFFFF80  }
0x137: {  	[spmem:s2] =	stream.indirect.scatter.add.f32 [tilespmem:s24], [sflag:$0x1], $0x10, s22, s23, $0xb8;
	[tilespmem:$0xA880] =	vst v63  }
0x138: {  	_ =	swait.ge [sflag:s21], $0x800  }
0x139: {  	s28 =	smov.u32 s30;
	[sflag:s21] =	ssyncset.done $0x0  }
0x13a: {  	s26 =	sadd.s32 s26, s19;
	[sflag:s21] =	ssyncadd.s32 $0xFFFFF800  }
0x13b: {  	[tilespmem:s22], [sflag:$0x1] =	stream.linear.gather [hbm4b:s26+s3], $0x80, $0x38;
	[tilespmem:$0xA880] =	vst v63  }
0x13c: {  	_ =	swait.ge [sflag:s21], $0x80  }
0x13d: {  	[sflag:s21] =	ssyncset.done $0x0  }
0x13e: {  	[sflag:s21] =	ssyncadd.s32 $0xFFFFFF80  }
0x13f: {  	[spmem:s2] =	stream.indirect.scatter.add.f32 [tilespmem:s24], [sflag:$0x1], $0x10, s22, s23, $0xb8;
	[tilespmem:$0xA880] =	vst v63  }
0x140: {  	_ =	swait.ge [sflag:s21], $0x800  }
0x141: {  	[sflag:s21] =	ssyncset.done $0x0  }
0x142: {  	[sflag:s21] =	ssyncadd.s32 $0xFFFFF800  }
0x143: {  	[bflag:$0x0] =	sbarrier.arrive $0xFFFF  }
0x144: {  	[tilespmem:s20], [sflag:$0x1] =	stream.linear.gather [spmem:s4], $0x4000, $0x38;
	[tilespmem:$0xA880] =	vst v63  }
0x145: {  	_ =	swait.ge [sflag:s21], $0x4000  }
0x146: {  	[sflag:s21] =	ssyncset.done $0x0  }
0x147: {  	[sflag:s21] =	ssyncadd.s32 $0xFFFFC000  }
0x148: {  	[hbm4b:s10+s3] =	stream.linear.scatter [tilespmem:s20], [sflag:$0x1], $0x4000, $0x38;
	[tilespmem:$0xA880] =	vst v63  }
0x149: {  	_ =	swait.ge [sflag:s21], $0x4000  }
0x14a: {  	[sflag:s21] =	ssyncset.done $0x0  }
0x14b: {  	[sflag:s21] =	ssyncadd.s32 $0xFFFFC000  }
0x14c: {  	[tilespmem:s20], [sflag:$0x1] =	stream.linear.gather [spmem:s11], $0x4000, $0x38;
	[tilespmem:$0xA880] =	vst v63  }
0x14d: {  	_ =	swait.ge [sflag:s21], $0x4000  }
0x14e: {  	[sflag:s21] =	ssyncset.done $0x0  }
0x14f: {  	[sflag:s21] =	ssyncadd.s32 $0xFFFFC000  }
0x150: {  	[hbm4b:s12+s3] =	stream.linear.scatter [tilespmem:s20], [sflag:$0x1], $0x4000, $0x38;
	[tilespmem:$0xA880] =	vst v63  }
0x151: {  	_ =	swait.ge [sflag:s21], $0x4000  }
0x152: {  	[sflag:s21] =	ssyncset.done $0x0  }
0x153: {  	[sflag:s21] =	ssyncadd.s32 $0xFFFFC000  }
0x154: {  	[tilespmem:s20], [sflag:$0x1] =	stream.linear.gather [spmem:s13], $0x4000, $0x38;
	[tilespmem:$0xA880] =	vst v63  }
0x155: {  	_ =	swait.ge [sflag:s21], $0x4000  }
0x156: {  	[sflag:s21] =	ssyncset.done $0x0  }
0x157: {  	[sflag:s21] =	ssyncadd.s32 $0xFFFFC000  }
0x158: {  	[hbm4b:s14+s3] =	stream.linear.scatter [tilespmem:s20], [sflag:$0x1], $0x4000, $0x38;
	[tilespmem:$0xA880] =	vst v63  }
0x159: {  	_ =	swait.ge [sflag:s21], $0x4000  }
0x15a: {  	[sflag:s21] =	ssyncset.done $0x0  }
0x15b: {  	[sflag:s21] =	ssyncadd.s32 $0xFFFFC000  }
0x15c: {  	[tilespmem:s20], [sflag:$0x1] =	stream.linear.gather [spmem:s15], $0x4000, $0x38;
	[tilespmem:$0xA880] =	vst v63  }
0x15d: {  	_ =	swait.ge [sflag:s21], $0x4000  }
0x15e: {  	[sflag:s21] =	ssyncset.done $0x0  }
0x15f: {  	[sflag:s21] =	ssyncadd.s32 $0xFFFFC000  }
0x160: {  	[hbm4b:s16+s3] =	stream.linear.scatter [tilespmem:s20], [sflag:$0x1], $0x4000, $0x38;
	[tilespmem:$0xA880] =	vst v63  }
0x161: {  	_ =	swait.ge [sflag:s21], $0x4000  }
0x162: {  	[sflag:s21] =	ssyncset.done $0x0  }
0x163: {  	[sflag:s21] =	ssyncadd.s32 $0xFFFFC000  }
0x164: {  	[tilespmem:s20], [sflag:$0x1] =	stream.linear.gather [spmem:s17], $0x4000, $0x38;
	[tilespmem:$0xA880] =	vst v63  }
0x165: {  	s25 =	sadd.s32 $0x1, s25;
	_ =	swait.ge [sflag:s21], $0x4000  }
0x166: {  	p0 =	sne.s32 s25, s5;
	[sflag:s21] =	ssyncset.done $0x0  }
.Ltmp1:
0x167: {  	[sflag:s21] =	ssyncadd.s32 $0xFFFFC000;
	(pc) =	sbr.rel @p0 .LBB2_1-.Ltmp1, $4  }
0x168: {  	[hbm4b:s18+s3] =	stream.linear.scatter [tilespmem:s20], [sflag:$0x1], $0x4000, $0x38;
	[tilespmem:$0xA880] =	vst v63  }
0x169: {  	_ =	swait.ge [sflag:s21], $0x4000  }
0x16a: {  	[sflag:s21] =	ssyncset.done $0x0  }
0x16b: {  	[sflag:s21] =	ssyncadd.s32 $0xFFFFC000  }
0x16c: {  	_ =	sfence.sel $0x180000  }
0x16d: {  	[bflag:$0x0] =	sbarrier.arrive $0xFFFF  }
0x16e: {  	p0 =	sne.s32 s1, $0x0;
	_ =	strace $0x90000047  }
0x16f: {  	s0 =	sadd.s32 @!p0 $0x100000, s0;
	[bflag:$0x2] =	sbarrier.arrive $0xFFFF  }
0x170: {  	[sflag:s0] =	ssyncadd.tile.s32 @!p0 $0x1;
	_ =	shalt  }
.Lfunc_end2:
_tile_overlayer_lowered:
.L_overlay_start_2:
0x171: {  	(tag) =	ssettag $0x2  }
0x172: {  	s0 =	rddreg [dreg:$0x0];
	s2 =	stileid.u32  }
0x173: {  	s1 =	rddreg [dreg:$0x1];
	p0 =	sne.s32 s2, $0x0  }
0x174: {  	s3 =	rddreg [dreg:$0x2];
	[bflag:$0x3] =	sbarrier.arrive $0xFFFF;
	s2 =	simm.s32 @!p0 $0x1C01  }
0x175: {  	[timem:s3], [sflag:s2] =	dma.local @!p0 [hbm:s0], s1  }
0x176: {  	s0 =	simm.s32 @!p0 $0x1  }
0x177: {  	_ =	swait.ge @!p0 [sflag:s0], s1  }
0x178: {  	s1 =	ssub.s32 @!p0 $0x0, s1;
	[sflag:s0] =	ssyncset.done @!p0 $0x0  }
0x179: {  	[sflag:s0] =	ssyncadd.s32 @!p0 s1  }
0x17a: {  	[bflag:$0x3] =	sbarrier.arrive $0xFFFF  }
0x17b: {  	_ =	shalt  }

// kernel: kernel.9.cloned.1.call-start
scs
__scs_entry_jumppad:
0x0: {  	(pc) =	sbr.rel $0x88, $3  }
0x1: {  	(tag) =	ssettag $0x0;
	lr =	simm.s32 $0x1  }
0x2: {  	[smem:$0x3F9D] =	sst lr;
	_ =	strace $0xD0000000  }
0x3: {  	_ = 	snop  }
0x4: {  	_ = 	snop  }
0x5: {  	_ = 	snop  }
0x6: {  	_ = 	snop  }
0x7: {  	_ = 	snop  }
__scs_overlays_trampoline_lowered:
0x8: {  	[smem:$0x3FAC] =	sst s0  }
0x9: {  	[smem:$0x3FAD] =	sst s1  }
0xa: {  	[smem:$0x3FAE] =	sst s2  }
0xb: {  	[smem:$0x3FAF] =	sst s3  }
0xc: {  	[smem:$0x3FB0] =	sst s4  }
0xd: {  	[smem:$0x3FB1] =	sst s5  }
0xe: {  	[smem:$0x3FB2] =	sst s6  }
0xf: {  	[smem:$0x3FB3] =	sst s7  }
0x10: {  	[smem:$0x3FB4] =	sst s8  }
0x11: {  	[smem:$0x3FB5] =	sst s9;
	s0 =	simm.s32 @!p0 $0x0  }
0x12: {  	s1 =	sld [smem:$0x3F9B];
	s0 =	simm.s32 @p0 $0x1  }
0x13: {  	[smem:$0x3FB6] =	sst s0;
	s0 =	simm.s32 @!p1 $0x0  }
0x14: {  	s2 =	sld [smem:$0x3F9A];
	s0 =	simm.s32 @p1 $0x1  }
0x15: {  	[smem:$0x3FB7] =	sst s0;
	s0 =	simm.s32 @!p2 $0x0  }
0x16: {  	s3 =	sld [smem:$0x3FDB];
	s0 =	simm.s32 @p2 $0x1  }
0x17: {  	s4 =	simm.s32 $0x1BF5;
	[smem:$0x3FB9] =	sst s0  }
0x18: {  	s0 =	sld [smem:$0x3F9C];
	_ =	swait.ge [sflag:s4], $0x0  }
0x19: {  	s7 =	sld [smem:$0x3F9D]  }
0x1a: {  	s8 =	sadd.s32 $0xFFFFE003, lr  }
0x1b: {  	s9 =	sadd.s32 $0xFFFFFEF7, lr;
	s5 =	simm.s32 $0xFFFFFFFF;
	p2 =	slt.u32 s8, $0xFFFFF086  }
0x1c: {  	p1 =	slt.u32 s9, $0xF7A;
	s5 =	simm.s32 @!p2 $0x0  }
0x1d: {  	s5 =	simm.s32 @p1 $0x1;
	p0 =	seq.s32 s7, s2  }
0x1e: {  	s7 =	smul.u32 @!p0 $0xF7A, s2;
	p2 =	seq.s32 @!p0 s5, $0x0  }
0x1f: {  	s9 =	smul.u32 $0xF7A, s1;
	s8 =	simm.s32 @!p0 $0x1BF5;
	p2 =	por !p2, p0  }
0x20: {  	[sflag:s8] =	ssyncset.s32 @!p0 $0xFFFFF086;
	s6 =	sadd.s32 @!p0 s3, s7;
	s7 =	simm.s32 @!p0 $0x108  }
0x21: {  	s3 =	sadd.s32 s3, s9;
	s6 =	sadd.s32 @!p0 $0x88, s6;
	s7 =	simm.s32 @p2 $0x1082  }
0x22: {  	[simem:s7], [sflag:s8] =	dma.local @!p0 [hbm:s6], $0xF7A  }
0x23: {  	s9 =	sor.u32 $0xD0000000, s2;
	s6 =	simm.s32 $0x108;
	_ =	swait.ge @!p0 [sflag:s8], $0x0  }
0x24: {  	s3 =	sadd.s32 $0x88, s3;
	s6 =	simm.s32 @!p1 $0x1082;
	[sflag:s4] =	ssyncset.s32 $0xFFFFF086  }
0x25: {  	[simem:s6], [sflag:s4] =	dma.local [hbm:s3], $0xF7A  }
0x26: {  	[smem:$0x3F9D] =	sst s1;
	(tag) =	ssettag s2;
	_ =	strace s9  }
0x27: {  	s1 =	sld [smem:$0x3FAD]  }
0x28: {  	s2 =	sld [smem:$0x3FAE]  }
0x29: {  	s4 =	sld [smem:$0x3FB0]  }
0x2a: {  	p0 =	seq.s32 s5, $0x0;
	s5 =	sld [smem:$0x3FB1]  }
0x2b: {  	s6 =	sld [smem:$0x3FB2]  }
0x2c: {  	s7 =	sld [smem:$0x3FB3]  }
0x2d: {  	s3 =	simm.s32 $0x108;
	s8 =	sld [smem:$0x3FB4]  }
0x2e: {  	s3 =	simm.s32 @!p0 $0x1082;
	s9 =	sld [smem:$0x3FB5]  }
0x2f: {  	lr =	sadd.s32 s0, s3;
	s0 =	sld [smem:$0x3FAC]  }
0x30: {  	s3 =	sld [smem:$0x3FAF]  }
0x31: {  	[smem:$0x3FB8] =	sst s10  }
0x32: {  	s10 =	sld [smem:$0x3FB6];
	_ =	sdelay $0x3  }
0x33: {  	p0 =	seq.s32 s10, $0x1;
	s10 =	sld [smem:$0x3FB8];
	_ =	sdelay $0x3  }
0x34: {  	[smem:$0x3FB8] =	sst s10  }
0x35: {  	s10 =	sld [smem:$0x3FB7];
	_ =	sdelay $0x3  }
0x36: {  	p1 =	seq.s32 s10, $0x1;
	s10 =	sld [smem:$0x3FB8];
	_ =	sdelay $0x3  }
0x37: {  	[smem:$0x3FB8] =	sst s10  }
0x38: {  	s10 =	sld [smem:$0x3FB9]  }
0x39: {  	_ = 	snop;
	(pc) =	sbr.ind lr, $3  }
0x3a: {  	_ = 	snop  }
0x3b: {  	_ = 	snop  }
0x3c: {  	p2 =	seq.s32 s10, $0x1;
	s10 =	sld [smem:$0x3FB8]  }
0x3d: {  	_ =	shalt  }
0x3e: {  	_ =	shalt  }
0x3f: {  	_ =	shalt  }
0x40: {  	_ =	shalt  }
0x41: {  	_ =	shalt  }
0x42: {  	_ =	shalt  }
0x43: {  	_ =	shalt  }
0x44: {  	_ =	shalt  }
0x45: {  	_ =	shalt  }
0x46: {  	_ =	shalt  }
0x47: {  	_ =	shalt  }
0x48: {  	_ =	shalt  }
0x49: {  	_ =	shalt  }
0x4a: {  	_ =	shalt  }
0x4b: {  	_ =	shalt  }
0x4c: {  	_ =	shalt  }
0x4d: {  	_ =	shalt  }
0x4e: {  	_ =	shalt  }
0x4f: {  	_ =	shalt  }
0x50: {  	_ =	shalt  }
0x51: {  	_ =	shalt  }
0x52: {  	_ =	shalt  }
0x53: {  	_ =	shalt  }
0x54: {  	_ =	shalt  }
0x55: {  	_ =	shalt  }
0x56: {  	_ =	shalt  }
0x57: {  	_ =	shalt  }
0x58: {  	_ =	shalt  }
0x59: {  	_ =	shalt  }
0x5a: {  	_ =	shalt  }
0x5b: {  	_ =	shalt  }
0x5c: {  	_ =	shalt  }
0x5d: {  	_ =	shalt  }
0x5e: {  	_ =	shalt  }
0x5f: {  	_ =	shalt  }
0x60: {  	_ =	shalt  }
0x61: {  	_ =	shalt  }
0x62: {  	_ =	shalt  }
0x63: {  	_ =	shalt  }
0x64: {  	_ =	shalt  }
0x65: {  	_ =	shalt  }
0x66: {  	_ =	shalt  }
0x67: {  	_ =	shalt  }
0x68: {  	_ =	shalt  }
0x69: {  	_ =	shalt  }
0x6a: {  	_ =	shalt  }
0x6b: {  	_ =	shalt  }
0x6c: {  	_ =	shalt  }
0x6d: {  	_ =	shalt  }
0x6e: {  	_ =	shalt  }
0x6f: {  	_ =	shalt  }
0x70: {  	_ =	shalt  }
0x71: {  	_ =	shalt  }
0x72: {  	_ =	shalt  }
0x73: {  	_ =	shalt  }
0x74: {  	_ =	shalt  }
0x75: {  	_ =	shalt  }
0x76: {  	_ =	shalt  }
0x77: {  	_ =	shalt  }
0x78: {  	_ =	shalt  }
0x79: {  	_ =	shalt  }
0x7a: {  	_ =	shalt  }
0x7b: {  	_ =	shalt  }
0x7c: {  	_ =	shalt  }
0x7d: {  	_ =	shalt  }
0x7e: {  	_ =	shalt  }
0x7f: {  	_ =	shalt  }
0x80: {  	_ =	shalt  }
0x81: {  	_ =	shalt  }
0x82: {  	_ =	shalt  }
0x83: {  	_ =	shalt  }
0x84: {  	_ =	shalt  }
0x85: {  	_ =	shalt  }
0x86: {  	_ =	shalt  }
0x87: {  	_ =	shalt  }
.Lfunc_end0:
.L_simem_size_0:
called_computation.1_lowered:
.L_overlay_start_0:
0x88: {  	s2 =	sld [smem:$0x3FD9]  }
0x89: {  	s3 =	sld [smem:$0x3FFE];
	_ =	sdelay $0x1  }
0x8a: {  	s1 =	srdreg.scid  }
0x8b: {  	s0 =	sand.u32 $0x1, s1  }
0x8c: {  	s17 =	sshll.u32 s0, $0xA;
	s2 =	sadd.s32 s3, s2  }
0x8d: {  	s2 =	sadd.s32 s2, s17  }
0x8e: {  	[smem:$0x3FC4] =	sst s2  }
0x8f: {  	_ = 	snop  }
0x90: {  	s2 =	sld [smem:$0x3FD0];
	(tm) =	ssettm $0x1  }
0x91: {  	s18 =	sld [smem:$0x3FFB];
	_ =	sdelay $0x3  }
0x92: {  	_ =	strace s18  }
0x93: {  	s3 =	sld [smem:$0x3FFC];
	_ =	sdelay $0x3  }
0x94: {  	_ =	strace s3  }
0x95: {  	s3 =	sld [smem:$0x3FFD];
	_ =	sdelay $0x3  }
0x96: {  	_ =	strace s3  }
0x97: {  	_ =	strace $0x8FFFFFFF  }
0x98: {  	s19 =	sld [smem:$0x3FDB];
	_ =	sdelay $0x1  }
0x99: {  	s4 =	simm.s32 $_scs_section_size  }
0x9a: {  	s5 =	simm.s32 $_size__tile_overlayer_lowered;
	s6 =	simm.s32 $_tile_overlayer_lowered  }
0x9b: {  	s22 =	simm.s32 $0x1BFF;
	s21 =	sshll.u32 s6, $0x1;
	s3 =	sadd.s32 s4, s19  }
0x9c: {  	s7 =	simm.s32 $0x0;
	s20 =	sshll.u32 s5, $0x1;
	s5 =	sadd.s32 s21, s3  }
0x9d: {  	[timem:s7], [sflag:s22] =	dma.local [hbm:s5], s20  }
0x9e: {  	_ =	swait.ge [sflag:s22], s20  }
0x9f: {  	s4 =	ssub.s32 $0x0, s20;
	[sflag:s22] =	ssyncset.done $0x0  }
0xa0: {  	[sflag:s22] =	ssyncadd.s32 s4;
	_ =	sdelay $0x1  }
0xa1: {  	s23 =	simm.s32 $0x1B8B  }
0xa2: {  	_ =	swait.ge [sflag:s23], $0x1  }
0xa3: {  	[sflag:s23] =	ssyncset.done $0x0  }
0xa4: {  	s25 =	simm.s32 $0x1B8E;
	s24 =	sld [smem:$0x3FFE];
	[sflag:s23] =	ssyncadd.s32 $0xFFFFFFFF  }
0xa5: {  	s26 =	simm.s32 $execute0_lowered;
	[smem:$0x3FD2] =	sst s25  }
0xa6: {  	s5 =	sshll.u32 s26, $0x1;
	_ =	strace $0x80000049;
	[dreg:$0x1] =	wrdreg $0xFFFFFFFF  }
0xa7: {  	s28 =	simm.s32 $_size_execute0_lowered;
	s3 =	sadd.s32 s3, s5;
	[dreg:$0x0] =	wrdreg $0x0  }
0xa8: {  	s5 =	sshll.u32 s28, $0x1;
	[dreg:$0x2] =	wrdreg s3  }
0xa9: {  	[dreg:$0x3] =	wrdreg s5  }
0xaa: {  	[dreg:$0x4] =	wrdreg $0xC0  }
0xab: {  	_ =	task [dreg:s7], $0x5FFFF  }
0xac: {  	[dreg:$0x1] =	wrdreg $0xFFFFFFFF  }
0xad: {  	[dreg:$0x0] =	wrdreg $0x60  }
0xae: {  	[dreg:$0x2] =	wrdreg s24  }
0xaf: {  	[dreg:$0x3] =	wrdreg s2  }
0xb0: {  	[dreg:$0x4] =	wrdreg $0x0  }
0xb1: {  	[dreg:$0x5] =	wrdreg $0x9  }
0xb2: {  	_ =	task.clear_ibuf [dreg:s7], $0x6FFFF;
	_ =	strace $0x90000049  }
0xb3: {  	s29 =	simm.s32 $0x9;
	_ =	strace $0x8000004B  }
0xb4: {  	_ =	swait.ge [sflag:s29], $0x1  }
0xb5: {  	[sflag:s29] =	ssyncadd.s32 $0xFFFFFFFF  }
0xb6: {  	_ =	strace $0x9000004B  }
0xb7: {  	_ =	sfence  }
0xb8: {  	s30 =	sld [smem:$0x0];
	_ =	sdelay $0x2  }
0xb9: {  	s31 =	sshll.u32 s1, $0xD;
	s1 =	sshrl.u32 s1, $0x2  }
0xba: {  	s3 =	sand.u32 $0x4000, s31;
	s1 =	sadd.s32 s1, s30  }
0xbb: {  	s0 =	sor.u32 s3, s0;
	s1 =	sshll.u32 s1, $0x11  }
0xbc: {  	s0 =	sor.u32 s1, s0  }
0xbd: {  	s0 =	sadd.s32 $0x8F2B, s0  }
0xbe: {  	[sflag:s0] =	ssyncadd.remote.s32 $0x1  }
0xbf: {  	_ =	sfence.sel $0xFFFF  }
0xc0: {  	[dreg:$0x0] =	wrdreg $0xFFFFFFFF;
	(pc) =	sbr.abs _section_cstart, $3  }
0xc1: {  	[dreg:$0x1] =	wrdreg $0xFFFFFFFF  }
0xc2: {  	_ =	task.clear_ibuf [dreg:s7], $0x2FFFF;
	_ =	strace $0x9FFFFFFF  }
0xc3: {  	(tm) =	ssettm $0x7FFFFFFF  }
tec
execute0_lowered:
.L_overlay_start_1:
0x0: {  	(tag) =	ssettag $0x1  }
0x1: {  	s5 =	rddreg [dreg:$0x0]  }
0x2: {  	s1 =	rddreg [dreg:$0x1]  }
0x3: {  	s3 =	rddreg [dreg:$0x2]  }
0x4: {  	s0 =	rddreg [dreg:$0x3];
	s4 =	simm.s32 $0x0;
	s2 =	stileid.u32  }
0x5: {  	s7 =	srdreg.scid;
	s20 =	simm.s32 $0x14800;
	s6 =	smul.u32 $0x9E0, s2  }
0x6: {  	s21 =	simm.s32 $0x14880;
	s22 =	simm.s32 $0x80;
	s23 =	smul.u32 $0x50000, s2  }
0x7: {  	[smem:$0x7FF] =	sst s4;
	s12 =	sand.u32 $0x1, s7;
	s15 =	smul.u32 $0x14000, s2  }
0x8: {  	s16 =	sadd.s32 $0x65000, s5;
	_ =	strace $0x8000004A;
	s13 =	smul.u32 $0x140000, s12  }
0x9: {  	s24 =	ssub.s32 $0x2, s12;
	s19 =	smul.u32 $0x4F0, s12;
	s14 =	sadd.s32 s6, s5  }
0xa: {  	s8 =	sshrl.u32 s24, $0x1;
	s7 =	sshrl.u32 s23, $0x2;
	s26 =	sadd.s32 $0x4000, s15  }
0xb: {  	s10 =	sadd.s32 $0x8000, s15;
	s17 =	sadd.s32 $0xC000, s15;
	s23 =	simm.s32 $0x14900  }
0xc: {  	s6 =	ssub.s32 s24, s8;
	s5 =	sadd.s32 s7, s3;
	s25 =	sadd.s32 s13, s15  }
0xd: {  	s9 =	sadd.s32 s13, s26;
	s11 =	sadd.s32 s13, s10;
	s8 =	sadd.s32 s26, s3  }
0xe: {  	s10 =	sadd.s32 s10, s3;
	s18 =	sadd.s32 s13, s17;
	s15 =	sadd.s32 $0x10000, s15  }
0xf: {  	s12 =	sadd.s32 s17, s3;
	s31 =	sadd.s32 s19, s14;
	s19 =	simm.s32 $0x2  }
0x10: {  	s24 =	simm.s32 $0x1;
	s6 =	smax.u32 s6, $0x1;
	s7 =	sshrl.u32 s25, $0x3  }
0x11: {  	s9 =	sshrl.u32 s9, $0x3;
	s11 =	sshrl.u32 s11, $0x3;
	s28 =	sshrl.u32 s18, $0x3  }
0x12: {  	s29 =	sadd.s32 s13, s15;
	s14 =	sadd.s32 s15, s3;
	s17 =	sadd.s32 $0x5B200, s31  }
0x13: {  	s18 =	simm.s32 $0x14000;
	s25 =	simm.s32 $0x0;
	s7 =	sadd.s32 s16, s7  }
0x14: {  	s9 =	sadd.s32 s16, s9;
	s11 =	sadd.s32 s16, s11;
	s30 =	sshrl.u32 s29, $0x3  }
0x15: {  	v0 =	vimm.f32 $0.0e+00;
	s13 =	sadd.s32 s16, s28;
	s15 =	sadd.s32 s16, s30;
	s16 =	sadd.s32 $0x1400, s31  }
.LBB2_1:
0x16: {  	[tilespmem:$0x14000] =	vst v0  }
0x17: {  	[tilespmem:$0x14010] =	vst v0  }
0x18: {  	[tilespmem:$0x14020] =	vst v0  }
0x19: {  	[tilespmem:$0x14030] =	vst v0  }
0x1a: {  	[tilespmem:$0x14040] =	vst v0  }
0x1b: {  	[tilespmem:$0x14050] =	vst v0  }
0x1c: {  	[tilespmem:$0x14060] =	vst v0  }
0x1d: {  	[tilespmem:$0x14070] =	vst v0  }
0x1e: {  	[tilespmem:$0x14080] =	vst v0  }
0x1f: {  	[tilespmem:$0x14090] =	vst v0  }
0x20: {  	[tilespmem:$0x140A0] =	vst v0  }
0x21: {  	[tilespmem:$0x140B0] =	vst v0  }
0x22: {  	[tilespmem:$0x140C0] =	vst v0  }
0x23: {  	[tilespmem:$0x140D0] =	vst v0  }
0x24: {  	[tilespmem:$0x140E0] =	vst v0  }
0x25: {  	[tilespmem:$0x140F0] =	vst v0  }
0x26: {  	[tilespmem:$0x14100] =	vst v0  }
0x27: {  	[tilespmem:$0x14110] =	vst v0  }
0x28: {  	[tilespmem:$0x14120] =	vst v0  }
0x29: {  	[tilespmem:$0x14130] =	vst v0  }
0x2a: {  	[tilespmem:$0x14140] =	vst v0  }
0x2b: {  	[tilespmem:$0x14150] =	vst v0  }
0x2c: {  	[tilespmem:$0x14160] =	vst v0  }
0x2d: {  	[tilespmem:$0x14170] =	vst v0  }
0x2e: {  	[tilespmem:$0x14180] =	vst v0  }
0x2f: {  	[tilespmem:$0x14190] =	vst v0  }
0x30: {  	[tilespmem:$0x141A0] =	vst v0  }
0x31: {  	[tilespmem:$0x141B0] =	vst v0  }
0x32: {  	[tilespmem:$0x141C0] =	vst v0  }
0x33: {  	[tilespmem:$0x141D0] =	vst v0  }
0x34: {  	[tilespmem:$0x141E0] =	vst v0  }
0x35: {  	[tilespmem:$0x141F0] =	vst v0  }
0x36: {  	[tilespmem:$0x14200] =	vst v0  }
0x37: {  	[tilespmem:$0x14210] =	vst v0  }
0x38: {  	[tilespmem:$0x14220] =	vst v0  }
0x39: {  	[tilespmem:$0x14230] =	vst v0  }
0x3a: {  	[tilespmem:$0x14240] =	vst v0  }
0x3b: {  	[tilespmem:$0x14250] =	vst v0  }
0x3c: {  	[tilespmem:$0x14260] =	vst v0  }
0x3d: {  	[tilespmem:$0x14270] =	vst v0  }
0x3e: {  	[tilespmem:$0x14280] =	vst v0  }
0x3f: {  	[tilespmem:$0x14290] =	vst v0  }
0x40: {  	[tilespmem:$0x142A0] =	vst v0  }
0x41: {  	[tilespmem:$0x142B0] =	vst v0  }
0x42: {  	[tilespmem:$0x142C0] =	vst v0  }
0x43: {  	[tilespmem:$0x142D0] =	vst v0  }
0x44: {  	[tilespmem:$0x142E0] =	vst v0  }
0x45: {  	[tilespmem:$0x142F0] =	vst v0  }
0x46: {  	[tilespmem:$0x14300] =	vst v0  }
0x47: {  	[tilespmem:$0x14310] =	vst v0  }
0x48: {  	[tilespmem:$0x14320] =	vst v0  }
0x49: {  	[tilespmem:$0x14330] =	vst v0  }
0x4a: {  	[tilespmem:$0x14340] =	vst v0  }
0x4b: {  	[tilespmem:$0x14350] =	vst v0  }
0x4c: {  	[tilespmem:$0x14360] =	vst v0  }
0x4d: {  	[tilespmem:$0x14370] =	vst v0  }
0x4e: {  	[tilespmem:$0x14380] =	vst v0  }
0x4f: {  	[tilespmem:$0x14390] =	vst v0  }
0x50: {  	[tilespmem:$0x143A0] =	vst v0  }
0x51: {  	[tilespmem:$0x143B0] =	vst v0  }
0x52: {  	[tilespmem:$0x143C0] =	vst v0  }
0x53: {  	[tilespmem:$0x143D0] =	vst v0  }
0x54: {  	[tilespmem:$0x143E0] =	vst v0  }
0x55: {  	[tilespmem:$0x143F0] =	vst v0  }
0x56: {  	[tilespmem:$0x14400] =	vst v0  }
0x57: {  	[tilespmem:$0x14410] =	vst v0  }
0x58: {  	[tilespmem:$0x14420] =	vst v0  }
0x59: {  	[tilespmem:$0x14430] =	vst v0  }
0x5a: {  	[tilespmem:$0x14440] =	vst v0  }
0x5b: {  	[tilespmem:$0x14450] =	vst v0  }
0x5c: {  	[tilespmem:$0x14460] =	vst v0  }
0x5d: {  	[tilespmem:$0x14470] =	vst v0  }
0x5e: {  	[tilespmem:$0x14480] =	vst v0  }
0x5f: {  	[tilespmem:$0x14490] =	vst v0  }
0x60: {  	[tilespmem:$0x144A0] =	vst v0  }
0x61: {  	[tilespmem:$0x144B0] =	vst v0  }
0x62: {  	[tilespmem:$0x144C0] =	vst v0  }
0x63: {  	[tilespmem:$0x144D0] =	vst v0  }
0x64: {  	[tilespmem:$0x144E0] =	vst v0  }
0x65: {  	[tilespmem:$0x144F0] =	vst v0  }
0x66: {  	[tilespmem:$0x14500] =	vst v0  }
0x67: {  	[tilespmem:$0x14510] =	vst v0  }
0x68: {  	[tilespmem:$0x14520] =	vst v0  }
0x69: {  	[tilespmem:$0x14530] =	vst v0  }
0x6a: {  	[tilespmem:$0x14540] =	vst v0  }
0x6b: {  	[tilespmem:$0x14550] =	vst v0  }
0x6c: {  	[tilespmem:$0x14560] =	vst v0  }
0x6d: {  	[tilespmem:$0x14570] =	vst v0  }
0x6e: {  	[tilespmem:$0x14580] =	vst v0  }
0x6f: {  	[tilespmem:$0x14590] =	vst v0  }
0x70: {  	[tilespmem:$0x145A0] =	vst v0  }
0x71: {  	[tilespmem:$0x145B0] =	vst v0  }
0x72: {  	[tilespmem:$0x145C0] =	vst v0  }
0x73: {  	[tilespmem:$0x145D0] =	vst v0  }
0x74: {  	[tilespmem:$0x145E0] =	vst v0  }
0x75: {  	[tilespmem:$0x145F0] =	vst v0  }
0x76: {  	[tilespmem:$0x14600] =	vst v0  }
0x77: {  	[tilespmem:$0x14610] =	vst v0  }
0x78: {  	[tilespmem:$0x14620] =	vst v0  }
0x79: {  	[tilespmem:$0x14630] =	vst v0  }
0x7a: {  	[tilespmem:$0x14640] =	vst v0  }
0x7b: {  	[tilespmem:$0x14650] =	vst v0  }
0x7c: {  	[tilespmem:$0x14660] =	vst v0  }
0x7d: {  	[tilespmem:$0x14670] =	vst v0  }
0x7e: {  	[tilespmem:$0x14680] =	vst v0  }
0x7f: {  	[tilespmem:$0x14690] =	vst v0  }
0x80: {  	[tilespmem:$0x146A0] =	vst v0  }
0x81: {  	[tilespmem:$0x146B0] =	vst v0  }
0x82: {  	[tilespmem:$0x146C0] =	vst v0  }
0x83: {  	[tilespmem:$0x146D0] =	vst v0  }
0x84: {  	[tilespmem:$0x146E0] =	vst v0  }
0x85: {  	[tilespmem:$0x146F0] =	vst v0  }
0x86: {  	[tilespmem:$0x14700] =	vst v0  }
0x87: {  	[tilespmem:$0x14710] =	vst v0  }
0x88: {  	[tilespmem:$0x14720] =	vst v0  }
0x89: {  	[tilespmem:$0x14730] =	vst v0  }
0x8a: {  	[tilespmem:$0x14740] =	vst v0  }
0x8b: {  	[tilespmem:$0x14750] =	vst v0  }
0x8c: {  	[tilespmem:$0x14760] =	vst v0  }
0x8d: {  	[tilespmem:$0x14770] =	vst v0  }
0x8e: {  	[tilespmem:$0x14780] =	vst v0  }
0x8f: {  	[tilespmem:$0x14790] =	vst v0  }
0x90: {  	[tilespmem:$0x147A0] =	vst v0  }
0x91: {  	[tilespmem:$0x147B0] =	vst v0  }
0x92: {  	[tilespmem:$0x147C0] =	vst v0  }
0x93: {  	[tilespmem:$0x147D0] =	vst v0  }
0x94: {  	[tilespmem:$0x147E0] =	vst v0  }
0x95: {  	[tilespmem:$0x147F0] =	vst v0;
	s26 =	sadd.s32 $0x0, s5  }
0x96: {  	[spmem:s26] =	stream.linear.scatter [tilespmem:s18], [sflag:$0x2], $0x800, $0x38;
	[tilespmem:$0x18900] =	vst v63  }
0x97: {  	s26 =	simm.s32 $0x2000;
	_ =	swait.ge [sflag:s19], $0x800  }
.LBB2_2:
0x98: {  	s28 =	sshra.s32 s26, $0x2;
	[sflag:s19] =	ssyncset.done $0x0;
	p0 =	sne.s32 s26, $0x4E000  }
.Ltmp0:
0x99: {  	s28 =	sadd.s32 s28, s5;
	[sflag:s19] =	ssyncadd.s32 $0xFFFFF800;
	(pc) =	sbr.rel @p0 .LBB2_2-.Ltmp0, $3  }
0x9a: {  	[spmem:s28] =	stream.linear.scatter [tilespmem:s18], [sflag:$0x2], $0x800, $0x38;
	[tilespmem:$0x18900] =	vst v63  }
0x9b: {  	s26 =	sadd.s32 $0x2000, s26;
	_ =	sdelay $0x1  }
0x9c: {  	_ =	swait.ge [sflag:s19], $0x800  }
0x9d: {  	[sflag:s19] =	ssyncset.done $0x0  }
0x9e: {  	[sflag:s19] =	ssyncadd.s32 $0xFFFFF800  }
0x9f: {  	s26 =	sadd.s32 $0x0, s17;
	[bflag:$0x0] =	sbarrier.arrive $0xFFFF  }
0xa0: {  	[tilespmem:s20], [sflag:$0x2] =	stream.linear.gather [hbm4b:s26+s4], $0x80, $0x38;
	[tilespmem:$0x18900] =	vst v63  }
0xa1: {  	_ =	swait.ge [sflag:s19], $0x80  }
0xa2: {  	[sflag:s19] =	ssyncset.done $0x0  }
0xa3: {  	s31 =	sadd.s32 $0x0, s16;
	[sflag:s19] =	ssyncadd.s32 $0xFFFFFF80  }
0xa4: {  	[tilespmem:s21], [sflag:$0x2] =	stream.linear.gather [hbm4b:s31+s4], $0x80, $0x38;
	[tilespmem:$0x18900] =	vst v63  }
0xa5: {  	_ =	swait.ge [sflag:s19], $0x80  }
0xa6: {  	[sflag:s19] =	ssyncset.done $0x0  }
0xa7: {  	[sflag:s19] =	ssyncadd.s32 $0xFFFFFF80  }
0xa8: {  	[tilespmem:s23], [sflag:$0x1] =	stream.indirect.gather [hbm4b:s1+s22], $0x80, s20, s22, $0xb8;
	[tilespmem:$0x18900] =	vst v63  }
0xa9: {  	_ =	swait.ge [sflag:s24], $0x4000  }
0xaa: {  	[sflag:s24] =	ssyncset.done $0x0  }
0xab: {  	[sflag:s24] =	ssyncadd.s32 $0xFFFFC000  }
0xac: {  	[spmem:s3] =	stream.indirect.scatter.add.f32 [tilespmem:s23], [sflag:$0x2], $0x80, s21, s22, $0xb8;
	[tilespmem:$0x18900] =	vst v63  }
0xad: {  	_ =	swait.ge [sflag:s19], $0x4000  }
0xae: {  	s28 =	simm.s32 $0x20;
	s26 =	simm.s32 $0x10;
	[sflag:s19] =	ssyncset.done $0x0  }
.LBB2_4:
0xaf: {  	s29 =	sadd.s32 s26, s17  }
0xb0: {  	[sflag:s19] =	ssyncadd.s32 $0xFFFFC000;
	s30 =	smov.u32 s28;
	s31 =	sadd.s32 $0x10, s28  }
0xb1: {  	[tilespmem:s20], [sflag:$0x2] =	stream.linear.gather [hbm4b:s29+s4], $0x80, $0x38;
	[tilespmem:$0x18900] =	vst v63  }
0xb2: {  	p0 =	sne.s32 s28, $0x4E0;
	_ =	swait.ge [sflag:s19], $0x80  }
0xb3: {  	[sflag:s19] =	ssyncset.done $0x0  }
0xb4: {  	s28 =	sadd.s32 s26, s16;
	s26 =	smov.u32 s30;
	[sflag:s19] =	ssyncadd.s32 $0xFFFFFF80  }
0xb5: {  	[tilespmem:s21], [sflag:$0x2] =	stream.linear.gather [hbm4b:s28+s4], $0x80, $0x38;
	[tilespmem:$0x18900] =	vst v63  }
0xb6: {  	_ =	swait.ge [sflag:s19], $0x80  }
0xb7: {  	[sflag:s19] =	ssyncset.done $0x0  }
0xb8: {  	[sflag:s19] =	ssyncadd.s32 $0xFFFFFF80  }
0xb9: {  	[tilespmem:s23], [sflag:$0x1] =	stream.indirect.gather [hbm4b:s1+s22], $0x80, s20, s22, $0xb8;
	[tilespmem:$0x18900] =	vst v63  }
0xba: {  	_ =	swait.ge [sflag:s24], $0x4000  }
.Ltmp1:
0xbb: {  	[sflag:s24] =	ssyncset.done $0x0;
	(pc) =	sbr.rel @p0 .LBB2_4-.Ltmp1, $4  }
0xbc: {  	[sflag:s24] =	ssyncadd.s32 $0xFFFFC000  }
0xbd: {  	[spmem:s3] =	stream.indirect.scatter.add.f32 [tilespmem:s23], [sflag:$0x2], $0x80, s21, s22, $0xb8;
	[tilespmem:$0x18900] =	vst v63  }
0xbe: {  	_ =	swait.ge [sflag:s19], $0x4000  }
0xbf: {  	s28 =	smov.u32 s31;
	[sflag:s19] =	ssyncset.done $0x0  }
0xc0: {  	s28 =	sadd.s32 s26, s17;
	[sflag:s19] =	ssyncadd.s32 $0xFFFFC000  }
0xc1: {  	[tilespmem:s20], [sflag:$0x2] =	stream.linear.gather [hbm4b:s28+s4], $0x80, $0x38;
	[tilespmem:$0x18900] =	vst v63  }
0xc2: {  	_ =	swait.ge [sflag:s19], $0x80  }
0xc3: {  	[sflag:s19] =	ssyncset.done $0x0  }
0xc4: {  	s31 =	sadd.s32 s26, s16;
	[sflag:s19] =	ssyncadd.s32 $0xFFFFFF80  }
0xc5: {  	[tilespmem:s21], [sflag:$0x2] =	stream.linear.gather [hbm4b:s31+s4], $0x80, $0x38;
	[tilespmem:$0x18900] =	vst v63  }
0xc6: {  	_ =	swait.ge [sflag:s19], $0x80  }
0xc7: {  	[sflag:s19] =	ssyncset.done $0x0  }
0xc8: {  	[sflag:s19] =	ssyncadd.s32 $0xFFFFFF80  }
0xc9: {  	[tilespmem:s23], [sflag:$0x1] =	stream.indirect.gather [hbm4b:s1+s22], $0x80, s20, s22, $0xb8;
	[tilespmem:$0x18900] =	vst v63  }
0xca: {  	_ =	swait.ge [sflag:s24], $0x4000  }
0xcb: {  	[sflag:s24] =	ssyncset.done $0x0  }
0xcc: {  	[sflag:s24] =	ssyncadd.s32 $0xFFFFC000  }
0xcd: {  	[spmem:s3] =	stream.indirect.scatter.add.f32 [tilespmem:s23], [sflag:$0x2], $0x80, s21, s22, $0xb8;
	[tilespmem:$0x18900] =	vst v63  }
0xce: {  	_ =	swait.ge [sflag:s19], $0x4000  }
0xcf: {  	[sflag:s19] =	ssyncset.done $0x0  }
0xd0: {  	[sflag:s19] =	ssyncadd.s32 $0xFFFFC000  }
0xd1: {  	[bflag:$0x0] =	sbarrier.arrive $0xFFFF  }
0xd2: {  	[tilespmem:s23], [sflag:$0x2] =	stream.linear.gather [spmem:s5], $0x4000, $0x38;
	[tilespmem:$0x18900] =	vst v63  }
0xd3: {  	_ =	swait.ge [sflag:s19], $0x4000  }
0xd4: {  	[sflag:s19] =	ssyncset.done $0x0  }
0xd5: {  	[sflag:s19] =	ssyncadd.s32 $0xFFFFC000  }
0xd6: {  	[hbm4b:s7+s4] =	stream.linear.scatter [tilespmem:s23], [sflag:$0x2], $0x4000, $0x38;
	[tilespmem:$0x18900] =	vst v63  }
0xd7: {  	_ =	swait.ge [sflag:s19], $0x4000  }
0xd8: {  	[sflag:s19] =	ssyncset.done $0x0  }
0xd9: {  	[sflag:s19] =	ssyncadd.s32 $0xFFFFC000  }
0xda: {  	[tilespmem:s23], [sflag:$0x2] =	stream.linear.gather [spmem:s8], $0x4000, $0x38;
	[tilespmem:$0x18900] =	vst v63  }
0xdb: {  	_ =	swait.ge [sflag:s19], $0x4000  }
0xdc: {  	[sflag:s19] =	ssyncset.done $0x0  }
0xdd: {  	[sflag:s19] =	ssyncadd.s32 $0xFFFFC000  }
0xde: {  	[hbm4b:s9+s4] =	stream.linear.scatter [tilespmem:s23], [sflag:$0x2], $0x4000, $0x38;
	[tilespmem:$0x18900] =	vst v63  }
0xdf: {  	_ =	swait.ge [sflag:s19], $0x4000  }
0xe0: {  	[sflag:s19] =	ssyncset.done $0x0  }
0xe1: {  	[sflag:s19] =	ssyncadd.s32 $0xFFFFC000  }
0xe2: {  	[tilespmem:s23], [sflag:$0x2] =	stream.linear.gather [spmem:s10], $0x4000, $0x38;
	[tilespmem:$0x18900] =	vst v63  }
0xe3: {  	_ =	swait.ge [sflag:s19], $0x4000  }
0xe4: {  	[sflag:s19] =	ssyncset.done $0x0  }
0xe5: {  	[sflag:s19] =	ssyncadd.s32 $0xFFFFC000  }
0xe6: {  	[hbm4b:s11+s4] =	stream.linear.scatter [tilespmem:s23], [sflag:$0x2], $0x4000, $0x38;
	[tilespmem:$0x18900] =	vst v63  }
0xe7: {  	_ =	swait.ge [sflag:s19], $0x4000  }
0xe8: {  	[sflag:s19] =	ssyncset.done $0x0  }
0xe9: {  	[sflag:s19] =	ssyncadd.s32 $0xFFFFC000  }
0xea: {  	[tilespmem:s23], [sflag:$0x2] =	stream.linear.gather [spmem:s12], $0x4000, $0x38;
	[tilespmem:$0x18900] =	vst v63  }
0xeb: {  	_ =	swait.ge [sflag:s19], $0x4000  }
0xec: {  	[sflag:s19] =	ssyncset.done $0x0  }
0xed: {  	[sflag:s19] =	ssyncadd.s32 $0xFFFFC000  }
0xee: {  	[hbm4b:s13+s4] =	stream.linear.scatter [tilespmem:s23], [sflag:$0x2], $0x4000, $0x38;
	[tilespmem:$0x18900] =	vst v63  }
0xef: {  	_ =	swait.ge [sflag:s19], $0x4000  }
0xf0: {  	[sflag:s19] =	ssyncset.done $0x0  }
0xf1: {  	[sflag:s19] =	ssyncadd.s32 $0xFFFFC000  }
0xf2: {  	[tilespmem:s23], [sflag:$0x2] =	stream.linear.gather [spmem:s14], $0x4000, $0x38;
	[tilespmem:$0x18900] =	vst v63  }
0xf3: {  	s25 =	sadd.s32 $0x1, s25;
	_ =	swait.ge [sflag:s19], $0x4000  }
0xf4: {  	p0 =	sne.s32 s25, s6;
	[sflag:s19] =	ssyncset.done $0x0  }
.Ltmp2:
0xf5: {  	[sflag:s19] =	ssyncadd.s32 $0xFFFFC000;
	(pc) =	sbr.rel @p0 .LBB2_1-.Ltmp2, $4  }
0xf6: {  	[hbm4b:s15+s4] =	stream.linear.scatter [tilespmem:s23], [sflag:$0x2], $0x4000, $0x38;
	[tilespmem:$0x18900] =	vst v63  }
0xf7: {  	_ =	swait.ge [sflag:s19], $0x4000  }
0xf8: {  	[sflag:s19] =	ssyncset.done $0x0  }
0xf9: {  	[sflag:s19] =	ssyncadd.s32 $0xFFFFC000  }
0xfa: {  	_ =	sfence.sel $0x180000  }
0xfb: {  	[bflag:$0x0] =	sbarrier.arrive $0xFFFF  }
0xfc: {  	p0 =	sne.s32 s2, $0x0;
	_ =	strace $0x9000004A  }
0xfd: {  	s0 =	sadd.s32 @!p0 $0x100000, s0;
	[bflag:$0x2] =	sbarrier.arrive $0xFFFF  }
0xfe: {  	[sflag:s0] =	ssyncadd.tile.s32 @!p0 $0x1;
	_ =	shalt  }
.Lfunc_end2:
_tile_overlayer_lowered:
.L_overlay_start_2:
0xff: {  	(tag) =	ssettag $0x2  }
0x100: {  	s0 =	rddreg [dreg:$0x0];
	s2 =	stileid.u32  }
0x101: {  	s1 =	rddreg [dreg:$0x1];
	p0 =	sne.s32 s2, $0x0  }
0x102: {  	s3 =	rddreg [dreg:$0x2];
	[bflag:$0x3] =	sbarrier.arrive $0xFFFF;
	s2 =	simm.s32 @!p0 $0x1C02  }
0x103: {  	[timem:s3], [sflag:s2] =	dma.local @!p0 [hbm:s0], s1  }
0x104: {  	s0 =	simm.s32 @!p0 $0x2  }
0x105: {  	_ =	swait.ge @!p0 [sflag:s0], s1  }
0x106: {  	s1 =	ssub.s32 @!p0 $0x0, s1;
	[sflag:s0] =	ssyncset.done @!p0 $0x0  }
0x107: {  	[sflag:s0] =	ssyncadd.s32 @!p0 s1  }
0x108: {  	[bflag:$0x3] =	sbarrier.arrive $0xFFFF  }
0x109: {  	_ =	shalt  }

</sc_bundles>
